<compile_context>
chip_gen: v7x
topology: tpu7x:2x2x1
jax: 0.10.2.dev20260603
libtpu: 0.0.44.dev20260713+nightly
codegen_flags: <defaults>
</compile_context>

<pallas_src>
import jax
import jax.numpy as jnp
from jax import lax
from jax.experimental import pallas as pl
from jax.experimental.pallas import tpu as pltpu
from jax.experimental.pallas import tpu_sc as plsc

_K = 8
_ROWS = 1792
_DPAD = 8
_B = 4
_N = 4096
_SPLIT = 3584
_NW = 32
_L = 16


def _tc_block(q_ref, kt_ref, out_ref):
    b = pl.program_id(0)
    i = pl.program_id(1)

    q = q_ref[0]
    kt = kt_ref[0]

    sq_q = jnp.sum(q * q, axis=1, keepdims=True)
    sq_k = jnp.sum(kt * kt, axis=0, keepdims=True)
    mm = jnp.dot(q * -2.0, kt, preferred_element_type=jnp.float32)
    d2 = mm + sq_q + sq_k
    work = d2.astype(jnp.bfloat16)

    s = jnp.zeros((_ROWS,), dtype=jnp.float32)
    for t in range(_K + 1):
        fold = work
        while fold.shape[1] > 128:
            h = fold.shape[1] // 2
            fold = jnp.minimum(fold[:, :h], fold[:, h:])
        mf = jnp.min(fold.astype(jnp.float32), axis=1)
        if t > 0:
            s = s + jnp.where(jnp.isfinite(mf), mf, 0.0)
        if t < _K:
            m = mf.astype(jnp.bfloat16)
            work = jnp.where(work == m[:, None], jnp.bfloat16(jnp.inf), work)

    partial = jnp.sum(s).reshape(1, 1)

    @pl.when((b == 0) & (i == 0))
    def _init():
        out_ref[:, :] = jnp.zeros((1, 1), dtype=jnp.float32)

    out_ref[:, :] += partial


def _tc_part(qp, kt):
    return pl.pallas_call(
        _tc_block,
        grid=(_B, _SPLIT // _ROWS),
        in_specs=[
            pl.BlockSpec((1, _ROWS, _DPAD), lambda b, i: (b, i, 0)),
            pl.BlockSpec((1, _DPAD, _N), lambda b, i: (b, 0, 0)),
        ],
        out_specs=pl.BlockSpec((1, 1), lambda b, i: (0, 0)),
        out_shape=jax.ShapeDtypeStruct((1, 1), jnp.float32),
    )(qp, kt)


def _sc_body(px_hbm, py_hbm, pz_hbm, out_hbm, px_v, py_v, pz_v, obuf):
    rows_per_w = (_N - _SPLIT) // _NW
    wid = lax.axis_index("s") * 2 + lax.axis_index("c")

    total = jnp.zeros((_L,), jnp.float32)
    for b in range(_B):
        pltpu.sync_copy(px_hbm.at[pl.ds(b * _N, _N)], px_v)
        pltpu.sync_copy(py_hbm.at[pl.ds(b * _N, _N)], py_v)
        pltpu.sync_copy(pz_hbm.at[pl.ds(b * _N, _N)], pz_v)

        def row_body(r, tot):
            row = _SPLIT + wid * rows_per_w + r
            base = (row // _L) * _L
            off = jnp.full((_L, 1), row - base, jnp.int32)
            qsl = pl.ds(base, _L)
            dn = lax.GatherDimensionNumbers(
                offset_dims=(), collapsed_slice_dims=(0,),
                start_index_map=(0,))

            def splat(vec):
                return lax.gather(
                    vec, off, dn, slice_sizes=(1,),
                    mode=lax.GatherScatterMode.PROMISE_IN_BOUNDS)

            qx = splat(px_v[qsl])
            qy = splat(py_v[qsl])
            qz = splat(pz_v[qsl])

            inf16 = jnp.full((_L,), jnp.inf, jnp.float32)
            tops0 = (inf16,) * (_K + 1)

            def chunk_body(c, tops):
                sl = pl.ds(c * _L, _L)
                dx = px_v[sl] - qx
                dy = py_v[sl] - qy
                dz = pz_v[sl] - qz
                x = dx * dx + dy * dy + dz * dz
                new = []
                for j in range(_K + 1):
                    lo = jnp.minimum(tops[j], x)
                    x = jnp.maximum(tops[j], x)
                    new.append(lo)
                return tuple(new)

            tops = lax.fori_loop(0, _N // _L, chunk_body, tops0)

            lanes = lax.iota(jnp.int32, _L)

            def xmin_splat(v):
                for kk in (8, 4, 2, 1):
                    idx = (lanes ^ kk).reshape(_L, 1)
                    p = lax.gather(
                        v, idx, dn, slice_sizes=(1,),
                        mode=lax.GatherScatterMode.PROMISE_IN_BOUNDS)
                    v = jnp.minimum(v, p)
                return v

            srow = jnp.zeros((_L,), jnp.float32)
            tops = list(tops)
            for t in range(_K + 1):
                mv = tops[0]
                for j in range(1, _K + 1):
                    mv = jnp.minimum(mv, tops[j])
                m = xmin_splat(mv)
                if t > 0:
                    srow = srow + jnp.where(m < jnp.float32(3e38), m, 0.0)
                if t < _K:
                    for j in range(_K + 1):
                        tops[j] = jnp.where(tops[j] == m, jnp.inf, tops[j])
            tops = tuple(tops)
            return tot + srow

        total = lax.fori_loop(0, rows_per_w, row_body, total)

    obuf[...] = total
    pltpu.sync_copy(obuf, out_hbm.at[wid])


def _sc_part(px, py, pz):
    mesh = plsc.VectorSubcoreMesh(core_axis_name="c", subcore_axis_name="s")
    return pl.kernel(
        _sc_body,
        out_type=jax.ShapeDtypeStruct((_NW, _L), jnp.float32),
        mesh=mesh,
        scratch_types=[
            pltpu.VMEM((_N,), jnp.float32),
            pltpu.VMEM((_N,), jnp.float32),
            pltpu.VMEM((_N,), jnp.float32),
            pltpu.VMEM((_L,), jnp.float32),
        ],
    )(px, py, pz)


def kernel(points):
    B, N, D = points.shape
    qp = jnp.pad(points, ((0, 0), (0, 0), (0, _DPAD - D)))
    kt = jnp.transpose(qp, (0, 2, 1))
    px = points[:, :, 0].reshape(-1)
    py = points[:, :, 1].reshape(-1)
    pz = points[:, :, 2].reshape(-1)

    tc_total = _tc_part(qp, kt)
    sc_out = _sc_part(px, py, pz)
    total = tc_total[0, 0] + jnp.sum(sc_out[:, 0])
    return total / (_K * B * N)

# --- scband reference (transcript-rebuilt; emitter-appended) ---
"""Pipeline reference for scband-total-variation-loss-45475113730210 (READ-ONLY COPY).

The authoritative reference and input builder live on the scoring server;
editing this copy changes nothing except your own understanding.
"""

import jax, jax.numpy as jnp
import numpy as np

K = 8

def setup_inputs(seed: int = 0) -> dict:
    key = jax.random.key(seed)
    points = jax.random.normal(key, (4, 4096, 3), dtype=jnp.float32)
    return {"points": points}

def _tv_loss(points, k):
    B, N, _ = points.shape
    # torch.cdist(points, points, p=2) -> euclidean distance matrix [B, N, N]
    sq = jnp.sum(points ** 2, axis=-1)  # [B, N]
    d2 = sq[:, :, None] + sq[:, None, :] - 2.0 * jnp.einsum('bnd,bmd->bnm', points, points)
    d2 = jnp.maximum(d2, 0.0)
    dist = jnp.sqrt(d2)
    # torch.topk(dist, k+1, largest=False) == top_k of negated distances
    _, knn_idx = jax.lax.top_k(-dist, k + 1)  # [B, N, k+1], ascending distance
    knn_idx = knn_idx[:, :, 1:]  # drop self -> [B, N, k]
    # gather neighbors per batch: points[b, knn_idx[b, i], :]
    neighbors = jax.vmap(lambda p, idx: p[idx])(points, knn_idx)  # [B, N, k, 3]
    center = points[:, :, None, :]  # [B, N, 1, 3]
    variations = jnp.sum((neighbors - center) ** 2, axis=-1)  # [B, N, k]
    per_point = jnp.mean(variations, axis=-1)  # [B, N] (mean over k neighbors)
    total_variation = jnp.sum(per_point)  # sum over all b, i
    return total_variation / (B * N)

def reference(points):
    return _tv_loss(points, K)

if __name__ == "__main__":
    import jax
    _d = setup_inputs()
    print(jax.jit(kernel)(*tuple(_d.values())))

</pallas_src>

<mosaic_0001>
#map = affine_map<(d0, d1) -> (0)>
#map1 = affine_map<(d0, d1) -> (0, 0)>
module attributes {stable_mosaic.version = 14 : i64} {
  func.func @_sc_body(%arg0: i32, %arg1: i32, %arg2: memref<16384xf32, #tpu.memory_space<hbm>>, %arg3: memref<16384xf32, #tpu.memory_space<hbm>>, %arg4: memref<16384xf32, #tpu.memory_space<hbm>>, %arg5: memref<32x16xf32, #tpu.memory_space<hbm>>, %arg6: memref<4096xf32, #tpu.memory_space<vmem>>, %arg7: memref<4096xf32, #tpu.memory_space<vmem>>, %arg8: memref<4096xf32, #tpu.memory_space<vmem>>, %arg9: memref<16xf32, #tpu.memory_space<vmem>>) attributes {dimension_semantics = [#tpu.dimension_semantics<core_parallel>, #tpu.dimension_semantics<subcore_parallel>], iteration_bounds = array<i64: 2, 16>, scalar_prefetch = 0 : i64, scratch_operands = 4 : i64, tpu.core_type = #tpu.core_type<sc_vector_subcore>, window_params = [{transform_indices = #map}, {transform_indices = #map}, {transform_indices = #map}, {transform_indices = #map1}]} {
    %mul3A = arith.constant 2 : i32
    %mul3A_0 = arith.muli %arg1, %mul3A : i32
    %add3A = arith.addi %mul3A_0, %arg0 : i32
    %broadcast_in_dim3A = arith.constant 0.000000e+00 : f32
    %broadcast_in_dim3A_1 = vector.broadcast %broadcast_in_dim3A : f32 to vector<16xf32>
    "tpu.region"() ({
      %run_scoped3A = tpu.sem_alloc : memref<!tpu.dma_semaphore, #tpu.memory_space<semaphore_mem>>
      %dma_start3A = arith.constant 0 : i32
      %dma_start3A_28 = tpu.memref_slice %arg2[%dma_start3A] : memref<16384xf32, #tpu.memory_space<hbm>> -> memref<4096xf32, #tpu.memory_space<hbm>>
      %dma_start3A_29 = arith.constant 0 : i32
      %dma_start3A_30 = tpu.memref_slice %arg2[%dma_start3A_29] : memref<16384xf32, #tpu.memory_space<hbm>> -> memref<4096xf32, #tpu.memory_space<hbm>>
      tpu.enqueue_dma source(%dma_start3A_30 : memref<4096xf32, #tpu.memory_space<hbm>>) target(%arg6 : memref<4096xf32, #tpu.memory_space<vmem>>) target_semaphore(%run_scoped3A : memref<!tpu.dma_semaphore, #tpu.memory_space<semaphore_mem>>)
      %dma_wait3A = arith.constant 0 : i32
      %dma_wait3A_31 = tpu.memref_slice %arg2[%dma_wait3A] : memref<16384xf32, #tpu.memory_space<hbm>> -> memref<4096xf32, #tpu.memory_space<hbm>>
      %dma_wait3A_32 = arith.constant 0 : i32
      %dma_wait3A_33 = tpu.memref_slice %arg2[%dma_wait3A_32] : memref<16384xf32, #tpu.memory_space<hbm>> -> memref<4096xf32, #tpu.memory_space<hbm>>
      tpu.wait_dma2 semaphore(%run_scoped3A : memref<!tpu.dma_semaphore, #tpu.memory_space<semaphore_mem>>) src(%dma_wait3A_33 : memref<4096xf32, #tpu.memory_space<hbm>>) dst(%arg6 : memref<4096xf32, #tpu.memory_space<vmem>>)
      tpu.yield
    }) : () -> ()
    "tpu.region"() ({
      %run_scoped3A = tpu.sem_alloc : memref<!tpu.dma_semaphore, #tpu.memory_space<semaphore_mem>>
      %dma_start3A = arith.constant 0 : i32
      %dma_start3A_28 = tpu.memref_slice %arg3[%dma_start3A] : memref<16384xf32, #tpu.memory_space<hbm>> -> memref<4096xf32, #tpu.memory_space<hbm>>
      %dma_start3A_29 = arith.constant 0 : i32
      %dma_start3A_30 = tpu.memref_slice %arg3[%dma_start3A_29] : memref<16384xf32, #tpu.memory_space<hbm>> -> memref<4096xf32, #tpu.memory_space<hbm>>
      tpu.enqueue_dma source(%dma_start3A_30 : memref<4096xf32, #tpu.memory_space<hbm>>) target(%arg7 : memref<4096xf32, #tpu.memory_space<vmem>>) target_semaphore(%run_scoped3A : memref<!tpu.dma_semaphore, #tpu.memory_space<semaphore_mem>>)
      %dma_wait3A = arith.constant 0 : i32
      %dma_wait3A_31 = tpu.memref_slice %arg3[%dma_wait3A] : memref<16384xf32, #tpu.memory_space<hbm>> -> memref<4096xf32, #tpu.memory_space<hbm>>
      %dma_wait3A_32 = arith.constant 0 : i32
      %dma_wait3A_33 = tpu.memref_slice %arg3[%dma_wait3A_32] : memref<16384xf32, #tpu.memory_space<hbm>> -> memref<4096xf32, #tpu.memory_space<hbm>>
      tpu.wait_dma2 semaphore(%run_scoped3A : memref<!tpu.dma_semaphore, #tpu.memory_space<semaphore_mem>>) src(%dma_wait3A_33 : memref<4096xf32, #tpu.memory_space<hbm>>) dst(%arg7 : memref<4096xf32, #tpu.memory_space<vmem>>)
      tpu.yield
    }) : () -> ()
    "tpu.region"() ({
      %run_scoped3A = tpu.sem_alloc : memref<!tpu.dma_semaphore, #tpu.memory_space<semaphore_mem>>
      %dma_start3A = arith.constant 0 : i32
      %dma_start3A_28 = tpu.memref_slice %arg4[%dma_start3A] : memref<16384xf32, #tpu.memory_space<hbm>> -> memref<4096xf32, #tpu.memory_space<hbm>>
      %dma_start3A_29 = arith.constant 0 : i32
      %dma_start3A_30 = tpu.memref_slice %arg4[%dma_start3A_29] : memref<16384xf32, #tpu.memory_space<hbm>> -> memref<4096xf32, #tpu.memory_space<hbm>>
      tpu.enqueue_dma source(%dma_start3A_30 : memref<4096xf32, #tpu.memory_space<hbm>>) target(%arg8 : memref<4096xf32, #tpu.memory_space<vmem>>) target_semaphore(%run_scoped3A : memref<!tpu.dma_semaphore, #tpu.memory_space<semaphore_mem>>)
      %dma_wait3A = arith.constant 0 : i32
      %dma_wait3A_31 = tpu.memref_slice %arg4[%dma_wait3A] : memref<16384xf32, #tpu.memory_space<hbm>> -> memref<4096xf32, #tpu.memory_space<hbm>>
      %dma_wait3A_32 = arith.constant 0 : i32
      %dma_wait3A_33 = tpu.memref_slice %arg4[%dma_wait3A_32] : memref<16384xf32, #tpu.memory_space<hbm>> -> memref<4096xf32, #tpu.memory_space<hbm>>
      tpu.wait_dma2 semaphore(%run_scoped3A : memref<!tpu.dma_semaphore, #tpu.memory_space<semaphore_mem>>) src(%dma_wait3A_33 : memref<4096xf32, #tpu.memory_space<hbm>>) dst(%arg8 : memref<4096xf32, #tpu.memory_space<vmem>>)
      tpu.yield
    }) : () -> ()
    %scan3A = arith.constant 0 : i32
    %scan3A_2 = arith.constant 16 : i32
    %scan3A_3 = arith.addi %scan3A, %scan3A_2 : i32
    %scan3A_4 = arith.constant 1 : i32
    %scan3A_5 = scf.for %scan3A_28 = %scan3A to %scan3A_3 step %scan3A_4 iter_args(%scan3A_29 = %broadcast_in_dim3A_1) -> (vector<16xf32>)  : i32 {
      %mul3A_30 = arith.constant 16 : i32
      %mul3A_31 = arith.muli %add3A, %mul3A_30 : i32
      %add3A_32 = arith.constant 3584 : i32
      %add3A_33 = arith.addi %add3A_32, %mul3A_31 : i32
      %add3A_34 = arith.addi %add3A_33, %scan3A_28 : i32
      %jit3A = arith.constant 16 : i32
      %div3A = arith.divsi %add3A_34, %jit3A : i32
      %sign3A = arith.constant 0 : i32
      %sign3A_35 = arith.cmpi sgt, %add3A_34, %sign3A : i32
      %sign3A_36 = arith.extui %sign3A_35 : i1 to i32
      %sign3A_37 = arith.constant 0 : i32
      %sign3A_38 = arith.cmpi slt, %add3A_34, %sign3A_37 : i32
      %sign3A_39 = arith.extui %sign3A_38 : i1 to i32
      %sign3A_40 = arith.subi %sign3A_36, %sign3A_39 : i32
      %sign3A_41 = arith.constant 0 : i32
      %sign3A_42 = arith.cmpi sgt, %jit3A, %sign3A_41 : i32
      %sign3A_43 = arith.extui %sign3A_42 : i1 to i32
      %sign3A_44 = arith.constant 0 : i32
      %sign3A_45 = arith.cmpi slt, %jit3A, %sign3A_44 : i32
      %sign3A_46 = arith.extui %sign3A_45 : i1 to i32
      %sign3A_47 = arith.subi %sign3A_43, %sign3A_46 : i32
      %ne3A = arith.cmpi ne, %sign3A_40, %sign3A_47 : i32
      %rem3A = arith.remsi %add3A_34, %jit3A : i32
      %ne3A_48 = arith.constant 0 : i32
      %ne3A_49 = arith.cmpi ne, %rem3A, %ne3A_48 : i32
      %and3A = arith.andi %ne3A, %ne3A_49 : i1
      %sub3A = arith.constant 1 : i32
      %sub3A_50 = arith.subi %div3A, %sub3A : i32
      %select_n3A = arith.select %and3A, %sub3A_50, %div3A : i32
      %mul3A_51 = arith.constant 16 : i32
      %mul3A_52 = arith.muli %select_n3A, %mul3A_51 : i32
      %sub3A_53 = arith.subi %add3A_34, %mul3A_52 : i32
      %broadcast_in_dim3A_54 = vector.broadcast %sub3A_53 : i32 to vector<16x1xi32>
      %get3A = arith.index_cast %mul3A_52 : i32 to index
      %get3A_55 = tpu.vector_load %arg6[%get3A] {strides = array<i32>} : memref<4096xf32, #tpu.memory_space<vmem>>, vector<16xf32>,
      %get3A_56 = vector.shape_cast %get3A_55 : vector<16xf32> to vector<16xf32>
      %gather3A = vector.shape_cast %broadcast_in_dim3A_54 : vector<16x1xi32> to vector<16xi32>
      %gather3A_57 = tpu.dynamic_gather %get3A_56[%gather3A] in [0] : vector<16xf32>, vector<16xi32> -> vector<16xf32>
      %get3A_58 = arith.index_cast %mul3A_52 : i32 to index
      %get3A_59 = tpu.vector_load %arg7[%get3A_58] {strides = array<i32>} : memref<4096xf32, #tpu.memory_space<vmem>>, vector<16xf32>,
      %get3A_60 = vector.shape_cast %get3A_59 : vector<16xf32> to vector<16xf32>
      %gather3A_61 = vector.shape_cast %broadcast_in_dim3A_54 : vector<16x1xi32> to vector<16xi32>
      %gather3A_62 = tpu.dynamic_gather %get3A_60[%gather3A_61] in [0] : vector<16xf32>, vector<16xi32> -> vector<16xf32>
      %get3A_63 = arith.index_cast %mul3A_52 : i32 to index
      %get3A_64 = tpu.vector_load %arg8[%get3A_63] {strides = array<i32>} : memref<4096xf32, #tpu.memory_space<vmem>>, vector<16xf32>,
      %get3A_65 = vector.shape_cast %get3A_64 : vector<16xf32> to vector<16xf32>
      %gather3A_66 = vector.shape_cast %broadcast_in_dim3A_54 : vector<16x1xi32> to vector<16xi32>
      %gather3A_67 = tpu.dynamic_gather %get3A_65[%gather3A_66] in [0] : vector<16xf32>, vector<16xi32> -> vector<16xf32>
      %broadcast_in_dim3A_68 = arith.constant 0x7F800000 : f32
      %broadcast_in_dim3A_69 = vector.broadcast %broadcast_in_dim3A_68 : f32 to vector<16xf32>
      %scan3A_70 = arith.constant 0 : i32
      %scan3A_71 = arith.constant 256 : i32
      %scan3A_72 = arith.addi %scan3A_70, %scan3A_71 : i32
      %scan3A_73 = arith.constant 1 : i32
      %scan3A_74:9 = scf.for %scan3A_742 = %scan3A_70 to %scan3A_72 step %scan3A_73 iter_args(%scan3A_743 = %broadcast_in_dim3A_69, %scan3A_744 = %broadcast_in_dim3A_69, %scan3A_745 = %broadcast_in_dim3A_69, %scan3A_746 = %broadcast_in_dim3A_69, %scan3A_747 = %broadcast_in_dim3A_69, %scan3A_748 = %broadcast_in_dim3A_69, %scan3A_749 = %broadcast_in_dim3A_69, %scan3A_750 = %broadcast_in_dim3A_69, %scan3A_751 = %broadcast_in_dim3A_69) -> (vector<16xf32>, vector<16xf32>, vector<16xf32>, vector<16xf32>, vector<16xf32>, vector<16xf32>, vector<16xf32>, vector<16xf32>, vector<16xf32>)  : i32 {
        %mul3A_752 = arith.constant 16 : i32
        %mul3A_753 = arith.muli %scan3A_742, %mul3A_752 : i32
        %get3A_754 = arith.index_cast %mul3A_753 : i32 to index
        %get3A_755 = tpu.vector_load %arg6[%get3A_754] {strides = array<i32>} : memref<4096xf32, #tpu.memory_space<vmem>>, vector<16xf32>,
        %get3A_756 = vector.shape_cast %get3A_755 : vector<16xf32> to vector<16xf32>
        %sub3A_757 = arith.subf %get3A_756, %gather3A_57 : vector<16xf32>
        %get3A_758 = arith.index_cast %mul3A_753 : i32 to index
        %get3A_759 = tpu.vector_load %arg7[%get3A_758] {strides = array<i32>} : memref<4096xf32, #tpu.memory_space<vmem>>, vector<16xf32>,
        %get3A_760 = vector.shape_cast %get3A_759 : vector<16xf32> to vector<16xf32>
        %sub3A_761 = arith.subf %get3A_760, %gather3A_62 : vector<16xf32>
        %get3A_762 = arith.index_cast %mul3A_753 : i32 to index
        %get3A_763 = tpu.vector_load %arg8[%get3A_762] {strides = array<i32>} : memref<4096xf32, #tpu.memory_space<vmem>>, vector<16xf32>,
        %get3A_764 = vector.shape_cast %get3A_763 : vector<16xf32> to vector<16xf32>
        %sub3A_765 = arith.subf %get3A_764, %gather3A_67 : vector<16xf32>
        %mul3A_766 = arith.mulf %sub3A_757, %sub3A_757 : vector<16xf32>
        %mul3A_767 = arith.mulf %sub3A_761, %sub3A_761 : vector<16xf32>
        %add3A_768 = arith.addf %mul3A_766, %mul3A_767 : vector<16xf32>
        %mul3A_769 = arith.mulf %sub3A_765, %sub3A_765 : vector<16xf32>
        %add3A_770 = arith.addf %add3A_768, %mul3A_769 : vector<16xf32>
        %min3A_771 = arith.minimumf %scan3A_743, %add3A_770 : vector<16xf32>
        %max3A = arith.maximumf %scan3A_743, %add3A_770 : vector<16xf32>
        %min3A_772 = arith.minimumf %scan3A_744, %max3A : vector<16xf32>
        %max3A_773 = arith.maximumf %scan3A_744, %max3A : vector<16xf32>
        %min3A_774 = arith.minimumf %scan3A_745, %max3A_773 : vector<16xf32>
        %max3A_775 = arith.maximumf %scan3A_745, %max3A_773 : vector<16xf32>
        %min3A_776 = arith.minimumf %scan3A_746, %max3A_775 : vector<16xf32>
        %max3A_777 = arith.maximumf %scan3A_746, %max3A_775 : vector<16xf32>
        %min3A_778 = arith.minimumf %scan3A_747, %max3A_777 : vector<16xf32>
        %max3A_779 = arith.maximumf %scan3A_747, %max3A_777 : vector<16xf32>
        %min3A_780 = arith.minimumf %scan3A_748, %max3A_779 : vector<16xf32>
        %max3A_781 = arith.maximumf %scan3A_748, %max3A_779 : vector<16xf32>
        %min3A_782 = arith.minimumf %scan3A_749, %max3A_781 : vector<16xf32>
        %max3A_783 = arith.maximumf %scan3A_749, %max3A_781 : vector<16xf32>
        %min3A_784 = arith.minimumf %scan3A_750, %max3A_783 : vector<16xf32>
        %max3A_785 = arith.maximumf %scan3A_750, %max3A_783 : vector<16xf32>
        %min3A_786 = arith.minimumf %scan3A_751, %max3A_785 : vector<16xf32>
        %max3A_787 = arith.maximumf %scan3A_751, %max3A_785 : vector<16xf32>
        scf.yield %min3A_771, %min3A_772, %min3A_774, %min3A_776, %min3A_778, %min3A_780, %min3A_782, %min3A_784, %min3A_786 : vector<16xf32>, vector<16xf32>, vector<16xf32>, vector<16xf32>, vector<16xf32>, vector<16xf32>, vector<16xf32>, vector<16xf32>, vector<16xf32>
      }
      %scan3A_75 = arith.constant 256 : i32
      %iota3A = tpu.iota {dimensions = array<i32: 0>} : vector<16xi32>
      %broadcast_in_dim3A_76 = arith.constant 0.000000e+00 : f32
      %broadcast_in_dim3A_77 = vector.broadcast %broadcast_in_dim3A_76 : f32 to vector<16xf32>
      %min3A = arith.minimumf %scan3A_74#0, %scan3A_74#1 : vector<16xf32>
      %min3A_78 = arith.minimumf %min3A, %scan3A_74#2 : vector<16xf32>
      %min3A_79 = arith.minimumf %min3A_78, %scan3A_74#3 : vector<16xf32>
      %min3A_80 = arith.minimumf %min3A_79, %scan3A_74#4 : vector<16xf32>
      %min3A_81 = arith.minimumf %min3A_80, %scan3A_74#5 : vector<16xf32>
      %min3A_82 = arith.minimumf %min3A_81, %scan3A_74#6 : vector<16xf32>
      %min3A_83 = arith.minimumf %min3A_82, %scan3A_74#7 : vector<16xf32>
      %min3A_84 = arith.minimumf %min3A_83, %scan3A_74#8 : vector<16xf32>
      %xor3A = arith.constant 8 : i32
      %xor3A_85 = vector.broadcast %xor3A : i32 to vector<16xi32>
      %xor3A_86 = arith.xori %iota3A, %xor3A_85 : vector<16xi32>
      %reshape3A = vector.shape_cast %xor3A_86 : vector<16xi32> to vector<16x1xi32>
      %gather3A_87 = vector.shape_cast %reshape3A : vector<16x1xi32> to vector<16xi32>
      %gather3A_88 = tpu.dynamic_gather %min3A_84[%gather3A_87] in [0] : vector<16xf32>, vector<16xi32> -> vector<16xf32>
      %min3A_89 = arith.minimumf %min3A_84, %gather3A_88 : vector<16xf32>
      %xor3A_90 = arith.constant 4 : i32
      %xor3A_91 = vector.broadcast %xor3A_90 : i32 to vector<16xi32>
      %xor3A_92 = arith.xori %iota3A, %xor3A_91 : vector<16xi32>
      %reshape3A_93 = vector.shape_cast %xor3A_92 : vector<16xi32> to vector<16x1xi32>
      %gather3A_94 = vector.shape_cast %reshape3A_93 : vector<16x1xi32> to vector<16xi32>
      %gather3A_95 = tpu.dynamic_gather %min3A_89[%gather3A_94] in [0] : vector<16xf32>, vector<16xi32> -> vector<16xf32>
      %min3A_96 = arith.minimumf %min3A_89, %gather3A_95 : vector<16xf32>
      %xor3A_97 = arith.constant 2 : i32
      %xor3A_98 = vector.broadcast %xor3A_97 : i32 to vector<16xi32>
      %xor3A_99 = arith.xori %iota3A, %xor3A_98 : vector<16xi32>
      %reshape3A_100 = vector.shape_cast %xor3A_99 : vector<16xi32> to vector<16x1xi32>
      %gather3A_101 = vector.shape_cast %reshape3A_100 : vector<16x1xi32> to vector<16xi32>
      %gather3A_102 = tpu.dynamic_gather %min3A_96[%gather3A_101] in [0] : vector<16xf32>, vector<16xi32> -> vector<16xf32>
      %min3A_103 = arith.minimumf %min3A_96, %gather3A_102 : vector<16xf32>
      %xor3A_104 = arith.constant 1 : i32
      %xor3A_105 = vector.broadcast %xor3A_104 : i32 to vector<16xi32>
      %xor3A_106 = arith.xori %iota3A, %xor3A_105 : vector<16xi32>
      %reshape3A_107 = vector.shape_cast %xor3A_106 : vector<16xi32> to vector<16x1xi32>
      %gather3A_108 = vector.shape_cast %reshape3A_107 : vector<16x1xi32> to vector<16xi32>
      %gather3A_109 = tpu.dynamic_gather %min3A_103[%gather3A_108] in [0] : vector<16xf32>, vector<16xi32> -> vector<16xf32>
      %min3A_110 = arith.minimumf %min3A_103, %gather3A_109 : vector<16xf32>
      %eq3A = arith.cmpf oeq, %scan3A_74#0, %min3A_110 : vector<16xf32>
      %jit3A_111 = arith.constant 0x7F800000 : f32
      %broadcast_in_dim3A_112 = vector.broadcast %jit3A_111 : f32 to vector<16xf32>
      %select_n3A_113 = arith.select %eq3A, %broadcast_in_dim3A_112, %scan3A_74#0 : vector<16xi1>, vector<16xf32>
      %eq3A_114 = arith.cmpf oeq, %scan3A_74#1, %min3A_110 : vector<16xf32>
      %jit3A_115 = arith.constant 0x7F800000 : f32
      %broadcast_in_dim3A_116 = vector.broadcast %jit3A_115 : f32 to vector<16xf32>
      %select_n3A_117 = arith.select %eq3A_114, %broadcast_in_dim3A_116, %scan3A_74#1 : vector<16xi1>, vector<16xf32>
      %eq3A_118 = arith.cmpf oeq, %scan3A_74#2, %min3A_110 : vector<16xf32>
      %jit3A_119 = arith.constant 0x7F800000 : f32
      %broadcast_in_dim3A_120 = vector.broadcast %jit3A_119 : f32 to vector<16xf32>
      %select_n3A_121 = arith.select %eq3A_118, %broadcast_in_dim3A_120, %scan3A_74#2 : vector<16xi1>, vector<16xf32>
      %eq3A_122 = arith.cmpf oeq, %scan3A_74#3, %min3A_110 : vector<16xf32>
      %jit3A_123 = arith.constant 0x7F800000 : f32
      %broadcast_in_dim3A_124 = vector.broadcast %jit3A_123 : f32 to vector<16xf32>
      %select_n3A_125 = arith.select %eq3A_122, %broadcast_in_dim3A_124, %scan3A_74#3 : vector<16xi1>, vector<16xf32>
      %eq3A_126 = arith.cmpf oeq, %scan3A_74#4, %min3A_110 : vector<16xf32>
      %jit3A_127 = arith.constant 0x7F800000 : f32
      %broadcast_in_dim3A_128 = vector.broadcast %jit3A_127 : f32 to vector<16xf32>
      %select_n3A_129 = arith.select %eq3A_126, %broadcast_in_dim3A_128, %scan3A_74#4 : vector<16xi1>, vector<16xf32>
      %eq3A_130 = arith.cmpf oeq, %scan3A_74#5, %min3A_110 : vector<16xf32>
      %jit3A_131 = arith.constant 0x7F800000 : f32
      %broadcast_in_dim3A_132 = vector.broadcast %jit3A_131 : f32 to vector<16xf32>
      %select_n3A_133 = arith.select %eq3A_130, %broadcast_in_dim3A_132, %scan3A_74#5 : vector<16xi1>, vector<16xf32>
      %eq3A_134 = arith.cmpf oeq, %scan3A_74#6, %min3A_110 : vector<16xf32>
      %jit3A_135 = arith.constant 0x7F800000 : f32
      %broadcast_in_dim3A_136 = vector.broadcast %jit3A_135 : f32 to vector<16xf32>
      %select_n3A_137 = arith.select %eq3A_134, %broadcast_in_dim3A_136, %scan3A_74#6 : vector<16xi1>, vector<16xf32>
      %eq3A_138 = arith.cmpf oeq, %scan3A_74#7, %min3A_110 : vector<16xf32>
      %jit3A_139 = arith.constant 0x7F800000 : f32
      %broadcast_in_dim3A_140 = vector.broadcast %jit3A_139 : f32 to vector<16xf32>
      %select_n3A_141 = arith.select %eq3A_138, %broadcast_in_dim3A_140, %scan3A_74#7 : vector<16xi1>, vector<16xf32>
      %eq3A_142 = arith.cmpf oeq, %scan3A_74#8, %min3A_110 : vector<16xf32>
      %jit3A_143 = arith.constant 0x7F800000 : f32
      %broadcast_in_dim3A_144 = vector.broadcast %jit3A_143 : f32 to vector<16xf32>
      %select_n3A_145 = arith.select %eq3A_142, %broadcast_in_dim3A_144, %scan3A_74#8 : vector<16xi1>, vector<16xf32>
      %min3A_146 = arith.minimumf %select_n3A_113, %select_n3A_117 : vector<16xf32>
      %min3A_147 = arith.minimumf %min3A_146, %select_n3A_121 : vector<16xf32>
      %min3A_148 = arith.minimumf %min3A_147, %select_n3A_125 : vector<16xf32>
      %min3A_149 = arith.minimumf %min3A_148, %select_n3A_129 : vector<16xf32>
      %min3A_150 = arith.minimumf %min3A_149, %select_n3A_133 : vector<16xf32>
      %min3A_151 = arith.minimumf %min3A_150, %select_n3A_137 : vector<16xf32>
      %min3A_152 = arith.minimumf %min3A_151, %select_n3A_141 : vector<16xf32>
      %min3A_153 = arith.minimumf %min3A_152, %select_n3A_145 : vector<16xf32>
      %xor3A_154 = arith.constant 8 : i32
      %xor3A_155 = vector.broadcast %xor3A_154 : i32 to vector<16xi32>
      %xor3A_156 = arith.xori %iota3A, %xor3A_155 : vector<16xi32>
      %reshape3A_157 = vector.shape_cast %xor3A_156 : vector<16xi32> to vector<16x1xi32>
      %gather3A_158 = vector.shape_cast %reshape3A_157 : vector<16x1xi32> to vector<16xi32>
      %gather3A_159 = tpu.dynamic_gather %min3A_153[%gather3A_158] in [0] : vector<16xf32>, vector<16xi32> -> vector<16xf32>
      %min3A_160 = arith.minimumf %min3A_153, %gather3A_159 : vector<16xf32>
      %xor3A_161 = arith.constant 4 : i32
      %xor3A_162 = vector.broadcast %xor3A_161 : i32 to vector<16xi32>
      %xor3A_163 = arith.xori %iota3A, %xor3A_162 : vector<16xi32>
      %reshape3A_164 = vector.shape_cast %xor3A_163 : vector<16xi32> to vector<16x1xi32>
      %gather3A_165 = vector.shape_cast %reshape3A_164 : vector<16x1xi32> to vector<16xi32>
      %gather3A_166 = tpu.dynamic_gather %min3A_160[%gather3A_165] in [0] : vector<16xf32>, vector<16xi32> -> vector<16xf32>
      %min3A_167 = arith.minimumf %min3A_160, %gather3A_166 : vector<16xf32>
      %xor3A_168 = arith.constant 2 : i32
      %xor3A_169 = vector.broadcast %xor3A_168 : i32 to vector<16xi32>
      %xor3A_170 = arith.xori %iota3A, %xor3A_169 : vector<16xi32>
      %reshape3A_171 = vector.shape_cast %xor3A_170 : vector<16xi32> to vector<16x1xi32>
      %gather3A_172 = vector.shape_cast %reshape3A_171 : vector<16x1xi32> to vector<16xi32>
      %gather3A_173 = tpu.dynamic_gather %min3A_167[%gather3A_172] in [0] : vector<16xf32>, vector<16xi32> -> vector<16xf32>
      %min3A_174 = arith.minimumf %min3A_167, %gather3A_173 : vector<16xf32>
      %xor3A_175 = arith.constant 1 : i32
      %xor3A_176 = vector.broadcast %xor3A_175 : i32 to vector<16xi32>
      %xor3A_177 = arith.xori %iota3A, %xor3A_176 : vector<16xi32>
      %reshape3A_178 = vector.shape_cast %xor3A_177 : vector<16xi32> to vector<16x1xi32>
      %gather3A_179 = vector.shape_cast %reshape3A_178 : vector<16x1xi32> to vector<16xi32>
      %gather3A_180 = tpu.dynamic_gather %min3A_174[%gather3A_179] in [0] : vector<16xf32>, vector<16xi32> -> vector<16xf32>
      %min3A_181 = arith.minimumf %min3A_174, %gather3A_180 : vector<16xf32>
      %lt3A = arith.constant 3.000000e+38 : f32
      %lt3A_182 = vector.broadcast %lt3A : f32 to vector<16xf32>
      %lt3A_183 = arith.cmpf olt, %min3A_181, %lt3A_182 : vector<16xf32>
      %jit3A_184 = arith.constant 0.000000e+00 : f32
      %broadcast_in_dim3A_185 = vector.broadcast %jit3A_184 : f32 to vector<16xf32>
      %select_n3A_186 = arith.select %lt3A_183, %min3A_181, %broadcast_in_dim3A_185 : vector<16xi1>, vector<16xf32>
      %add3A_187 = arith.addf %broadcast_in_dim3A_77, %select_n3A_186 : vector<16xf32>
      %eq3A_188 = arith.cmpf oeq, %select_n3A_113, %min3A_181 : vector<16xf32>
      %jit3A_189 = arith.constant 0x7F800000 : f32
      %broadcast_in_dim3A_190 = vector.broadcast %jit3A_189 : f32 to vector<16xf32>
      %select_n3A_191 = arith.select %eq3A_188, %broadcast_in_dim3A_190, %select_n3A_113 : vector<16xi1>, vector<16xf32>
      %eq3A_192 = arith.cmpf oeq, %select_n3A_117, %min3A_181 : vector<16xf32>
      %jit3A_193 = arith.constant 0x7F800000 : f32
      %broadcast_in_dim3A_194 = vector.broadcast %jit3A_193 : f32 to vector<16xf32>
      %select_n3A_195 = arith.select %eq3A_192, %broadcast_in_dim3A_194, %select_n3A_117 : vector<16xi1>, vector<16xf32>
      %eq3A_196 = arith.cmpf oeq, %select_n3A_121, %min3A_181 : vector<16xf32>
      %jit3A_197 = arith.constant 0x7F800000 : f32
      %broadcast_in_dim3A_198 = vector.broadcast %jit3A_197 : f32 to vector<16xf32>
      %select_n3A_199 = arith.select %eq3A_196, %broadcast_in_dim3A_198, %select_n3A_121 : vector<16xi1>, vector<16xf32>
      %eq3A_200 = arith.cmpf oeq, %select_n3A_125, %min3A_181 : vector<16xf32>
      %jit3A_201 = arith.constant 0x7F800000 : f32
      %broadcast_in_dim3A_202 = vector.broadcast %jit3A_201 : f32 to vector<16xf32>
      %select_n3A_203 = arith.select %eq3A_200, %broadcast_in_dim3A_202, %select_n3A_125 : vector<16xi1>, vector<16xf32>
      %eq3A_204 = arith.cmpf oeq, %select_n3A_129, %min3A_181 : vector<16xf32>
      %jit3A_205 = arith.constant 0x7F800000 : f32
      %broadcast_in_dim3A_206 = vector.broadcast %jit3A_205 : f32 to vector<16xf32>
      %select_n3A_207 = arith.select %eq3A_204, %broadcast_in_dim3A_206, %select_n3A_129 : vector<16xi1>, vector<16xf32>
      %eq3A_208 = arith.cmpf oeq, %select_n3A_133, %min3A_181 : vector<16xf32>
      %jit3A_209 = arith.constant 0x7F800000 : f32
      %broadcast_in_dim3A_210 = vector.broadcast %jit3A_209 : f32 to vector<16xf32>
      %select_n3A_211 = arith.select %eq3A_208, %broadcast_in_dim3A_210, %select_n3A_133 : vector<16xi1>, vector<16xf32>
      %eq3A_212 = arith.cmpf oeq, %select_n3A_137, %min3A_181 : vector<16xf32>
      %jit3A_213 = arith.constant 0x7F800000 : f32
      %broadcast_in_dim3A_214 = vector.broadcast %jit3A_213 : f32 to vector<16xf32>
      %select_n3A_215 = arith.select %eq3A_212, %broadcast_in_dim3A_214, %select_n3A_137 : vector<16xi1>, vector<16xf32>
      %eq3A_216 = arith.cmpf oeq, %select_n3A_141, %min3A_181 : vector<16xf32>
      %jit3A_217 = arith.constant 0x7F800000 : f32
      %broadcast_in_dim3A_218 = vector.broadcast %jit3A_217 : f32 to vector<16xf32>
      %select_n3A_219 = arith.select %eq3A_216, %broadcast_in_dim3A_218, %select_n3A_141 : vector<16xi1>, vector<16xf32>
      %eq3A_220 = arith.cmpf oeq, %select_n3A_145, %min3A_181 : vector<16xf32>
      %jit3A_221 = arith.constant 0x7F800000 : f32
      %broadcast_in_dim3A_222 = vector.broadcast %jit3A_221 : f32 to vector<16xf32>
      %select_n3A_223 = arith.select %eq3A_220, %broadcast_in_dim3A_222, %select_n3A_145 : vector<16xi1>, vector<16xf32>
      %min3A_224 = arith.minimumf %select_n3A_191, %select_n3A_195 : vector<16xf32>
      %min3A_225 = arith.minimumf %min3A_224, %select_n3A_199 : vector<16xf32>
      %min3A_226 = arith.minimumf %min3A_225, %select_n3A_203 : vector<16xf32>
      %min3A_227 = arith.minimumf %min3A_226, %select_n3A_207 : vector<16xf32>
      %min3A_228 = arith.minimumf %min3A_227, %select_n3A_211 : vector<16xf32>
      %min3A_229 = arith.minimumf %min3A_228, %select_n3A_215 : vector<16xf32>
      %min3A_230 = arith.minimumf %min3A_229, %select_n3A_219 : vector<16xf32>
      %min3A_231 = arith.minimumf %min3A_230, %select_n3A_223 : vector<16xf32>
      %xor3A_232 = arith.constant 8 : i32
      %xor3A_233 = vector.broadcast %xor3A_232 : i32 to vector<16xi32>
      %xor3A_234 = arith.xori %iota3A, %xor3A_233 : vector<16xi32>
      %reshape3A_235 = vector.shape_cast %xor3A_234 : vector<16xi32> to vector<16x1xi32>
      %gather3A_236 = vector.shape_cast %reshape3A_235 : vector<16x1xi32> to vector<16xi32>
      %gather3A_237 = tpu.dynamic_gather %min3A_231[%gather3A_236] in [0] : vector<16xf32>, vector<16xi32> -> vector<16xf32>
      %min3A_238 = arith.minimumf %min3A_231, %gather3A_237 : vector<16xf32>
      %xor3A_239 = arith.constant 4 : i32
      %xor3A_240 = vector.broadcast %xor3A_239 : i32 to vector<16xi32>
      %xor3A_241 = arith.xori %iota3A, %xor3A_240 : vector<16xi32>
      %reshape3A_242 = vector.shape_cast %xor3A_241 : vector<16xi32> to vector<16x1xi32>
      %gather3A_243 = vector.shape_cast %reshape3A_242 : vector<16x1xi32> to vector<16xi32>
      %gather3A_244 = tpu.dynamic_gather %min3A_238[%gather3A_243] in [0] : vector<16xf32>, vector<16xi32> -> vector<16xf32>
      %min3A_245 = arith.minimumf %min3A_238, %gather3A_244 : vector<16xf32>
      %xor3A_246 = arith.constant 2 : i32
      %xor3A_247 = vector.broadcast %xor3A_246 : i32 to vector<16xi32>
      %xor3A_248 = arith.xori %iota3A, %xor3A_247 : vector<16xi32>
      %reshape3A_249 = vector.shape_cast %xor3A_248 : vector<16xi32> to vector<16x1xi32>
      %gather3A_250 = vector.shape_cast %reshape3A_249 : vector<16x1xi32> to vector<16xi32>
      %gather3A_251 = tpu.dynamic_gather %min3A_245[%gather3A_250] in [0] : vector<16xf32>, vector<16xi32> -> vector<16xf32>
      %min3A_252 = arith.minimumf %min3A_245, %gather3A_251 : vector<16xf32>
      %xor3A_253 = arith.constant 1 : i32
      %xor3A_254 = vector.broadcast %xor3A_253 : i32 to vector<16xi32>
      %xor3A_255 = arith.xori %iota3A, %xor3A_254 : vector<16xi32>
      %reshape3A_256 = vector.shape_cast %xor3A_255 : vector<16xi32> to vector<16x1xi32>
      %gather3A_257 = vector.shape_cast %reshape3A_256 : vector<16x1xi32> to vector<16xi32>
      %gather3A_258 = tpu.dynamic_gather %min3A_252[%gather3A_257] in [0] : vector<16xf32>, vector<16xi32> -> vector<16xf32>
      %min3A_259 = arith.minimumf %min3A_252, %gather3A_258 : vector<16xf32>
      %lt3A_260 = arith.constant 3.000000e+38 : f32
      %lt3A_261 = vector.broadcast %lt3A_260 : f32 to vector<16xf32>
      %lt3A_262 = arith.cmpf olt, %min3A_259, %lt3A_261 : vector<16xf32>
      %jit3A_263 = arith.constant 0.000000e+00 : f32
      %broadcast_in_dim3A_264 = vector.broadcast %jit3A_263 : f32 to vector<16xf32>
      %select_n3A_265 = arith.select %lt3A_262, %min3A_259, %broadcast_in_dim3A_264 : vector<16xi1>, vector<16xf32>
      %add3A_266 = arith.addf %add3A_187, %select_n3A_265 : vector<16xf32>
      %eq3A_267 = arith.cmpf oeq, %select_n3A_191, %min3A_259 : vector<16xf32>
      %jit3A_268 = arith.constant 0x7F800000 : f32
      %broadcast_in_dim3A_269 = vector.broadcast %jit3A_268 : f32 to vector<16xf32>
      %select_n3A_270 = arith.select %eq3A_267, %broadcast_in_dim3A_269, %select_n3A_191 : vector<16xi1>, vector<16xf32>
      %eq3A_271 = arith.cmpf oeq, %select_n3A_195, %min3A_259 : vector<16xf32>
      %jit3A_272 = arith.constant 0x7F800000 : f32
      %broadcast_in_dim3A_273 = vector.broadcast %jit3A_272 : f32 to vector<16xf32>
      %select_n3A_274 = arith.select %eq3A_271, %broadcast_in_dim3A_273, %select_n3A_195 : vector<16xi1>, vector<16xf32>
      %eq3A_275 = arith.cmpf oeq, %select_n3A_199, %min3A_259 : vector<16xf32>
      %jit3A_276 = arith.constant 0x7F800000 : f32
      %broadcast_in_dim3A_277 = vector.broadcast %jit3A_276 : f32 to vector<16xf32>
      %select_n3A_278 = arith.select %eq3A_275, %broadcast_in_dim3A_277, %select_n3A_199 : vector<16xi1>, vector<16xf32>
      %eq3A_279 = arith.cmpf oeq, %select_n3A_203, %min3A_259 : vector<16xf32>
      %jit3A_280 = arith.constant 0x7F800000 : f32
      %broadcast_in_dim3A_281 = vector.broadcast %jit3A_280 : f32 to vector<16xf32>
      %select_n3A_282 = arith.select %eq3A_279, %broadcast_in_dim3A_281, %select_n3A_203 : vector<16xi1>, vector<16xf32>
      %eq3A_283 = arith.cmpf oeq, %select_n3A_207, %min3A_259 : vector<16xf32>
      %jit3A_284 = arith.constant 0x7F800000 : f32
      %broadcast_in_dim3A_285 = vector.broadcast %jit3A_284 : f32 to vector<16xf32>
      %select_n3A_286 = arith.select %eq3A_283, %broadcast_in_dim3A_285, %select_n3A_207 : vector<16xi1>, vector<16xf32>
      %eq3A_287 = arith.cmpf oeq, %select_n3A_211, %min3A_259 : vector<16xf32>
      %jit3A_288 = arith.constant 0x7F800000 : f32
      %broadcast_in_dim3A_289 = vector.broadcast %jit3A_288 : f32 to vector<16xf32>
      %select_n3A_290 = arith.select %eq3A_287, %broadcast_in_dim3A_289, %select_n3A_211 : vector<16xi1>, vector<16xf32>
      %eq3A_291 = arith.cmpf oeq, %select_n3A_215, %min3A_259 : vector<16xf32>
      %jit3A_292 = arith.constant 0x7F800000 : f32
      %broadcast_in_dim3A_293 = vector.broadcast %jit3A_292 : f32 to vector<16xf32>
      %select_n3A_294 = arith.select %eq3A_291, %broadcast_in_dim3A_293, %select_n3A_215 : vector<16xi1>, vector<16xf32>
      %eq3A_295 = arith.cmpf oeq, %select_n3A_219, %min3A_259 : vector<16xf32>
      %jit3A_296 = arith.constant 0x7F800000 : f32
      %broadcast_in_dim3A_297 = vector.broadcast %jit3A_296 : f32 to vector<16xf32>
      %select_n3A_298 = arith.select %eq3A_295, %broadcast_in_dim3A_297, %select_n3A_219 : vector<16xi1>, vector<16xf32>
      %eq3A_299 = arith.cmpf oeq, %select_n3A_223, %min3A_259 : vector<16xf32>
      %jit3A_300 = arith.constant 0x7F800000 : f32
      %broadcast_in_dim3A_301 = vector.broadcast %jit3A_300 : f32 to vector<16xf32>
      %select_n3A_302 = arith.select %eq3A_299, %broadcast_in_dim3A_301, %select_n3A_223 : vector<16xi1>, vector<16xf32>
      %min3A_303 = arith.minimumf %select_n3A_270, %select_n3A_274 : vector<16xf32>
      %min3A_304 = arith.minimumf %min3A_303, %select_n3A_278 : vector<16xf32>
      %min3A_305 = arith.minimumf %min3A_304, %select_n3A_282 : vector<16xf32>
      %min3A_306 = arith.minimumf %min3A_305, %select_n3A_286 : vector<16xf32>
      %min3A_307 = arith.minimumf %min3A_306, %select_n3A_290 : vector<16xf32>
      %min3A_308 = arith.minimumf %min3A_307, %select_n3A_294 : vector<16xf32>
      %min3A_309 = arith.minimumf %min3A_308, %select_n3A_298 : vector<16xf32>
      %min3A_310 = arith.minimumf %min3A_309, %select_n3A_302 : vector<16xf32>
      %xor3A_311 = arith.constant 8 : i32
      %xor3A_312 = vector.broadcast %xor3A_311 : i32 to vector<16xi32>
      %xor3A_313 = arith.xori %iota3A, %xor3A_312 : vector<16xi32>
      %reshape3A_314 = vector.shape_cast %xor3A_313 : vector<16xi32> to vector<16x1xi32>
      %gather3A_315 = vector.shape_cast %reshape3A_314 : vector<16x1xi32> to vector<16xi32>
      %gather3A_316 = tpu.dynamic_gather %min3A_310[%gather3A_315] in [0] : vector<16xf32>, vector<16xi32> -> vector<16xf32>
      %min3A_317 = arith.minimumf %min3A_310, %gather3A_316 : vector<16xf32>
      %xor3A_318 = arith.constant 4 : i32
      %xor3A_319 = vector.broadcast %xor3A_318 : i32 to vector<16xi32>
      %xor3A_320 = arith.xori %iota3A, %xor3A_319 : vector<16xi32>
      %reshape3A_321 = vector.shape_cast %xor3A_320 : vector<16xi32> to vector<16x1xi32>
      %gather3A_322 = vector.shape_cast %reshape3A_321 : vector<16x1xi32> to vector<16xi32>
      %gather3A_323 = tpu.dynamic_gather %min3A_317[%gather3A_322] in [0] : vector<16xf32>, vector<16xi32> -> vector<16xf32>
      %min3A_324 = arith.minimumf %min3A_317, %gather3A_323 : vector<16xf32>
      %xor3A_325 = arith.constant 2 : i32
      %xor3A_326 = vector.broadcast %xor3A_325 : i32 to vector<16xi32>
      %xor3A_327 = arith.xori %iota3A, %xor3A_326 : vector<16xi32>
      %reshape3A_328 = vector.shape_cast %xor3A_327 : vector<16xi32> to vector<16x1xi32>
      %gather3A_329 = vector.shape_cast %reshape3A_328 : vector<16x1xi32> to vector<16xi32>
      %gather3A_330 = tpu.dynamic_gather %min3A_324[%gather3A_329] in [0] : vector<16xf32>, vector<16xi32> -> vector<16xf32>
      %min3A_331 = arith.minimumf %min3A_324, %gather3A_330 : vector<16xf32>
      %xor3A_332 = arith.constant 1 : i32
      %xor3A_333 = vector.broadcast %xor3A_332 : i32 to vector<16xi32>
      %xor3A_334 = arith.xori %iota3A, %xor3A_333 : vector<16xi32>
      %reshape3A_335 = vector.shape_cast %xor3A_334 : vector<16xi32> to vector<16x1xi32>
      %gather3A_336 = vector.shape_cast %reshape3A_335 : vector<16x1xi32> to vector<16xi32>
      %gather3A_337 = tpu.dynamic_gather %min3A_331[%gather3A_336] in [0] : vector<16xf32>, vector<16xi32> -> vector<16xf32>
      %min3A_338 = arith.minimumf %min3A_331, %gather3A_337 : vector<16xf32>
      %lt3A_339 = arith.constant 3.000000e+38 : f32
      %lt3A_340 = vector.broadcast %lt3A_339 : f32 to vector<16xf32>
      %lt3A_341 = arith.cmpf olt, %min3A_338, %lt3A_340 : vector<16xf32>
      %jit3A_342 = arith.constant 0.000000e+00 : f32
      %broadcast_in_dim3A_343 = vector.broadcast %jit3A_342 : f32 to vector<16xf32>
      %select_n3A_344 = arith.select %lt3A_341, %min3A_338, %broadcast_in_dim3A_343 : vector<16xi1>, vector<16xf32>
      %add3A_345 = arith.addf %add3A_266, %select_n3A_344 : vector<16xf32>
      %eq3A_346 = arith.cmpf oeq, %select_n3A_270, %min3A_338 : vector<16xf32>
      %jit3A_347 = arith.constant 0x7F800000 : f32
      %broadcast_in_dim3A_348 = vector.broadcast %jit3A_347 : f32 to vector<16xf32>
      %select_n3A_349 = arith.select %eq3A_346, %broadcast_in_dim3A_348, %select_n3A_270 : vector<16xi1>, vector<16xf32>
      %eq3A_350 = arith.cmpf oeq, %select_n3A_274, %min3A_338 : vector<16xf32>
      %jit3A_351 = arith.constant 0x7F800000 : f32
      %broadcast_in_dim3A_352 = vector.broadcast %jit3A_351 : f32 to vector<16xf32>
      %select_n3A_353 = arith.select %eq3A_350, %broadcast_in_dim3A_352, %select_n3A_274 : vector<16xi1>, vector<16xf32>
      %eq3A_354 = arith.cmpf oeq, %select_n3A_278, %min3A_338 : vector<16xf32>
      %jit3A_355 = arith.constant 0x7F800000 : f32
      %broadcast_in_dim3A_356 = vector.broadcast %jit3A_355 : f32 to vector<16xf32>
      %select_n3A_357 = arith.select %eq3A_354, %broadcast_in_dim3A_356, %select_n3A_278 : vector<16xi1>, vector<16xf32>
      %eq3A_358 = arith.cmpf oeq, %select_n3A_282, %min3A_338 : vector<16xf32>
      %jit3A_359 = arith.constant 0x7F800000 : f32
      %broadcast_in_dim3A_360 = vector.broadcast %jit3A_359 : f32 to vector<16xf32>
      %select_n3A_361 = arith.select %eq3A_358, %broadcast_in_dim3A_360, %select_n3A_282 : vector<16xi1>, vector<16xf32>
      %eq3A_362 = arith.cmpf oeq, %select_n3A_286, %min3A_338 : vector<16xf32>
      %jit3A_363 = arith.constant 0x7F800000 : f32
      %broadcast_in_dim3A_364 = vector.broadcast %jit3A_363 : f32 to vector<16xf32>
      %select_n3A_365 = arith.select %eq3A_362, %broadcast_in_dim3A_364, %select_n3A_286 : vector<16xi1>, vector<16xf32>
      %eq3A_366 = arith.cmpf oeq, %select_n3A_290, %min3A_338 : vector<16xf32>
      %jit3A_367 = arith.constant 0x7F800000 : f32
      %broadcast_in_dim3A_368 = vector.broadcast %jit3A_367 : f32 to vector<16xf32>
      %select_n3A_369 = arith.select %eq3A_366, %broadcast_in_dim3A_368, %select_n3A_290 : vector<16xi1>, vector<16xf32>
      %eq3A_370 = arith.cmpf oeq, %select_n3A_294, %min3A_338 : vector<16xf32>
      %jit3A_371 = arith.constant 0x7F800000 : f32
      %broadcast_in_dim3A_372 = vector.broadcast %jit3A_371 : f32 to vector<16xf32>
      %select_n3A_373 = arith.select %eq3A_370, %broadcast_in_dim3A_372, %select_n3A_294 : vector<16xi1>, vector<16xf32>
      %eq3A_374 = arith.cmpf oeq, %select_n3A_298, %min3A_338 : vector<16xf32>
      %jit3A_375 = arith.constant 0x7F800000 : f32
      %broadcast_in_dim3A_376 = vector.broadcast %jit3A_375 : f32 to vector<16xf32>
      %select_n3A_377 = arith.select %eq3A_374, %broadcast_in_dim3A_376, %select_n3A_298 : vector<16xi1>, vector<16xf32>
      %eq3A_378 = arith.cmpf oeq, %select_n3A_302, %min3A_338 : vector<16xf32>
      %jit3A_379 = arith.constant 0x7F800000 : f32
      %broadcast_in_dim3A_380 = vector.broadcast %jit3A_379 : f32 to vector<16xf32>
      %select_n3A_381 = arith.select %eq3A_378, %broadcast_in_dim3A_380, %select_n3A_302 : vector<16xi1>, vector<16xf32>
      %min3A_382 = arith.minimumf %select_n3A_349, %select_n3A_353 : vector<16xf32>
      %min3A_383 = arith.minimumf %min3A_382, %select_n3A_357 : vector<16xf32>
      %min3A_384 = arith.minimumf %min3A_383, %select_n3A_361 : vector<16xf32>
      %min3A_385 = arith.minimumf %min3A_384, %select_n3A_365 : vector<16xf32>
      %min3A_386 = arith.minimumf %min3A_385, %select_n3A_369 : vector<16xf32>
      %min3A_387 = arith.minimumf %min3A_386, %select_n3A_373 : vector<16xf32>
      %min3A_388 = arith.minimumf %min3A_387, %select_n3A_377 : vector<16xf32>
      %min3A_389 = arith.minimumf %min3A_388, %select_n3A_381 : vector<16xf32>
      %xor3A_390 = arith.constant 8 : i32
      %xor3A_391 = vector.broadcast %xor3A_390 : i32 to vector<16xi32>
      %xor3A_392 = arith.xori %iota3A, %xor3A_391 : vector<16xi32>
      %reshape3A_393 = vector.shape_cast %xor3A_392 : vector<16xi32> to vector<16x1xi32>
      %gather3A_394 = vector.shape_cast %reshape3A_393 : vector<16x1xi32> to vector<16xi32>
      %gather3A_395 = tpu.dynamic_gather %min3A_389[%gather3A_394] in [0] : vector<16xf32>, vector<16xi32> -> vector<16xf32>
      %min3A_396 = arith.minimumf %min3A_389, %gather3A_395 : vector<16xf32>
      %xor3A_397 = arith.constant 4 : i32
      %xor3A_398 = vector.broadcast %xor3A_397 : i32 to vector<16xi32>
      %xor3A_399 = arith.xori %iota3A, %xor3A_398 : vector<16xi32>
      %reshape3A_400 = vector.shape_cast %xor3A_399 : vector<16xi32> to vector<16x1xi32>
      %gather3A_401 = vector.shape_cast %reshape3A_400 : vector<16x1xi32> to vector<16xi32>
      %gather3A_402 = tpu.dynamic_gather %min3A_396[%gather3A_401] in [0] : vector<16xf32>, vector<16xi32> -> vector<16xf32>
      %min3A_403 = arith.minimumf %min3A_396, %gather3A_402 : vector<16xf32>
      %xor3A_404 = arith.constant 2 : i32
      %xor3A_405 = vector.broadcast %xor3A_404 : i32 to vector<16xi32>
      %xor3A_406 = arith.xori %iota3A, %xor3A_405 : vector<16xi32>
      %reshape3A_407 = vector.shape_cast %xor3A_406 : vector<16xi32> to vector<16x1xi32>
      %gather3A_408 = vector.shape_cast %reshape3A_407 : vector<16x1xi32> to vector<16xi32>
      %gather3A_409 = tpu.dynamic_gather %min3A_403[%gather3A_408] in [0] : vector<16xf32>, vector<16xi32> -> vector<16xf32>
      %min3A_410 = arith.minimumf %min3A_403, %gather3A_409 : vector<16xf32>
      %xor3A_411 = arith.constant 1 : i32
      %xor3A_412 = vector.broadcast %xor3A_411 : i32 to vector<16xi32>
      %xor3A_413 = arith.xori %iota3A, %xor3A_412 : vector<16xi32>
      %reshape3A_414 = vector.shape_cast %xor3A_413 : vector<16xi32> to vector<16x1xi32>
      %gather3A_415 = vector.shape_cast %reshape3A_414 : vector<16x1xi32> to vector<16xi32>
      %gather3A_416 = tpu.dynamic_gather %min3A_410[%gather3A_415] in [0] : vector<16xf32>, vector<16xi32> -> vector<16xf32>
      %min3A_417 = arith.minimumf %min3A_410, %gather3A_416 : vector<16xf32>
      %lt3A_418 = arith.constant 3.000000e+38 : f32
      %lt3A_419 = vector.broadcast %lt3A_418 : f32 to vector<16xf32>
      %lt3A_420 = arith.cmpf olt, %min3A_417, %lt3A_419 : vector<16xf32>
      %jit3A_421 = arith.constant 0.000000e+00 : f32
      %broadcast_in_dim3A_422 = vector.broadcast %jit3A_421 : f32 to vector<16xf32>
      %select_n3A_423 = arith.select %lt3A_420, %min3A_417, %broadcast_in_dim3A_422 : vector<16xi1>, vector<16xf32>
      %add3A_424 = arith.addf %add3A_345, %select_n3A_423 : vector<16xf32>
      %eq3A_425 = arith.cmpf oeq, %select_n3A_349, %min3A_417 : vector<16xf32>
      %jit3A_426 = arith.constant 0x7F800000 : f32
      %broadcast_in_dim3A_427 = vector.broadcast %jit3A_426 : f32 to vector<16xf32>
      %select_n3A_428 = arith.select %eq3A_425, %broadcast_in_dim3A_427, %select_n3A_349 : vector<16xi1>, vector<16xf32>
      %eq3A_429 = arith.cmpf oeq, %select_n3A_353, %min3A_417 : vector<16xf32>
      %jit3A_430 = arith.constant 0x7F800000 : f32
      %broadcast_in_dim3A_431 = vector.broadcast %jit3A_430 : f32 to vector<16xf32>
      %select_n3A_432 = arith.select %eq3A_429, %broadcast_in_dim3A_431, %select_n3A_353 : vector<16xi1>, vector<16xf32>
      %eq3A_433 = arith.cmpf oeq, %select_n3A_357, %min3A_417 : vector<16xf32>
      %jit3A_434 = arith.constant 0x7F800000 : f32
      %broadcast_in_dim3A_435 = vector.broadcast %jit3A_434 : f32 to vector<16xf32>
      %select_n3A_436 = arith.select %eq3A_433, %broadcast_in_dim3A_435, %select_n3A_357 : vector<16xi1>, vector<16xf32>
      %eq3A_437 = arith.cmpf oeq, %select_n3A_361, %min3A_417 : vector<16xf32>
      %jit3A_438 = arith.constant 0x7F800000 : f32
      %broadcast_in_dim3A_439 = vector.broadcast %jit3A_438 : f32 to vector<16xf32>
      %select_n3A_440 = arith.select %eq3A_437, %broadcast_in_dim3A_439, %select_n3A_361 : vector<16xi1>, vector<16xf32>
      %eq3A_441 = arith.cmpf oeq, %select_n3A_365, %min3A_417 : vector<16xf32>
      %jit3A_442 = arith.constant 0x7F800000 : f32
      %broadcast_in_dim3A_443 = vector.broadcast %jit3A_442 : f32 to vector<16xf32>
      %select_n3A_444 = arith.select %eq3A_441, %broadcast_in_dim3A_443, %select_n3A_365 : vector<16xi1>, vector<16xf32>
      %eq3A_445 = arith.cmpf oeq, %select_n3A_369, %min3A_417 : vector<16xf32>
      %jit3A_446 = arith.constant 0x7F800000 : f32
      %broadcast_in_dim3A_447 = vector.broadcast %jit3A_446 : f32 to vector<16xf32>
      %select_n3A_448 = arith.select %eq3A_445, %broadcast_in_dim3A_447, %select_n3A_369 : vector<16xi1>, vector<16xf32>
      %eq3A_449 = arith.cmpf oeq, %select_n3A_373, %min3A_417 : vector<16xf32>
      %jit3A_450 = arith.constant 0x7F800000 : f32
      %broadcast_in_dim3A_451 = vector.broadcast %jit3A_450 : f32 to vector<16xf32>
      %select_n3A_452 = arith.select %eq3A_449, %broadcast_in_dim3A_451, %select_n3A_373 : vector<16xi1>, vector<16xf32>
      %eq3A_453 = arith.cmpf oeq, %select_n3A_377, %min3A_417 : vector<16xf32>
      %jit3A_454 = arith.constant 0x7F800000 : f32
      %broadcast_in_dim3A_455 = vector.broadcast %jit3A_454 : f32 to vector<16xf32>
      %select_n3A_456 = arith.select %eq3A_453, %broadcast_in_dim3A_455, %select_n3A_377 : vector<16xi1>, vector<16xf32>
      %eq3A_457 = arith.cmpf oeq, %select_n3A_381, %min3A_417 : vector<16xf32>
      %jit3A_458 = arith.constant 0x7F800000 : f32
      %broadcast_in_dim3A_459 = vector.broadcast %jit3A_458 : f32 to vector<16xf32>
      %select_n3A_460 = arith.select %eq3A_457, %broadcast_in_dim3A_459, %select_n3A_381 : vector<16xi1>, vector<16xf32>
      %min3A_461 = arith.minimumf %select_n3A_428, %select_n3A_432 : vector<16xf32>
      %min3A_462 = arith.minimumf %min3A_461, %select_n3A_436 : vector<16xf32>
      %min3A_463 = arith.minimumf %min3A_462, %select_n3A_440 : vector<16xf32>
      %min3A_464 = arith.minimumf %min3A_463, %select_n3A_444 : vector<16xf32>
      %min3A_465 = arith.minimumf %min3A_464, %select_n3A_448 : vector<16xf32>
      %min3A_466 = arith.minimumf %min3A_465, %select_n3A_452 : vector<16xf32>
      %min3A_467 = arith.minimumf %min3A_466, %select_n3A_456 : vector<16xf32>
      %min3A_468 = arith.minimumf %min3A_467, %select_n3A_460 : vector<16xf32>
      %xor3A_469 = arith.constant 8 : i32
      %xor3A_470 = vector.broadcast %xor3A_469 : i32 to vector<16xi32>
      %xor3A_471 = arith.xori %iota3A, %xor3A_470 : vector<16xi32>
      %reshape3A_472 = vector.shape_cast %xor3A_471 : vector<16xi32> to vector<16x1xi32>
      %gather3A_473 = vector.shape_cast %reshape3A_472 : vector<16x1xi32> to vector<16xi32>
      %gather3A_474 = tpu.dynamic_gather %min3A_468[%gather3A_473] in [0] : vector<16xf32>, vector<16xi32> -> vector<16xf32>
      %min3A_475 = arith.minimumf %min3A_468, %gather3A_474 : vector<16xf32>
      %xor3A_476 = arith.constant 4 : i32
      %xor3A_477 = vector.broadcast %xor3A_476 : i32 to vector<16xi32>
      %xor3A_478 = arith.xori %iota3A, %xor3A_477 : vector<16xi32>
      %reshape3A_479 = vector.shape_cast %xor3A_478 : vector<16xi32> to vector<16x1xi32>
      %gather3A_480 = vector.shape_cast %reshape3A_479 : vector<16x1xi32> to vector<16xi32>
      %gather3A_481 = tpu.dynamic_gather %min3A_475[%gather3A_480] in [0] : vector<16xf32>, vector<16xi32> -> vector<16xf32>
      %min3A_482 = arith.minimumf %min3A_475, %gather3A_481 : vector<16xf32>
      %xor3A_483 = arith.constant 2 : i32
      %xor3A_484 = vector.broadcast %xor3A_483 : i32 to vector<16xi32>
      %xor3A_485 = arith.xori %iota3A, %xor3A_484 : vector<16xi32>
      %reshape3A_486 = vector.shape_cast %xor3A_485 : vector<16xi32> to vector<16x1xi32>
      %gather3A_487 = vector.shape_cast %reshape3A_486 : vector<16x1xi32> to vector<16xi32>
      %gather3A_488 = tpu.dynamic_gather %min3A_482[%gather3A_487] in [0] : vector<16xf32>, vector<16xi32> -> vector<16xf32>
      %min3A_489 = arith.minimumf %min3A_482, %gather3A_488 : vector<16xf32>
      %xor3A_490 = arith.constant 1 : i32
      %xor3A_491 = vector.broadcast %xor3A_490 : i32 to vector<16xi32>
      %xor3A_492 = arith.xori %iota3A, %xor3A_491 : vector<16xi32>
      %reshape3A_493 = vector.shape_cast %xor3A_492 : vector<16xi32> to vector<16x1xi32>
      %gather3A_494 = vector.shape_cast %reshape3A_493 : vector<16x1xi32> to vector<16xi32>
      %gather3A_495 = tpu.dynamic_gather %min3A_489[%gather3A_494] in [0] : vector<16xf32>, vector<16xi32> -> vector<16xf32>
      %min3A_496 = arith.minimumf %min3A_489, %gather3A_495 : vector<16xf32>
      %lt3A_497 = arith.constant 3.000000e+38 : f32
      %lt3A_498 = vector.broadcast %lt3A_497 : f32 to vector<16xf32>
      %lt3A_499 = arith.cmpf olt, %min3A_496, %lt3A_498 : vector<16xf32>
      %jit3A_500 = arith.constant 0.000000e+00 : f32
      %broadcast_in_dim3A_501 = vector.broadcast %jit3A_500 : f32 to vector<16xf32>
      %select_n3A_502 = arith.select %lt3A_499, %min3A_496, %broadcast_in_dim3A_501 : vector<16xi1>, vector<16xf32>
      %add3A_503 = arith.addf %add3A_424, %select_n3A_502 : vector<16xf32>
      %eq3A_504 = arith.cmpf oeq, %select_n3A_428, %min3A_496 : vector<16xf32>
      %jit3A_505 = arith.constant 0x7F800000 : f32
      %broadcast_in_dim3A_506 = vector.broadcast %jit3A_505 : f32 to vector<16xf32>
      %select_n3A_507 = arith.select %eq3A_504, %broadcast_in_dim3A_506, %select_n3A_428 : vector<16xi1>, vector<16xf32>
      %eq3A_508 = arith.cmpf oeq, %select_n3A_432, %min3A_496 : vector<16xf32>
      %jit3A_509 = arith.constant 0x7F800000 : f32
      %broadcast_in_dim3A_510 = vector.broadcast %jit3A_509 : f32 to vector<16xf32>
      %select_n3A_511 = arith.select %eq3A_508, %broadcast_in_dim3A_510, %select_n3A_432 : vector<16xi1>, vector<16xf32>
      %eq3A_512 = arith.cmpf oeq, %select_n3A_436, %min3A_496 : vector<16xf32>
      %jit3A_513 = arith.constant 0x7F800000 : f32
      %broadcast_in_dim3A_514 = vector.broadcast %jit3A_513 : f32 to vector<16xf32>
      %select_n3A_515 = arith.select %eq3A_512, %broadcast_in_dim3A_514, %select_n3A_436 : vector<16xi1>, vector<16xf32>
      %eq3A_516 = arith.cmpf oeq, %select_n3A_440, %min3A_496 : vector<16xf32>
      %jit3A_517 = arith.constant 0x7F800000 : f32
      %broadcast_in_dim3A_518 = vector.broadcast %jit3A_517 : f32 to vector<16xf32>
      %select_n3A_519 = arith.select %eq3A_516, %broadcast_in_dim3A_518, %select_n3A_440 : vector<16xi1>, vector<16xf32>
      %eq3A_520 = arith.cmpf oeq, %select_n3A_444, %min3A_496 : vector<16xf32>
      %jit3A_521 = arith.constant 0x7F800000 : f32
      %broadcast_in_dim3A_522 = vector.broadcast %jit3A_521 : f32 to vector<16xf32>
      %select_n3A_523 = arith.select %eq3A_520, %broadcast_in_dim3A_522, %select_n3A_444 : vector<16xi1>, vector<16xf32>
      %eq3A_524 = arith.cmpf oeq, %select_n3A_448, %min3A_496 : vector<16xf32>
      %jit3A_525 = arith.constant 0x7F800000 : f32
      %broadcast_in_dim3A_526 = vector.broadcast %jit3A_525 : f32 to vector<16xf32>
      %select_n3A_527 = arith.select %eq3A_524, %broadcast_in_dim3A_526, %select_n3A_448 : vector<16xi1>, vector<16xf32>
      %eq3A_528 = arith.cmpf oeq, %select_n3A_452, %min3A_496 : vector<16xf32>
      %jit3A_529 = arith.constant 0x7F800000 : f32
      %broadcast_in_dim3A_530 = vector.broadcast %jit3A_529 : f32 to vector<16xf32>
      %select_n3A_531 = arith.select %eq3A_528, %broadcast_in_dim3A_530, %select_n3A_452 : vector<16xi1>, vector<16xf32>
      %eq3A_532 = arith.cmpf oeq, %select_n3A_456, %min3A_496 : vector<16xf32>
      %jit3A_533 = arith.constant 0x7F800000 : f32
      %broadcast_in_dim3A_534 = vector.broadcast %jit3A_533 : f32 to vector<16xf32>
      %select_n3A_535 = arith.select %eq3A_532, %broadcast_in_dim3A_534, %select_n3A_456 : vector<16xi1>, vector<16xf32>
      %eq3A_536 = arith.cmpf oeq, %select_n3A_460, %min3A_496 : vector<16xf32>
      %jit3A_537 = arith.constant 0x7F800000 : f32
      %broadcast_in_dim3A_538 = vector.broadcast %jit3A_537 : f32 to vector<16xf32>
      %select_n3A_539 = arith.select %eq3A_536, %broadcast_in_dim3A_538, %select_n3A_460 : vector<16xi1>, vector<16xf32>
      %min3A_540 = arith.minimumf %select_n3A_507, %select_n3A_511 : vector<16xf32>
      %min3A_541 = arith.minimumf %min3A_540, %select_n3A_515 : vector<16xf32>
      %min3A_542 = arith.minimumf %min3A_541, %select_n3A_519 : vector<16xf32>
      %min3A_543 = arith.minimumf %min3A_542, %select_n3A_523 : vector<16xf32>
      %min3A_544 = arith.minimumf %min3A_543, %select_n3A_527 : vector<16xf32>
      %min3A_545 = arith.minimumf %min3A_544, %select_n3A_531 : vector<16xf32>
      %min3A_546 = arith.minimumf %min3A_545, %select_n3A_535 : vector<16xf32>
      %min3A_547 = arith.minimumf %min3A_546, %select_n3A_539 : vector<16xf32>
      %xor3A_548 = arith.constant 8 : i32
      %xor3A_549 = vector.broadcast %xor3A_548 : i32 to vector<16xi32>
      %xor3A_550 = arith.xori %iota3A, %xor3A_549 : vector<16xi32>
      %reshape3A_551 = vector.shape_cast %xor3A_550 : vector<16xi32> to vector<16x1xi32>
      %gather3A_552 = vector.shape_cast %reshape3A_551 : vector<16x1xi32> to vector<16xi32>
      %gather3A_553 = tpu.dynamic_gather %min3A_547[%gather3A_552] in [0] : vector<16xf32>, vector<16xi32> -> vector<16xf32>
      %min3A_554 = arith.minimumf %min3A_547, %gather3A_553 : vector<16xf32>
      %xor3A_555 = arith.constant 4 : i32
      %xor3A_556 = vector.broadcast %xor3A_555 : i32 to vector<16xi32>
      %xor3A_557 = arith.xori %iota3A, %xor3A_556 : vector<16xi32>
      %reshape3A_558 = vector.shape_cast %xor3A_557 : vector<16xi32> to vector<16x1xi32>
      %gather3A_559 = vector.shape_cast %reshape3A_558 : vector<16x1xi32> to vector<16xi32>
      %gather3A_560 = tpu.dynamic_gather %min3A_554[%gather3A_559] in [0] : vector<16xf32>, vector<16xi32> -> vector<16xf32>
      %min3A_561 = arith.minimumf %min3A_554, %gather3A_560 : vector<16xf32>
      %xor3A_562 = arith.constant 2 : i32
      %xor3A_563 = vector.broadcast %xor3A_562 : i32 to vector<16xi32>
      %xor3A_564 = arith.xori %iota3A, %xor3A_563 : vector<16xi32>
      %reshape3A_565 = vector.shape_cast %xor3A_564 : vector<16xi32> to vector<16x1xi32>
      %gather3A_566 = vector.shape_cast %reshape3A_565 : vector<16x1xi32> to vector<16xi32>
      %gather3A_567 = tpu.dynamic_gather %min3A_561[%gather3A_566] in [0] : vector<16xf32>, vector<16xi32> -> vector<16xf32>
      %min3A_568 = arith.minimumf %min3A_561, %gather3A_567 : vector<16xf32>
      %xor3A_569 = arith.constant 1 : i32
      %xor3A_570 = vector.broadcast %xor3A_569 : i32 to vector<16xi32>
      %xor3A_571 = arith.xori %iota3A, %xor3A_570 : vector<16xi32>
      %reshape3A_572 = vector.shape_cast %xor3A_571 : vector<16xi32> to vector<16x1xi32>
      %gather3A_573 = vector.shape_cast %reshape3A_572 : vector<16x1xi32> to vector<16xi32>
      %gather3A_574 = tpu.dynamic_gather %min3A_568[%gather3A_573] in [0] : vector<16xf32>, vector<16xi32> -> vector<16xf32>
      %min3A_575 = arith.minimumf %min3A_568, %gather3A_574 : vector<16xf32>
      %lt3A_576 = arith.constant 3.000000e+38 : f32
      %lt3A_577 = vector.broadcast %lt3A_576 : f32 to vector<16xf32>
      %lt3A_578 = arith.cmpf olt, %min3A_575, %lt3A_577 : vector<16xf32>
      %jit3A_579 = arith.constant 0.000000e+00 : f32
      %broadcast_in_dim3A_580 = vector.broadcast %jit3A_579 : f32 to vector<16xf32>
      %select_n3A_581 = arith.select %lt3A_578, %min3A_575, %broadcast_in_dim3A_580 : vector<16xi1>, vector<16xf32>
      %add3A_582 = arith.addf %add3A_503, %select_n3A_581 : vector<16xf32>
      %eq3A_583 = arith.cmpf oeq, %select_n3A_507, %min3A_575 : vector<16xf32>
      %jit3A_584 = arith.constant 0x7F800000 : f32
      %broadcast_in_dim3A_585 = vector.broadcast %jit3A_584 : f32 to vector<16xf32>
      %select_n3A_586 = arith.select %eq3A_583, %broadcast_in_dim3A_585, %select_n3A_507 : vector<16xi1>, vector<16xf32>
      %eq3A_587 = arith.cmpf oeq, %select_n3A_511, %min3A_575 : vector<16xf32>
      %jit3A_588 = arith.constant 0x7F800000 : f32
      %broadcast_in_dim3A_589 = vector.broadcast %jit3A_588 : f32 to vector<16xf32>
      %select_n3A_590 = arith.select %eq3A_587, %broadcast_in_dim3A_589, %select_n3A_511 : vector<16xi1>, vector<16xf32>
      %eq3A_591 = arith.cmpf oeq, %select_n3A_515, %min3A_575 : vector<16xf32>
      %jit3A_592 = arith.constant 0x7F800000 : f32
      %broadcast_in_dim3A_593 = vector.broadcast %jit3A_592 : f32 to vector<16xf32>
      %select_n3A_594 = arith.select %eq3A_591, %broadcast_in_dim3A_593, %select_n3A_515 : vector<16xi1>, vector<16xf32>
      %eq3A_595 = arith.cmpf oeq, %select_n3A_519, %min3A_575 : vector<16xf32>
      %jit3A_596 = arith.constant 0x7F800000 : f32
      %broadcast_in_dim3A_597 = vector.broadcast %jit3A_596 : f32 to vector<16xf32>
      %select_n3A_598 = arith.select %eq3A_595, %broadcast_in_dim3A_597, %select_n3A_519 : vector<16xi1>, vector<16xf32>
      %eq3A_599 = arith.cmpf oeq, %select_n3A_523, %min3A_575 : vector<16xf32>
      %jit3A_600 = arith.constant 0x7F800000 : f32
      %broadcast_in_dim3A_601 = vector.broadcast %jit3A_600 : f32 to vector<16xf32>
      %select_n3A_602 = arith.select %eq3A_599, %broadcast_in_dim3A_601, %select_n3A_523 : vector<16xi1>, vector<16xf32>
      %eq3A_603 = arith.cmpf oeq, %select_n3A_527, %min3A_575 : vector<16xf32>
      %jit3A_604 = arith.constant 0x7F800000 : f32
      %broadcast_in_dim3A_605 = vector.broadcast %jit3A_604 : f32 to vector<16xf32>
      %select_n3A_606 = arith.select %eq3A_603, %broadcast_in_dim3A_605, %select_n3A_527 : vector<16xi1>, vector<16xf32>
      %eq3A_607 = arith.cmpf oeq, %select_n3A_531, %min3A_575 : vector<16xf32>
      %jit3A_608 = arith.constant 0x7F800000 : f32
      %broadcast_in_dim3A_609 = vector.broadcast %jit3A_608 : f32 to vector<16xf32>
      %select_n3A_610 = arith.select %eq3A_607, %broadcast_in_dim3A_609, %select_n3A_531 : vector<16xi1>, vector<16xf32>
      %eq3A_611 = arith.cmpf oeq, %select_n3A_535, %min3A_575 : vector<16xf32>
      %jit3A_612 = arith.constant 0x7F800000 : f32
      %broadcast_in_dim3A_613 = vector.broadcast %jit3A_612 : f32 to vector<16xf32>
      %select_n3A_614 = arith.select %eq3A_611, %broadcast_in_dim3A_613, %select_n3A_535 : vector<16xi1>, vector<16xf32>
      %eq3A_615 = arith.cmpf oeq, %select_n3A_539, %min3A_575 : vector<16xf32>
      %jit3A_616 = arith.constant 0x7F800000 : f32
      %broadcast_in_dim3A_617 = vector.broadcast %jit3A_616 : f32 to vector<16xf32>
      %select_n3A_618 = arith.select %eq3A_615, %broadcast_in_dim3A_617, %select_n3A_539 : vector<16xi1>, vector<16xf32>
      %min3A_619 = arith.minimumf %select_n3A_586, %select_n3A_590 : vector<16xf32>
      %min3A_620 = arith.minimumf %min3A_619, %select_n3A_594 : vector<16xf32>
      %min3A_621 = arith.minimumf %min3A_620, %select_n3A_598 : vector<16xf32>
      %min3A_622 = arith.minimumf %min3A_621, %select_n3A_602 : vector<16xf32>
      %min3A_623 = arith.minimumf %min3A_622, %select_n3A_606 : vector<16xf32>
      %min3A_624 = arith.minimumf %min3A_623, %select_n3A_610 : vector<16xf32>
      %min3A_625 = arith.minimumf %min3A_624, %select_n3A_614 : vector<16xf32>
      %min3A_626 = arith.minimumf %min3A_625, %select_n3A_618 : vector<16xf32>
      %xor3A_627 = arith.constant 8 : i32
      %xor3A_628 = vector.broadcast %xor3A_627 : i32 to vector<16xi32>
      %xor3A_629 = arith.xori %iota3A, %xor3A_628 : vector<16xi32>
      %reshape3A_630 = vector.shape_cast %xor3A_629 : vector<16xi32> to vector<16x1xi32>
      %gather3A_631 = vector.shape_cast %reshape3A_630 : vector<16x1xi32> to vector<16xi32>
      %gather3A_632 = tpu.dynamic_gather %min3A_626[%gather3A_631] in [0] : vector<16xf32>, vector<16xi32> -> vector<16xf32>
      %min3A_633 = arith.minimumf %min3A_626, %gather3A_632 : vector<16xf32>
      %xor3A_634 = arith.constant 4 : i32
      %xor3A_635 = vector.broadcast %xor3A_634 : i32 to vector<16xi32>
      %xor3A_636 = arith.xori %iota3A, %xor3A_635 : vector<16xi32>
      %reshape3A_637 = vector.shape_cast %xor3A_636 : vector<16xi32> to vector<16x1xi32>
      %gather3A_638 = vector.shape_cast %reshape3A_637 : vector<16x1xi32> to vector<16xi32>
      %gather3A_639 = tpu.dynamic_gather %min3A_633[%gather3A_638] in [0] : vector<16xf32>, vector<16xi32> -> vector<16xf32>
      %min3A_640 = arith.minimumf %min3A_633, %gather3A_639 : vector<16xf32>
      %xor3A_641 = arith.constant 2 : i32
      %xor3A_642 = vector.broadcast %xor3A_641 : i32 to vector<16xi32>
      %xor3A_643 = arith.xori %iota3A, %xor3A_642 : vector<16xi32>
      %reshape3A_644 = vector.shape_cast %xor3A_643 : vector<16xi32> to vector<16x1xi32>
      %gather3A_645 = vector.shape_cast %reshape3A_644 : vector<16x1xi32> to vector<16xi32>
      %gather3A_646 = tpu.dynamic_gather %min3A_640[%gather3A_645] in [0] : vector<16xf32>, vector<16xi32> -> vector<16xf32>
      %min3A_647 = arith.minimumf %min3A_640, %gather3A_646 : vector<16xf32>
      %xor3A_648 = arith.constant 1 : i32
      %xor3A_649 = vector.broadcast %xor3A_648 : i32 to vector<16xi32>
      %xor3A_650 = arith.xori %iota3A, %xor3A_649 : vector<16xi32>
      %reshape3A_651 = vector.shape_cast %xor3A_650 : vector<16xi32> to vector<16x1xi32>
      %gather3A_652 = vector.shape_cast %reshape3A_651 : vector<16x1xi32> to vector<16xi32>
      %gather3A_653 = tpu.dynamic_gather %min3A_647[%gather3A_652] in [0] : vector<16xf32>, vector<16xi32> -> vector<16xf32>
      %min3A_654 = arith.minimumf %min3A_647, %gather3A_653 : vector<16xf32>
      %lt3A_655 = arith.constant 3.000000e+38 : f32
      %lt3A_656 = vector.broadcast %lt3A_655 : f32 to vector<16xf32>
      %lt3A_657 = arith.cmpf olt, %min3A_654, %lt3A_656 : vector<16xf32>
      %jit3A_658 = arith.constant 0.000000e+00 : f32
      %broadcast_in_dim3A_659 = vector.broadcast %jit3A_658 : f32 to vector<16xf32>
      %select_n3A_660 = arith.select %lt3A_657, %min3A_654, %broadcast_in_dim3A_659 : vector<16xi1>, vector<16xf32>
      %add3A_661 = arith.addf %add3A_582, %select_n3A_660 : vector<16xf32>
      %eq3A_662 = arith.cmpf oeq, %select_n3A_586, %min3A_654 : vector<16xf32>
      %jit3A_663 = arith.constant 0x7F800000 : f32
      %broadcast_in_dim3A_664 = vector.broadcast %jit3A_663 : f32 to vector<16xf32>
      %select_n3A_665 = arith.select %eq3A_662, %broadcast_in_dim3A_664, %select_n3A_586 : vector<16xi1>, vector<16xf32>
      %eq3A_666 = arith.cmpf oeq, %select_n3A_590, %min3A_654 : vector<16xf32>
      %jit3A_667 = arith.constant 0x7F800000 : f32
      %broadcast_in_dim3A_668 = vector.broadcast %jit3A_667 : f32 to vector<16xf32>
      %select_n3A_669 = arith.select %eq3A_666, %broadcast_in_dim3A_668, %select_n3A_590 : vector<16xi1>, vector<16xf32>
      %eq3A_670 = arith.cmpf oeq, %select_n3A_594, %min3A_654 : vector<16xf32>
      %jit3A_671 = arith.constant 0x7F800000 : f32
      %broadcast_in_dim3A_672 = vector.broadcast %jit3A_671 : f32 to vector<16xf32>
      %select_n3A_673 = arith.select %eq3A_670, %broadcast_in_dim3A_672, %select_n3A_594 : vector<16xi1>, vector<16xf32>
      %eq3A_674 = arith.cmpf oeq, %select_n3A_598, %min3A_654 : vector<16xf32>
      %jit3A_675 = arith.constant 0x7F800000 : f32
      %broadcast_in_dim3A_676 = vector.broadcast %jit3A_675 : f32 to vector<16xf32>
      %select_n3A_677 = arith.select %eq3A_674, %broadcast_in_dim3A_676, %select_n3A_598 : vector<16xi1>, vector<16xf32>
      %eq3A_678 = arith.cmpf oeq, %select_n3A_602, %min3A_654 : vector<16xf32>
      %jit3A_679 = arith.constant 0x7F800000 : f32
      %broadcast_in_dim3A_680 = vector.broadcast %jit3A_679 : f32 to vector<16xf32>
      %select_n3A_681 = arith.select %eq3A_678, %broadcast_in_dim3A_680, %select_n3A_602 : vector<16xi1>, vector<16xf32>
      %eq3A_682 = arith.cmpf oeq, %select_n3A_606, %min3A_654 : vector<16xf32>
      %jit3A_683 = arith.constant 0x7F800000 : f32
      %broadcast_in_dim3A_684 = vector.broadcast %jit3A_683 : f32 to vector<16xf32>
      %select_n3A_685 = arith.select %eq3A_682, %broadcast_in_dim3A_684, %select_n3A_606 : vector<16xi1>, vector<16xf32>
      %eq3A_686 = arith.cmpf oeq, %select_n3A_610, %min3A_654 : vector<16xf32>
      %jit3A_687 = arith.constant 0x7F800000 : f32
      %broadcast_in_dim3A_688 = vector.broadcast %jit3A_687 : f32 to vector<16xf32>
      %select_n3A_689 = arith.select %eq3A_686, %broadcast_in_dim3A_688, %select_n3A_610 : vector<16xi1>, vector<16xf32>
      %eq3A_690 = arith.cmpf oeq, %select_n3A_614, %min3A_654 : vector<16xf32>
      %jit3A_691 = arith.constant 0x7F800000 : f32
      %broadcast_in_dim3A_692 = vector.broadcast %jit3A_691 : f32 to vector<16xf32>
      %select_n3A_693 = arith.select %eq3A_690, %broadcast_in_dim3A_692, %select_n3A_614 : vector<16xi1>, vector<16xf32>
      %eq3A_694 = arith.cmpf oeq, %select_n3A_618, %min3A_654 : vector<16xf32>
      %jit3A_695 = arith.constant 0x7F800000 : f32
      %broadcast_in_dim3A_696 = vector.broadcast %jit3A_695 : f32 to vector<16xf32>
      %select_n3A_697 = arith.select %eq3A_694, %broadcast_in_dim3A_696, %select_n3A_618 : vector<16xi1>, vector<16xf32>
      %min3A_698 = arith.minimumf %select_n3A_665, %select_n3A_669 : vector<16xf32>
      %min3A_699 = arith.minimumf %min3A_698, %select_n3A_673 : vector<16xf32>
      %min3A_700 = arith.minimumf %min3A_699, %select_n3A_677 : vector<16xf32>
      %min3A_701 = arith.minimumf %min3A_700, %select_n3A_681 : vector<16xf32>
      %min3A_702 = arith.minimumf %min3A_701, %select_n3A_685 : vector<16xf32>
      %min3A_703 = arith.minimumf %min3A_702, %select_n3A_689 : vector<16xf32>
      %min3A_704 = arith.minimumf %min3A_703, %select_n3A_693 : vector<16xf32>
      %min3A_705 = arith.minimumf %min3A_704, %select_n3A_697 : vector<16xf32>
      %xor3A_706 = arith.constant 8 : i32
      %xor3A_707 = vector.broadcast %xor3A_706 : i32 to vector<16xi32>
      %xor3A_708 = arith.xori %iota3A, %xor3A_707 : vector<16xi32>
      %reshape3A_709 = vector.shape_cast %xor3A_708 : vector<16xi32> to vector<16x1xi32>
      %gather3A_710 = vector.shape_cast %reshape3A_709 : vector<16x1xi32> to vector<16xi32>
      %gather3A_711 = tpu.dynamic_gather %min3A_705[%gather3A_710] in [0] : vector<16xf32>, vector<16xi32> -> vector<16xf32>
      %min3A_712 = arith.minimumf %min3A_705, %gather3A_711 : vector<16xf32>
      %xor3A_713 = arith.constant 4 : i32
      %xor3A_714 = vector.broadcast %xor3A_713 : i32 to vector<16xi32>
      %xor3A_715 = arith.xori %iota3A, %xor3A_714 : vector<16xi32>
      %reshape3A_716 = vector.shape_cast %xor3A_715 : vector<16xi32> to vector<16x1xi32>
      %gather3A_717 = vector.shape_cast %reshape3A_716 : vector<16x1xi32> to vector<16xi32>
      %gather3A_718 = tpu.dynamic_gather %min3A_712[%gather3A_717] in [0] : vector<16xf32>, vector<16xi32> -> vector<16xf32>
      %min3A_719 = arith.minimumf %min3A_712, %gather3A_718 : vector<16xf32>
      %xor3A_720 = arith.constant 2 : i32
      %xor3A_721 = vector.broadcast %xor3A_720 : i32 to vector<16xi32>
      %xor3A_722 = arith.xori %iota3A, %xor3A_721 : vector<16xi32>
      %reshape3A_723 = vector.shape_cast %xor3A_722 : vector<16xi32> to vector<16x1xi32>
      %gather3A_724 = vector.shape_cast %reshape3A_723 : vector<16x1xi32> to vector<16xi32>
      %gather3A_725 = tpu.dynamic_gather %min3A_719[%gather3A_724] in [0] : vector<16xf32>, vector<16xi32> -> vector<16xf32>
      %min3A_726 = arith.minimumf %min3A_719, %gather3A_725 : vector<16xf32>
      %xor3A_727 = arith.constant 1 : i32
      %xor3A_728 = vector.broadcast %xor3A_727 : i32 to vector<16xi32>
      %xor3A_729 = arith.xori %iota3A, %xor3A_728 : vector<16xi32>
      %reshape3A_730 = vector.shape_cast %xor3A_729 : vector<16xi32> to vector<16x1xi32>
      %gather3A_731 = vector.shape_cast %reshape3A_730 : vector<16x1xi32> to vector<16xi32>
      %gather3A_732 = tpu.dynamic_gather %min3A_726[%gather3A_731] in [0] : vector<16xf32>, vector<16xi32> -> vector<16xf32>
      %min3A_733 = arith.minimumf %min3A_726, %gather3A_732 : vector<16xf32>
      %lt3A_734 = arith.constant 3.000000e+38 : f32
      %lt3A_735 = vector.broadcast %lt3A_734 : f32 to vector<16xf32>
      %lt3A_736 = arith.cmpf olt, %min3A_733, %lt3A_735 : vector<16xf32>
      %jit3A_737 = arith.constant 0.000000e+00 : f32
      %broadcast_in_dim3A_738 = vector.broadcast %jit3A_737 : f32 to vector<16xf32>
      %select_n3A_739 = arith.select %lt3A_736, %min3A_733, %broadcast_in_dim3A_738 : vector<16xi1>, vector<16xf32>
      %add3A_740 = arith.addf %add3A_661, %select_n3A_739 : vector<16xf32>
      %add3A_741 = arith.addf %scan3A_29, %add3A_740 : vector<16xf32>
      scf.yield %add3A_741 : vector<16xf32>
    }
    %scan3A_6 = arith.constant 16 : i32
    "tpu.region"() ({
      %run_scoped3A = tpu.sem_alloc : memref<!tpu.dma_semaphore, #tpu.memory_space<semaphore_mem>>
      %dma_start3A = arith.constant 4096 : i32
      %dma_start3A_28 = tpu.memref_slice %arg2[%dma_start3A] : memref<16384xf32, #tpu.memory_space<hbm>> -> memref<4096xf32, #tpu.memory_space<hbm>>
      %dma_start3A_29 = arith.constant 4096 : i32
      %dma_start3A_30 = tpu.memref_slice %arg2[%dma_start3A_29] : memref<16384xf32, #tpu.memory_space<hbm>> -> memref<4096xf32, #tpu.memory_space<hbm>>
      tpu.enqueue_dma source(%dma_start3A_30 : memref<4096xf32, #tpu.memory_space<hbm>>) target(%arg6 : memref<4096xf32, #tpu.memory_space<vmem>>) target_semaphore(%run_scoped3A : memref<!tpu.dma_semaphore, #tpu.memory_space<semaphore_mem>>)
      %dma_wait3A = arith.constant 4096 : i32
      %dma_wait3A_31 = tpu.memref_slice %arg2[%dma_wait3A] : memref<16384xf32, #tpu.memory_space<hbm>> -> memref<4096xf32, #tpu.memory_space<hbm>>
      %dma_wait3A_32 = arith.constant 4096 : i32
      %dma_wait3A_33 = tpu.memref_slice %arg2[%dma_wait3A_32] : memref<16384xf32, #tpu.memory_space<hbm>> -> memref<4096xf32, #tpu.memory_space<hbm>>
      tpu.wait_dma2 semaphore(%run_scoped3A : memref<!tpu.dma_semaphore, #tpu.memory_space<semaphore_mem>>) src(%dma_wait3A_33 : memref<4096xf32, #tpu.memory_space<hbm>>) dst(%arg6 : memref<4096xf32, #tpu.memory_space<vmem>>)
      tpu.yield
    }) : () -> ()
    "tpu.region"() ({
      %run_scoped3A = tpu.sem_alloc : memref<!tpu.dma_semaphore, #tpu.memory_space<semaphore_mem>>
      %dma_start3A = arith.constant 4096 : i32
      %dma_start3A_28 = tpu.memref_slice %arg3[%dma_start3A] : memref<16384xf32, #tpu.memory_space<hbm>> -> memref<4096xf32, #tpu.memory_space<hbm>>
      %dma_start3A_29 = arith.constant 4096 : i32
      %dma_start3A_30 = tpu.memref_slice %arg3[%dma_start3A_29] : memref<16384xf32, #tpu.memory_space<hbm>> -> memref<4096xf32, #tpu.memory_space<hbm>>
      tpu.enqueue_dma source(%dma_start3A_30 : memref<4096xf32, #tpu.memory_space<hbm>>) target(%arg7 : memref<4096xf32, #tpu.memory_space<vmem>>) target_semaphore(%run_scoped3A : memref<!tpu.dma_semaphore, #tpu.memory_space<semaphore_mem>>)
      %dma_wait3A = arith.constant 4096 : i32
      %dma_wait3A_31 = tpu.memref_slice %arg3[%dma_wait3A] : memref<16384xf32, #tpu.memory_space<hbm>> -> memref<4096xf32, #tpu.memory_space<hbm>>
      %dma_wait3A_32 = arith.constant 4096 : i32
      %dma_wait3A_33 = tpu.memref_slice %arg3[%dma_wait3A_32] : memref<16384xf32, #tpu.memory_space<hbm>> -> memref<4096xf32, #tpu.memory_space<hbm>>
      tpu.wait_dma2 semaphore(%run_scoped3A : memref<!tpu.dma_semaphore, #tpu.memory_space<semaphore_mem>>) src(%dma_wait3A_33 : memref<4096xf32, #tpu.memory_space<hbm>>) dst(%arg7 : memref<4096xf32, #tpu.memory_space<vmem>>)
      tpu.yield
    }) : () -> ()
    "tpu.region"() ({
      %run_scoped3A = tpu.sem_alloc : memref<!tpu.dma_semaphore, #tpu.memory_space<semaphore_mem>>
      %dma_start3A = arith.constant 4096 : i32
      %dma_start3A_28 = tpu.memref_slice %arg4[%dma_start3A] : memref<16384xf32, #tpu.memory_space<hbm>> -> memref<4096xf32, #tpu.memory_space<hbm>>
      %dma_start3A_29 = arith.constant 4096 : i32
      %dma_start3A_30 = tpu.memref_slice %arg4[%dma_start3A_29] : memref<16384xf32, #tpu.memory_space<hbm>> -> memref<4096xf32, #tpu.memory_space<hbm>>
      tpu.enqueue_dma source(%dma_start3A_30 : memref<4096xf32, #tpu.memory_space<hbm>>) target(%arg8 : memref<4096xf32, #tpu.memory_space<vmem>>) target_semaphore(%run_scoped3A : memref<!tpu.dma_semaphore, #tpu.memory_space<semaphore_mem>>)
      %dma_wait3A = arith.constant 4096 : i32
      %dma_wait3A_31 = tpu.memref_slice %arg4[%dma_wait3A] : memref<16384xf32, #tpu.memory_space<hbm>> -> memref<4096xf32, #tpu.memory_space<hbm>>
      %dma_wait3A_32 = arith.constant 4096 : i32
      %dma_wait3A_33 = tpu.memref_slice %arg4[%dma_wait3A_32] : memref<16384xf32, #tpu.memory_space<hbm>> -> memref<4096xf32, #tpu.memory_space<hbm>>
      tpu.wait_dma2 semaphore(%run_scoped3A : memref<!tpu.dma_semaphore, #tpu.memory_space<semaphore_mem>>) src(%dma_wait3A_33 : memref<4096xf32, #tpu.memory_space<hbm>>) dst(%arg8 : memref<4096xf32, #tpu.memory_space<vmem>>)
      tpu.yield
    }) : () -> ()
    %scan3A_7 = arith.constant 0 : i32
    %scan3A_8 = arith.constant 16 : i32
    %scan3A_9 = arith.addi %scan3A_7, %scan3A_8 : i32
    %scan3A_10 = arith.constant 1 : i32
    %scan3A_11 = scf.for %scan3A_28 = %scan3A_7 to %scan3A_9 step %scan3A_10 iter_args(%scan3A_29 = %scan3A_5) -> (vector<16xf32>)  : i32 {
      %mul3A_30 = arith.constant 16 : i32
      %mul3A_31 = arith.muli %add3A, %mul3A_30 : i32
      %add3A_32 = arith.constant 3584 : i32
      %add3A_33 = arith.addi %add3A_32, %mul3A_31 : i32
      %add3A_34 = arith.addi %add3A_33, %scan3A_28 : i32
      %jit3A = arith.constant 16 : i32
      %div3A = arith.divsi %add3A_34, %jit3A : i32
      %sign3A = arith.constant 0 : i32
      %sign3A_35 = arith.cmpi sgt, %add3A_34, %sign3A : i32
      %sign3A_36 = arith.extui %sign3A_35 : i1 to i32
      %sign3A_37 = arith.constant 0 : i32
      %sign3A_38 = arith.cmpi slt, %add3A_34, %sign3A_37 : i32
      %sign3A_39 = arith.extui %sign3A_38 : i1 to i32
      %sign3A_40 = arith.subi %sign3A_36, %sign3A_39 : i32
      %sign3A_41 = arith.constant 0 : i32
      %sign3A_42 = arith.cmpi sgt, %jit3A, %sign3A_41 : i32
      %sign3A_43 = arith.extui %sign3A_42 : i1 to i32
      %sign3A_44 = arith.constant 0 : i32
      %sign3A_45 = arith.cmpi slt, %jit3A, %sign3A_44 : i32
      %sign3A_46 = arith.extui %sign3A_45 : i1 to i32
      %sign3A_47 = arith.subi %sign3A_43, %sign3A_46 : i32
      %ne3A = arith.cmpi ne, %sign3A_40, %sign3A_47 : i32
      %rem3A = arith.remsi %add3A_34, %jit3A : i32
      %ne3A_48 = arith.constant 0 : i32
      %ne3A_49 = arith.cmpi ne, %rem3A, %ne3A_48 : i32
      %and3A = arith.andi %ne3A, %ne3A_49 : i1
      %sub3A = arith.constant 1 : i32
      %sub3A_50 = arith.subi %div3A, %sub3A : i32
      %select_n3A = arith.select %and3A, %sub3A_50, %div3A : i32
      %mul3A_51 = arith.constant 16 : i32
      %mul3A_52 = arith.muli %select_n3A, %mul3A_51 : i32
      %sub3A_53 = arith.subi %add3A_34, %mul3A_52 : i32
      %broadcast_in_dim3A_54 = vector.broadcast %sub3A_53 : i32 to vector<16x1xi32>
      %get3A = arith.index_cast %mul3A_52 : i32 to index
      %get3A_55 = tpu.vector_load %arg6[%get3A] {strides = array<i32>} : memref<4096xf32, #tpu.memory_space<vmem>>, vector<16xf32>,
      %get3A_56 = vector.shape_cast %get3A_55 : vector<16xf32> to vector<16xf32>
      %gather3A = vector.shape_cast %broadcast_in_dim3A_54 : vector<16x1xi32> to vector<16xi32>
      %gather3A_57 = tpu.dynamic_gather %get3A_56[%gather3A] in [0] : vector<16xf32>, vector<16xi32> -> vector<16xf32>
      %get3A_58 = arith.index_cast %mul3A_52 : i32 to index
      %get3A_59 = tpu.vector_load %arg7[%get3A_58] {strides = array<i32>} : memref<4096xf32, #tpu.memory_space<vmem>>, vector<16xf32>,
      %get3A_60 = vector.shape_cast %get3A_59 : vector<16xf32> to vector<16xf32>
      %gather3A_61 = vector.shape_cast %broadcast_in_dim3A_54 : vector<16x1xi32> to vector<16xi32>
      %gather3A_62 = tpu.dynamic_gather %get3A_60[%gather3A_61] in [0] : vector<16xf32>, vector<16xi32> -> vector<16xf32>
      %get3A_63 = arith.index_cast %mul3A_52 : i32 to index
      %get3A_64 = tpu.vector_load %arg8[%get3A_63] {strides = array<i32>} : memref<4096xf32, #tpu.memory_space<vmem>>, vector<16xf32>,
      %get3A_65 = vector.shape_cast %get3A_64 : vector<16xf32> to vector<16xf32>
      %gather3A_66 = vector.shape_cast %broadcast_in_dim3A_54 : vector<16x1xi32> to vector<16xi32>
      %gather3A_67 = tpu.dynamic_gather %get3A_65[%gather3A_66] in [0] : vector<16xf32>, vector<16xi32> -> vector<16xf32>
      %broadcast_in_dim3A_68 = arith.constant 0x7F800000 : f32
      %broadcast_in_dim3A_69 = vector.broadcast %broadcast_in_dim3A_68 : f32 to vector<16xf32>
      %scan3A_70 = arith.constant 0 : i32
      %scan3A_71 = arith.constant 256 : i32
      %scan3A_72 = arith.addi %scan3A_70, %scan3A_71 : i32
      %scan3A_73 = arith.constant 1 : i32
      %scan3A_74:9 = scf.for %scan3A_742 = %scan3A_70 to %scan3A_72 step %scan3A_73 iter_args(%scan3A_743 = %broadcast_in_dim3A_69, %scan3A_744 = %broadcast_in_dim3A_69, %scan3A_745 = %broadcast_in_dim3A_69, %scan3A_746 = %broadcast_in_dim3A_69, %scan3A_747 = %broadcast_in_dim3A_69, %scan3A_748 = %broadcast_in_dim3A_69, %scan3A_749 = %broadcast_in_dim3A_69, %scan3A_750 = %broadcast_in_dim3A_69, %scan3A_751 = %broadcast_in_dim3A_69) -> (vector<16xf32>, vector<16xf32>, vector<16xf32>, vector<16xf32>, vector<16xf32>, vector<16xf32>, vector<16xf32>, vector<16xf32>, vector<16xf32>)  : i32 {
        %mul3A_752 = arith.constant 16 : i32
        %mul3A_753 = arith.muli %scan3A_742, %mul3A_752 : i32
        %get3A_754 = arith.index_cast %mul3A_753 : i32 to index
        %get3A_755 = tpu.vector_load %arg6[%get3A_754] {strides = array<i32>} : memref<4096xf32, #tpu.memory_space<vmem>>, vector<16xf32>,
        %get3A_756 = vector.shape_cast %get3A_755 : vector<16xf32> to vector<16xf32>
        %sub3A_757 = arith.subf %get3A_756, %gather3A_57 : vector<16xf32>
        %get3A_758 = arith.index_cast %mul3A_753 : i32 to index
        %get3A_759 = tpu.vector_load %arg7[%get3A_758] {strides = array<i32>} : memref<4096xf32, #tpu.memory_space<vmem>>, vector<16xf32>,
        %get3A_760 = vector.shape_cast %get3A_759 : vector<16xf32> to vector<16xf32>
        %sub3A_761 = arith.subf %get3A_760, %gather3A_62 : vector<16xf32>
        %get3A_762 = arith.index_cast %mul3A_753 : i32 to index
        %get3A_763 = tpu.vector_load %arg8[%get3A_762] {strides = array<i32>} : memref<4096xf32, #tpu.memory_space<vmem>>, vector<16xf32>,
        %get3A_764 = vector.shape_cast %get3A_763 : vector<16xf32> to vector<16xf32>
        %sub3A_765 = arith.subf %get3A_764, %gather3A_67 : vector<16xf32>
        %mul3A_766 = arith.mulf %sub3A_757, %sub3A_757 : vector<16xf32>
        %mul3A_767 = arith.mulf %sub3A_761, %sub3A_761 : vector<16xf32>
        %add3A_768 = arith.addf %mul3A_766, %mul3A_767 : vector<16xf32>
        %mul3A_769 = arith.mulf %sub3A_765, %sub3A_765 : vector<16xf32>
        %add3A_770 = arith.addf %add3A_768, %mul3A_769 : vector<16xf32>
        %min3A_771 = arith.minimumf %scan3A_743, %add3A_770 : vector<16xf32>
        %max3A = arith.maximumf %scan3A_743, %add3A_770 : vector<16xf32>
        %min3A_772 = arith.minimumf %scan3A_744, %max3A : vector<16xf32>
        %max3A_773 = arith.maximumf %scan3A_744, %max3A : vector<16xf32>
        %min3A_774 = arith.minimumf %scan3A_745, %max3A_773 : vector<16xf32>
        %max3A_775 = arith.maximumf %scan3A_745, %max3A_773 : vector<16xf32>
        %min3A_776 = arith.minimumf %scan3A_746, %max3A_775 : vector<16xf32>
        %max3A_777 = arith.maximumf %scan3A_746, %max3A_775 : vector<16xf32>
        %min3A_778 = arith.minimumf %scan3A_747, %max3A_777 : vector<16xf32>
        %max3A_779 = arith.maximumf %scan3A_747, %max3A_777 : vector<16xf32>
        %min3A_780 = arith.minimumf %scan3A_748, %max3A_779 : vector<16xf32>
        %max3A_781 = arith.maximumf %scan3A_748, %max3A_779 : vector<16xf32>
        %min3A_782 = arith.minimumf %scan3A_749, %max3A_781 : vector<16xf32>
        %max3A_783 = arith.maximumf %scan3A_749, %max3A_781 : vector<16xf32>
        %min3A_784 = arith.minimumf %scan3A_750, %max3A_783 : vector<16xf32>
        %max3A_785 = arith.maximumf %scan3A_750, %max3A_783 : vector<16xf32>
        %min3A_786 = arith.minimumf %scan3A_751, %max3A_785 : vector<16xf32>
        %max3A_787 = arith.maximumf %scan3A_751, %max3A_785 : vector<16xf32>
        scf.yield %min3A_771, %min3A_772, %min3A_774, %min3A_776, %min3A_778, %min3A_780, %min3A_782, %min3A_784, %min3A_786 : vector<16xf32>, vector<16xf32>, vector<16xf32>, vector<16xf32>, vector<16xf32>, vector<16xf32>, vector<16xf32>, vector<16xf32>, vector<16xf32>
      }
      %scan3A_75 = arith.constant 256 : i32
      %iota3A = tpu.iota {dimensions = array<i32: 0>} : vector<16xi32>
      %broadcast_in_dim3A_76 = arith.constant 0.000000e+00 : f32
      %broadcast_in_dim3A_77 = vector.broadcast %broadcast_in_dim3A_76 : f32 to vector<16xf32>
      %min3A = arith.minimumf %scan3A_74#0, %scan3A_74#1 : vector<16xf32>
      %min3A_78 = arith.minimumf %min3A, %scan3A_74#2 : vector<16xf32>
      %min3A_79 = arith.minimumf %min3A_78, %scan3A_74#3 : vector<16xf32>
      %min3A_80 = arith.minimumf %min3A_79, %scan3A_74#4 : vector<16xf32>
      %min3A_81 = arith.minimumf %min3A_80, %scan3A_74#5 : vector<16xf32>
      %min3A_82 = arith.minimumf %min3A_81, %scan3A_74#6 : vector<16xf32>
      %min3A_83 = arith.minimumf %min3A_82, %scan3A_74#7 : vector<16xf32>
      %min3A_84 = arith.minimumf %min3A_83, %scan3A_74#8 : vector<16xf32>
      %xor3A = arith.constant 8 : i32
      %xor3A_85 = vector.broadcast %xor3A : i32 to vector<16xi32>
      %xor3A_86 = arith.xori %iota3A, %xor3A_85 : vector<16xi32>
      %reshape3A = vector.shape_cast %xor3A_86 : vector<16xi32> to vector<16x1xi32>
      %gather3A_87 = vector.shape_cast %reshape3A : vector<16x1xi32> to vector<16xi32>
      %gather3A_88 = tpu.dynamic_gather %min3A_84[%gather3A_87] in [0] : vector<16xf32>, vector<16xi32> -> vector<16xf32>
      %min3A_89 = arith.minimumf %min3A_84, %gather3A_88 : vector<16xf32>
      %xor3A_90 = arith.constant 4 : i32
      %xor3A_91 = vector.broadcast %xor3A_90 : i32 to vector<16xi32>
      %xor3A_92 = arith.xori %iota3A, %xor3A_91 : vector<16xi32>
      %reshape3A_93 = vector.shape_cast %xor3A_92 : vector<16xi32> to vector<16x1xi32>
      %gather3A_94 = vector.shape_cast %reshape3A_93 : vector<16x1xi32> to vector<16xi32>
      %gather3A_95 = tpu.dynamic_gather %min3A_89[%gather3A_94] in [0] : vector<16xf32>, vector<16xi32> -> vector<16xf32>
      %min3A_96 = arith.minimumf %min3A_89, %gather3A_95 : vector<16xf32>
      %xor3A_97 = arith.constant 2 : i32
      %xor3A_98 = vector.broadcast %xor3A_97 : i32 to vector<16xi32>
      %xor3A_99 = arith.xori %iota3A, %xor3A_98 : vector<16xi32>
      %reshape3A_100 = vector.shape_cast %xor3A_99 : vector<16xi32> to vector<16x1xi32>
      %gather3A_101 = vector.shape_cast %reshape3A_100 : vector<16x1xi32> to vector<16xi32>
      %gather3A_102 = tpu.dynamic_gather %min3A_96[%gather3A_101] in [0] : vector<16xf32>, vector<16xi32> -> vector<16xf32>
      %min3A_103 = arith.minimumf %min3A_96, %gather3A_102 : vector<16xf32>
      %xor3A_104 = arith.constant 1 : i32
      %xor3A_105 = vector.broadcast %xor3A_104 : i32 to vector<16xi32>
      %xor3A_106 = arith.xori %iota3A, %xor3A_105 : vector<16xi32>
      %reshape3A_107 = vector.shape_cast %xor3A_106 : vector<16xi32> to vector<16x1xi32>
      %gather3A_108 = vector.shape_cast %reshape3A_107 : vector<16x1xi32> to vector<16xi32>
      %gather3A_109 = tpu.dynamic_gather %min3A_103[%gather3A_108] in [0] : vector<16xf32>, vector<16xi32> -> vector<16xf32>
      %min3A_110 = arith.minimumf %min3A_103, %gather3A_109 : vector<16xf32>
      %eq3A = arith.cmpf oeq, %scan3A_74#0, %min3A_110 : vector<16xf32>
      %jit3A_111 = arith.constant 0x7F800000 : f32
      %broadcast_in_dim3A_112 = vector.broadcast %jit3A_111 : f32 to vector<16xf32>
      %select_n3A_113 = arith.select %eq3A, %broadcast_in_dim3A_112, %scan3A_74#0 : vector<16xi1>, vector<16xf32>
      %eq3A_114 = arith.cmpf oeq, %scan3A_74#1, %min3A_110 : vector<16xf32>
      %jit3A_115 = arith.constant 0x7F800000 : f32
      %broadcast_in_dim3A_116 = vector.broadcast %jit3A_115 : f32 to vector<16xf32>
      %select_n3A_117 = arith.select %eq3A_114, %broadcast_in_dim3A_116, %scan3A_74#1 : vector<16xi1>, vector<16xf32>
      %eq3A_118 = arith.cmpf oeq, %scan3A_74#2, %min3A_110 : vector<16xf32>
      %jit3A_119 = arith.constant 0x7F800000 : f32
      %broadcast_in_dim3A_120 = vector.broadcast %jit3A_119 : f32 to vector<16xf32>
      %select_n3A_121 = arith.select %eq3A_118, %broadcast_in_dim3A_120, %scan3A_74#2 : vector<16xi1>, vector<16xf32>
      %eq3A_122 = arith.cmpf oeq, %scan3A_74#3, %min3A_110 : vector<16xf32>
      %jit3A_123 = arith.constant 0x7F800000 : f32
      %broadcast_in_dim3A_124 = vector.broadcast %jit3A_123 : f32 to vector<16xf32>
      %select_n3A_125 = arith.select %eq3A_122, %broadcast_in_dim3A_124, %scan3A_74#3 : vector<16xi1>, vector<16xf32>
      %eq3A_126 = arith.cmpf oeq, %scan3A_74#4, %min3A_110 : vector<16xf32>
      %jit3A_127 = arith.constant 0x7F800000 : f32
      %broadcast_in_dim3A_128 = vector.broadcast %jit3A_127 : f32 to vector<16xf32>
      %select_n3A_129 = arith.select %eq3A_126, %broadcast_in_dim3A_128, %scan3A_74#4 : vector<16xi1>, vector<16xf32>
      %eq3A_130 = arith.cmpf oeq, %scan3A_74#5, %min3A_110 : vector<16xf32>
      %jit3A_131 = arith.constant 0x7F800000 : f32
      %broadcast_in_dim3A_132 = vector.broadcast %jit3A_131 : f32 to vector<16xf32>
      %select_n3A_133 = arith.select %eq3A_130, %broadcast_in_dim3A_132, %scan3A_74#5 : vector<16xi1>, vector<16xf32>
      %eq3A_134 = arith.cmpf oeq, %scan3A_74#6, %min3A_110 : vector<16xf32>
      %jit3A_135 = arith.constant 0x7F800000 : f32
      %broadcast_in_dim3A_136 = vector.broadcast %jit3A_135 : f32 to vector<16xf32>
      %select_n3A_137 = arith.select %eq3A_134, %broadcast_in_dim3A_136, %scan3A_74#6 : vector<16xi1>, vector<16xf32>
      %eq3A_138 = arith.cmpf oeq, %scan3A_74#7, %min3A_110 : vector<16xf32>
      %jit3A_139 = arith.constant 0x7F800000 : f32
      %broadcast_in_dim3A_140 = vector.broadcast %jit3A_139 : f32 to vector<16xf32>
      %select_n3A_141 = arith.select %eq3A_138, %broadcast_in_dim3A_140, %scan3A_74#7 : vector<16xi1>, vector<16xf32>
      %eq3A_142 = arith.cmpf oeq, %scan3A_74#8, %min3A_110 : vector<16xf32>
      %jit3A_143 = arith.constant 0x7F800000 : f32
      %broadcast_in_dim3A_144 = vector.broadcast %jit3A_143 : f32 to vector<16xf32>
      %select_n3A_145 = arith.select %eq3A_142, %broadcast_in_dim3A_144, %scan3A_74#8 : vector<16xi1>, vector<16xf32>
      %min3A_146 = arith.minimumf %select_n3A_113, %select_n3A_117 : vector<16xf32>
      %min3A_147 = arith.minimumf %min3A_146, %select_n3A_121 : vector<16xf32>
      %min3A_148 = arith.minimumf %min3A_147, %select_n3A_125 : vector<16xf32>
      %min3A_149 = arith.minimumf %min3A_148, %select_n3A_129 : vector<16xf32>
      %min3A_150 = arith.minimumf %min3A_149, %select_n3A_133 : vector<16xf32>
      %min3A_151 = arith.minimumf %min3A_150, %select_n3A_137 : vector<16xf32>
      %min3A_152 = arith.minimumf %min3A_151, %select_n3A_141 : vector<16xf32>
      %min3A_153 = arith.minimumf %min3A_152, %select_n3A_145 : vector<16xf32>
      %xor3A_154 = arith.constant 8 : i32
      %xor3A_155 = vector.broadcast %xor3A_154 : i32 to vector<16xi32>
      %xor3A_156 = arith.xori %iota3A, %xor3A_155 : vector<16xi32>
      %reshape3A_157 = vector.shape_cast %xor3A_156 : vector<16xi32> to vector<16x1xi32>
      %gather3A_158 = vector.shape_cast %reshape3A_157 : vector<16x1xi32> to vector<16xi32>
      %gather3A_159 = tpu.dynamic_gather %min3A_153[%gather3A_158] in [0] : vector<16xf32>, vector<16xi32> -> vector<16xf32>
      %min3A_160 = arith.minimumf %min3A_153, %gather3A_159 : vector<16xf32>
      %xor3A_161 = arith.constant 4 : i32
      %xor3A_162 = vector.broadcast %xor3A_161 : i32 to vector<16xi32>
      %xor3A_163 = arith.xori %iota3A, %xor3A_162 : vector<16xi32>
      %reshape3A_164 = vector.shape_cast %xor3A_163 : vector<16xi32> to vector<16x1xi32>
      %gather3A_165 = vector.shape_cast %reshape3A_164 : vector<16x1xi32> to vector<16xi32>
      %gather3A_166 = tpu.dynamic_gather %min3A_160[%gather3A_165] in [0] : vector<16xf32>, vector<16xi32> -> vector<16xf32>
      %min3A_167 = arith.minimumf %min3A_160, %gather3A_166 : vector<16xf32>
      %xor3A_168 = arith.constant 2 : i32
      %xor3A_169 = vector.broadcast %xor3A_168 : i32 to vector<16xi32>
      %xor3A_170 = arith.xori %iota3A, %xor3A_169 : vector<16xi32>
      %reshape3A_171 = vector.shape_cast %xor3A_170 : vector<16xi32> to vector<16x1xi32>
      %gather3A_172 = vector.shape_cast %reshape3A_171 : vector<16x1xi32> to vector<16xi32>
      %gather3A_173 = tpu.dynamic_gather %min3A_167[%gather3A_172] in [0] : vector<16xf32>, vector<16xi32> -> vector<16xf32>
      %min3A_174 = arith.minimumf %min3A_167, %gather3A_173 : vector<16xf32>
      %xor3A_175 = arith.constant 1 : i32
      %xor3A_176 = vector.broadcast %xor3A_175 : i32 to vector<16xi32>
      %xor3A_177 = arith.xori %iota3A, %xor3A_176 : vector<16xi32>
      %reshape3A_178 = vector.shape_cast %xor3A_177 : vector<16xi32> to vector<16x1xi32>
      %gather3A_179 = vector.shape_cast %reshape3A_178 : vector<16x1xi32> to vector<16xi32>
      %gather3A_180 = tpu.dynamic_gather %min3A_174[%gather3A_179] in [0] : vector<16xf32>, vector<16xi32> -> vector<16xf32>
      %min3A_181 = arith.minimumf %min3A_174, %gather3A_180 : vector<16xf32>
      %lt3A = arith.constant 3.000000e+38 : f32
      %lt3A_182 = vector.broadcast %lt3A : f32 to vector<16xf32>
      %lt3A_183 = arith.cmpf olt, %min3A_181, %lt3A_182 : vector<16xf32>
      %jit3A_184 = arith.constant 0.000000e+00 : f32
      %broadcast_in_dim3A_185 = vector.broadcast %jit3A_184 : f32 to vector<16xf32>
      %select_n3A_186 = arith.select %lt3A_183, %min3A_181, %broadcast_in_dim3A_185 : vector<16xi1>, vector<16xf32>
      %add3A_187 = arith.addf %broadcast_in_dim3A_77, %select_n3A_186 : vector<16xf32>
      %eq3A_188 = arith.cmpf oeq, %select_n3A_113, %min3A_181 : vector<16xf32>
      %jit3A_189 = arith.constant 0x7F800000 : f32
      %broadcast_in_dim3A_190 = vector.broadcast %jit3A_189 : f32 to vector<16xf32>
      %select_n3A_191 = arith.select %eq3A_188, %broadcast_in_dim3A_190, %select_n3A_113 : vector<16xi1>, vector<16xf32>
      %eq3A_192 = arith.cmpf oeq, %select_n3A_117, %min3A_181 : vector<16xf32>
      %jit3A_193 = arith.constant 0x7F800000 : f32
      %broadcast_in_dim3A_194 = vector.broadcast %jit3A_193 : f32 to vector<16xf32>
      %select_n3A_195 = arith.select %eq3A_192, %broadcast_in_dim3A_194, %select_n3A_117 : vector<16xi1>, vector<16xf32>
      %eq3A_196 = arith.cmpf oeq, %select_n3A_121, %min3A_181 : vector<16xf32>
      %jit3A_197 = arith.constant 0x7F800000 : f32
      %broadcast_in_dim3A_198 = vector.broadcast %jit3A_197 : f32 to vector<16xf32>
      %select_n3A_199 = arith.select %eq3A_196, %broadcast_in_dim3A_198, %select_n3A_121 : vector<16xi1>, vector<16xf32>
      %eq3A_200 = arith.cmpf oeq, %select_n3A_125, %min3A_181 : vector<16xf32>
      %jit3A_201 = arith.constant 0x7F800000 : f32
      %broadcast_in_dim3A_202 = vector.broadcast %jit3A_201 : f32 to vector<16xf32>
      %select_n3A_203 = arith.select %eq3A_200, %broadcast_in_dim3A_202, %select_n3A_125 : vector<16xi1>, vector<16xf32>
      %eq3A_204 = arith.cmpf oeq, %select_n3A_129, %min3A_181 : vector<16xf32>
      %jit3A_205 = arith.constant 0x7F800000 : f32
      %broadcast_in_dim3A_206 = vector.broadcast %jit3A_205 : f32 to vector<16xf32>
      %select_n3A_207 = arith.select %eq3A_204, %broadcast_in_dim3A_206, %select_n3A_129 : vector<16xi1>, vector<16xf32>
      %eq3A_208 = arith.cmpf oeq, %select_n3A_133, %min3A_181 : vector<16xf32>
      %jit3A_209 = arith.constant 0x7F800000 : f32
      %broadcast_in_dim3A_210 = vector.broadcast %jit3A_209 : f32 to vector<16xf32>
      %select_n3A_211 = arith.select %eq3A_208, %broadcast_in_dim3A_210, %select_n3A_133 : vector<16xi1>, vector<16xf32>
      %eq3A_212 = arith.cmpf oeq, %select_n3A_137, %min3A_181 : vector<16xf32>
      %jit3A_213 = arith.constant 0x7F800000 : f32
      %broadcast_in_dim3A_214 = vector.broadcast %jit3A_213 : f32 to vector<16xf32>
      %select_n3A_215 = arith.select %eq3A_212, %broadcast_in_dim3A_214, %select_n3A_137 : vector<16xi1>, vector<16xf32>
      %eq3A_216 = arith.cmpf oeq, %select_n3A_141, %min3A_181 : vector<16xf32>
      %jit3A_217 = arith.constant 0x7F800000 : f32
      %broadcast_in_dim3A_218 = vector.broadcast %jit3A_217 : f32 to vector<16xf32>
      %select_n3A_219 = arith.select %eq3A_216, %broadcast_in_dim3A_218, %select_n3A_141 : vector<16xi1>, vector<16xf32>
      %eq3A_220 = arith.cmpf oeq, %select_n3A_145, %min3A_181 : vector<16xf32>
      %jit3A_221 = arith.constant 0x7F800000 : f32
      %broadcast_in_dim3A_222 = vector.broadcast %jit3A_221 : f32 to vector<16xf32>
      %select_n3A_223 = arith.select %eq3A_220, %broadcast_in_dim3A_222, %select_n3A_145 : vector<16xi1>, vector<16xf32>
      %min3A_224 = arith.minimumf %select_n3A_191, %select_n3A_195 : vector<16xf32>
      %min3A_225 = arith.minimumf %min3A_224, %select_n3A_199 : vector<16xf32>
      %min3A_226 = arith.minimumf %min3A_225, %select_n3A_203 : vector<16xf32>
      %min3A_227 = arith.minimumf %min3A_226, %select_n3A_207 : vector<16xf32>
      %min3A_228 = arith.minimumf %min3A_227, %select_n3A_211 : vector<16xf32>
      %min3A_229 = arith.minimumf %min3A_228, %select_n3A_215 : vector<16xf32>
      %min3A_230 = arith.minimumf %min3A_229, %select_n3A_219 : vector<16xf32>
      %min3A_231 = arith.minimumf %min3A_230, %select_n3A_223 : vector<16xf32>
      %xor3A_232 = arith.constant 8 : i32
      %xor3A_233 = vector.broadcast %xor3A_232 : i32 to vector<16xi32>
      %xor3A_234 = arith.xori %iota3A, %xor3A_233 : vector<16xi32>
      %reshape3A_235 = vector.shape_cast %xor3A_234 : vector<16xi32> to vector<16x1xi32>
      %gather3A_236 = vector.shape_cast %reshape3A_235 : vector<16x1xi32> to vector<16xi32>
      %gather3A_237 = tpu.dynamic_gather %min3A_231[%gather3A_236] in [0] : vector<16xf32>, vector<16xi32> -> vector<16xf32>
      %min3A_238 = arith.minimumf %min3A_231, %gather3A_237 : vector<16xf32>
      %xor3A_239 = arith.constant 4 : i32
      %xor3A_240 = vector.broadcast %xor3A_239 : i32 to vector<16xi32>
      %xor3A_241 = arith.xori %iota3A, %xor3A_240 : vector<16xi32>
      %reshape3A_242 = vector.shape_cast %xor3A_241 : vector<16xi32> to vector<16x1xi32>
      %gather3A_243 = vector.shape_cast %reshape3A_242 : vector<16x1xi32> to vector<16xi32>
      %gather3A_244 = tpu.dynamic_gather %min3A_238[%gather3A_243] in [0] : vector<16xf32>, vector<16xi32> -> vector<16xf32>
      %min3A_245 = arith.minimumf %min3A_238, %gather3A_244 : vector<16xf32>
      %xor3A_246 = arith.constant 2 : i32
      %xor3A_247 = vector.broadcast %xor3A_246 : i32 to vector<16xi32>
      %xor3A_248 = arith.xori %iota3A, %xor3A_247 : vector<16xi32>
      %reshape3A_249 = vector.shape_cast %xor3A_248 : vector<16xi32> to vector<16x1xi32>
      %gather3A_250 = vector.shape_cast %reshape3A_249 : vector<16x1xi32> to vector<16xi32>
      %gather3A_251 = tpu.dynamic_gather %min3A_245[%gather3A_250] in [0] : vector<16xf32>, vector<16xi32> -> vector<16xf32>
      %min3A_252 = arith.minimumf %min3A_245, %gather3A_251 : vector<16xf32>
      %xor3A_253 = arith.constant 1 : i32
      %xor3A_254 = vector.broadcast %xor3A_253 : i32 to vector<16xi32>
      %xor3A_255 = arith.xori %iota3A, %xor3A_254 : vector<16xi32>
      %reshape3A_256 = vector.shape_cast %xor3A_255 : vector<16xi32> to vector<16x1xi32>
      %gather3A_257 = vector.shape_cast %reshape3A_256 : vector<16x1xi32> to vector<16xi32>
      %gather3A_258 = tpu.dynamic_gather %min3A_252[%gather3A_257] in [0] : vector<16xf32>, vector<16xi32> -> vector<16xf32>
      %min3A_259 = arith.minimumf %min3A_252, %gather3A_258 : vector<16xf32>
      %lt3A_260 = arith.constant 3.000000e+38 : f32
      %lt3A_261 = vector.broadcast %lt3A_260 : f32 to vector<16xf32>
      %lt3A_262 = arith.cmpf olt, %min3A_259, %lt3A_261 : vector<16xf32>
      %jit3A_263 = arith.constant 0.000000e+00 : f32
      %broadcast_in_dim3A_264 = vector.broadcast %jit3A_263 : f32 to vector<16xf32>
      %select_n3A_265 = arith.select %lt3A_262, %min3A_259, %broadcast_in_dim3A_264 : vector<16xi1>, vector<16xf32>
      %add3A_266 = arith.addf %add3A_187, %select_n3A_265 : vector<16xf32>
      %eq3A_267 = arith.cmpf oeq, %select_n3A_191, %min3A_259 : vector<16xf32>
      %jit3A_268 = arith.constant 0x7F800000 : f32
      %broadcast_in_dim3A_269 = vector.broadcast %jit3A_268 : f32 to vector<16xf32>
      %select_n3A_270 = arith.select %eq3A_267, %broadcast_in_dim3A_269, %select_n3A_191 : vector<16xi1>, vector<16xf32>
      %eq3A_271 = arith.cmpf oeq, %select_n3A_195, %min3A_259 : vector<16xf32>
      %jit3A_272 = arith.constant 0x7F800000 : f32
      %broadcast_in_dim3A_273 = vector.broadcast %jit3A_272 : f32 to vector<16xf32>
      %select_n3A_274 = arith.select %eq3A_271, %broadcast_in_dim3A_273, %select_n3A_195 : vector<16xi1>, vector<16xf32>
      %eq3A_275 = arith.cmpf oeq, %select_n3A_199, %min3A_259 : vector<16xf32>
      %jit3A_276 = arith.constant 0x7F800000 : f32
      %broadcast_in_dim3A_277 = vector.broadcast %jit3A_276 : f32 to vector<16xf32>
      %select_n3A_278 = arith.select %eq3A_275, %broadcast_in_dim3A_277, %select_n3A_199 : vector<16xi1>, vector<16xf32>
      %eq3A_279 = arith.cmpf oeq, %select_n3A_203, %min3A_259 : vector<16xf32>
      %jit3A_280 = arith.constant 0x7F800000 : f32
      %broadcast_in_dim3A_281 = vector.broadcast %jit3A_280 : f32 to vector<16xf32>
      %select_n3A_282 = arith.select %eq3A_279, %broadcast_in_dim3A_281, %select_n3A_203 : vector<16xi1>, vector<16xf32>
      %eq3A_283 = arith.cmpf oeq, %select_n3A_207, %min3A_259 : vector<16xf32>
      %jit3A_284 = arith.constant 0x7F800000 : f32
      %broadcast_in_dim3A_285 = vector.broadcast %jit3A_284 : f32 to vector<16xf32>
      %select_n3A_286 = arith.select %eq3A_283, %broadcast_in_dim3A_285, %select_n3A_207 : vector<16xi1>, vector<16xf32>
      %eq3A_287 = arith.cmpf oeq, %select_n3A_211, %min3A_259 : vector<16xf32>
      %jit3A_288 = arith.constant 0x7F800000 : f32
      %broadcast_in_dim3A_289 = vector.broadcast %jit3A_288 : f32 to vector<16xf32>
      %select_n3A_290 = arith.select %eq3A_287, %broadcast_in_dim3A_289, %select_n3A_211 : vector<16xi1>, vector<16xf32>
      %eq3A_291 = arith.cmpf oeq, %select_n3A_215, %min3A_259 : vector<16xf32>
      %jit3A_292 = arith.constant 0x7F800000 : f32
      %broadcast_in_dim3A_293 = vector.broadcast %jit3A_292 : f32 to vector<16xf32>
      %select_n3A_294 = arith.select %eq3A_291, %broadcast_in_dim3A_293, %select_n3A_215 : vector<16xi1>, vector<16xf32>
      %eq3A_295 = arith.cmpf oeq, %select_n3A_219, %min3A_259 : vector<16xf32>
      %jit3A_296 = arith.constant 0x7F800000 : f32
      %broadcast_in_dim3A_297 = vector.broadcast %jit3A_296 : f32 to vector<16xf32>
      %select_n3A_298 = arith.select %eq3A_295, %broadcast_in_dim3A_297, %select_n3A_219 : vector<16xi1>, vector<16xf32>
      %eq3A_299 = arith.cmpf oeq, %select_n3A_223, %min3A_259 : vector<16xf32>
      %jit3A_300 = arith.constant 0x7F800000 : f32
      %broadcast_in_dim3A_301 = vector.broadcast %jit3A_300 : f32 to vector<16xf32>
      %select_n3A_302 = arith.select %eq3A_299, %broadcast_in_dim3A_301, %select_n3A_223 : vector<16xi1>, vector<16xf32>
      %min3A_303 = arith.minimumf %select_n3A_270, %select_n3A_274 : vector<16xf32>
      %min3A_304 = arith.minimumf %min3A_303, %select_n3A_278 : vector<16xf32>
      %min3A_305 = arith.minimumf %min3A_304, %select_n3A_282 : vector<16xf32>
      %min3A_306 = arith.minimumf %min3A_305, %select_n3A_286 : vector<16xf32>
      %min3A_307 = arith.minimumf %min3A_306, %select_n3A_290 : vector<16xf32>
      %min3A_308 = arith.minimumf %min3A_307, %select_n3A_294 : vector<16xf32>
      %min3A_309 = arith.minimumf %min3A_308, %select_n3A_298 : vector<16xf32>
      %min3A_310 = arith.minimumf %min3A_309, %select_n3A_302 : vector<16xf32>
      %xor3A_311 = arith.constant 8 : i32
      %xor3A_312 = vector.broadcast %xor3A_311 : i32 to vector<16xi32>
      %xor3A_313 = arith.xori %iota3A, %xor3A_312 : vector<16xi32>
      %reshape3A_314 = vector.shape_cast %xor3A_313 : vector<16xi32> to vector<16x1xi32>
      %gather3A_315 = vector.shape_cast %reshape3A_314 : vector<16x1xi32> to vector<16xi32>
      %gather3A_316 = tpu.dynamic_gather %min3A_310[%gather3A_315] in [0] : vector<16xf32>, vector<16xi32> -> vector<16xf32>
      %min3A_317 = arith.minimumf %min3A_310, %gather3A_316 : vector<16xf32>
      %xor3A_318 = arith.constant 4 : i32
      %xor3A_319 = vector.broadcast %xor3A_318 : i32 to vector<16xi32>
      %xor3A_320 = arith.xori %iota3A, %xor3A_319 : vector<16xi32>
      %reshape3A_321 = vector.shape_cast %xor3A_320 : vector<16xi32> to vector<16x1xi32>
      %gather3A_322 = vector.shape_cast %reshape3A_321 : vector<16x1xi32> to vector<16xi32>
      %gather3A_323 = tpu.dynamic_gather %min3A_317[%gather3A_322] in [0] : vector<16xf32>, vector<16xi32> -> vector<16xf32>
      %min3A_324 = arith.minimumf %min3A_317, %gather3A_323 : vector<16xf32>
      %xor3A_325 = arith.constant 2 : i32
      %xor3A_326 = vector.broadcast %xor3A_325 : i32 to vector<16xi32>
      %xor3A_327 = arith.xori %iota3A, %xor3A_326 : vector<16xi32>
      %reshape3A_328 = vector.shape_cast %xor3A_327 : vector<16xi32> to vector<16x1xi32>
      %gather3A_329 = vector.shape_cast %reshape3A_328 : vector<16x1xi32> to vector<16xi32>
      %gather3A_330 = tpu.dynamic_gather %min3A_324[%gather3A_329] in [0] : vector<16xf32>, vector<16xi32> -> vector<16xf32>
      %min3A_331 = arith.minimumf %min3A_324, %gather3A_330 : vector<16xf32>
      %xor3A_332 = arith.constant 1 : i32
      %xor3A_333 = vector.broadcast %xor3A_332 : i32 to vector<16xi32>
      %xor3A_334 = arith.xori %iota3A, %xor3A_333 : vector<16xi32>
      %reshape3A_335 = vector.shape_cast %xor3A_334 : vector<16xi32> to vector<16x1xi32>
      %gather3A_336 = vector.shape_cast %reshape3A_335 : vector<16x1xi32> to vector<16xi32>
      %gather3A_337 = tpu.dynamic_gather %min3A_331[%gather3A_336] in [0] : vector<16xf32>, vector<16xi32> -> vector<16xf32>
      %min3A_338 = arith.minimumf %min3A_331, %gather3A_337 : vector<16xf32>
      %lt3A_339 = arith.constant 3.000000e+38 : f32
      %lt3A_340 = vector.broadcast %lt3A_339 : f32 to vector<16xf32>
      %lt3A_341 = arith.cmpf olt, %min3A_338, %lt3A_340 : vector<16xf32>
      %jit3A_342 = arith.constant 0.000000e+00 : f32
      %broadcast_in_dim3A_343 = vector.broadcast %jit3A_342 : f32 to vector<16xf32>
      %select_n3A_344 = arith.select %lt3A_341, %min3A_338, %broadcast_in_dim3A_343 : vector<16xi1>, vector<16xf32>
      %add3A_345 = arith.addf %add3A_266, %select_n3A_344 : vector<16xf32>
      %eq3A_346 = arith.cmpf oeq, %select_n3A_270, %min3A_338 : vector<16xf32>
      %jit3A_347 = arith.constant 0x7F800000 : f32
      %broadcast_in_dim3A_348 = vector.broadcast %jit3A_347 : f32 to vector<16xf32>
      %select_n3A_349 = arith.select %eq3A_346, %broadcast_in_dim3A_348, %select_n3A_270 : vector<16xi1>, vector<16xf32>
      %eq3A_350 = arith.cmpf oeq, %select_n3A_274, %min3A_338 : vector<16xf32>
      %jit3A_351 = arith.constant 0x7F800000 : f32
      %broadcast_in_dim3A_352 = vector.broadcast %jit3A_351 : f32 to vector<16xf32>
      %select_n3A_353 = arith.select %eq3A_350, %broadcast_in_dim3A_352, %select_n3A_274 : vector<16xi1>, vector<16xf32>
      %eq3A_354 = arith.cmpf oeq, %select_n3A_278, %min3A_338 : vector<16xf32>
      %jit3A_355 = arith.constant 0x7F800000 : f32
      %broadcast_in_dim3A_356 = vector.broadcast %jit3A_355 : f32 to vector<16xf32>
      %select_n3A_357 = arith.select %eq3A_354, %broadcast_in_dim3A_356, %select_n3A_278 : vector<16xi1>, vector<16xf32>
      %eq3A_358 = arith.cmpf oeq, %select_n3A_282, %min3A_338 : vector<16xf32>
      %jit3A_359 = arith.constant 0x7F800000 : f32
      %broadcast_in_dim3A_360 = vector.broadcast %jit3A_359 : f32 to vector<16xf32>
      %select_n3A_361 = arith.select %eq3A_358, %broadcast_in_dim3A_360, %select_n3A_282 : vector<16xi1>, vector<16xf32>
      %eq3A_362 = arith.cmpf oeq, %select_n3A_286, %min3A_338 : vector<16xf32>
      %jit3A_363 = arith.constant 0x7F800000 : f32
      %broadcast_in_dim3A_364 = vector.broadcast %jit3A_363 : f32 to vector<16xf32>
      %select_n3A_365 = arith.select %eq3A_362, %broadcast_in_dim3A_364, %select_n3A_286 : vector<16xi1>, vector<16xf32>
      %eq3A_366 = arith.cmpf oeq, %select_n3A_290, %min3A_338 : vector<16xf32>
      %jit3A_367 = arith.constant 0x7F800000 : f32
      %broadcast_in_dim3A_368 = vector.broadcast %jit3A_367 : f32 to vector<16xf32>
      %select_n3A_369 = arith.select %eq3A_366, %broadcast_in_dim3A_368, %select_n3A_290 : vector<16xi1>, vector<16xf32>
      %eq3A_370 = arith.cmpf oeq, %select_n3A_294, %min3A_338 : vector<16xf32>
      %jit3A_371 = arith.constant 0x7F800000 : f32
      %broadcast_in_dim3A_372 = vector.broadcast %jit3A_371 : f32 to vector<16xf32>
      %select_n3A_373 = arith.select %eq3A_370, %broadcast_in_dim3A_372, %select_n3A_294 : vector<16xi1>, vector<16xf32>
      %eq3A_374 = arith.cmpf oeq, %select_n3A_298, %min3A_338 : vector<16xf32>
      %jit3A_375 = arith.constant 0x7F800000 : f32
      %broadcast_in_dim3A_376 = vector.broadcast %jit3A_375 : f32 to vector<16xf32>
      %select_n3A_377 = arith.select %eq3A_374, %broadcast_in_dim3A_376, %select_n3A_298 : vector<16xi1>, vector<16xf32>
      %eq3A_378 = arith.cmpf oeq, %select_n3A_302, %min3A_338 : vector<16xf32>
      %jit3A_379 = arith.constant 0x7F800000 : f32
      %broadcast_in_dim3A_380 = vector.broadcast %jit3A_379 : f32 to vector<16xf32>
      %select_n3A_381 = arith.select %eq3A_378, %broadcast_in_dim3A_380, %select_n3A_302 : vector<16xi1>, vector<16xf32>
      %min3A_382 = arith.minimumf %select_n3A_349, %select_n3A_353 : vector<16xf32>
      %min3A_383 = arith.minimumf %min3A_382, %select_n3A_357 : vector<16xf32>
      %min3A_384 = arith.minimumf %min3A_383, %select_n3A_361 : vector<16xf32>
      %min3A_385 = arith.minimumf %min3A_384, %select_n3A_365 : vector<16xf32>
      %min3A_386 = arith.minimumf %min3A_385, %select_n3A_369 : vector<16xf32>
      %min3A_387 = arith.minimumf %min3A_386, %select_n3A_373 : vector<16xf32>
      %min3A_388 = arith.minimumf %min3A_387, %select_n3A_377 : vector<16xf32>
      %min3A_389 = arith.minimumf %min3A_388, %select_n3A_381 : vector<16xf32>
      %xor3A_390 = arith.constant 8 : i32
      %xor3A_391 = vector.broadcast %xor3A_390 : i32 to vector<16xi32>
      %xor3A_392 = arith.xori %iota3A, %xor3A_391 : vector<16xi32>
      %reshape3A_393 = vector.shape_cast %xor3A_392 : vector<16xi32> to vector<16x1xi32>
      %gather3A_394 = vector.shape_cast %reshape3A_393 : vector<16x1xi32> to vector<16xi32>
      %gather3A_395 = tpu.dynamic_gather %min3A_389[%gather3A_394] in [0] : vector<16xf32>, vector<16xi32> -> vector<16xf32>
      %min3A_396 = arith.minimumf %min3A_389, %gather3A_395 : vector<16xf32>
      %xor3A_397 = arith.constant 4 : i32
      %xor3A_398 = vector.broadcast %xor3A_397 : i32 to vector<16xi32>
      %xor3A_399 = arith.xori %iota3A, %xor3A_398 : vector<16xi32>
      %reshape3A_400 = vector.shape_cast %xor3A_399 : vector<16xi32> to vector<16x1xi32>
      %gather3A_401 = vector.shape_cast %reshape3A_400 : vector<16x1xi32> to vector<16xi32>
      %gather3A_402 = tpu.dynamic_gather %min3A_396[%gather3A_401] in [0] : vector<16xf32>, vector<16xi32> -> vector<16xf32>
      %min3A_403 = arith.minimumf %min3A_396, %gather3A_402 : vector<16xf32>
      %xor3A_404 = arith.constant 2 : i32
      %xor3A_405 = vector.broadcast %xor3A_404 : i32 to vector<16xi32>
      %xor3A_406 = arith.xori %iota3A, %xor3A_405 : vector<16xi32>
      %reshape3A_407 = vector.shape_cast %xor3A_406 : vector<16xi32> to vector<16x1xi32>
      %gather3A_408 = vector.shape_cast %reshape3A_407 : vector<16x1xi32> to vector<16xi32>
      %gather3A_409 = tpu.dynamic_gather %min3A_403[%gather3A_408] in [0] : vector<16xf32>, vector<16xi32> -> vector<16xf32>
      %min3A_410 = arith.minimumf %min3A_403, %gather3A_409 : vector<16xf32>
      %xor3A_411 = arith.constant 1 : i32
      %xor3A_412 = vector.broadcast %xor3A_411 : i32 to vector<16xi32>
      %xor3A_413 = arith.xori %iota3A, %xor3A_412 : vector<16xi32>
      %reshape3A_414 = vector.shape_cast %xor3A_413 : vector<16xi32> to vector<16x1xi32>
      %gather3A_415 = vector.shape_cast %reshape3A_414 : vector<16x1xi32> to vector<16xi32>
      %gather3A_416 = tpu.dynamic_gather %min3A_410[%gather3A_415] in [0] : vector<16xf32>, vector<16xi32> -> vector<16xf32>
      %min3A_417 = arith.minimumf %min3A_410, %gather3A_416 : vector<16xf32>
      %lt3A_418 = arith.constant 3.000000e+38 : f32
      %lt3A_419 = vector.broadcast %lt3A_418 : f32 to vector<16xf32>
      %lt3A_420 = arith.cmpf olt, %min3A_417, %lt3A_419 : vector<16xf32>
      %jit3A_421 = arith.constant 0.000000e+00 : f32
      %broadcast_in_dim3A_422 = vector.broadcast %jit3A_421 : f32 to vector<16xf32>
      %select_n3A_423 = arith.select %lt3A_420, %min3A_417, %broadcast_in_dim3A_422 : vector<16xi1>, vector<16xf32>
      %add3A_424 = arith.addf %add3A_345, %select_n3A_423 : vector<16xf32>
      %eq3A_425 = arith.cmpf oeq, %select_n3A_349, %min3A_417 : vector<16xf32>
      %jit3A_426 = arith.constant 0x7F800000 : f32
      %broadcast_in_dim3A_427 = vector.broadcast %jit3A_426 : f32 to vector<16xf32>
      %select_n3A_428 = arith.select %eq3A_425, %broadcast_in_dim3A_427, %select_n3A_349 : vector<16xi1>, vector<16xf32>
      %eq3A_429 = arith.cmpf oeq, %select_n3A_353, %min3A_417 : vector<16xf32>
      %jit3A_430 = arith.constant 0x7F800000 : f32
      %broadcast_in_dim3A_431 = vector.broadcast %jit3A_430 : f32 to vector<16xf32>
      %select_n3A_432 = arith.select %eq3A_429, %broadcast_in_dim3A_431, %select_n3A_353 : vector<16xi1>, vector<16xf32>
      %eq3A_433 = arith.cmpf oeq, %select_n3A_357, %min3A_417 : vector<16xf32>
      %jit3A_434 = arith.constant 0x7F800000 : f32
      %broadcast_in_dim3A_435 = vector.broadcast %jit3A_434 : f32 to vector<16xf32>
      %select_n3A_436 = arith.select %eq3A_433, %broadcast_in_dim3A_435, %select_n3A_357 : vector<16xi1>, vector<16xf32>
      %eq3A_437 = arith.cmpf oeq, %select_n3A_361, %min3A_417 : vector<16xf32>
      %jit3A_438 = arith.constant 0x7F800000 : f32
      %broadcast_in_dim3A_439 = vector.broadcast %jit3A_438 : f32 to vector<16xf32>
      %select_n3A_440 = arith.select %eq3A_437, %broadcast_in_dim3A_439, %select_n3A_361 : vector<16xi1>, vector<16xf32>
      %eq3A_441 = arith.cmpf oeq, %select_n3A_365, %min3A_417 : vector<16xf32>
      %jit3A_442 = arith.constant 0x7F800000 : f32
      %broadcast_in_dim3A_443 = vector.broadcast %jit3A_442 : f32 to vector<16xf32>
      %select_n3A_444 = arith.select %eq3A_441, %broadcast_in_dim3A_443, %select_n3A_365 : vector<16xi1>, vector<16xf32>
      %eq3A_445 = arith.cmpf oeq, %select_n3A_369, %min3A_417 : vector<16xf32>
      %jit3A_446 = arith.constant 0x7F800000 : f32
      %broadcast_in_dim3A_447 = vector.broadcast %jit3A_446 : f32 to vector<16xf32>
      %select_n3A_448 = arith.select %eq3A_445, %broadcast_in_dim3A_447, %select_n3A_369 : vector<16xi1>, vector<16xf32>
      %eq3A_449 = arith.cmpf oeq, %select_n3A_373, %min3A_417 : vector<16xf32>
      %jit3A_450 = arith.constant 0x7F800000 : f32
      %broadcast_in_dim3A_451 = vector.broadcast %jit3A_450 : f32 to vector<16xf32>
      %select_n3A_452 = arith.select %eq3A_449, %broadcast_in_dim3A_451, %select_n3A_373 : vector<16xi1>, vector<16xf32>
      %eq3A_453 = arith.cmpf oeq, %select_n3A_377, %min3A_417 : vector<16xf32>
      %jit3A_454 = arith.constant 0x7F800000 : f32
      %broadcast_in_dim3A_455 = vector.broadcast %jit3A_454 : f32 to vector<16xf32>
      %select_n3A_456 = arith.select %eq3A_453, %broadcast_in_dim3A_455, %select_n3A_377 : vector<16xi1>, vector<16xf32>
      %eq3A_457 = arith.cmpf oeq, %select_n3A_381, %min3A_417 : vector<16xf32>
      %jit3A_458 = arith.constant 0x7F800000 : f32
      %broadcast_in_dim3A_459 = vector.broadcast %jit3A_458 : f32 to vector<16xf32>
      %select_n3A_460 = arith.select %eq3A_457, %broadcast_in_dim3A_459, %select_n3A_381 : vector<16xi1>, vector<16xf32>
      %min3A_461 = arith.minimumf %select_n3A_428, %select_n3A_432 : vector<16xf32>
      %min3A_462 = arith.minimumf %min3A_461, %select_n3A_436 : vector<16xf32>
      %min3A_463 = arith.minimumf %min3A_462, %select_n3A_440 : vector<16xf32>
      %min3A_464 = arith.minimumf %min3A_463, %select_n3A_444 : vector<16xf32>
      %min3A_465 = arith.minimumf %min3A_464, %select_n3A_448 : vector<16xf32>
      %min3A_466 = arith.minimumf %min3A_465, %select_n3A_452 : vector<16xf32>
      %min3A_467 = arith.minimumf %min3A_466, %select_n3A_456 : vector<16xf32>
      %min3A_468 = arith.minimumf %min3A_467, %select_n3A_460 : vector<16xf32>
      %xor3A_469 = arith.constant 8 : i32
      %xor3A_470 = vector.broadcast %xor3A_469 : i32 to vector<16xi32>
      %xor3A_471 = arith.xori %iota3A, %xor3A_470 : vector<16xi32>
      %reshape3A_472 = vector.shape_cast %xor3A_471 : vector<16xi32> to vector<16x1xi32>
      %gather3A_473 = vector.shape_cast %reshape3A_472 : vector<16x1xi32> to vector<16xi32>
      %gather3A_474 = tpu.dynamic_gather %min3A_468[%gather3A_473] in [0] : vector<16xf32>, vector<16xi32> -> vector<16xf32>
      %min3A_475 = arith.minimumf %min3A_468, %gather3A_474 : vector<16xf32>
      %xor3A_476 = arith.constant 4 : i32
      %xor3A_477 = vector.broadcast %xor3A_476 : i32 to vector<16xi32>
      %xor3A_478 = arith.xori %iota3A, %xor3A_477 : vector<16xi32>
      %reshape3A_479 = vector.shape_cast %xor3A_478 : vector<16xi32> to vector<16x1xi32>
      %gather3A_480 = vector.shape_cast %reshape3A_479 : vector<16x1xi32> to vector<16xi32>
      %gather3A_481 = tpu.dynamic_gather %min3A_475[%gather3A_480] in [0] : vector<16xf32>, vector<16xi32> -> vector<16xf32>
      %min3A_482 = arith.minimumf %min3A_475, %gather3A_481 : vector<16xf32>
      %xor3A_483 = arith.constant 2 : i32
      %xor3A_484 = vector.broadcast %xor3A_483 : i32 to vector<16xi32>
      %xor3A_485 = arith.xori %iota3A, %xor3A_484 : vector<16xi32>
      %reshape3A_486 = vector.shape_cast %xor3A_485 : vector<16xi32> to vector<16x1xi32>
      %gather3A_487 = vector.shape_cast %reshape3A_486 : vector<16x1xi32> to vector<16xi32>
      %gather3A_488 = tpu.dynamic_gather %min3A_482[%gather3A_487] in [0] : vector<16xf32>, vector<16xi32> -> vector<16xf32>
      %min3A_489 = arith.minimumf %min3A_482, %gather3A_488 : vector<16xf32>
      %xor3A_490 = arith.constant 1 : i32
      %xor3A_491 = vector.broadcast %xor3A_490 : i32 to vector<16xi32>
      %xor3A_492 = arith.xori %iota3A, %xor3A_491 : vector<16xi32>
      %reshape3A_493 = vector.shape_cast %xor3A_492 : vector<16xi32> to vector<16x1xi32>
      %gather3A_494 = vector.shape_cast %reshape3A_493 : vector<16x1xi32> to vector<16xi32>
      %gather3A_495 = tpu.dynamic_gather %min3A_489[%gather3A_494] in [0] : vector<16xf32>, vector<16xi32> -> vector<16xf32>
      %min3A_496 = arith.minimumf %min3A_489, %gather3A_495 : vector<16xf32>
      %lt3A_497 = arith.constant 3.000000e+38 : f32
      %lt3A_498 = vector.broadcast %lt3A_497 : f32 to vector<16xf32>
      %lt3A_499 = arith.cmpf olt, %min3A_496, %lt3A_498 : vector<16xf32>
      %jit3A_500 = arith.constant 0.000000e+00 : f32
      %broadcast_in_dim3A_501 = vector.broadcast %jit3A_500 : f32 to vector<16xf32>
      %select_n3A_502 = arith.select %lt3A_499, %min3A_496, %broadcast_in_dim3A_501 : vector<16xi1>, vector<16xf32>
      %add3A_503 = arith.addf %add3A_424, %select_n3A_502 : vector<16xf32>
      %eq3A_504 = arith.cmpf oeq, %select_n3A_428, %min3A_496 : vector<16xf32>
      %jit3A_505 = arith.constant 0x7F800000 : f32
      %broadcast_in_dim3A_506 = vector.broadcast %jit3A_505 : f32 to vector<16xf32>
      %select_n3A_507 = arith.select %eq3A_504, %broadcast_in_dim3A_506, %select_n3A_428 : vector<16xi1>, vector<16xf32>
      %eq3A_508 = arith.cmpf oeq, %select_n3A_432, %min3A_496 : vector<16xf32>
      %jit3A_509 = arith.constant 0x7F800000 : f32
      %broadcast_in_dim3A_510 = vector.broadcast %jit3A_509 : f32 to vector<16xf32>
      %select_n3A_511 = arith.select %eq3A_508, %broadcast_in_dim3A_510, %select_n3A_432 : vector<16xi1>, vector<16xf32>
      %eq3A_512 = arith.cmpf oeq, %select_n3A_436, %min3A_496 : vector<16xf32>
      %jit3A_513 = arith.constant 0x7F800000 : f32
      %broadcast_in_dim3A_514 = vector.broadcast %jit3A_513 : f32 to vector<16xf32>
      %select_n3A_515 = arith.select %eq3A_512, %broadcast_in_dim3A_514, %select_n3A_436 : vector<16xi1>, vector<16xf32>
      %eq3A_516 = arith.cmpf oeq, %select_n3A_440, %min3A_496 : vector<16xf32>
      %jit3A_517 = arith.constant 0x7F800000 : f32
      %broadcast_in_dim3A_518 = vector.broadcast %jit3A_517 : f32 to vector<16xf32>
      %select_n3A_519 = arith.select %eq3A_516, %broadcast_in_dim3A_518, %select_n3A_440 : vector<16xi1>, vector<16xf32>
      %eq3A_520 = arith.cmpf oeq, %select_n3A_444, %min3A_496 : vector<16xf32>
      %jit3A_521 = arith.constant 0x7F800000 : f32
      %broadcast_in_dim3A_522 = vector.broadcast %jit3A_521 : f32 to vector<16xf32>
      %select_n3A_523 = arith.select %eq3A_520, %broadcast_in_dim3A_522, %select_n3A_444 : vector<16xi1>, vector<16xf32>
      %eq3A_524 = arith.cmpf oeq, %select_n3A_448, %min3A_496 : vector<16xf32>
      %jit3A_525 = arith.constant 0x7F800000 : f32
      %broadcast_in_dim3A_526 = vector.broadcast %jit3A_525 : f32 to vector<16xf32>
      %select_n3A_527 = arith.select %eq3A_524, %broadcast_in_dim3A_526, %select_n3A_448 : vector<16xi1>, vector<16xf32>
      %eq3A_528 = arith.cmpf oeq, %select_n3A_452, %min3A_496 : vector<16xf32>
      %jit3A_529 = arith.constant 0x7F800000 : f32
      %broadcast_in_dim3A_530 = vector.broadcast %jit3A_529 : f32 to vector<16xf32>
      %select_n3A_531 = arith.select %eq3A_528, %broadcast_in_dim3A_530, %select_n3A_452 : vector<16xi1>, vector<16xf32>
      %eq3A_532 = arith.cmpf oeq, %select_n3A_456, %min3A_496 : vector<16xf32>
      %jit3A_533 = arith.constant 0x7F800000 : f32
      %broadcast_in_dim3A_534 = vector.broadcast %jit3A_533 : f32 to vector<16xf32>
      %select_n3A_535 = arith.select %eq3A_532, %broadcast_in_dim3A_534, %select_n3A_456 : vector<16xi1>, vector<16xf32>
      %eq3A_536 = arith.cmpf oeq, %select_n3A_460, %min3A_496 : vector<16xf32>
      %jit3A_537 = arith.constant 0x7F800000 : f32
      %broadcast_in_dim3A_538 = vector.broadcast %jit3A_537 : f32 to vector<16xf32>
      %select_n3A_539 = arith.select %eq3A_536, %broadcast_in_dim3A_538, %select_n3A_460 : vector<16xi1>, vector<16xf32>
      %min3A_540 = arith.minimumf %select_n3A_507, %select_n3A_511 : vector<16xf32>
      %min3A_541 = arith.minimumf %min3A_540, %select_n3A_515 : vector<16xf32>
      %min3A_542 = arith.minimumf %min3A_541, %select_n3A_519 : vector<16xf32>
      %min3A_543 = arith.minimumf %min3A_542, %select_n3A_523 : vector<16xf32>
      %min3A_544 = arith.minimumf %min3A_543, %select_n3A_527 : vector<16xf32>
      %min3A_545 = arith.minimumf %min3A_544, %select_n3A_531 : vector<16xf32>
      %min3A_546 = arith.minimumf %min3A_545, %select_n3A_535 : vector<16xf32>
      %min3A_547 = arith.minimumf %min3A_546, %select_n3A_539 : vector<16xf32>
      %xor3A_548 = arith.constant 8 : i32
      %xor3A_549 = vector.broadcast %xor3A_548 : i32 to vector<16xi32>
      %xor3A_550 = arith.xori %iota3A, %xor3A_549 : vector<16xi32>
      %reshape3A_551 = vector.shape_cast %xor3A_550 : vector<16xi32> to vector<16x1xi32>
      %gather3A_552 = vector.shape_cast %reshape3A_551 : vector<16x1xi32> to vector<16xi32>
      %gather3A_553 = tpu.dynamic_gather %min3A_547[%gather3A_552] in [0] : vector<16xf32>, vector<16xi32> -> vector<16xf32>
      %min3A_554 = arith.minimumf %min3A_547, %gather3A_553 : vector<16xf32>
      %xor3A_555 = arith.constant 4 : i32
      %xor3A_556 = vector.broadcast %xor3A_555 : i32 to vector<16xi32>
      %xor3A_557 = arith.xori %iota3A, %xor3A_556 : vector<16xi32>
      %reshape3A_558 = vector.shape_cast %xor3A_557 : vector<16xi32> to vector<16x1xi32>
      %gather3A_559 = vector.shape_cast %reshape3A_558 : vector<16x1xi32> to vector<16xi32>
      %gather3A_560 = tpu.dynamic_gather %min3A_554[%gather3A_559] in [0] : vector<16xf32>, vector<16xi32> -> vector<16xf32>
      %min3A_561 = arith.minimumf %min3A_554, %gather3A_560 : vector<16xf32>
      %xor3A_562 = arith.constant 2 : i32
      %xor3A_563 = vector.broadcast %xor3A_562 : i32 to vector<16xi32>
      %xor3A_564 = arith.xori %iota3A, %xor3A_563 : vector<16xi32>
      %reshape3A_565 = vector.shape_cast %xor3A_564 : vector<16xi32> to vector<16x1xi32>
      %gather3A_566 = vector.shape_cast %reshape3A_565 : vector<16x1xi32> to vector<16xi32>
      %gather3A_567 = tpu.dynamic_gather %min3A_561[%gather3A_566] in [0] : vector<16xf32>, vector<16xi32> -> vector<16xf32>
      %min3A_568 = arith.minimumf %min3A_561, %gather3A_567 : vector<16xf32>
      %xor3A_569 = arith.constant 1 : i32
      %xor3A_570 = vector.broadcast %xor3A_569 : i32 to vector<16xi32>
      %xor3A_571 = arith.xori %iota3A, %xor3A_570 : vector<16xi32>
      %reshape3A_572 = vector.shape_cast %xor3A_571 : vector<16xi32> to vector<16x1xi32>
      %gather3A_573 = vector.shape_cast %reshape3A_572 : vector<16x1xi32> to vector<16xi32>
      %gather3A_574 = tpu.dynamic_gather %min3A_568[%gather3A_573] in [0] : vector<16xf32>, vector<16xi32> -> vector<16xf32>
      %min3A_575 = arith.minimumf %min3A_568, %gather3A_574 : vector<16xf32>
      %lt3A_576 = arith.constant 3.000000e+38 : f32
      %lt3A_577 = vector.broadcast %lt3A_576 : f32 to vector<16xf32>
      %lt3A_578 = arith.cmpf olt, %min3A_575, %lt3A_577 : vector<16xf32>
      %jit3A_579 = arith.constant 0.000000e+00 : f32
      %broadcast_in_dim3A_580 = vector.broadcast %jit3A_579 : f32 to vector<16xf32>
      %select_n3A_581 = arith.select %lt3A_578, %min3A_575, %broadcast_in_dim3A_580 : vector<16xi1>, vector<16xf32>
      %add3A_582 = arith.addf %add3A_503, %select_n3A_581 : vector<16xf32>
      %eq3A_583 = arith.cmpf oeq, %select_n3A_507, %min3A_575 : vector<16xf32>
      %jit3A_584 = arith.constant 0x7F800000 : f32
      %broadcast_in_dim3A_585 = vector.broadcast %jit3A_584 : f32 to vector<16xf32>
      %select_n3A_586 = arith.select %eq3A_583, %broadcast_in_dim3A_585, %select_n3A_507 : vector<16xi1>, vector<16xf32>
      %eq3A_587 = arith.cmpf oeq, %select_n3A_511, %min3A_575 : vector<16xf32>
      %jit3A_588 = arith.constant 0x7F800000 : f32
      %broadcast_in_dim3A_589 = vector.broadcast %jit3A_588 : f32 to vector<16xf32>
      %select_n3A_590 = arith.select %eq3A_587, %broadcast_in_dim3A_589, %select_n3A_511 : vector<16xi1>, vector<16xf32>
      %eq3A_591 = arith.cmpf oeq, %select_n3A_515, %min3A_575 : vector<16xf32>
      %jit3A_592 = arith.constant 0x7F800000 : f32
      %broadcast_in_dim3A_593 = vector.broadcast %jit3A_592 : f32 to vector<16xf32>
      %select_n3A_594 = arith.select %eq3A_591, %broadcast_in_dim3A_593, %select_n3A_515 : vector<16xi1>, vector<16xf32>
      %eq3A_595 = arith.cmpf oeq, %select_n3A_519, %min3A_575 : vector<16xf32>
      %jit3A_596 = arith.constant 0x7F800000 : f32
      %broadcast_in_dim3A_597 = vector.broadcast %jit3A_596 : f32 to vector<16xf32>
      %select_n3A_598 = arith.select %eq3A_595, %broadcast_in_dim3A_597, %select_n3A_519 : vector<16xi1>, vector<16xf32>
      %eq3A_599 = arith.cmpf oeq, %select_n3A_523, %min3A_575 : vector<16xf32>
      %jit3A_600 = arith.constant 0x7F800000 : f32
      %broadcast_in_dim3A_601 = vector.broadcast %jit3A_600 : f32 to vector<16xf32>
      %select_n3A_602 = arith.select %eq3A_599, %broadcast_in_dim3A_601, %select_n3A_523 : vector<16xi1>, vector<16xf32>
      %eq3A_603 = arith.cmpf oeq, %select_n3A_527, %min3A_575 : vector<16xf32>
      %jit3A_604 = arith.constant 0x7F800000 : f32
      %broadcast_in_dim3A_605 = vector.broadcast %jit3A_604 : f32 to vector<16xf32>
      %select_n3A_606 = arith.select %eq3A_603, %broadcast_in_dim3A_605, %select_n3A_527 : vector<16xi1>, vector<16xf32>
      %eq3A_607 = arith.cmpf oeq, %select_n3A_531, %min3A_575 : vector<16xf32>
      %jit3A_608 = arith.constant 0x7F800000 : f32
      %broadcast_in_dim3A_609 = vector.broadcast %jit3A_608 : f32 to vector<16xf32>
      %select_n3A_610 = arith.select %eq3A_607, %broadcast_in_dim3A_609, %select_n3A_531 : vector<16xi1>, vector<16xf32>
      %eq3A_611 = arith.cmpf oeq, %select_n3A_535, %min3A_575 : vector<16xf32>
      %jit3A_612 = arith.constant 0x7F800000 : f32
      %broadcast_in_dim3A_613 = vector.broadcast %jit3A_612 : f32 to vector<16xf32>
      %select_n3A_614 = arith.select %eq3A_611, %broadcast_in_dim3A_613, %select_n3A_535 : vector<16xi1>, vector<16xf32>
      %eq3A_615 = arith.cmpf oeq, %select_n3A_539, %min3A_575 : vector<16xf32>
      %jit3A_616 = arith.constant 0x7F800000 : f32
      %broadcast_in_dim3A_617 = vector.broadcast %jit3A_616 : f32 to vector<16xf32>
      %select_n3A_618 = arith.select %eq3A_615, %broadcast_in_dim3A_617, %select_n3A_539 : vector<16xi1>, vector<16xf32>
      %min3A_619 = arith.minimumf %select_n3A_586, %select_n3A_590 : vector<16xf32>
      %min3A_620 = arith.minimumf %min3A_619, %select_n3A_594 : vector<16xf32>
      %min3A_621 = arith.minimumf %min3A_620, %select_n3A_598 : vector<16xf32>
      %min3A_622 = arith.minimumf %min3A_621, %select_n3A_602 : vector<16xf32>
      %min3A_623 = arith.minimumf %min3A_622, %select_n3A_606 : vector<16xf32>
      %min3A_624 = arith.minimumf %min3A_623, %select_n3A_610 : vector<16xf32>
      %min3A_625 = arith.minimumf %min3A_624, %select_n3A_614 : vector<16xf32>
      %min3A_626 = arith.minimumf %min3A_625, %select_n3A_618 : vector<16xf32>
      %xor3A_627 = arith.constant 8 : i32
      %xor3A_628 = vector.broadcast %xor3A_627 : i32 to vector<16xi32>
      %xor3A_629 = arith.xori %iota3A, %xor3A_628 : vector<16xi32>
      %reshape3A_630 = vector.shape_cast %xor3A_629 : vector<16xi32> to vector<16x1xi32>
      %gather3A_631 = vector.shape_cast %reshape3A_630 : vector<16x1xi32> to vector<16xi32>
      %gather3A_632 = tpu.dynamic_gather %min3A_626[%gather3A_631] in [0] : vector<16xf32>, vector<16xi32> -> vector<16xf32>
      %min3A_633 = arith.minimumf %min3A_626, %gather3A_632 : vector<16xf32>
      %xor3A_634 = arith.constant 4 : i32
      %xor3A_635 = vector.broadcast %xor3A_634 : i32 to vector<16xi32>
      %xor3A_636 = arith.xori %iota3A, %xor3A_635 : vector<16xi32>
      %reshape3A_637 = vector.shape_cast %xor3A_636 : vector<16xi32> to vector<16x1xi32>
      %gather3A_638 = vector.shape_cast %reshape3A_637 : vector<16x1xi32> to vector<16xi32>
      %gather3A_639 = tpu.dynamic_gather %min3A_633[%gather3A_638] in [0] : vector<16xf32>, vector<16xi32> -> vector<16xf32>
      %min3A_640 = arith.minimumf %min3A_633, %gather3A_639 : vector<16xf32>
      %xor3A_641 = arith.constant 2 : i32
      %xor3A_642 = vector.broadcast %xor3A_641 : i32 to vector<16xi32>
      %xor3A_643 = arith.xori %iota3A, %xor3A_642 : vector<16xi32>
      %reshape3A_644 = vector.shape_cast %xor3A_643 : vector<16xi32> to vector<16x1xi32>
      %gather3A_645 = vector.shape_cast %reshape3A_644 : vector<16x1xi32> to vector<16xi32>
      %gather3A_646 = tpu.dynamic_gather %min3A_640[%gather3A_645] in [0] : vector<16xf32>, vector<16xi32> -> vector<16xf32>
      %min3A_647 = arith.minimumf %min3A_640, %gather3A_646 : vector<16xf32>
      %xor3A_648 = arith.constant 1 : i32
      %xor3A_649 = vector.broadcast %xor3A_648 : i32 to vector<16xi32>
      %xor3A_650 = arith.xori %iota3A, %xor3A_649 : vector<16xi32>
      %reshape3A_651 = vector.shape_cast %xor3A_650 : vector<16xi32> to vector<16x1xi32>
      %gather3A_652 = vector.shape_cast %reshape3A_651 : vector<16x1xi32> to vector<16xi32>
      %gather3A_653 = tpu.dynamic_gather %min3A_647[%gather3A_652] in [0] : vector<16xf32>, vector<16xi32> -> vector<16xf32>
      %min3A_654 = arith.minimumf %min3A_647, %gather3A_653 : vector<16xf32>
      %lt3A_655 = arith.constant 3.000000e+38 : f32
      %lt3A_656 = vector.broadcast %lt3A_655 : f32 to vector<16xf32>
      %lt3A_657 = arith.cmpf olt, %min3A_654, %lt3A_656 : vector<16xf32>
      %jit3A_658 = arith.constant 0.000000e+00 : f32
      %broadcast_in_dim3A_659 = vector.broadcast %jit3A_658 : f32 to vector<16xf32>
      %select_n3A_660 = arith.select %lt3A_657, %min3A_654, %broadcast_in_dim3A_659 : vector<16xi1>, vector<16xf32>
      %add3A_661 = arith.addf %add3A_582, %select_n3A_660 : vector<16xf32>
      %eq3A_662 = arith.cmpf oeq, %select_n3A_586, %min3A_654 : vector<16xf32>
      %jit3A_663 = arith.constant 0x7F800000 : f32
      %broadcast_in_dim3A_664 = vector.broadcast %jit3A_663 : f32 to vector<16xf32>
      %select_n3A_665 = arith.select %eq3A_662, %broadcast_in_dim3A_664, %select_n3A_586 : vector<16xi1>, vector<16xf32>
      %eq3A_666 = arith.cmpf oeq, %select_n3A_590, %min3A_654 : vector<16xf32>
      %jit3A_667 = arith.constant 0x7F800000 : f32
      %broadcast_in_dim3A_668 = vector.broadcast %jit3A_667 : f32 to vector<16xf32>
      %select_n3A_669 = arith.select %eq3A_666, %broadcast_in_dim3A_668, %select_n3A_590 : vector<16xi1>, vector<16xf32>
      %eq3A_670 = arith.cmpf oeq, %select_n3A_594, %min3A_654 : vector<16xf32>
      %jit3A_671 = arith.constant 0x7F800000 : f32
      %broadcast_in_dim3A_672 = vector.broadcast %jit3A_671 : f32 to vector<16xf32>
      %select_n3A_673 = arith.select %eq3A_670, %broadcast_in_dim3A_672, %select_n3A_594 : vector<16xi1>, vector<16xf32>
      %eq3A_674 = arith.cmpf oeq, %select_n3A_598, %min3A_654 : vector<16xf32>
      %jit3A_675 = arith.constant 0x7F800000 : f32
      %broadcast_in_dim3A_676 = vector.broadcast %jit3A_675 : f32 to vector<16xf32>
      %select_n3A_677 = arith.select %eq3A_674, %broadcast_in_dim3A_676, %select_n3A_598 : vector<16xi1>, vector<16xf32>
      %eq3A_678 = arith.cmpf oeq, %select_n3A_602, %min3A_654 : vector<16xf32>
      %jit3A_679 = arith.constant 0x7F800000 : f32
      %broadcast_in_dim3A_680 = vector.broadcast %jit3A_679 : f32 to vector<16xf32>
      %select_n3A_681 = arith.select %eq3A_678, %broadcast_in_dim3A_680, %select_n3A_602 : vector<16xi1>, vector<16xf32>
      %eq3A_682 = arith.cmpf oeq, %select_n3A_606, %min3A_654 : vector<16xf32>
      %jit3A_683 = arith.constant 0x7F800000 : f32
      %broadcast_in_dim3A_684 = vector.broadcast %jit3A_683 : f32 to vector<16xf32>
      %select_n3A_685 = arith.select %eq3A_682, %broadcast_in_dim3A_684, %select_n3A_606 : vector<16xi1>, vector<16xf32>
      %eq3A_686 = arith.cmpf oeq, %select_n3A_610, %min3A_654 : vector<16xf32>
      %jit3A_687 = arith.constant 0x7F800000 : f32
      %broadcast_in_dim3A_688 = vector.broadcast %jit3A_687 : f32 to vector<16xf32>
      %select_n3A_689 = arith.select %eq3A_686, %broadcast_in_dim3A_688, %select_n3A_610 : vector<16xi1>, vector<16xf32>
      %eq3A_690 = arith.cmpf oeq, %select_n3A_614, %min3A_654 : vector<16xf32>
      %jit3A_691 = arith.constant 0x7F800000 : f32
      %broadcast_in_dim3A_692 = vector.broadcast %jit3A_691 : f32 to vector<16xf32>
      %select_n3A_693 = arith.select %eq3A_690, %broadcast_in_dim3A_692, %select_n3A_614 : vector<16xi1>, vector<16xf32>
      %eq3A_694 = arith.cmpf oeq, %select_n3A_618, %min3A_654 : vector<16xf32>
      %jit3A_695 = arith.constant 0x7F800000 : f32
      %broadcast_in_dim3A_696 = vector.broadcast %jit3A_695 : f32 to vector<16xf32>
      %select_n3A_697 = arith.select %eq3A_694, %broadcast_in_dim3A_696, %select_n3A_618 : vector<16xi1>, vector<16xf32>
      %min3A_698 = arith.minimumf %select_n3A_665, %select_n3A_669 : vector<16xf32>
      %min3A_699 = arith.minimumf %min3A_698, %select_n3A_673 : vector<16xf32>
      %min3A_700 = arith.minimumf %min3A_699, %select_n3A_677 : vector<16xf32>
      %min3A_701 = arith.minimumf %min3A_700, %select_n3A_681 : vector<16xf32>
      %min3A_702 = arith.minimumf %min3A_701, %select_n3A_685 : vector<16xf32>
      %min3A_703 = arith.minimumf %min3A_702, %select_n3A_689 : vector<16xf32>
      %min3A_704 = arith.minimumf %min3A_703, %select_n3A_693 : vector<16xf32>
      %min3A_705 = arith.minimumf %min3A_704, %select_n3A_697 : vector<16xf32>
      %xor3A_706 = arith.constant 8 : i32
      %xor3A_707 = vector.broadcast %xor3A_706 : i32 to vector<16xi32>
      %xor3A_708 = arith.xori %iota3A, %xor3A_707 : vector<16xi32>
      %reshape3A_709 = vector.shape_cast %xor3A_708 : vector<16xi32> to vector<16x1xi32>
      %gather3A_710 = vector.shape_cast %reshape3A_709 : vector<16x1xi32> to vector<16xi32>
      %gather3A_711 = tpu.dynamic_gather %min3A_705[%gather3A_710] in [0] : vector<16xf32>, vector<16xi32> -> vector<16xf32>
      %min3A_712 = arith.minimumf %min3A_705, %gather3A_711 : vector<16xf32>
      %xor3A_713 = arith.constant 4 : i32
      %xor3A_714 = vector.broadcast %xor3A_713 : i32 to vector<16xi32>
      %xor3A_715 = arith.xori %iota3A, %xor3A_714 : vector<16xi32>
      %reshape3A_716 = vector.shape_cast %xor3A_715 : vector<16xi32> to vector<16x1xi32>
      %gather3A_717 = vector.shape_cast %reshape3A_716 : vector<16x1xi32> to vector<16xi32>
      %gather3A_718 = tpu.dynamic_gather %min3A_712[%gather3A_717] in [0] : vector<16xf32>, vector<16xi32> -> vector<16xf32>
      %min3A_719 = arith.minimumf %min3A_712, %gather3A_718 : vector<16xf32>
      %xor3A_720 = arith.constant 2 : i32
      %xor3A_721 = vector.broadcast %xor3A_720 : i32 to vector<16xi32>
      %xor3A_722 = arith.xori %iota3A, %xor3A_721 : vector<16xi32>
      %reshape3A_723 = vector.shape_cast %xor3A_722 : vector<16xi32> to vector<16x1xi32>
      %gather3A_724 = vector.shape_cast %reshape3A_723 : vector<16x1xi32> to vector<16xi32>
      %gather3A_725 = tpu.dynamic_gather %min3A_719[%gather3A_724] in [0] : vector<16xf32>, vector<16xi32> -> vector<16xf32>
      %min3A_726 = arith.minimumf %min3A_719, %gather3A_725 : vector<16xf32>
      %xor3A_727 = arith.constant 1 : i32
      %xor3A_728 = vector.broadcast %xor3A_727 : i32 to vector<16xi32>
      %xor3A_729 = arith.xori %iota3A, %xor3A_728 : vector<16xi32>
      %reshape3A_730 = vector.shape_cast %xor3A_729 : vector<16xi32> to vector<16x1xi32>
      %gather3A_731 = vector.shape_cast %reshape3A_730 : vector<16x1xi32> to vector<16xi32>
      %gather3A_732 = tpu.dynamic_gather %min3A_726[%gather3A_731] in [0] : vector<16xf32>, vector<16xi32> -> vector<16xf32>
      %min3A_733 = arith.minimumf %min3A_726, %gather3A_732 : vector<16xf32>
      %lt3A_734 = arith.constant 3.000000e+38 : f32
      %lt3A_735 = vector.broadcast %lt3A_734 : f32 to vector<16xf32>
      %lt3A_736 = arith.cmpf olt, %min3A_733, %lt3A_735 : vector<16xf32>
      %jit3A_737 = arith.constant 0.000000e+00 : f32
      %broadcast_in_dim3A_738 = vector.broadcast %jit3A_737 : f32 to vector<16xf32>
      %select_n3A_739 = arith.select %lt3A_736, %min3A_733, %broadcast_in_dim3A_738 : vector<16xi1>, vector<16xf32>
      %add3A_740 = arith.addf %add3A_661, %select_n3A_739 : vector<16xf32>
      %add3A_741 = arith.addf %scan3A_29, %add3A_740 : vector<16xf32>
      scf.yield %add3A_741 : vector<16xf32>
    }
    %scan3A_12 = arith.constant 16 : i32
    "tpu.region"() ({
      %run_scoped3A = tpu.sem_alloc : memref<!tpu.dma_semaphore, #tpu.memory_space<semaphore_mem>>
      %dma_start3A = arith.constant 8192 : i32
      %dma_start3A_28 = tpu.memref_slice %arg2[%dma_start3A] : memref<16384xf32, #tpu.memory_space<hbm>> -> memref<4096xf32, #tpu.memory_space<hbm>>
      %dma_start3A_29 = arith.constant 8192 : i32
      %dma_start3A_30 = tpu.memref_slice %arg2[%dma_start3A_29] : memref<16384xf32, #tpu.memory_space<hbm>> -> memref<4096xf32, #tpu.memory_space<hbm>>
      tpu.enqueue_dma source(%dma_start3A_30 : memref<4096xf32, #tpu.memory_space<hbm>>) target(%arg6 : memref<4096xf32, #tpu.memory_space<vmem>>) target_semaphore(%run_scoped3A : memref<!tpu.dma_semaphore, #tpu.memory_space<semaphore_mem>>)
      %dma_wait3A = arith.constant 8192 : i32
      %dma_wait3A_31 = tpu.memref_slice %arg2[%dma_wait3A] : memref<16384xf32, #tpu.memory_space<hbm>> -> memref<4096xf32, #tpu.memory_space<hbm>>
      %dma_wait3A_32 = arith.constant 8192 : i32
      %dma_wait3A_33 = tpu.memref_slice %arg2[%dma_wait3A_32] : memref<16384xf32, #tpu.memory_space<hbm>> -> memref<4096xf32, #tpu.memory_space<hbm>>
      tpu.wait_dma2 semaphore(%run_scoped3A : memref<!tpu.dma_semaphore, #tpu.memory_space<semaphore_mem>>) src(%dma_wait3A_33 : memref<4096xf32, #tpu.memory_space<hbm>>) dst(%arg6 : memref<4096xf32, #tpu.memory_space<vmem>>)
      tpu.yield
    }) : () -> ()
    "tpu.region"() ({
      %run_scoped3A = tpu.sem_alloc : memref<!tpu.dma_semaphore, #tpu.memory_space<semaphore_mem>>
      %dma_start3A = arith.constant 8192 : i32
      %dma_start3A_28 = tpu.memref_slice %arg3[%dma_start3A] : memref<16384xf32, #tpu.memory_space<hbm>> -> memref<4096xf32, #tpu.memory_space<hbm>>
      %dma_start3A_29 = arith.constant 8192 : i32
      %dma_start3A_30 = tpu.memref_slice %arg3[%dma_start3A_29] : memref<16384xf32, #tpu.memory_space<hbm>> -> memref<4096xf32, #tpu.memory_space<hbm>>
      tpu.enqueue_dma source(%dma_start3A_30 : memref<4096xf32, #tpu.memory_space<hbm>>) target(%arg7 : memref<4096xf32, #tpu.memory_space<vmem>>) target_semaphore(%run_scoped3A : memref<!tpu.dma_semaphore, #tpu.memory_space<semaphore_mem>>)
      %dma_wait3A = arith.constant 8192 : i32
      %dma_wait3A_31 = tpu.memref_slice %arg3[%dma_wait3A] : memref<16384xf32, #tpu.memory_space<hbm>> -> memref<4096xf32, #tpu.memory_space<hbm>>
      %dma_wait3A_32 = arith.constant 8192 : i32
      %dma_wait3A_33 = tpu.memref_slice %arg3[%dma_wait3A_32] : memref<16384xf32, #tpu.memory_space<hbm>> -> memref<4096xf32, #tpu.memory_space<hbm>>
      tpu.wait_dma2 semaphore(%run_scoped3A : memref<!tpu.dma_semaphore, #tpu.memory_space<semaphore_mem>>) src(%dma_wait3A_33 : memref<4096xf32, #tpu.memory_space<hbm>>) dst(%arg7 : memref<4096xf32, #tpu.memory_space<vmem>>)
      tpu.yield
    }) : () -> ()
    "tpu.region"() ({
      %run_scoped3A = tpu.sem_alloc : memref<!tpu.dma_semaphore, #tpu.memory_space<semaphore_mem>>
      %dma_start3A = arith.constant 8192 : i32
      %dma_start3A_28 = tpu.memref_slice %arg4[%dma_start3A] : memref<16384xf32, #tpu.memory_space<hbm>> -> memref<4096xf32, #tpu.memory_space<hbm>>
      %dma_start3A_29 = arith.constant 8192 : i32
      %dma_start3A_30 = tpu.memref_slice %arg4[%dma_start3A_29] : memref<16384xf32, #tpu.memory_space<hbm>> -> memref<4096xf32, #tpu.memory_space<hbm>>
      tpu.enqueue_dma source(%dma_start3A_30 : memref<4096xf32, #tpu.memory_space<hbm>>) target(%arg8 : memref<4096xf32, #tpu.memory_space<vmem>>) target_semaphore(%run_scoped3A : memref<!tpu.dma_semaphore, #tpu.memory_space<semaphore_mem>>)
      %dma_wait3A = arith.constant 8192 : i32
      %dma_wait3A_31 = tpu.memref_slice %arg4[%dma_wait3A] : memref<16384xf32, #tpu.memory_space<hbm>> -> memref<4096xf32, #tpu.memory_space<hbm>>
      %dma_wait3A_32 = arith.constant 8192 : i32
      %dma_wait3A_33 = tpu.memref_slice %arg4[%dma_wait3A_32] : memref<16384xf32, #tpu.memory_space<hbm>> -> memref<4096xf32, #tpu.memory_space<hbm>>
      tpu.wait_dma2 semaphore(%run_scoped3A : memref<!tpu.dma_semaphore, #tpu.memory_space<semaphore_mem>>) src(%dma_wait3A_33 : memref<4096xf32, #tpu.memory_space<hbm>>) dst(%arg8 : memref<4096xf32, #tpu.memory_space<vmem>>)
      tpu.yield
    }) : () -> ()
    %scan3A_13 = arith.constant 0 : i32
    %scan3A_14 = arith.constant 16 : i32
    %scan3A_15 = arith.addi %scan3A_13, %scan3A_14 : i32
    %scan3A_16 = arith.constant 1 : i32
    %scan3A_17 = scf.for %scan3A_28 = %scan3A_13 to %scan3A_15 step %scan3A_16 iter_args(%scan3A_29 = %scan3A_11) -> (vector<16xf32>)  : i32 {
      %mul3A_30 = arith.constant 16 : i32
      %mul3A_31 = arith.muli %add3A, %mul3A_30 : i32
      %add3A_32 = arith.constant 3584 : i32
      %add3A_33 = arith.addi %add3A_32, %mul3A_31 : i32
      %add3A_34 = arith.addi %add3A_33, %scan3A_28 : i32
      %jit3A = arith.constant 16 : i32
      %div3A = arith.divsi %add3A_34, %jit3A : i32
      %sign3A = arith.constant 0 : i32
      %sign3A_35 = arith.cmpi sgt, %add3A_34, %sign3A : i32
      %sign3A_36 = arith.extui %sign3A_35 : i1 to i32
      %sign3A_37 = arith.constant 0 : i32
      %sign3A_38 = arith.cmpi slt, %add3A_34, %sign3A_37 : i32
      %sign3A_39 = arith.extui %sign3A_38 : i1 to i32
      %sign3A_40 = arith.subi %sign3A_36, %sign3A_39 : i32
      %sign3A_41 = arith.constant 0 : i32
      %sign3A_42 = arith.cmpi sgt, %jit3A, %sign3A_41 : i32
      %sign3A_43 = arith.extui %sign3A_42 : i1 to i32
      %sign3A_44 = arith.constant 0 : i32
      %sign3A_45 = arith.cmpi slt, %jit3A, %sign3A_44 : i32
      %sign3A_46 = arith.extui %sign3A_45 : i1 to i32
      %sign3A_47 = arith.subi %sign3A_43, %sign3A_46 : i32
      %ne3A = arith.cmpi ne, %sign3A_40, %sign3A_47 : i32
      %rem3A = arith.remsi %add3A_34, %jit3A : i32
      %ne3A_48 = arith.constant 0 : i32
      %ne3A_49 = arith.cmpi ne, %rem3A, %ne3A_48 : i32
      %and3A = arith.andi %ne3A, %ne3A_49 : i1
      %sub3A = arith.constant 1 : i32
      %sub3A_50 = arith.subi %div3A, %sub3A : i32
      %select_n3A = arith.select %and3A, %sub3A_50, %div3A : i32
      %mul3A_51 = arith.constant 16 : i32
      %mul3A_52 = arith.muli %select_n3A, %mul3A_51 : i32
      %sub3A_53 = arith.subi %add3A_34, %mul3A_52 : i32
      %broadcast_in_dim3A_54 = vector.broadcast %sub3A_53 : i32 to vector<16x1xi32>
      %get3A = arith.index_cast %mul3A_52 : i32 to index
      %get3A_55 = tpu.vector_load %arg6[%get3A] {strides = array<i32>} : memref<4096xf32, #tpu.memory_space<vmem>>, vector<16xf32>,
      %get3A_56 = vector.shape_cast %get3A_55 : vector<16xf32> to vector<16xf32>
      %gather3A = vector.shape_cast %broadcast_in_dim3A_54 : vector<16x1xi32> to vector<16xi32>
      %gather3A_57 = tpu.dynamic_gather %get3A_56[%gather3A] in [0] : vector<16xf32>, vector<16xi32> -> vector<16xf32>
      %get3A_58 = arith.index_cast %mul3A_52 : i32 to index
      %get3A_59 = tpu.vector_load %arg7[%get3A_58] {strides = array<i32>} : memref<4096xf32, #tpu.memory_space<vmem>>, vector<16xf32>,
      %get3A_60 = vector.shape_cast %get3A_59 : vector<16xf32> to vector<16xf32>
      %gather3A_61 = vector.shape_cast %broadcast_in_dim3A_54 : vector<16x1xi32> to vector<16xi32>
      %gather3A_62 = tpu.dynamic_gather %get3A_60[%gather3A_61] in [0] : vector<16xf32>, vector<16xi32> -> vector<16xf32>
      %get3A_63 = arith.index_cast %mul3A_52 : i32 to index
      %get3A_64 = tpu.vector_load %arg8[%get3A_63] {strides = array<i32>} : memref<4096xf32, #tpu.memory_space<vmem>>, vector<16xf32>,
      %get3A_65 = vector.shape_cast %get3A_64 : vector<16xf32> to vector<16xf32>
      %gather3A_66 = vector.shape_cast %broadcast_in_dim3A_54 : vector<16x1xi32> to vector<16xi32>
      %gather3A_67 = tpu.dynamic_gather %get3A_65[%gather3A_66] in [0] : vector<16xf32>, vector<16xi32> -> vector<16xf32>
      %broadcast_in_dim3A_68 = arith.constant 0x7F800000 : f32
      %broadcast_in_dim3A_69 = vector.broadcast %broadcast_in_dim3A_68 : f32 to vector<16xf32>
      %scan3A_70 = arith.constant 0 : i32
      %scan3A_71 = arith.constant 256 : i32
      %scan3A_72 = arith.addi %scan3A_70, %scan3A_71 : i32
      %scan3A_73 = arith.constant 1 : i32
      %scan3A_74:9 = scf.for %scan3A_742 = %scan3A_70 to %scan3A_72 step %scan3A_73 iter_args(%scan3A_743 = %broadcast_in_dim3A_69, %scan3A_744 = %broadcast_in_dim3A_69, %scan3A_745 = %broadcast_in_dim3A_69, %scan3A_746 = %broadcast_in_dim3A_69, %scan3A_747 = %broadcast_in_dim3A_69, %scan3A_748 = %broadcast_in_dim3A_69, %scan3A_749 = %broadcast_in_dim3A_69, %scan3A_750 = %broadcast_in_dim3A_69, %scan3A_751 = %broadcast_in_dim3A_69) -> (vector<16xf32>, vector<16xf32>, vector<16xf32>, vector<16xf32>, vector<16xf32>, vector<16xf32>, vector<16xf32>, vector<16xf32>, vector<16xf32>)  : i32 {
        %mul3A_752 = arith.constant 16 : i32
        %mul3A_753 = arith.muli %scan3A_742, %mul3A_752 : i32
        %get3A_754 = arith.index_cast %mul3A_753 : i32 to index
        %get3A_755 = tpu.vector_load %arg6[%get3A_754] {strides = array<i32>} : memref<4096xf32, #tpu.memory_space<vmem>>, vector<16xf32>,
        %get3A_756 = vector.shape_cast %get3A_755 : vector<16xf32> to vector<16xf32>
        %sub3A_757 = arith.subf %get3A_756, %gather3A_57 : vector<16xf32>
        %get3A_758 = arith.index_cast %mul3A_753 : i32 to index
        %get3A_759 = tpu.vector_load %arg7[%get3A_758] {strides = array<i32>} : memref<4096xf32, #tpu.memory_space<vmem>>, vector<16xf32>,
        %get3A_760 = vector.shape_cast %get3A_759 : vector<16xf32> to vector<16xf32>
        %sub3A_761 = arith.subf %get3A_760, %gather3A_62 : vector<16xf32>
        %get3A_762 = arith.index_cast %mul3A_753 : i32 to index
        %get3A_763 = tpu.vector_load %arg8[%get3A_762] {strides = array<i32>} : memref<4096xf32, #tpu.memory_space<vmem>>, vector<16xf32>,
        %get3A_764 = vector.shape_cast %get3A_763 : vector<16xf32> to vector<16xf32>
        %sub3A_765 = arith.subf %get3A_764, %gather3A_67 : vector<16xf32>
        %mul3A_766 = arith.mulf %sub3A_757, %sub3A_757 : vector<16xf32>
        %mul3A_767 = arith.mulf %sub3A_761, %sub3A_761 : vector<16xf32>
        %add3A_768 = arith.addf %mul3A_766, %mul3A_767 : vector<16xf32>
        %mul3A_769 = arith.mulf %sub3A_765, %sub3A_765 : vector<16xf32>
        %add3A_770 = arith.addf %add3A_768, %mul3A_769 : vector<16xf32>
        %min3A_771 = arith.minimumf %scan3A_743, %add3A_770 : vector<16xf32>
        %max3A = arith.maximumf %scan3A_743, %add3A_770 : vector<16xf32>
        %min3A_772 = arith.minimumf %scan3A_744, %max3A : vector<16xf32>
        %max3A_773 = arith.maximumf %scan3A_744, %max3A : vector<16xf32>
        %min3A_774 = arith.minimumf %scan3A_745, %max3A_773 : vector<16xf32>
        %max3A_775 = arith.maximumf %scan3A_745, %max3A_773 : vector<16xf32>
        %min3A_776 = arith.minimumf %scan3A_746, %max3A_775 : vector<16xf32>
        %max3A_777 = arith.maximumf %scan3A_746, %max3A_775 : vector<16xf32>
        %min3A_778 = arith.minimumf %scan3A_747, %max3A_777 : vector<16xf32>
        %max3A_779 = arith.maximumf %scan3A_747, %max3A_777 : vector<16xf32>
        %min3A_780 = arith.minimumf %scan3A_748, %max3A_779 : vector<16xf32>
        %max3A_781 = arith.maximumf %scan3A_748, %max3A_779 : vector<16xf32>
        %min3A_782 = arith.minimumf %scan3A_749, %max3A_781 : vector<16xf32>
        %max3A_783 = arith.maximumf %scan3A_749, %max3A_781 : vector<16xf32>
        %min3A_784 = arith.minimumf %scan3A_750, %max3A_783 : vector<16xf32>
        %max3A_785 = arith.maximumf %scan3A_750, %max3A_783 : vector<16xf32>
        %min3A_786 = arith.minimumf %scan3A_751, %max3A_785 : vector<16xf32>
        %max3A_787 = arith.maximumf %scan3A_751, %max3A_785 : vector<16xf32>
        scf.yield %min3A_771, %min3A_772, %min3A_774, %min3A_776, %min3A_778, %min3A_780, %min3A_782, %min3A_784, %min3A_786 : vector<16xf32>, vector<16xf32>, vector<16xf32>, vector<16xf32>, vector<16xf32>, vector<16xf32>, vector<16xf32>, vector<16xf32>, vector<16xf32>
      }
      %scan3A_75 = arith.constant 256 : i32
      %iota3A = tpu.iota {dimensions = array<i32: 0>} : vector<16xi32>
      %broadcast_in_dim3A_76 = arith.constant 0.000000e+00 : f32
      %broadcast_in_dim3A_77 = vector.broadcast %broadcast_in_dim3A_76 : f32 to vector<16xf32>
      %min3A = arith.minimumf %scan3A_74#0, %scan3A_74#1 : vector<16xf32>
      %min3A_78 = arith.minimumf %min3A, %scan3A_74#2 : vector<16xf32>
      %min3A_79 = arith.minimumf %min3A_78, %scan3A_74#3 : vector<16xf32>
      %min3A_80 = arith.minimumf %min3A_79, %scan3A_74#4 : vector<16xf32>
      %min3A_81 = arith.minimumf %min3A_80, %scan3A_74#5 : vector<16xf32>
      %min3A_82 = arith.minimumf %min3A_81, %scan3A_74#6 : vector<16xf32>
      %min3A_83 = arith.minimumf %min3A_82, %scan3A_74#7 : vector<16xf32>
      %min3A_84 = arith.minimumf %min3A_83, %scan3A_74#8 : vector<16xf32>
      %xor3A = arith.constant 8 : i32
      %xor3A_85 = vector.broadcast %xor3A : i32 to vector<16xi32>
      %xor3A_86 = arith.xori %iota3A, %xor3A_85 : vector<16xi32>
      %reshape3A = vector.shape_cast %xor3A_86 : vector<16xi32> to vector<16x1xi32>
      %gather3A_87 = vector.shape_cast %reshape3A : vector<16x1xi32> to vector<16xi32>
      %gather3A_88 = tpu.dynamic_gather %min3A_84[%gather3A_87] in [0] : vector<16xf32>, vector<16xi32> -> vector<16xf32>
      %min3A_89 = arith.minimumf %min3A_84, %gather3A_88 : vector<16xf32>
      %xor3A_90 = arith.constant 4 : i32
      %xor3A_91 = vector.broadcast %xor3A_90 : i32 to vector<16xi32>
      %xor3A_92 = arith.xori %iota3A, %xor3A_91 : vector<16xi32>
      %reshape3A_93 = vector.shape_cast %xor3A_92 : vector<16xi32> to vector<16x1xi32>
      %gather3A_94 = vector.shape_cast %reshape3A_93 : vector<16x1xi32> to vector<16xi32>
      %gather3A_95 = tpu.dynamic_gather %min3A_89[%gather3A_94] in [0] : vector<16xf32>, vector<16xi32> -> vector<16xf32>
      %min3A_96 = arith.minimumf %min3A_89, %gather3A_95 : vector<16xf32>
      %xor3A_97 = arith.constant 2 : i32
      %xor3A_98 = vector.broadcast %xor3A_97 : i32 to vector<16xi32>
      %xor3A_99 = arith.xori %iota3A, %xor3A_98 : vector<16xi32>
      %reshape3A_100 = vector.shape_cast %xor3A_99 : vector<16xi32> to vector<16x1xi32>
      %gather3A_101 = vector.shape_cast %reshape3A_100 : vector<16x1xi32> to vector<16xi32>
      %gather3A_102 = tpu.dynamic_gather %min3A_96[%gather3A_101] in [0] : vector<16xf32>, vector<16xi32> -> vector<16xf32>
      %min3A_103 = arith.minimumf %min3A_96, %gather3A_102 : vector<16xf32>
      %xor3A_104 = arith.constant 1 : i32
      %xor3A_105 = vector.broadcast %xor3A_104 : i32 to vector<16xi32>
      %xor3A_106 = arith.xori %iota3A, %xor3A_105 : vector<16xi32>
      %reshape3A_107 = vector.shape_cast %xor3A_106 : vector<16xi32> to vector<16x1xi32>
      %gather3A_108 = vector.shape_cast %reshape3A_107 : vector<16x1xi32> to vector<16xi32>
      %gather3A_109 = tpu.dynamic_gather %min3A_103[%gather3A_108] in [0] : vector<16xf32>, vector<16xi32> -> vector<16xf32>
      %min3A_110 = arith.minimumf %min3A_103, %gather3A_109 : vector<16xf32>
      %eq3A = arith.cmpf oeq, %scan3A_74#0, %min3A_110 : vector<16xf32>
      %jit3A_111 = arith.constant 0x7F800000 : f32
      %broadcast_in_dim3A_112 = vector.broadcast %jit3A_111 : f32 to vector<16xf32>
      %select_n3A_113 = arith.select %eq3A, %broadcast_in_dim3A_112, %scan3A_74#0 : vector<16xi1>, vector<16xf32>
      %eq3A_114 = arith.cmpf oeq, %scan3A_74#1, %min3A_110 : vector<16xf32>
      %jit3A_115 = arith.constant 0x7F800000 : f32
      %broadcast_in_dim3A_116 = vector.broadcast %jit3A_115 : f32 to vector<16xf32>
      %select_n3A_117 = arith.select %eq3A_114, %broadcast_in_dim3A_116, %scan3A_74#1 : vector<16xi1>, vector<16xf32>
      %eq3A_118 = arith.cmpf oeq, %scan3A_74#2, %min3A_110 : vector<16xf32>
      %jit3A_119 = arith.constant 0x7F800000 : f32
      %broadcast_in_dim3A_120 = vector.broadcast %jit3A_119 : f32 to vector<16xf32>
      %select_n3A_121 = arith.select %eq3A_118, %broadcast_in_dim3A_120, %scan3A_74#2 : vector<16xi1>, vector<16xf32>
      %eq3A_122 = arith.cmpf oeq, %scan3A_74#3, %min3A_110 : vector<16xf32>
      %jit3A_123 = arith.constant 0x7F800000 : f32
      %broadcast_in_dim3A_124 = vector.broadcast %jit3A_123 : f32 to vector<16xf32>
      %select_n3A_125 = arith.select %eq3A_122, %broadcast_in_dim3A_124, %scan3A_74#3 : vector<16xi1>, vector<16xf32>
      %eq3A_126 = arith.cmpf oeq, %scan3A_74#4, %min3A_110 : vector<16xf32>
      %jit3A_127 = arith.constant 0x7F800000 : f32
      %broadcast_in_dim3A_128 = vector.broadcast %jit3A_127 : f32 to vector<16xf32>
      %select_n3A_129 = arith.select %eq3A_126, %broadcast_in_dim3A_128, %scan3A_74#4 : vector<16xi1>, vector<16xf32>
      %eq3A_130 = arith.cmpf oeq, %scan3A_74#5, %min3A_110 : vector<16xf32>
      %jit3A_131 = arith.constant 0x7F800000 : f32
      %broadcast_in_dim3A_132 = vector.broadcast %jit3A_131 : f32 to vector<16xf32>
      %select_n3A_133 = arith.select %eq3A_130, %broadcast_in_dim3A_132, %scan3A_74#5 : vector<16xi1>, vector<16xf32>
      %eq3A_134 = arith.cmpf oeq, %scan3A_74#6, %min3A_110 : vector<16xf32>
      %jit3A_135 = arith.constant 0x7F800000 : f32
      %broadcast_in_dim3A_136 = vector.broadcast %jit3A_135 : f32 to vector<16xf32>
      %select_n3A_137 = arith.select %eq3A_134, %broadcast_in_dim3A_136, %scan3A_74#6 : vector<16xi1>, vector<16xf32>
      %eq3A_138 = arith.cmpf oeq, %scan3A_74#7, %min3A_110 : vector<16xf32>
      %jit3A_139 = arith.constant 0x7F800000 : f32
      %broadcast_in_dim3A_140 = vector.broadcast %jit3A_139 : f32 to vector<16xf32>
      %select_n3A_141 = arith.select %eq3A_138, %broadcast_in_dim3A_140, %scan3A_74#7 : vector<16xi1>, vector<16xf32>
      %eq3A_142 = arith.cmpf oeq, %scan3A_74#8, %min3A_110 : vector<16xf32>
      %jit3A_143 = arith.constant 0x7F800000 : f32
      %broadcast_in_dim3A_144 = vector.broadcast %jit3A_143 : f32 to vector<16xf32>
      %select_n3A_145 = arith.select %eq3A_142, %broadcast_in_dim3A_144, %scan3A_74#8 : vector<16xi1>, vector<16xf32>
      %min3A_146 = arith.minimumf %select_n3A_113, %select_n3A_117 : vector<16xf32>
      %min3A_147 = arith.minimumf %min3A_146, %select_n3A_121 : vector<16xf32>
      %min3A_148 = arith.minimumf %min3A_147, %select_n3A_125 : vector<16xf32>
      %min3A_149 = arith.minimumf %min3A_148, %select_n3A_129 : vector<16xf32>
      %min3A_150 = arith.minimumf %min3A_149, %select_n3A_133 : vector<16xf32>
      %min3A_151 = arith.minimumf %min3A_150, %select_n3A_137 : vector<16xf32>
      %min3A_152 = arith.minimumf %min3A_151, %select_n3A_141 : vector<16xf32>
      %min3A_153 = arith.minimumf %min3A_152, %select_n3A_145 : vector<16xf32>
      %xor3A_154 = arith.constant 8 : i32
      %xor3A_155 = vector.broadcast %xor3A_154 : i32 to vector<16xi32>
      %xor3A_156 = arith.xori %iota3A, %xor3A_155 : vector<16xi32>
      %reshape3A_157 = vector.shape_cast %xor3A_156 : vector<16xi32> to vector<16x1xi32>
      %gather3A_158 = vector.shape_cast %reshape3A_157 : vector<16x1xi32> to vector<16xi32>
      %gather3A_159 = tpu.dynamic_gather %min3A_153[%gather3A_158] in [0] : vector<16xf32>, vector<16xi32> -> vector<16xf32>
      %min3A_160 = arith.minimumf %min3A_153, %gather3A_159 : vector<16xf32>
      %xor3A_161 = arith.constant 4 : i32
      %xor3A_162 = vector.broadcast %xor3A_161 : i32 to vector<16xi32>
      %xor3A_163 = arith.xori %iota3A, %xor3A_162 : vector<16xi32>
      %reshape3A_164 = vector.shape_cast %xor3A_163 : vector<16xi32> to vector<16x1xi32>
      %gather3A_165 = vector.shape_cast %reshape3A_164 : vector<16x1xi32> to vector<16xi32>
      %gather3A_166 = tpu.dynamic_gather %min3A_160[%gather3A_165] in [0] : vector<16xf32>, vector<16xi32> -> vector<16xf32>
      %min3A_167 = arith.minimumf %min3A_160, %gather3A_166 : vector<16xf32>
      %xor3A_168 = arith.constant 2 : i32
      %xor3A_169 = vector.broadcast %xor3A_168 : i32 to vector<16xi32>
      %xor3A_170 = arith.xori %iota3A, %xor3A_169 : vector<16xi32>
      %reshape3A_171 = vector.shape_cast %xor3A_170 : vector<16xi32> to vector<16x1xi32>
      %gather3A_172 = vector.shape_cast %reshape3A_171 : vector<16x1xi32> to vector<16xi32>
      %gather3A_173 = tpu.dynamic_gather %min3A_167[%gather3A_172] in [0] : vector<16xf32>, vector<16xi32> -> vector<16xf32>
      %min3A_174 = arith.minimumf %min3A_167, %gather3A_173 : vector<16xf32>
      %xor3A_175 = arith.constant 1 : i32
      %xor3A_176 = vector.broadcast %xor3A_175 : i32 to vector<16xi32>
      %xor3A_177 = arith.xori %iota3A, %xor3A_176 : vector<16xi32>
      %reshape3A_178 = vector.shape_cast %xor3A_177 : vector<16xi32> to vector<16x1xi32>
      %gather3A_179 = vector.shape_cast %reshape3A_178 : vector<16x1xi32> to vector<16xi32>
      %gather3A_180 = tpu.dynamic_gather %min3A_174[%gather3A_179] in [0] : vector<16xf32>, vector<16xi32> -> vector<16xf32>
      %min3A_181 = arith.minimumf %min3A_174, %gather3A_180 : vector<16xf32>
      %lt3A = arith.constant 3.000000e+38 : f32
      %lt3A_182 = vector.broadcast %lt3A : f32 to vector<16xf32>
      %lt3A_183 = arith.cmpf olt, %min3A_181, %lt3A_182 : vector<16xf32>
      %jit3A_184 = arith.constant 0.000000e+00 : f32
      %broadcast_in_dim3A_185 = vector.broadcast %jit3A_184 : f32 to vector<16xf32>
      %select_n3A_186 = arith.select %lt3A_183, %min3A_181, %broadcast_in_dim3A_185 : vector<16xi1>, vector<16xf32>
      %add3A_187 = arith.addf %broadcast_in_dim3A_77, %select_n3A_186 : vector<16xf32>
      %eq3A_188 = arith.cmpf oeq, %select_n3A_113, %min3A_181 : vector<16xf32>
      %jit3A_189 = arith.constant 0x7F800000 : f32
      %broadcast_in_dim3A_190 = vector.broadcast %jit3A_189 : f32 to vector<16xf32>
      %select_n3A_191 = arith.select %eq3A_188, %broadcast_in_dim3A_190, %select_n3A_113 : vector<16xi1>, vector<16xf32>
      %eq3A_192 = arith.cmpf oeq, %select_n3A_117, %min3A_181 : vector<16xf32>
      %jit3A_193 = arith.constant 0x7F800000 : f32
      %broadcast_in_dim3A_194 = vector.broadcast %jit3A_193 : f32 to vector<16xf32>
      %select_n3A_195 = arith.select %eq3A_192, %broadcast_in_dim3A_194, %select_n3A_117 : vector<16xi1>, vector<16xf32>
      %eq3A_196 = arith.cmpf oeq, %select_n3A_121, %min3A_181 : vector<16xf32>
      %jit3A_197 = arith.constant 0x7F800000 : f32
      %broadcast_in_dim3A_198 = vector.broadcast %jit3A_197 : f32 to vector<16xf32>
      %select_n3A_199 = arith.select %eq3A_196, %broadcast_in_dim3A_198, %select_n3A_121 : vector<16xi1>, vector<16xf32>
      %eq3A_200 = arith.cmpf oeq, %select_n3A_125, %min3A_181 : vector<16xf32>
      %jit3A_201 = arith.constant 0x7F800000 : f32
      %broadcast_in_dim3A_202 = vector.broadcast %jit3A_201 : f32 to vector<16xf32>
      %select_n3A_203 = arith.select %eq3A_200, %broadcast_in_dim3A_202, %select_n3A_125 : vector<16xi1>, vector<16xf32>
      %eq3A_204 = arith.cmpf oeq, %select_n3A_129, %min3A_181 : vector<16xf32>
      %jit3A_205 = arith.constant 0x7F800000 : f32
      %broadcast_in_dim3A_206 = vector.broadcast %jit3A_205 : f32 to vector<16xf32>
      %select_n3A_207 = arith.select %eq3A_204, %broadcast_in_dim3A_206, %select_n3A_129 : vector<16xi1>, vector<16xf32>
      %eq3A_208 = arith.cmpf oeq, %select_n3A_133, %min3A_181 : vector<16xf32>
      %jit3A_209 = arith.constant 0x7F800000 : f32
      %broadcast_in_dim3A_210 = vector.broadcast %jit3A_209 : f32 to vector<16xf32>
      %select_n3A_211 = arith.select %eq3A_208, %broadcast_in_dim3A_210, %select_n3A_133 : vector<16xi1>, vector<16xf32>
      %eq3A_212 = arith.cmpf oeq, %select_n3A_137, %min3A_181 : vector<16xf32>
      %jit3A_213 = arith.constant 0x7F800000 : f32
      %broadcast_in_dim3A_214 = vector.broadcast %jit3A_213 : f32 to vector<16xf32>
      %select_n3A_215 = arith.select %eq3A_212, %broadcast_in_dim3A_214, %select_n3A_137 : vector<16xi1>, vector<16xf32>
      %eq3A_216 = arith.cmpf oeq, %select_n3A_141, %min3A_181 : vector<16xf32>
      %jit3A_217 = arith.constant 0x7F800000 : f32
      %broadcast_in_dim3A_218 = vector.broadcast %jit3A_217 : f32 to vector<16xf32>
      %select_n3A_219 = arith.select %eq3A_216, %broadcast_in_dim3A_218, %select_n3A_141 : vector<16xi1>, vector<16xf32>
      %eq3A_220 = arith.cmpf oeq, %select_n3A_145, %min3A_181 : vector<16xf32>
      %jit3A_221 = arith.constant 0x7F800000 : f32
      %broadcast_in_dim3A_222 = vector.broadcast %jit3A_221 : f32 to vector<16xf32>
      %select_n3A_223 = arith.select %eq3A_220, %broadcast_in_dim3A_222, %select_n3A_145 : vector<16xi1>, vector<16xf32>
      %min3A_224 = arith.minimumf %select_n3A_191, %select_n3A_195 : vector<16xf32>
      %min3A_225 = arith.minimumf %min3A_224, %select_n3A_199 : vector<16xf32>
      %min3A_226 = arith.minimumf %min3A_225, %select_n3A_203 : vector<16xf32>
      %min3A_227 = arith.minimumf %min3A_226, %select_n3A_207 : vector<16xf32>
      %min3A_228 = arith.minimumf %min3A_227, %select_n3A_211 : vector<16xf32>
      %min3A_229 = arith.minimumf %min3A_228, %select_n3A_215 : vector<16xf32>
      %min3A_230 = arith.minimumf %min3A_229, %select_n3A_219 : vector<16xf32>
      %min3A_231 = arith.minimumf %min3A_230, %select_n3A_223 : vector<16xf32>
      %xor3A_232 = arith.constant 8 : i32
      %xor3A_233 = vector.broadcast %xor3A_232 : i32 to vector<16xi32>
      %xor3A_234 = arith.xori %iota3A, %xor3A_233 : vector<16xi32>
      %reshape3A_235 = vector.shape_cast %xor3A_234 : vector<16xi32> to vector<16x1xi32>
      %gather3A_236 = vector.shape_cast %reshape3A_235 : vector<16x1xi32> to vector<16xi32>
      %gather3A_237 = tpu.dynamic_gather %min3A_231[%gather3A_236] in [0] : vector<16xf32>, vector<16xi32> -> vector<16xf32>
      %min3A_238 = arith.minimumf %min3A_231, %gather3A_237 : vector<16xf32>
      %xor3A_239 = arith.constant 4 : i32
      %xor3A_240 = vector.broadcast %xor3A_239 : i32 to vector<16xi32>
      %xor3A_241 = arith.xori %iota3A, %xor3A_240 : vector<16xi32>
      %reshape3A_242 = vector.shape_cast %xor3A_241 : vector<16xi32> to vector<16x1xi32>
      %gather3A_243 = vector.shape_cast %reshape3A_242 : vector<16x1xi32> to vector<16xi32>
      %gather3A_244 = tpu.dynamic_gather %min3A_238[%gather3A_243] in [0] : vector<16xf32>, vector<16xi32> -> vector<16xf32>
      %min3A_245 = arith.minimumf %min3A_238, %gather3A_244 : vector<16xf32>
      %xor3A_246 = arith.constant 2 : i32
      %xor3A_247 = vector.broadcast %xor3A_246 : i32 to vector<16xi32>
      %xor3A_248 = arith.xori %iota3A, %xor3A_247 : vector<16xi32>
      %reshape3A_249 = vector.shape_cast %xor3A_248 : vector<16xi32> to vector<16x1xi32>
      %gather3A_250 = vector.shape_cast %reshape3A_249 : vector<16x1xi32> to vector<16xi32>
      %gather3A_251 = tpu.dynamic_gather %min3A_245[%gather3A_250] in [0] : vector<16xf32>, vector<16xi32> -> vector<16xf32>
      %min3A_252 = arith.minimumf %min3A_245, %gather3A_251 : vector<16xf32>
      %xor3A_253 = arith.constant 1 : i32
      %xor3A_254 = vector.broadcast %xor3A_253 : i32 to vector<16xi32>
      %xor3A_255 = arith.xori %iota3A, %xor3A_254 : vector<16xi32>
      %reshape3A_256 = vector.shape_cast %xor3A_255 : vector<16xi32> to vector<16x1xi32>
      %gather3A_257 = vector.shape_cast %reshape3A_256 : vector<16x1xi32> to vector<16xi32>
      %gather3A_258 = tpu.dynamic_gather %min3A_252[%gather3A_257] in [0] : vector<16xf32>, vector<16xi32> -> vector<16xf32>
      %min3A_259 = arith.minimumf %min3A_252, %gather3A_258 : vector<16xf32>
      %lt3A_260 = arith.constant 3.000000e+38 : f32
      %lt3A_261 = vector.broadcast %lt3A_260 : f32 to vector<16xf32>
      %lt3A_262 = arith.cmpf olt, %min3A_259, %lt3A_261 : vector<16xf32>
      %jit3A_263 = arith.constant 0.000000e+00 : f32
      %broadcast_in_dim3A_264 = vector.broadcast %jit3A_263 : f32 to vector<16xf32>
      %select_n3A_265 = arith.select %lt3A_262, %min3A_259, %broadcast_in_dim3A_264 : vector<16xi1>, vector<16xf32>
      %add3A_266 = arith.addf %add3A_187, %select_n3A_265 : vector<16xf32>
      %eq3A_267 = arith.cmpf oeq, %select_n3A_191, %min3A_259 : vector<16xf32>
      %jit3A_268 = arith.constant 0x7F800000 : f32
      %broadcast_in_dim3A_269 = vector.broadcast %jit3A_268 : f32 to vector<16xf32>
      %select_n3A_270 = arith.select %eq3A_267, %broadcast_in_dim3A_269, %select_n3A_191 : vector<16xi1>, vector<16xf32>
      %eq3A_271 = arith.cmpf oeq, %select_n3A_195, %min3A_259 : vector<16xf32>
      %jit3A_272 = arith.constant 0x7F800000 : f32
      %broadcast_in_dim3A_273 = vector.broadcast %jit3A_272 : f32 to vector<16xf32>
      %select_n3A_274 = arith.select %eq3A_271, %broadcast_in_dim3A_273, %select_n3A_195 : vector<16xi1>, vector<16xf32>
      %eq3A_275 = arith.cmpf oeq, %select_n3A_199, %min3A_259 : vector<16xf32>
      %jit3A_276 = arith.constant 0x7F800000 : f32
      %broadcast_in_dim3A_277 = vector.broadcast %jit3A_276 : f32 to vector<16xf32>
      %select_n3A_278 = arith.select %eq3A_275, %broadcast_in_dim3A_277, %select_n3A_199 : vector<16xi1>, vector<16xf32>
      %eq3A_279 = arith.cmpf oeq, %select_n3A_203, %min3A_259 : vector<16xf32>
      %jit3A_280 = arith.constant 0x7F800000 : f32
      %broadcast_in_dim3A_281 = vector.broadcast %jit3A_280 : f32 to vector<16xf32>
      %select_n3A_282 = arith.select %eq3A_279, %broadcast_in_dim3A_281, %select_n3A_203 : vector<16xi1>, vector<16xf32>
      %eq3A_283 = arith.cmpf oeq, %select_n3A_207, %min3A_259 : vector<16xf32>
      %jit3A_284 = arith.constant 0x7F800000 : f32
      %broadcast_in_dim3A_285 = vector.broadcast %jit3A_284 : f32 to vector<16xf32>
      %select_n3A_286 = arith.select %eq3A_283, %broadcast_in_dim3A_285, %select_n3A_207 : vector<16xi1>, vector<16xf32>
      %eq3A_287 = arith.cmpf oeq, %select_n3A_211, %min3A_259 : vector<16xf32>
      %jit3A_288 = arith.constant 0x7F800000 : f32
      %broadcast_in_dim3A_289 = vector.broadcast %jit3A_288 : f32 to vector<16xf32>
      %select_n3A_290 = arith.select %eq3A_287, %broadcast_in_dim3A_289, %select_n3A_211 : vector<16xi1>, vector<16xf32>
      %eq3A_291 = arith.cmpf oeq, %select_n3A_215, %min3A_259 : vector<16xf32>
      %jit3A_292 = arith.constant 0x7F800000 : f32
      %broadcast_in_dim3A_293 = vector.broadcast %jit3A_292 : f32 to vector<16xf32>
      %select_n3A_294 = arith.select %eq3A_291, %broadcast_in_dim3A_293, %select_n3A_215 : vector<16xi1>, vector<16xf32>
      %eq3A_295 = arith.cmpf oeq, %select_n3A_219, %min3A_259 : vector<16xf32>
      %jit3A_296 = arith.constant 0x7F800000 : f32
      %broadcast_in_dim3A_297 = vector.broadcast %jit3A_296 : f32 to vector<16xf32>
      %select_n3A_298 = arith.select %eq3A_295, %broadcast_in_dim3A_297, %select_n3A_219 : vector<16xi1>, vector<16xf32>
      %eq3A_299 = arith.cmpf oeq, %select_n3A_223, %min3A_259 : vector<16xf32>
      %jit3A_300 = arith.constant 0x7F800000 : f32
      %broadcast_in_dim3A_301 = vector.broadcast %jit3A_300 : f32 to vector<16xf32>
      %select_n3A_302 = arith.select %eq3A_299, %broadcast_in_dim3A_301, %select_n3A_223 : vector<16xi1>, vector<16xf32>
      %min3A_303 = arith.minimumf %select_n3A_270, %select_n3A_274 : vector<16xf32>
      %min3A_304 = arith.minimumf %min3A_303, %select_n3A_278 : vector<16xf32>
      %min3A_305 = arith.minimumf %min3A_304, %select_n3A_282 : vector<16xf32>
      %min3A_306 = arith.minimumf %min3A_305, %select_n3A_286 : vector<16xf32>
      %min3A_307 = arith.minimumf %min3A_306, %select_n3A_290 : vector<16xf32>
      %min3A_308 = arith.minimumf %min3A_307, %select_n3A_294 : vector<16xf32>
      %min3A_309 = arith.minimumf %min3A_308, %select_n3A_298 : vector<16xf32>
      %min3A_310 = arith.minimumf %min3A_309, %select_n3A_302 : vector<16xf32>
      %xor3A_311 = arith.constant 8 : i32
      %xor3A_312 = vector.broadcast %xor3A_311 : i32 to vector<16xi32>
      %xor3A_313 = arith.xori %iota3A, %xor3A_312 : vector<16xi32>
      %reshape3A_314 = vector.shape_cast %xor3A_313 : vector<16xi32> to vector<16x1xi32>
      %gather3A_315 = vector.shape_cast %reshape3A_314 : vector<16x1xi32> to vector<16xi32>
      %gather3A_316 = tpu.dynamic_gather %min3A_310[%gather3A_315] in [0] : vector<16xf32>, vector<16xi32> -> vector<16xf32>
      %min3A_317 = arith.minimumf %min3A_310, %gather3A_316 : vector<16xf32>
      %xor3A_318 = arith.constant 4 : i32
      %xor3A_319 = vector.broadcast %xor3A_318 : i32 to vector<16xi32>
      %xor3A_320 = arith.xori %iota3A, %xor3A_319 : vector<16xi32>
      %reshape3A_321 = vector.shape_cast %xor3A_320 : vector<16xi32> to vector<16x1xi32>
      %gather3A_322 = vector.shape_cast %reshape3A_321 : vector<16x1xi32> to vector<16xi32>
      %gather3A_323 = tpu.dynamic_gather %min3A_317[%gather3A_322] in [0] : vector<16xf32>, vector<16xi32> -> vector<16xf32>
      %min3A_324 = arith.minimumf %min3A_317, %gather3A_323 : vector<16xf32>
      %xor3A_325 = arith.constant 2 : i32
      %xor3A_326 = vector.broadcast %xor3A_325 : i32 to vector<16xi32>
      %xor3A_327 = arith.xori %iota3A, %xor3A_326 : vector<16xi32>
      %reshape3A_328 = vector.shape_cast %xor3A_327 : vector<16xi32> to vector<16x1xi32>
      %gather3A_329 = vector.shape_cast %reshape3A_328 : vector<16x1xi32> to vector<16xi32>
      %gather3A_330 = tpu.dynamic_gather %min3A_324[%gather3A_329] in [0] : vector<16xf32>, vector<16xi32> -> vector<16xf32>
      %min3A_331 = arith.minimumf %min3A_324, %gather3A_330 : vector<16xf32>
      %xor3A_332 = arith.constant 1 : i32
      %xor3A_333 = vector.broadcast %xor3A_332 : i32 to vector<16xi32>
      %xor3A_334 = arith.xori %iota3A, %xor3A_333 : vector<16xi32>
      %reshape3A_335 = vector.shape_cast %xor3A_334 : vector<16xi32> to vector<16x1xi32>
      %gather3A_336 = vector.shape_cast %reshape3A_335 : vector<16x1xi32> to vector<16xi32>
      %gather3A_337 = tpu.dynamic_gather %min3A_331[%gather3A_336] in [0] : vector<16xf32>, vector<16xi32> -> vector<16xf32>
      %min3A_338 = arith.minimumf %min3A_331, %gather3A_337 : vector<16xf32>
      %lt3A_339 = arith.constant 3.000000e+38 : f32
      %lt3A_340 = vector.broadcast %lt3A_339 : f32 to vector<16xf32>
      %lt3A_341 = arith.cmpf olt, %min3A_338, %lt3A_340 : vector<16xf32>
      %jit3A_342 = arith.constant 0.000000e+00 : f32
      %broadcast_in_dim3A_343 = vector.broadcast %jit3A_342 : f32 to vector<16xf32>
      %select_n3A_344 = arith.select %lt3A_341, %min3A_338, %broadcast_in_dim3A_343 : vector<16xi1>, vector<16xf32>
      %add3A_345 = arith.addf %add3A_266, %select_n3A_344 : vector<16xf32>
      %eq3A_346 = arith.cmpf oeq, %select_n3A_270, %min3A_338 : vector<16xf32>
      %jit3A_347 = arith.constant 0x7F800000 : f32
      %broadcast_in_dim3A_348 = vector.broadcast %jit3A_347 : f32 to vector<16xf32>
      %select_n3A_349 = arith.select %eq3A_346, %broadcast_in_dim3A_348, %select_n3A_270 : vector<16xi1>, vector<16xf32>
      %eq3A_350 = arith.cmpf oeq, %select_n3A_274, %min3A_338 : vector<16xf32>
      %jit3A_351 = arith.constant 0x7F800000 : f32
      %broadcast_in_dim3A_352 = vector.broadcast %jit3A_351 : f32 to vector<16xf32>
      %select_n3A_353 = arith.select %eq3A_350, %broadcast_in_dim3A_352, %select_n3A_274 : vector<16xi1>, vector<16xf32>
      %eq3A_354 = arith.cmpf oeq, %select_n3A_278, %min3A_338 : vector<16xf32>
      %jit3A_355 = arith.constant 0x7F800000 : f32
      %broadcast_in_dim3A_356 = vector.broadcast %jit3A_355 : f32 to vector<16xf32>
      %select_n3A_357 = arith.select %eq3A_354, %broadcast_in_dim3A_356, %select_n3A_278 : vector<16xi1>, vector<16xf32>
      %eq3A_358 = arith.cmpf oeq, %select_n3A_282, %min3A_338 : vector<16xf32>
      %jit3A_359 = arith.constant 0x7F800000 : f32
      %broadcast_in_dim3A_360 = vector.broadcast %jit3A_359 : f32 to vector<16xf32>
      %select_n3A_361 = arith.select %eq3A_358, %broadcast_in_dim3A_360, %select_n3A_282 : vector<16xi1>, vector<16xf32>
      %eq3A_362 = arith.cmpf oeq, %select_n3A_286, %min3A_338 : vector<16xf32>
      %jit3A_363 = arith.constant 0x7F800000 : f32
      %broadcast_in_dim3A_364 = vector.broadcast %jit3A_363 : f32 to vector<16xf32>
      %select_n3A_365 = arith.select %eq3A_362, %broadcast_in_dim3A_364, %select_n3A_286 : vector<16xi1>, vector<16xf32>
      %eq3A_366 = arith.cmpf oeq, %select_n3A_290, %min3A_338 : vector<16xf32>
      %jit3A_367 = arith.constant 0x7F800000 : f32
      %broadcast_in_dim3A_368 = vector.broadcast %jit3A_367 : f32 to vector<16xf32>
      %select_n3A_369 = arith.select %eq3A_366, %broadcast_in_dim3A_368, %select_n3A_290 : vector<16xi1>, vector<16xf32>
      %eq3A_370 = arith.cmpf oeq, %select_n3A_294, %min3A_338 : vector<16xf32>
      %jit3A_371 = arith.constant 0x7F800000 : f32
      %broadcast_in_dim3A_372 = vector.broadcast %jit3A_371 : f32 to vector<16xf32>
      %select_n3A_373 = arith.select %eq3A_370, %broadcast_in_dim3A_372, %select_n3A_294 : vector<16xi1>, vector<16xf32>
      %eq3A_374 = arith.cmpf oeq, %select_n3A_298, %min3A_338 : vector<16xf32>
      %jit3A_375 = arith.constant 0x7F800000 : f32
      %broadcast_in_dim3A_376 = vector.broadcast %jit3A_375 : f32 to vector<16xf32>
      %select_n3A_377 = arith.select %eq3A_374, %broadcast_in_dim3A_376, %select_n3A_298 : vector<16xi1>, vector<16xf32>
      %eq3A_378 = arith.cmpf oeq, %select_n3A_302, %min3A_338 : vector<16xf32>
      %jit3A_379 = arith.constant 0x7F800000 : f32
      %broadcast_in_dim3A_380 = vector.broadcast %jit3A_379 : f32 to vector<16xf32>
      %select_n3A_381 = arith.select %eq3A_378, %broadcast_in_dim3A_380, %select_n3A_302 : vector<16xi1>, vector<16xf32>
      %min3A_382 = arith.minimumf %select_n3A_349, %select_n3A_353 : vector<16xf32>
      %min3A_383 = arith.minimumf %min3A_382, %select_n3A_357 : vector<16xf32>
      %min3A_384 = arith.minimumf %min3A_383, %select_n3A_361 : vector<16xf32>
      %min3A_385 = arith.minimumf %min3A_384, %select_n3A_365 : vector<16xf32>
      %min3A_386 = arith.minimumf %min3A_385, %select_n3A_369 : vector<16xf32>
      %min3A_387 = arith.minimumf %min3A_386, %select_n3A_373 : vector<16xf32>
      %min3A_388 = arith.minimumf %min3A_387, %select_n3A_377 : vector<16xf32>
      %min3A_389 = arith.minimumf %min3A_388, %select_n3A_381 : vector<16xf32>
      %xor3A_390 = arith.constant 8 : i32
      %xor3A_391 = vector.broadcast %xor3A_390 : i32 to vector<16xi32>
      %xor3A_392 = arith.xori %iota3A, %xor3A_391 : vector<16xi32>
      %reshape3A_393 = vector.shape_cast %xor3A_392 : vector<16xi32> to vector<16x1xi32>
      %gather3A_394 = vector.shape_cast %reshape3A_393 : vector<16x1xi32> to vector<16xi32>
      %gather3A_395 = tpu.dynamic_gather %min3A_389[%gather3A_394] in [0] : vector<16xf32>, vector<16xi32> -> vector<16xf32>
      %min3A_396 = arith.minimumf %min3A_389, %gather3A_395 : vector<16xf32>
      %xor3A_397 = arith.constant 4 : i32
      %xor3A_398 = vector.broadcast %xor3A_397 : i32 to vector<16xi32>
      %xor3A_399 = arith.xori %iota3A, %xor3A_398 : vector<16xi32>
      %reshape3A_400 = vector.shape_cast %xor3A_399 : vector<16xi32> to vector<16x1xi32>
      %gather3A_401 = vector.shape_cast %reshape3A_400 : vector<16x1xi32> to vector<16xi32>
      %gather3A_402 = tpu.dynamic_gather %min3A_396[%gather3A_401] in [0] : vector<16xf32>, vector<16xi32> -> vector<16xf32>
      %min3A_403 = arith.minimumf %min3A_396, %gather3A_402 : vector<16xf32>
      %xor3A_404 = arith.constant 2 : i32
      %xor3A_405 = vector.broadcast %xor3A_404 : i32 to vector<16xi32>
      %xor3A_406 = arith.xori %iota3A, %xor3A_405 : vector<16xi32>
      %reshape3A_407 = vector.shape_cast %xor3A_406 : vector<16xi32> to vector<16x1xi32>
      %gather3A_408 = vector.shape_cast %reshape3A_407 : vector<16x1xi32> to vector<16xi32>
      %gather3A_409 = tpu.dynamic_gather %min3A_403[%gather3A_408] in [0] : vector<16xf32>, vector<16xi32> -> vector<16xf32>
      %min3A_410 = arith.minimumf %min3A_403, %gather3A_409 : vector<16xf32>
      %xor3A_411 = arith.constant 1 : i32
      %xor3A_412 = vector.broadcast %xor3A_411 : i32 to vector<16xi32>
      %xor3A_413 = arith.xori %iota3A, %xor3A_412 : vector<16xi32>
      %reshape3A_414 = vector.shape_cast %xor3A_413 : vector<16xi32> to vector<16x1xi32>
      %gather3A_415 = vector.shape_cast %reshape3A_414 : vector<16x1xi32> to vector<16xi32>
      %gather3A_416 = tpu.dynamic_gather %min3A_410[%gather3A_415] in [0] : vector<16xf32>, vector<16xi32> -> vector<16xf32>
      %min3A_417 = arith.minimumf %min3A_410, %gather3A_416 : vector<16xf32>
      %lt3A_418 = arith.constant 3.000000e+38 : f32
      %lt3A_419 = vector.broadcast %lt3A_418 : f32 to vector<16xf32>
      %lt3A_420 = arith.cmpf olt, %min3A_417, %lt3A_419 : vector<16xf32>
      %jit3A_421 = arith.constant 0.000000e+00 : f32
      %broadcast_in_dim3A_422 = vector.broadcast %jit3A_421 : f32 to vector<16xf32>
      %select_n3A_423 = arith.select %lt3A_420, %min3A_417, %broadcast_in_dim3A_422 : vector<16xi1>, vector<16xf32>
      %add3A_424 = arith.addf %add3A_345, %select_n3A_423 : vector<16xf32>
      %eq3A_425 = arith.cmpf oeq, %select_n3A_349, %min3A_417 : vector<16xf32>
      %jit3A_426 = arith.constant 0x7F800000 : f32
      %broadcast_in_dim3A_427 = vector.broadcast %jit3A_426 : f32 to vector<16xf32>
      %select_n3A_428 = arith.select %eq3A_425, %broadcast_in_dim3A_427, %select_n3A_349 : vector<16xi1>, vector<16xf32>
      %eq3A_429 = arith.cmpf oeq, %select_n3A_353, %min3A_417 : vector<16xf32>
      %jit3A_430 = arith.constant 0x7F800000 : f32
      %broadcast_in_dim3A_431 = vector.broadcast %jit3A_430 : f32 to vector<16xf32>
      %select_n3A_432 = arith.select %eq3A_429, %broadcast_in_dim3A_431, %select_n3A_353 : vector<16xi1>, vector<16xf32>
      %eq3A_433 = arith.cmpf oeq, %select_n3A_357, %min3A_417 : vector<16xf32>
      %jit3A_434 = arith.constant 0x7F800000 : f32
      %broadcast_in_dim3A_435 = vector.broadcast %jit3A_434 : f32 to vector<16xf32>
      %select_n3A_436 = arith.select %eq3A_433, %broadcast_in_dim3A_435, %select_n3A_357 : vector<16xi1>, vector<16xf32>
      %eq3A_437 = arith.cmpf oeq, %select_n3A_361, %min3A_417 : vector<16xf32>
      %jit3A_438 = arith.constant 0x7F800000 : f32
      %broadcast_in_dim3A_439 = vector.broadcast %jit3A_438 : f32 to vector<16xf32>
      %select_n3A_440 = arith.select %eq3A_437, %broadcast_in_dim3A_439, %select_n3A_361 : vector<16xi1>, vector<16xf32>
      %eq3A_441 = arith.cmpf oeq, %select_n3A_365, %min3A_417 : vector<16xf32>
      %jit3A_442 = arith.constant 0x7F800000 : f32
      %broadcast_in_dim3A_443 = vector.broadcast %jit3A_442 : f32 to vector<16xf32>
      %select_n3A_444 = arith.select %eq3A_441, %broadcast_in_dim3A_443, %select_n3A_365 : vector<16xi1>, vector<16xf32>
      %eq3A_445 = arith.cmpf oeq, %select_n3A_369, %min3A_417 : vector<16xf32>
      %jit3A_446 = arith.constant 0x7F800000 : f32
      %broadcast_in_dim3A_447 = vector.broadcast %jit3A_446 : f32 to vector<16xf32>
      %select_n3A_448 = arith.select %eq3A_445, %broadcast_in_dim3A_447, %select_n3A_369 : vector<16xi1>, vector<16xf32>
      %eq3A_449 = arith.cmpf oeq, %select_n3A_373, %min3A_417 : vector<16xf32>
      %jit3A_450 = arith.constant 0x7F800000 : f32
      %broadcast_in_dim3A_451 = vector.broadcast %jit3A_450 : f32 to vector<16xf32>
      %select_n3A_452 = arith.select %eq3A_449, %broadcast_in_dim3A_451, %select_n3A_373 : vector<16xi1>, vector<16xf32>
      %eq3A_453 = arith.cmpf oeq, %select_n3A_377, %min3A_417 : vector<16xf32>
      %jit3A_454 = arith.constant 0x7F800000 : f32
      %broadcast_in_dim3A_455 = vector.broadcast %jit3A_454 : f32 to vector<16xf32>
      %select_n3A_456 = arith.select %eq3A_453, %broadcast_in_dim3A_455, %select_n3A_377 : vector<16xi1>, vector<16xf32>
      %eq3A_457 = arith.cmpf oeq, %select_n3A_381, %min3A_417 : vector<16xf32>
      %jit3A_458 = arith.constant 0x7F800000 : f32
      %broadcast_in_dim3A_459 = vector.broadcast %jit3A_458 : f32 to vector<16xf32>
      %select_n3A_460 = arith.select %eq3A_457, %broadcast_in_dim3A_459, %select_n3A_381 : vector<16xi1>, vector<16xf32>
      %min3A_461 = arith.minimumf %select_n3A_428, %select_n3A_432 : vector<16xf32>
      %min3A_462 = arith.minimumf %min3A_461, %select_n3A_436 : vector<16xf32>
      %min3A_463 = arith.minimumf %min3A_462, %select_n3A_440 : vector<16xf32>
      %min3A_464 = arith.minimumf %min3A_463, %select_n3A_444 : vector<16xf32>
      %min3A_465 = arith.minimumf %min3A_464, %select_n3A_448 : vector<16xf32>
      %min3A_466 = arith.minimumf %min3A_465, %select_n3A_452 : vector<16xf32>
      %min3A_467 = arith.minimumf %min3A_466, %select_n3A_456 : vector<16xf32>
      %min3A_468 = arith.minimumf %min3A_467, %select_n3A_460 : vector<16xf32>
      %xor3A_469 = arith.constant 8 : i32
      %xor3A_470 = vector.broadcast %xor3A_469 : i32 to vector<16xi32>
      %xor3A_471 = arith.xori %iota3A, %xor3A_470 : vector<16xi32>
      %reshape3A_472 = vector.shape_cast %xor3A_471 : vector<16xi32> to vector<16x1xi32>
      %gather3A_473 = vector.shape_cast %reshape3A_472 : vector<16x1xi32> to vector<16xi32>
      %gather3A_474 = tpu.dynamic_gather %min3A_468[%gather3A_473] in [0] : vector<16xf32>, vector<16xi32> -> vector<16xf32>
      %min3A_475 = arith.minimumf %min3A_468, %gather3A_474 : vector<16xf32>
      %xor3A_476 = arith.constant 4 : i32
      %xor3A_477 = vector.broadcast %xor3A_476 : i32 to vector<16xi32>
      %xor3A_478 = arith.xori %iota3A, %xor3A_477 : vector<16xi32>
      %reshape3A_479 = vector.shape_cast %xor3A_478 : vector<16xi32> to vector<16x1xi32>
      %gather3A_480 = vector.shape_cast %reshape3A_479 : vector<16x1xi32> to vector<16xi32>
      %gather3A_481 = tpu.dynamic_gather %min3A_475[%gather3A_480] in [0] : vector<16xf32>, vector<16xi32> -> vector<16xf32>
      %min3A_482 = arith.minimumf %min3A_475, %gather3A_481 : vector<16xf32>
      %xor3A_483 = arith.constant 2 : i32
      %xor3A_484 = vector.broadcast %xor3A_483 : i32 to vector<16xi32>
      %xor3A_485 = arith.xori %iota3A, %xor3A_484 : vector<16xi32>
      %reshape3A_486 = vector.shape_cast %xor3A_485 : vector<16xi32> to vector<16x1xi32>
      %gather3A_487 = vector.shape_cast %reshape3A_486 : vector<16x1xi32> to vector<16xi32>
      %gather3A_488 = tpu.dynamic_gather %min3A_482[%gather3A_487] in [0] : vector<16xf32>, vector<16xi32> -> vector<16xf32>
      %min3A_489 = arith.minimumf %min3A_482, %gather3A_488 : vector<16xf32>
      %xor3A_490 = arith.constant 1 : i32
      %xor3A_491 = vector.broadcast %xor3A_490 : i32 to vector<16xi32>
      %xor3A_492 = arith.xori %iota3A, %xor3A_491 : vector<16xi32>
      %reshape3A_493 = vector.shape_cast %xor3A_492 : vector<16xi32> to vector<16x1xi32>
      %gather3A_494 = vector.shape_cast %reshape3A_493 : vector<16x1xi32> to vector<16xi32>
      %gather3A_495 = tpu.dynamic_gather %min3A_489[%gather3A_494] in [0] : vector<16xf32>, vector<16xi32> -> vector<16xf32>
      %min3A_496 = arith.minimumf %min3A_489, %gather3A_495 : vector<16xf32>
      %lt3A_497 = arith.constant 3.000000e+38 : f32
      %lt3A_498 = vector.broadcast %lt3A_497 : f32 to vector<16xf32>
      %lt3A_499 = arith.cmpf olt, %min3A_496, %lt3A_498 : vector<16xf32>
      %jit3A_500 = arith.constant 0.000000e+00 : f32
      %broadcast_in_dim3A_501 = vector.broadcast %jit3A_500 : f32 to vector<16xf32>
      %select_n3A_502 = arith.select %lt3A_499, %min3A_496, %broadcast_in_dim3A_501 : vector<16xi1>, vector<16xf32>
      %add3A_503 = arith.addf %add3A_424, %select_n3A_502 : vector<16xf32>
      %eq3A_504 = arith.cmpf oeq, %select_n3A_428, %min3A_496 : vector<16xf32>
      %jit3A_505 = arith.constant 0x7F800000 : f32
      %broadcast_in_dim3A_506 = vector.broadcast %jit3A_505 : f32 to vector<16xf32>
      %select_n3A_507 = arith.select %eq3A_504, %broadcast_in_dim3A_506, %select_n3A_428 : vector<16xi1>, vector<16xf32>
      %eq3A_508 = arith.cmpf oeq, %select_n3A_432, %min3A_496 : vector<16xf32>
      %jit3A_509 = arith.constant 0x7F800000 : f32
      %broadcast_in_dim3A_510 = vector.broadcast %jit3A_509 : f32 to vector<16xf32>
      %select_n3A_511 = arith.select %eq3A_508, %broadcast_in_dim3A_510, %select_n3A_432 : vector<16xi1>, vector<16xf32>
      %eq3A_512 = arith.cmpf oeq, %select_n3A_436, %min3A_496 : vector<16xf32>
      %jit3A_513 = arith.constant 0x7F800000 : f32
      %broadcast_in_dim3A_514 = vector.broadcast %jit3A_513 : f32 to vector<16xf32>
      %select_n3A_515 = arith.select %eq3A_512, %broadcast_in_dim3A_514, %select_n3A_436 : vector<16xi1>, vector<16xf32>
      %eq3A_516 = arith.cmpf oeq, %select_n3A_440, %min3A_496 : vector<16xf32>
      %jit3A_517 = arith.constant 0x7F800000 : f32
      %broadcast_in_dim3A_518 = vector.broadcast %jit3A_517 : f32 to vector<16xf32>
      %select_n3A_519 = arith.select %eq3A_516, %broadcast_in_dim3A_518, %select_n3A_440 : vector<16xi1>, vector<16xf32>
      %eq3A_520 = arith.cmpf oeq, %select_n3A_444, %min3A_496 : vector<16xf32>
      %jit3A_521 = arith.constant 0x7F800000 : f32
      %broadcast_in_dim3A_522 = vector.broadcast %jit3A_521 : f32 to vector<16xf32>
      %select_n3A_523 = arith.select %eq3A_520, %broadcast_in_dim3A_522, %select_n3A_444 : vector<16xi1>, vector<16xf32>
      %eq3A_524 = arith.cmpf oeq, %select_n3A_448, %min3A_496 : vector<16xf32>
      %jit3A_525 = arith.constant 0x7F800000 : f32
      %broadcast_in_dim3A_526 = vector.broadcast %jit3A_525 : f32 to vector<16xf32>
      %select_n3A_527 = arith.select %eq3A_524, %broadcast_in_dim3A_526, %select_n3A_448 : vector<16xi1>, vector<16xf32>
      %eq3A_528 = arith.cmpf oeq, %select_n3A_452, %min3A_496 : vector<16xf32>
      %jit3A_529 = arith.constant 0x7F800000 : f32
      %broadcast_in_dim3A_530 = vector.broadcast %jit3A_529 : f32 to vector<16xf32>
      %select_n3A_531 = arith.select %eq3A_528, %broadcast_in_dim3A_530, %select_n3A_452 : vector<16xi1>, vector<16xf32>
      %eq3A_532 = arith.cmpf oeq, %select_n3A_456, %min3A_496 : vector<16xf32>
      %jit3A_533 = arith.constant 0x7F800000 : f32
      %broadcast_in_dim3A_534 = vector.broadcast %jit3A_533 : f32 to vector<16xf32>
      %select_n3A_535 = arith.select %eq3A_532, %broadcast_in_dim3A_534, %select_n3A_456 : vector<16xi1>, vector<16xf32>
      %eq3A_536 = arith.cmpf oeq, %select_n3A_460, %min3A_496 : vector<16xf32>
      %jit3A_537 = arith.constant 0x7F800000 : f32
      %broadcast_in_dim3A_538 = vector.broadcast %jit3A_537 : f32 to vector<16xf32>
      %select_n3A_539 = arith.select %eq3A_536, %broadcast_in_dim3A_538, %select_n3A_460 : vector<16xi1>, vector<16xf32>
      %min3A_540 = arith.minimumf %select_n3A_507, %select_n3A_511 : vector<16xf32>
      %min3A_541 = arith.minimumf %min3A_540, %select_n3A_515 : vector<16xf32>
      %min3A_542 = arith.minimumf %min3A_541, %select_n3A_519 : vector<16xf32>
      %min3A_543 = arith.minimumf %min3A_542, %select_n3A_523 : vector<16xf32>
      %min3A_544 = arith.minimumf %min3A_543, %select_n3A_527 : vector<16xf32>
      %min3A_545 = arith.minimumf %min3A_544, %select_n3A_531 : vector<16xf32>
      %min3A_546 = arith.minimumf %min3A_545, %select_n3A_535 : vector<16xf32>
      %min3A_547 = arith.minimumf %min3A_546, %select_n3A_539 : vector<16xf32>
      %xor3A_548 = arith.constant 8 : i32
      %xor3A_549 = vector.broadcast %xor3A_548 : i32 to vector<16xi32>
      %xor3A_550 = arith.xori %iota3A, %xor3A_549 : vector<16xi32>
      %reshape3A_551 = vector.shape_cast %xor3A_550 : vector<16xi32> to vector<16x1xi32>
      %gather3A_552 = vector.shape_cast %reshape3A_551 : vector<16x1xi32> to vector<16xi32>
      %gather3A_553 = tpu.dynamic_gather %min3A_547[%gather3A_552] in [0] : vector<16xf32>, vector<16xi32> -> vector<16xf32>
      %min3A_554 = arith.minimumf %min3A_547, %gather3A_553 : vector<16xf32>
      %xor3A_555 = arith.constant 4 : i32
      %xor3A_556 = vector.broadcast %xor3A_555 : i32 to vector<16xi32>
      %xor3A_557 = arith.xori %iota3A, %xor3A_556 : vector<16xi32>
      %reshape3A_558 = vector.shape_cast %xor3A_557 : vector<16xi32> to vector<16x1xi32>
      %gather3A_559 = vector.shape_cast %reshape3A_558 : vector<16x1xi32> to vector<16xi32>
      %gather3A_560 = tpu.dynamic_gather %min3A_554[%gather3A_559] in [0] : vector<16xf32>, vector<16xi32> -> vector<16xf32>
      %min3A_561 = arith.minimumf %min3A_554, %gather3A_560 : vector<16xf32>
      %xor3A_562 = arith.constant 2 : i32
      %xor3A_563 = vector.broadcast %xor3A_562 : i32 to vector<16xi32>
      %xor3A_564 = arith.xori %iota3A, %xor3A_563 : vector<16xi32>
      %reshape3A_565 = vector.shape_cast %xor3A_564 : vector<16xi32> to vector<16x1xi32>
      %gather3A_566 = vector.shape_cast %reshape3A_565 : vector<16x1xi32> to vector<16xi32>
      %gather3A_567 = tpu.dynamic_gather %min3A_561[%gather3A_566] in [0] : vector<16xf32>, vector<16xi32> -> vector<16xf32>
      %min3A_568 = arith.minimumf %min3A_561, %gather3A_567 : vector<16xf32>
      %xor3A_569 = arith.constant 1 : i32
      %xor3A_570 = vector.broadcast %xor3A_569 : i32 to vector<16xi32>
      %xor3A_571 = arith.xori %iota3A, %xor3A_570 : vector<16xi32>
      %reshape3A_572 = vector.shape_cast %xor3A_571 : vector<16xi32> to vector<16x1xi32>
      %gather3A_573 = vector.shape_cast %reshape3A_572 : vector<16x1xi32> to vector<16xi32>
      %gather3A_574 = tpu.dynamic_gather %min3A_568[%gather3A_573] in [0] : vector<16xf32>, vector<16xi32> -> vector<16xf32>
      %min3A_575 = arith.minimumf %min3A_568, %gather3A_574 : vector<16xf32>
      %lt3A_576 = arith.constant 3.000000e+38 : f32
      %lt3A_577 = vector.broadcast %lt3A_576 : f32 to vector<16xf32>
      %lt3A_578 = arith.cmpf olt, %min3A_575, %lt3A_577 : vector<16xf32>
      %jit3A_579 = arith.constant 0.000000e+00 : f32
      %broadcast_in_dim3A_580 = vector.broadcast %jit3A_579 : f32 to vector<16xf32>
      %select_n3A_581 = arith.select %lt3A_578, %min3A_575, %broadcast_in_dim3A_580 : vector<16xi1>, vector<16xf32>
      %add3A_582 = arith.addf %add3A_503, %select_n3A_581 : vector<16xf32>
      %eq3A_583 = arith.cmpf oeq, %select_n3A_507, %min3A_575 : vector<16xf32>
      %jit3A_584 = arith.constant 0x7F800000 : f32
      %broadcast_in_dim3A_585 = vector.broadcast %jit3A_584 : f32 to vector<16xf32>
      %select_n3A_586 = arith.select %eq3A_583, %broadcast_in_dim3A_585, %select_n3A_507 : vector<16xi1>, vector<16xf32>
      %eq3A_587 = arith.cmpf oeq, %select_n3A_511, %min3A_575 : vector<16xf32>
      %jit3A_588 = arith.constant 0x7F800000 : f32
      %broadcast_in_dim3A_589 = vector.broadcast %jit3A_588 : f32 to vector<16xf32>
      %select_n3A_590 = arith.select %eq3A_587, %broadcast_in_dim3A_589, %select_n3A_511 : vector<16xi1>, vector<16xf32>
      %eq3A_591 = arith.cmpf oeq, %select_n3A_515, %min3A_575 : vector<16xf32>
      %jit3A_592 = arith.constant 0x7F800000 : f32
      %broadcast_in_dim3A_593 = vector.broadcast %jit3A_592 : f32 to vector<16xf32>
      %select_n3A_594 = arith.select %eq3A_591, %broadcast_in_dim3A_593, %select_n3A_515 : vector<16xi1>, vector<16xf32>
      %eq3A_595 = arith.cmpf oeq, %select_n3A_519, %min3A_575 : vector<16xf32>
      %jit3A_596 = arith.constant 0x7F800000 : f32
      %broadcast_in_dim3A_597 = vector.broadcast %jit3A_596 : f32 to vector<16xf32>
      %select_n3A_598 = arith.select %eq3A_595, %broadcast_in_dim3A_597, %select_n3A_519 : vector<16xi1>, vector<16xf32>
      %eq3A_599 = arith.cmpf oeq, %select_n3A_523, %min3A_575 : vector<16xf32>
      %jit3A_600 = arith.constant 0x7F800000 : f32
      %broadcast_in_dim3A_601 = vector.broadcast %jit3A_600 : f32 to vector<16xf32>
      %select_n3A_602 = arith.select %eq3A_599, %broadcast_in_dim3A_601, %select_n3A_523 : vector<16xi1>, vector<16xf32>
      %eq3A_603 = arith.cmpf oeq, %select_n3A_527, %min3A_575 : vector<16xf32>
      %jit3A_604 = arith.constant 0x7F800000 : f32
      %broadcast_in_dim3A_605 = vector.broadcast %jit3A_604 : f32 to vector<16xf32>
      %select_n3A_606 = arith.select %eq3A_603, %broadcast_in_dim3A_605, %select_n3A_527 : vector<16xi1>, vector<16xf32>
      %eq3A_607 = arith.cmpf oeq, %select_n3A_531, %min3A_575 : vector<16xf32>
      %jit3A_608 = arith.constant 0x7F800000 : f32
      %broadcast_in_dim3A_609 = vector.broadcast %jit3A_608 : f32 to vector<16xf32>
      %select_n3A_610 = arith.select %eq3A_607, %broadcast_in_dim3A_609, %select_n3A_531 : vector<16xi1>, vector<16xf32>
      %eq3A_611 = arith.cmpf oeq, %select_n3A_535, %min3A_575 : vector<16xf32>
      %jit3A_612 = arith.constant 0x7F800000 : f32
      %broadcast_in_dim3A_613 = vector.broadcast %jit3A_612 : f32 to vector<16xf32>
      %select_n3A_614 = arith.select %eq3A_611, %broadcast_in_dim3A_613, %select_n3A_535 : vector<16xi1>, vector<16xf32>
      %eq3A_615 = arith.cmpf oeq, %select_n3A_539, %min3A_575 : vector<16xf32>
      %jit3A_616 = arith.constant 0x7F800000 : f32
      %broadcast_in_dim3A_617 = vector.broadcast %jit3A_616 : f32 to vector<16xf32>
      %select_n3A_618 = arith.select %eq3A_615, %broadcast_in_dim3A_617, %select_n3A_539 : vector<16xi1>, vector<16xf32>
      %min3A_619 = arith.minimumf %select_n3A_586, %select_n3A_590 : vector<16xf32>
      %min3A_620 = arith.minimumf %min3A_619, %select_n3A_594 : vector<16xf32>
      %min3A_621 = arith.minimumf %min3A_620, %select_n3A_598 : vector<16xf32>
      %min3A_622 = arith.minimumf %min3A_621, %select_n3A_602 : vector<16xf32>
      %min3A_623 = arith.minimumf %min3A_622, %select_n3A_606 : vector<16xf32>
      %min3A_624 = arith.minimumf %min3A_623, %select_n3A_610 : vector<16xf32>
      %min3A_625 = arith.minimumf %min3A_624, %select_n3A_614 : vector<16xf32>
      %min3A_626 = arith.minimumf %min3A_625, %select_n3A_618 : vector<16xf32>
      %xor3A_627 = arith.constant 8 : i32
      %xor3A_628 = vector.broadcast %xor3A_627 : i32 to vector<16xi32>
      %xor3A_629 = arith.xori %iota3A, %xor3A_628 : vector<16xi32>
      %reshape3A_630 = vector.shape_cast %xor3A_629 : vector<16xi32> to vector<16x1xi32>
      %gather3A_631 = vector.shape_cast %reshape3A_630 : vector<16x1xi32> to vector<16xi32>
      %gather3A_632 = tpu.dynamic_gather %min3A_626[%gather3A_631] in [0] : vector<16xf32>, vector<16xi32> -> vector<16xf32>
      %min3A_633 = arith.minimumf %min3A_626, %gather3A_632 : vector<16xf32>
      %xor3A_634 = arith.constant 4 : i32
      %xor3A_635 = vector.broadcast %xor3A_634 : i32 to vector<16xi32>
      %xor3A_636 = arith.xori %iota3A, %xor3A_635 : vector<16xi32>
      %reshape3A_637 = vector.shape_cast %xor3A_636 : vector<16xi32> to vector<16x1xi32>
      %gather3A_638 = vector.shape_cast %reshape3A_637 : vector<16x1xi32> to vector<16xi32>
      %gather3A_639 = tpu.dynamic_gather %min3A_633[%gather3A_638] in [0] : vector<16xf32>, vector<16xi32> -> vector<16xf32>
      %min3A_640 = arith.minimumf %min3A_633, %gather3A_639 : vector<16xf32>
      %xor3A_641 = arith.constant 2 : i32
      %xor3A_642 = vector.broadcast %xor3A_641 : i32 to vector<16xi32>
      %xor3A_643 = arith.xori %iota3A, %xor3A_642 : vector<16xi32>
      %reshape3A_644 = vector.shape_cast %xor3A_643 : vector<16xi32> to vector<16x1xi32>
      %gather3A_645 = vector.shape_cast %reshape3A_644 : vector<16x1xi32> to vector<16xi32>
      %gather3A_646 = tpu.dynamic_gather %min3A_640[%gather3A_645] in [0] : vector<16xf32>, vector<16xi32> -> vector<16xf32>
      %min3A_647 = arith.minimumf %min3A_640, %gather3A_646 : vector<16xf32>
      %xor3A_648 = arith.constant 1 : i32
      %xor3A_649 = vector.broadcast %xor3A_648 : i32 to vector<16xi32>
      %xor3A_650 = arith.xori %iota3A, %xor3A_649 : vector<16xi32>
      %reshape3A_651 = vector.shape_cast %xor3A_650 : vector<16xi32> to vector<16x1xi32>
      %gather3A_652 = vector.shape_cast %reshape3A_651 : vector<16x1xi32> to vector<16xi32>
      %gather3A_653 = tpu.dynamic_gather %min3A_647[%gather3A_652] in [0] : vector<16xf32>, vector<16xi32> -> vector<16xf32>
      %min3A_654 = arith.minimumf %min3A_647, %gather3A_653 : vector<16xf32>
      %lt3A_655 = arith.constant 3.000000e+38 : f32
      %lt3A_656 = vector.broadcast %lt3A_655 : f32 to vector<16xf32>
      %lt3A_657 = arith.cmpf olt, %min3A_654, %lt3A_656 : vector<16xf32>
      %jit3A_658 = arith.constant 0.000000e+00 : f32
      %broadcast_in_dim3A_659 = vector.broadcast %jit3A_658 : f32 to vector<16xf32>
      %select_n3A_660 = arith.select %lt3A_657, %min3A_654, %broadcast_in_dim3A_659 : vector<16xi1>, vector<16xf32>
      %add3A_661 = arith.addf %add3A_582, %select_n3A_660 : vector<16xf32>
      %eq3A_662 = arith.cmpf oeq, %select_n3A_586, %min3A_654 : vector<16xf32>
      %jit3A_663 = arith.constant 0x7F800000 : f32
      %broadcast_in_dim3A_664 = vector.broadcast %jit3A_663 : f32 to vector<16xf32>
      %select_n3A_665 = arith.select %eq3A_662, %broadcast_in_dim3A_664, %select_n3A_586 : vector<16xi1>, vector<16xf32>
      %eq3A_666 = arith.cmpf oeq, %select_n3A_590, %min3A_654 : vector<16xf32>
      %jit3A_667 = arith.constant 0x7F800000 : f32
      %broadcast_in_dim3A_668 = vector.broadcast %jit3A_667 : f32 to vector<16xf32>
      %select_n3A_669 = arith.select %eq3A_666, %broadcast_in_dim3A_668, %select_n3A_590 : vector<16xi1>, vector<16xf32>
      %eq3A_670 = arith.cmpf oeq, %select_n3A_594, %min3A_654 : vector<16xf32>
      %jit3A_671 = arith.constant 0x7F800000 : f32
      %broadcast_in_dim3A_672 = vector.broadcast %jit3A_671 : f32 to vector<16xf32>
      %select_n3A_673 = arith.select %eq3A_670, %broadcast_in_dim3A_672, %select_n3A_594 : vector<16xi1>, vector<16xf32>
      %eq3A_674 = arith.cmpf oeq, %select_n3A_598, %min3A_654 : vector<16xf32>
      %jit3A_675 = arith.constant 0x7F800000 : f32
      %broadcast_in_dim3A_676 = vector.broadcast %jit3A_675 : f32 to vector<16xf32>
      %select_n3A_677 = arith.select %eq3A_674, %broadcast_in_dim3A_676, %select_n3A_598 : vector<16xi1>, vector<16xf32>
      %eq3A_678 = arith.cmpf oeq, %select_n3A_602, %min3A_654 : vector<16xf32>
      %jit3A_679 = arith.constant 0x7F800000 : f32
      %broadcast_in_dim3A_680 = vector.broadcast %jit3A_679 : f32 to vector<16xf32>
      %select_n3A_681 = arith.select %eq3A_678, %broadcast_in_dim3A_680, %select_n3A_602 : vector<16xi1>, vector<16xf32>
      %eq3A_682 = arith.cmpf oeq, %select_n3A_606, %min3A_654 : vector<16xf32>
      %jit3A_683 = arith.constant 0x7F800000 : f32
      %broadcast_in_dim3A_684 = vector.broadcast %jit3A_683 : f32 to vector<16xf32>
      %select_n3A_685 = arith.select %eq3A_682, %broadcast_in_dim3A_684, %select_n3A_606 : vector<16xi1>, vector<16xf32>
      %eq3A_686 = arith.cmpf oeq, %select_n3A_610, %min3A_654 : vector<16xf32>
      %jit3A_687 = arith.constant 0x7F800000 : f32
      %broadcast_in_dim3A_688 = vector.broadcast %jit3A_687 : f32 to vector<16xf32>
      %select_n3A_689 = arith.select %eq3A_686, %broadcast_in_dim3A_688, %select_n3A_610 : vector<16xi1>, vector<16xf32>
      %eq3A_690 = arith.cmpf oeq, %select_n3A_614, %min3A_654 : vector<16xf32>
      %jit3A_691 = arith.constant 0x7F800000 : f32
      %broadcast_in_dim3A_692 = vector.broadcast %jit3A_691 : f32 to vector<16xf32>
      %select_n3A_693 = arith.select %eq3A_690, %broadcast_in_dim3A_692, %select_n3A_614 : vector<16xi1>, vector<16xf32>
      %eq3A_694 = arith.cmpf oeq, %select_n3A_618, %min3A_654 : vector<16xf32>
      %jit3A_695 = arith.constant 0x7F800000 : f32
      %broadcast_in_dim3A_696 = vector.broadcast %jit3A_695 : f32 to vector<16xf32>
      %select_n3A_697 = arith.select %eq3A_694, %broadcast_in_dim3A_696, %select_n3A_618 : vector<16xi1>, vector<16xf32>
      %min3A_698 = arith.minimumf %select_n3A_665, %select_n3A_669 : vector<16xf32>
      %min3A_699 = arith.minimumf %min3A_698, %select_n3A_673 : vector<16xf32>
      %min3A_700 = arith.minimumf %min3A_699, %select_n3A_677 : vector<16xf32>
      %min3A_701 = arith.minimumf %min3A_700, %select_n3A_681 : vector<16xf32>
      %min3A_702 = arith.minimumf %min3A_701, %select_n3A_685 : vector<16xf32>
      %min3A_703 = arith.minimumf %min3A_702, %select_n3A_689 : vector<16xf32>
      %min3A_704 = arith.minimumf %min3A_703, %select_n3A_693 : vector<16xf32>
      %min3A_705 = arith.minimumf %min3A_704, %select_n3A_697 : vector<16xf32>
      %xor3A_706 = arith.constant 8 : i32
      %xor3A_707 = vector.broadcast %xor3A_706 : i32 to vector<16xi32>
      %xor3A_708 = arith.xori %iota3A, %xor3A_707 : vector<16xi32>
      %reshape3A_709 = vector.shape_cast %xor3A_708 : vector<16xi32> to vector<16x1xi32>
      %gather3A_710 = vector.shape_cast %reshape3A_709 : vector<16x1xi32> to vector<16xi32>
      %gather3A_711 = tpu.dynamic_gather %min3A_705[%gather3A_710] in [0] : vector<16xf32>, vector<16xi32> -> vector<16xf32>
      %min3A_712 = arith.minimumf %min3A_705, %gather3A_711 : vector<16xf32>
      %xor3A_713 = arith.constant 4 : i32
      %xor3A_714 = vector.broadcast %xor3A_713 : i32 to vector<16xi32>
      %xor3A_715 = arith.xori %iota3A, %xor3A_714 : vector<16xi32>
      %reshape3A_716 = vector.shape_cast %xor3A_715 : vector<16xi32> to vector<16x1xi32>
      %gather3A_717 = vector.shape_cast %reshape3A_716 : vector<16x1xi32> to vector<16xi32>
      %gather3A_718 = tpu.dynamic_gather %min3A_712[%gather3A_717] in [0] : vector<16xf32>, vector<16xi32> -> vector<16xf32>
      %min3A_719 = arith.minimumf %min3A_712, %gather3A_718 : vector<16xf32>
      %xor3A_720 = arith.constant 2 : i32
      %xor3A_721 = vector.broadcast %xor3A_720 : i32 to vector<16xi32>
      %xor3A_722 = arith.xori %iota3A, %xor3A_721 : vector<16xi32>
      %reshape3A_723 = vector.shape_cast %xor3A_722 : vector<16xi32> to vector<16x1xi32>
      %gather3A_724 = vector.shape_cast %reshape3A_723 : vector<16x1xi32> to vector<16xi32>
      %gather3A_725 = tpu.dynamic_gather %min3A_719[%gather3A_724] in [0] : vector<16xf32>, vector<16xi32> -> vector<16xf32>
      %min3A_726 = arith.minimumf %min3A_719, %gather3A_725 : vector<16xf32>
      %xor3A_727 = arith.constant 1 : i32
      %xor3A_728 = vector.broadcast %xor3A_727 : i32 to vector<16xi32>
      %xor3A_729 = arith.xori %iota3A, %xor3A_728 : vector<16xi32>
      %reshape3A_730 = vector.shape_cast %xor3A_729 : vector<16xi32> to vector<16x1xi32>
      %gather3A_731 = vector.shape_cast %reshape3A_730 : vector<16x1xi32> to vector<16xi32>
      %gather3A_732 = tpu.dynamic_gather %min3A_726[%gather3A_731] in [0] : vector<16xf32>, vector<16xi32> -> vector<16xf32>
      %min3A_733 = arith.minimumf %min3A_726, %gather3A_732 : vector<16xf32>
      %lt3A_734 = arith.constant 3.000000e+38 : f32
      %lt3A_735 = vector.broadcast %lt3A_734 : f32 to vector<16xf32>
      %lt3A_736 = arith.cmpf olt, %min3A_733, %lt3A_735 : vector<16xf32>
      %jit3A_737 = arith.constant 0.000000e+00 : f32
      %broadcast_in_dim3A_738 = vector.broadcast %jit3A_737 : f32 to vector<16xf32>
      %select_n3A_739 = arith.select %lt3A_736, %min3A_733, %broadcast_in_dim3A_738 : vector<16xi1>, vector<16xf32>
      %add3A_740 = arith.addf %add3A_661, %select_n3A_739 : vector<16xf32>
      %add3A_741 = arith.addf %scan3A_29, %add3A_740 : vector<16xf32>
      scf.yield %add3A_741 : vector<16xf32>
    }
    %scan3A_18 = arith.constant 16 : i32
    "tpu.region"() ({
      %run_scoped3A = tpu.sem_alloc : memref<!tpu.dma_semaphore, #tpu.memory_space<semaphore_mem>>
      %dma_start3A = arith.constant 12288 : i32
      %dma_start3A_28 = tpu.memref_slice %arg2[%dma_start3A] : memref<16384xf32, #tpu.memory_space<hbm>> -> memref<4096xf32, #tpu.memory_space<hbm>>
      %dma_start3A_29 = arith.constant 12288 : i32
      %dma_start3A_30 = tpu.memref_slice %arg2[%dma_start3A_29] : memref<16384xf32, #tpu.memory_space<hbm>> -> memref<4096xf32, #tpu.memory_space<hbm>>
      tpu.enqueue_dma source(%dma_start3A_30 : memref<4096xf32, #tpu.memory_space<hbm>>) target(%arg6 : memref<4096xf32, #tpu.memory_space<vmem>>) target_semaphore(%run_scoped3A : memref<!tpu.dma_semaphore, #tpu.memory_space<semaphore_mem>>)
      %dma_wait3A = arith.constant 12288 : i32
      %dma_wait3A_31 = tpu.memref_slice %arg2[%dma_wait3A] : memref<16384xf32, #tpu.memory_space<hbm>> -> memref<4096xf32, #tpu.memory_space<hbm>>
      %dma_wait3A_32 = arith.constant 12288 : i32
      %dma_wait3A_33 = tpu.memref_slice %arg2[%dma_wait3A_32] : memref<16384xf32, #tpu.memory_space<hbm>> -> memref<4096xf32, #tpu.memory_space<hbm>>
      tpu.wait_dma2 semaphore(%run_scoped3A : memref<!tpu.dma_semaphore, #tpu.memory_space<semaphore_mem>>) src(%dma_wait3A_33 : memref<4096xf32, #tpu.memory_space<hbm>>) dst(%arg6 : memref<4096xf32, #tpu.memory_space<vmem>>)
      tpu.yield
    }) : () -> ()
    "tpu.region"() ({
      %run_scoped3A = tpu.sem_alloc : memref<!tpu.dma_semaphore, #tpu.memory_space<semaphore_mem>>
      %dma_start3A = arith.constant 12288 : i32
      %dma_start3A_28 = tpu.memref_slice %arg3[%dma_start3A] : memref<16384xf32, #tpu.memory_space<hbm>> -> memref<4096xf32, #tpu.memory_space<hbm>>
      %dma_start3A_29 = arith.constant 12288 : i32
      %dma_start3A_30 = tpu.memref_slice %arg3[%dma_start3A_29] : memref<16384xf32, #tpu.memory_space<hbm>> -> memref<4096xf32, #tpu.memory_space<hbm>>
      tpu.enqueue_dma source(%dma_start3A_30 : memref<4096xf32, #tpu.memory_space<hbm>>) target(%arg7 : memref<4096xf32, #tpu.memory_space<vmem>>) target_semaphore(%run_scoped3A : memref<!tpu.dma_semaphore, #tpu.memory_space<semaphore_mem>>)
      %dma_wait3A = arith.constant 12288 : i32
      %dma_wait3A_31 = tpu.memref_slice %arg3[%dma_wait3A] : memref<16384xf32, #tpu.memory_space<hbm>> -> memref<4096xf32, #tpu.memory_space<hbm>>
      %dma_wait3A_32 = arith.constant 12288 : i32
      %dma_wait3A_33 = tpu.memref_slice %arg3[%dma_wait3A_32] : memref<16384xf32, #tpu.memory_space<hbm>> -> memref<4096xf32, #tpu.memory_space<hbm>>
      tpu.wait_dma2 semaphore(%run_scoped3A : memref<!tpu.dma_semaphore, #tpu.memory_space<semaphore_mem>>) src(%dma_wait3A_33 : memref<4096xf32, #tpu.memory_space<hbm>>) dst(%arg7 : memref<4096xf32, #tpu.memory_space<vmem>>)
      tpu.yield
    }) : () -> ()
    "tpu.region"() ({
      %run_scoped3A = tpu.sem_alloc : memref<!tpu.dma_semaphore, #tpu.memory_space<semaphore_mem>>
      %dma_start3A = arith.constant 12288 : i32
      %dma_start3A_28 = tpu.memref_slice %arg4[%dma_start3A] : memref<16384xf32, #tpu.memory_space<hbm>> -> memref<4096xf32, #tpu.memory_space<hbm>>
      %dma_start3A_29 = arith.constant 12288 : i32
      %dma_start3A_30 = tpu.memref_slice %arg4[%dma_start3A_29] : memref<16384xf32, #tpu.memory_space<hbm>> -> memref<4096xf32, #tpu.memory_space<hbm>>
      tpu.enqueue_dma source(%dma_start3A_30 : memref<4096xf32, #tpu.memory_space<hbm>>) target(%arg8 : memref<4096xf32, #tpu.memory_space<vmem>>) target_semaphore(%run_scoped3A : memref<!tpu.dma_semaphore, #tpu.memory_space<semaphore_mem>>)
      %dma_wait3A = arith.constant 12288 : i32
      %dma_wait3A_31 = tpu.memref_slice %arg4[%dma_wait3A] : memref<16384xf32, #tpu.memory_space<hbm>> -> memref<4096xf32, #tpu.memory_space<hbm>>
      %dma_wait3A_32 = arith.constant 12288 : i32
      %dma_wait3A_33 = tpu.memref_slice %arg4[%dma_wait3A_32] : memref<16384xf32, #tpu.memory_space<hbm>> -> memref<4096xf32, #tpu.memory_space<hbm>>
      tpu.wait_dma2 semaphore(%run_scoped3A : memref<!tpu.dma_semaphore, #tpu.memory_space<semaphore_mem>>) src(%dma_wait3A_33 : memref<4096xf32, #tpu.memory_space<hbm>>) dst(%arg8 : memref<4096xf32, #tpu.memory_space<vmem>>)
      tpu.yield
    }) : () -> ()
    %scan3A_19 = arith.constant 0 : i32
    %scan3A_20 = arith.constant 16 : i32
    %scan3A_21 = arith.addi %scan3A_19, %scan3A_20 : i32
    %scan3A_22 = arith.constant 1 : i32
    %scan3A_23 = scf.for %scan3A_28 = %scan3A_19 to %scan3A_21 step %scan3A_22 iter_args(%scan3A_29 = %scan3A_17) -> (vector<16xf32>)  : i32 {
      %mul3A_30 = arith.constant 16 : i32
      %mul3A_31 = arith.muli %add3A, %mul3A_30 : i32
      %add3A_32 = arith.constant 3584 : i32
      %add3A_33 = arith.addi %add3A_32, %mul3A_31 : i32
      %add3A_34 = arith.addi %add3A_33, %scan3A_28 : i32
      %jit3A = arith.constant 16 : i32
      %div3A = arith.divsi %add3A_34, %jit3A : i32
      %sign3A = arith.constant 0 : i32
      %sign3A_35 = arith.cmpi sgt, %add3A_34, %sign3A : i32
      %sign3A_36 = arith.extui %sign3A_35 : i1 to i32
      %sign3A_37 = arith.constant 0 : i32
      %sign3A_38 = arith.cmpi slt, %add3A_34, %sign3A_37 : i32
      %sign3A_39 = arith.extui %sign3A_38 : i1 to i32
      %sign3A_40 = arith.subi %sign3A_36, %sign3A_39 : i32
      %sign3A_41 = arith.constant 0 : i32
      %sign3A_42 = arith.cmpi sgt, %jit3A, %sign3A_41 : i32
      %sign3A_43 = arith.extui %sign3A_42 : i1 to i32
      %sign3A_44 = arith.constant 0 : i32
      %sign3A_45 = arith.cmpi slt, %jit3A, %sign3A_44 : i32
      %sign3A_46 = arith.extui %sign3A_45 : i1 to i32
      %sign3A_47 = arith.subi %sign3A_43, %sign3A_46 : i32
      %ne3A = arith.cmpi ne, %sign3A_40, %sign3A_47 : i32
      %rem3A = arith.remsi %add3A_34, %jit3A : i32
      %ne3A_48 = arith.constant 0 : i32
      %ne3A_49 = arith.cmpi ne, %rem3A, %ne3A_48 : i32
      %and3A = arith.andi %ne3A, %ne3A_49 : i1
      %sub3A = arith.constant 1 : i32
      %sub3A_50 = arith.subi %div3A, %sub3A : i32
      %select_n3A = arith.select %and3A, %sub3A_50, %div3A : i32
      %mul3A_51 = arith.constant 16 : i32
      %mul3A_52 = arith.muli %select_n3A, %mul3A_51 : i32
      %sub3A_53 = arith.subi %add3A_34, %mul3A_52 : i32
      %broadcast_in_dim3A_54 = vector.broadcast %sub3A_53 : i32 to vector<16x1xi32>
      %get3A = arith.index_cast %mul3A_52 : i32 to index
      %get3A_55 = tpu.vector_load %arg6[%get3A] {strides = array<i32>} : memref<4096xf32, #tpu.memory_space<vmem>>, vector<16xf32>,
      %get3A_56 = vector.shape_cast %get3A_55 : vector<16xf32> to vector<16xf32>
      %gather3A = vector.shape_cast %broadcast_in_dim3A_54 : vector<16x1xi32> to vector<16xi32>
      %gather3A_57 = tpu.dynamic_gather %get3A_56[%gather3A] in [0] : vector<16xf32>, vector<16xi32> -> vector<16xf32>
      %get3A_58 = arith.index_cast %mul3A_52 : i32 to index
      %get3A_59 = tpu.vector_load %arg7[%get3A_58] {strides = array<i32>} : memref<4096xf32, #tpu.memory_space<vmem>>, vector<16xf32>,
      %get3A_60 = vector.shape_cast %get3A_59 : vector<16xf32> to vector<16xf32>
      %gather3A_61 = vector.shape_cast %broadcast_in_dim3A_54 : vector<16x1xi32> to vector<16xi32>
      %gather3A_62 = tpu.dynamic_gather %get3A_60[%gather3A_61] in [0] : vector<16xf32>, vector<16xi32> -> vector<16xf32>
      %get3A_63 = arith.index_cast %mul3A_52 : i32 to index
      %get3A_64 = tpu.vector_load %arg8[%get3A_63] {strides = array<i32>} : memref<4096xf32, #tpu.memory_space<vmem>>, vector<16xf32>,
      %get3A_65 = vector.shape_cast %get3A_64 : vector<16xf32> to vector<16xf32>
      %gather3A_66 = vector.shape_cast %broadcast_in_dim3A_54 : vector<16x1xi32> to vector<16xi32>
      %gather3A_67 = tpu.dynamic_gather %get3A_65[%gather3A_66] in [0] : vector<16xf32>, vector<16xi32> -> vector<16xf32>
      %broadcast_in_dim3A_68 = arith.constant 0x7F800000 : f32
      %broadcast_in_dim3A_69 = vector.broadcast %broadcast_in_dim3A_68 : f32 to vector<16xf32>
      %scan3A_70 = arith.constant 0 : i32
      %scan3A_71 = arith.constant 256 : i32
      %scan3A_72 = arith.addi %scan3A_70, %scan3A_71 : i32
      %scan3A_73 = arith.constant 1 : i32
      %scan3A_74:9 = scf.for %scan3A_742 = %scan3A_70 to %scan3A_72 step %scan3A_73 iter_args(%scan3A_743 = %broadcast_in_dim3A_69, %scan3A_744 = %broadcast_in_dim3A_69, %scan3A_745 = %broadcast_in_dim3A_69, %scan3A_746 = %broadcast_in_dim3A_69, %scan3A_747 = %broadcast_in_dim3A_69, %scan3A_748 = %broadcast_in_dim3A_69, %scan3A_749 = %broadcast_in_dim3A_69, %scan3A_750 = %broadcast_in_dim3A_69, %scan3A_751 = %broadcast_in_dim3A_69) -> (vector<16xf32>, vector<16xf32>, vector<16xf32>, vector<16xf32>, vector<16xf32>, vector<16xf32>, vector<16xf32>, vector<16xf32>, vector<16xf32>)  : i32 {
        %mul3A_752 = arith.constant 16 : i32
        %mul3A_753 = arith.muli %scan3A_742, %mul3A_752 : i32
        %get3A_754 = arith.index_cast %mul3A_753 : i32 to index
        %get3A_755 = tpu.vector_load %arg6[%get3A_754] {strides = array<i32>} : memref<4096xf32, #tpu.memory_space<vmem>>, vector<16xf32>,
        %get3A_756 = vector.shape_cast %get3A_755 : vector<16xf32> to vector<16xf32>
        %sub3A_757 = arith.subf %get3A_756, %gather3A_57 : vector<16xf32>
        %get3A_758 = arith.index_cast %mul3A_753 : i32 to index
        %get3A_759 = tpu.vector_load %arg7[%get3A_758] {strides = array<i32>} : memref<4096xf32, #tpu.memory_space<vmem>>, vector<16xf32>,
        %get3A_760 = vector.shape_cast %get3A_759 : vector<16xf32> to vector<16xf32>
        %sub3A_761 = arith.subf %get3A_760, %gather3A_62 : vector<16xf32>
        %get3A_762 = arith.index_cast %mul3A_753 : i32 to index
        %get3A_763 = tpu.vector_load %arg8[%get3A_762] {strides = array<i32>} : memref<4096xf32, #tpu.memory_space<vmem>>, vector<16xf32>,
        %get3A_764 = vector.shape_cast %get3A_763 : vector<16xf32> to vector<16xf32>
        %sub3A_765 = arith.subf %get3A_764, %gather3A_67 : vector<16xf32>
        %mul3A_766 = arith.mulf %sub3A_757, %sub3A_757 : vector<16xf32>
        %mul3A_767 = arith.mulf %sub3A_761, %sub3A_761 : vector<16xf32>
        %add3A_768 = arith.addf %mul3A_766, %mul3A_767 : vector<16xf32>
        %mul3A_769 = arith.mulf %sub3A_765, %sub3A_765 : vector<16xf32>
        %add3A_770 = arith.addf %add3A_768, %mul3A_769 : vector<16xf32>
        %min3A_771 = arith.minimumf %scan3A_743, %add3A_770 : vector<16xf32>
        %max3A = arith.maximumf %scan3A_743, %add3A_770 : vector<16xf32>
        %min3A_772 = arith.minimumf %scan3A_744, %max3A : vector<16xf32>
        %max3A_773 = arith.maximumf %scan3A_744, %max3A : vector<16xf32>
        %min3A_774 = arith.minimumf %scan3A_745, %max3A_773 : vector<16xf32>
        %max3A_775 = arith.maximumf %scan3A_745, %max3A_773 : vector<16xf32>
        %min3A_776 = arith.minimumf %scan3A_746, %max3A_775 : vector<16xf32>
        %max3A_777 = arith.maximumf %scan3A_746, %max3A_775 : vector<16xf32>
        %min3A_778 = arith.minimumf %scan3A_747, %max3A_777 : vector<16xf32>
        %max3A_779 = arith.maximumf %scan3A_747, %max3A_777 : vector<16xf32>
        %min3A_780 = arith.minimumf %scan3A_748, %max3A_779 : vector<16xf32>
        %max3A_781 = arith.maximumf %scan3A_748, %max3A_779 : vector<16xf32>
        %min3A_782 = arith.minimumf %scan3A_749, %max3A_781 : vector<16xf32>
        %max3A_783 = arith.maximumf %scan3A_749, %max3A_781 : vector<16xf32>
        %min3A_784 = arith.minimumf %scan3A_750, %max3A_783 : vector<16xf32>
        %max3A_785 = arith.maximumf %scan3A_750, %max3A_783 : vector<16xf32>
        %min3A_786 = arith.minimumf %scan3A_751, %max3A_785 : vector<16xf32>
        %max3A_787 = arith.maximumf %scan3A_751, %max3A_785 : vector<16xf32>
        scf.yield %min3A_771, %min3A_772, %min3A_774, %min3A_776, %min3A_778, %min3A_780, %min3A_782, %min3A_784, %min3A_786 : vector<16xf32>, vector<16xf32>, vector<16xf32>, vector<16xf32>, vector<16xf32>, vector<16xf32>, vector<16xf32>, vector<16xf32>, vector<16xf32>
      }
      %scan3A_75 = arith.constant 256 : i32
      %iota3A = tpu.iota {dimensions = array<i32: 0>} : vector<16xi32>
      %broadcast_in_dim3A_76 = arith.constant 0.000000e+00 : f32
      %broadcast_in_dim3A_77 = vector.broadcast %broadcast_in_dim3A_76 : f32 to vector<16xf32>
      %min3A = arith.minimumf %scan3A_74#0, %scan3A_74#1 : vector<16xf32>
      %min3A_78 = arith.minimumf %min3A, %scan3A_74#2 : vector<16xf32>
      %min3A_79 = arith.minimumf %min3A_78, %scan3A_74#3 : vector<16xf32>
      %min3A_80 = arith.minimumf %min3A_79, %scan3A_74#4 : vector<16xf32>
      %min3A_81 = arith.minimumf %min3A_80, %scan3A_74#5 : vector<16xf32>
      %min3A_82 = arith.minimumf %min3A_81, %scan3A_74#6 : vector<16xf32>
      %min3A_83 = arith.minimumf %min3A_82, %scan3A_74#7 : vector<16xf32>
      %min3A_84 = arith.minimumf %min3A_83, %scan3A_74#8 : vector<16xf32>
      %xor3A = arith.constant 8 : i32
      %xor3A_85 = vector.broadcast %xor3A : i32 to vector<16xi32>
      %xor3A_86 = arith.xori %iota3A, %xor3A_85 : vector<16xi32>
      %reshape3A = vector.shape_cast %xor3A_86 : vector<16xi32> to vector<16x1xi32>
      %gather3A_87 = vector.shape_cast %reshape3A : vector<16x1xi32> to vector<16xi32>
      %gather3A_88 = tpu.dynamic_gather %min3A_84[%gather3A_87] in [0] : vector<16xf32>, vector<16xi32> -> vector<16xf32>
      %min3A_89 = arith.minimumf %min3A_84, %gather3A_88 : vector<16xf32>
      %xor3A_90 = arith.constant 4 : i32
      %xor3A_91 = vector.broadcast %xor3A_90 : i32 to vector<16xi32>
      %xor3A_92 = arith.xori %iota3A, %xor3A_91 : vector<16xi32>
      %reshape3A_93 = vector.shape_cast %xor3A_92 : vector<16xi32> to vector<16x1xi32>
      %gather3A_94 = vector.shape_cast %reshape3A_93 : vector<16x1xi32> to vector<16xi32>
      %gather3A_95 = tpu.dynamic_gather %min3A_89[%gather3A_94] in [0] : vector<16xf32>, vector<16xi32> -> vector<16xf32>
      %min3A_96 = arith.minimumf %min3A_89, %gather3A_95 : vector<16xf32>
      %xor3A_97 = arith.constant 2 : i32
      %xor3A_98 = vector.broadcast %xor3A_97 : i32 to vector<16xi32>
      %xor3A_99 = arith.xori %iota3A, %xor3A_98 : vector<16xi32>
      %reshape3A_100 = vector.shape_cast %xor3A_99 : vector<16xi32> to vector<16x1xi32>
      %gather3A_101 = vector.shape_cast %reshape3A_100 : vector<16x1xi32> to vector<16xi32>
      %gather3A_102 = tpu.dynamic_gather %min3A_96[%gather3A_101] in [0] : vector<16xf32>, vector<16xi32> -> vector<16xf32>
      %min3A_103 = arith.minimumf %min3A_96, %gather3A_102 : vector<16xf32>
      %xor3A_104 = arith.constant 1 : i32
      %xor3A_105 = vector.broadcast %xor3A_104 : i32 to vector<16xi32>
      %xor3A_106 = arith.xori %iota3A, %xor3A_105 : vector<16xi32>
      %reshape3A_107 = vector.shape_cast %xor3A_106 : vector<16xi32> to vector<16x1xi32>
      %gather3A_108 = vector.shape_cast %reshape3A_107 : vector<16x1xi32> to vector<16xi32>
      %gather3A_109 = tpu.dynamic_gather %min3A_103[%gather3A_108] in [0] : vector<16xf32>, vector<16xi32> -> vector<16xf32>
      %min3A_110 = arith.minimumf %min3A_103, %gather3A_109 : vector<16xf32>
      %eq3A = arith.cmpf oeq, %scan3A_74#0, %min3A_110 : vector<16xf32>
      %jit3A_111 = arith.constant 0x7F800000 : f32
      %broadcast_in_dim3A_112 = vector.broadcast %jit3A_111 : f32 to vector<16xf32>
      %select_n3A_113 = arith.select %eq3A, %broadcast_in_dim3A_112, %scan3A_74#0 : vector<16xi1>, vector<16xf32>
      %eq3A_114 = arith.cmpf oeq, %scan3A_74#1, %min3A_110 : vector<16xf32>
      %jit3A_115 = arith.constant 0x7F800000 : f32
      %broadcast_in_dim3A_116 = vector.broadcast %jit3A_115 : f32 to vector<16xf32>
      %select_n3A_117 = arith.select %eq3A_114, %broadcast_in_dim3A_116, %scan3A_74#1 : vector<16xi1>, vector<16xf32>
      %eq3A_118 = arith.cmpf oeq, %scan3A_74#2, %min3A_110 : vector<16xf32>
      %jit3A_119 = arith.constant 0x7F800000 : f32
      %broadcast_in_dim3A_120 = vector.broadcast %jit3A_119 : f32 to vector<16xf32>
      %select_n3A_121 = arith.select %eq3A_118, %broadcast_in_dim3A_120, %scan3A_74#2 : vector<16xi1>, vector<16xf32>
      %eq3A_122 = arith.cmpf oeq, %scan3A_74#3, %min3A_110 : vector<16xf32>
      %jit3A_123 = arith.constant 0x7F800000 : f32
      %broadcast_in_dim3A_124 = vector.broadcast %jit3A_123 : f32 to vector<16xf32>
      %select_n3A_125 = arith.select %eq3A_122, %broadcast_in_dim3A_124, %scan3A_74#3 : vector<16xi1>, vector<16xf32>
      %eq3A_126 = arith.cmpf oeq, %scan3A_74#4, %min3A_110 : vector<16xf32>
      %jit3A_127 = arith.constant 0x7F800000 : f32
      %broadcast_in_dim3A_128 = vector.broadcast %jit3A_127 : f32 to vector<16xf32>
      %select_n3A_129 = arith.select %eq3A_126, %broadcast_in_dim3A_128, %scan3A_74#4 : vector<16xi1>, vector<16xf32>
      %eq3A_130 = arith.cmpf oeq, %scan3A_74#5, %min3A_110 : vector<16xf32>
      %jit3A_131 = arith.constant 0x7F800000 : f32
      %broadcast_in_dim3A_132 = vector.broadcast %jit3A_131 : f32 to vector<16xf32>
      %select_n3A_133 = arith.select %eq3A_130, %broadcast_in_dim3A_132, %scan3A_74#5 : vector<16xi1>, vector<16xf32>
      %eq3A_134 = arith.cmpf oeq, %scan3A_74#6, %min3A_110 : vector<16xf32>
      %jit3A_135 = arith.constant 0x7F800000 : f32
      %broadcast_in_dim3A_136 = vector.broadcast %jit3A_135 : f32 to vector<16xf32>
      %select_n3A_137 = arith.select %eq3A_134, %broadcast_in_dim3A_136, %scan3A_74#6 : vector<16xi1>, vector<16xf32>
      %eq3A_138 = arith.cmpf oeq, %scan3A_74#7, %min3A_110 : vector<16xf32>
      %jit3A_139 = arith.constant 0x7F800000 : f32
      %broadcast_in_dim3A_140 = vector.broadcast %jit3A_139 : f32 to vector<16xf32>
      %select_n3A_141 = arith.select %eq3A_138, %broadcast_in_dim3A_140, %scan3A_74#7 : vector<16xi1>, vector<16xf32>
      %eq3A_142 = arith.cmpf oeq, %scan3A_74#8, %min3A_110 : vector<16xf32>
      %jit3A_143 = arith.constant 0x7F800000 : f32
      %broadcast_in_dim3A_144 = vector.broadcast %jit3A_143 : f32 to vector<16xf32>
      %select_n3A_145 = arith.select %eq3A_142, %broadcast_in_dim3A_144, %scan3A_74#8 : vector<16xi1>, vector<16xf32>
      %min3A_146 = arith.minimumf %select_n3A_113, %select_n3A_117 : vector<16xf32>
      %min3A_147 = arith.minimumf %min3A_146, %select_n3A_121 : vector<16xf32>
      %min3A_148 = arith.minimumf %min3A_147, %select_n3A_125 : vector<16xf32>
      %min3A_149 = arith.minimumf %min3A_148, %select_n3A_129 : vector<16xf32>
      %min3A_150 = arith.minimumf %min3A_149, %select_n3A_133 : vector<16xf32>
      %min3A_151 = arith.minimumf %min3A_150, %select_n3A_137 : vector<16xf32>
      %min3A_152 = arith.minimumf %min3A_151, %select_n3A_141 : vector<16xf32>
      %min3A_153 = arith.minimumf %min3A_152, %select_n3A_145 : vector<16xf32>
      %xor3A_154 = arith.constant 8 : i32
      %xor3A_155 = vector.broadcast %xor3A_154 : i32 to vector<16xi32>
      %xor3A_156 = arith.xori %iota3A, %xor3A_155 : vector<16xi32>
      %reshape3A_157 = vector.shape_cast %xor3A_156 : vector<16xi32> to vector<16x1xi32>
      %gather3A_158 = vector.shape_cast %reshape3A_157 : vector<16x1xi32> to vector<16xi32>
      %gather3A_159 = tpu.dynamic_gather %min3A_153[%gather3A_158] in [0] : vector<16xf32>, vector<16xi32> -> vector<16xf32>
      %min3A_160 = arith.minimumf %min3A_153, %gather3A_159 : vector<16xf32>
      %xor3A_161 = arith.constant 4 : i32
      %xor3A_162 = vector.broadcast %xor3A_161 : i32 to vector<16xi32>
      %xor3A_163 = arith.xori %iota3A, %xor3A_162 : vector<16xi32>
      %reshape3A_164 = vector.shape_cast %xor3A_163 : vector<16xi32> to vector<16x1xi32>
      %gather3A_165 = vector.shape_cast %reshape3A_164 : vector<16x1xi32> to vector<16xi32>
      %gather3A_166 = tpu.dynamic_gather %min3A_160[%gather3A_165] in [0] : vector<16xf32>, vector<16xi32> -> vector<16xf32>
      %min3A_167 = arith.minimumf %min3A_160, %gather3A_166 : vector<16xf32>
      %xor3A_168 = arith.constant 2 : i32
      %xor3A_169 = vector.broadcast %xor3A_168 : i32 to vector<16xi32>
      %xor3A_170 = arith.xori %iota3A, %xor3A_169 : vector<16xi32>
      %reshape3A_171 = vector.shape_cast %xor3A_170 : vector<16xi32> to vector<16x1xi32>
      %gather3A_172 = vector.shape_cast %reshape3A_171 : vector<16x1xi32> to vector<16xi32>
      %gather3A_173 = tpu.dynamic_gather %min3A_167[%gather3A_172] in [0] : vector<16xf32>, vector<16xi32> -> vector<16xf32>
      %min3A_174 = arith.minimumf %min3A_167, %gather3A_173 : vector<16xf32>
      %xor3A_175 = arith.constant 1 : i32
      %xor3A_176 = vector.broadcast %xor3A_175 : i32 to vector<16xi32>
      %xor3A_177 = arith.xori %iota3A, %xor3A_176 : vector<16xi32>
      %reshape3A_178 = vector.shape_cast %xor3A_177 : vector<16xi32> to vector<16x1xi32>
      %gather3A_179 = vector.shape_cast %reshape3A_178 : vector<16x1xi32> to vector<16xi32>
      %gather3A_180 = tpu.dynamic_gather %min3A_174[%gather3A_179] in [0] : vector<16xf32>, vector<16xi32> -> vector<16xf32>
      %min3A_181 = arith.minimumf %min3A_174, %gather3A_180 : vector<16xf32>
      %lt3A = arith.constant 3.000000e+38 : f32
      %lt3A_182 = vector.broadcast %lt3A : f32 to vector<16xf32>
      %lt3A_183 = arith.cmpf olt, %min3A_181, %lt3A_182 : vector<16xf32>
      %jit3A_184 = arith.constant 0.000000e+00 : f32
      %broadcast_in_dim3A_185 = vector.broadcast %jit3A_184 : f32 to vector<16xf32>
      %select_n3A_186 = arith.select %lt3A_183, %min3A_181, %broadcast_in_dim3A_185 : vector<16xi1>, vector<16xf32>
      %add3A_187 = arith.addf %broadcast_in_dim3A_77, %select_n3A_186 : vector<16xf32>
      %eq3A_188 = arith.cmpf oeq, %select_n3A_113, %min3A_181 : vector<16xf32>
      %jit3A_189 = arith.constant 0x7F800000 : f32
      %broadcast_in_dim3A_190 = vector.broadcast %jit3A_189 : f32 to vector<16xf32>
      %select_n3A_191 = arith.select %eq3A_188, %broadcast_in_dim3A_190, %select_n3A_113 : vector<16xi1>, vector<16xf32>
      %eq3A_192 = arith.cmpf oeq, %select_n3A_117, %min3A_181 : vector<16xf32>
      %jit3A_193 = arith.constant 0x7F800000 : f32
      %broadcast_in_dim3A_194 = vector.broadcast %jit3A_193 : f32 to vector<16xf32>
      %select_n3A_195 = arith.select %eq3A_192, %broadcast_in_dim3A_194, %select_n3A_117 : vector<16xi1>, vector<16xf32>
      %eq3A_196 = arith.cmpf oeq, %select_n3A_121, %min3A_181 : vector<16xf32>
      %jit3A_197 = arith.constant 0x7F800000 : f32
      %broadcast_in_dim3A_198 = vector.broadcast %jit3A_197 : f32 to vector<16xf32>
      %select_n3A_199 = arith.select %eq3A_196, %broadcast_in_dim3A_198, %select_n3A_121 : vector<16xi1>, vector<16xf32>
      %eq3A_200 = arith.cmpf oeq, %select_n3A_125, %min3A_181 : vector<16xf32>
      %jit3A_201 = arith.constant 0x7F800000 : f32
      %broadcast_in_dim3A_202 = vector.broadcast %jit3A_201 : f32 to vector<16xf32>
      %select_n3A_203 = arith.select %eq3A_200, %broadcast_in_dim3A_202, %select_n3A_125 : vector<16xi1>, vector<16xf32>
      %eq3A_204 = arith.cmpf oeq, %select_n3A_129, %min3A_181 : vector<16xf32>
      %jit3A_205 = arith.constant 0x7F800000 : f32
      %broadcast_in_dim3A_206 = vector.broadcast %jit3A_205 : f32 to vector<16xf32>
      %select_n3A_207 = arith.select %eq3A_204, %broadcast_in_dim3A_206, %select_n3A_129 : vector<16xi1>, vector<16xf32>
      %eq3A_208 = arith.cmpf oeq, %select_n3A_133, %min3A_181 : vector<16xf32>
      %jit3A_209 = arith.constant 0x7F800000 : f32
      %broadcast_in_dim3A_210 = vector.broadcast %jit3A_209 : f32 to vector<16xf32>
      %select_n3A_211 = arith.select %eq3A_208, %broadcast_in_dim3A_210, %select_n3A_133 : vector<16xi1>, vector<16xf32>
      %eq3A_212 = arith.cmpf oeq, %select_n3A_137, %min3A_181 : vector<16xf32>
      %jit3A_213 = arith.constant 0x7F800000 : f32
      %broadcast_in_dim3A_214 = vector.broadcast %jit3A_213 : f32 to vector<16xf32>
      %select_n3A_215 = arith.select %eq3A_212, %broadcast_in_dim3A_214, %select_n3A_137 : vector<16xi1>, vector<16xf32>
      %eq3A_216 = arith.cmpf oeq, %select_n3A_141, %min3A_181 : vector<16xf32>
      %jit3A_217 = arith.constant 0x7F800000 : f32
      %broadcast_in_dim3A_218 = vector.broadcast %jit3A_217 : f32 to vector<16xf32>
      %select_n3A_219 = arith.select %eq3A_216, %broadcast_in_dim3A_218, %select_n3A_141 : vector<16xi1>, vector<16xf32>
      %eq3A_220 = arith.cmpf oeq, %select_n3A_145, %min3A_181 : vector<16xf32>
      %jit3A_221 = arith.constant 0x7F800000 : f32
      %broadcast_in_dim3A_222 = vector.broadcast %jit3A_221 : f32 to vector<16xf32>
      %select_n3A_223 = arith.select %eq3A_220, %broadcast_in_dim3A_222, %select_n3A_145 : vector<16xi1>, vector<16xf32>
      %min3A_224 = arith.minimumf %select_n3A_191, %select_n3A_195 : vector<16xf32>
      %min3A_225 = arith.minimumf %min3A_224, %select_n3A_199 : vector<16xf32>
      %min3A_226 = arith.minimumf %min3A_225, %select_n3A_203 : vector<16xf32>
      %min3A_227 = arith.minimumf %min3A_226, %select_n3A_207 : vector<16xf32>
      %min3A_228 = arith.minimumf %min3A_227, %select_n3A_211 : vector<16xf32>
      %min3A_229 = arith.minimumf %min3A_228, %select_n3A_215 : vector<16xf32>
      %min3A_230 = arith.minimumf %min3A_229, %select_n3A_219 : vector<16xf32>
      %min3A_231 = arith.minimumf %min3A_230, %select_n3A_223 : vector<16xf32>
      %xor3A_232 = arith.constant 8 : i32
      %xor3A_233 = vector.broadcast %xor3A_232 : i32 to vector<16xi32>
      %xor3A_234 = arith.xori %iota3A, %xor3A_233 : vector<16xi32>
      %reshape3A_235 = vector.shape_cast %xor3A_234 : vector<16xi32> to vector<16x1xi32>
      %gather3A_236 = vector.shape_cast %reshape3A_235 : vector<16x1xi32> to vector<16xi32>
      %gather3A_237 = tpu.dynamic_gather %min3A_231[%gather3A_236] in [0] : vector<16xf32>, vector<16xi32> -> vector<16xf32>
      %min3A_238 = arith.minimumf %min3A_231, %gather3A_237 : vector<16xf32>
      %xor3A_239 = arith.constant 4 : i32
      %xor3A_240 = vector.broadcast %xor3A_239 : i32 to vector<16xi32>
      %xor3A_241 = arith.xori %iota3A, %xor3A_240 : vector<16xi32>
      %reshape3A_242 = vector.shape_cast %xor3A_241 : vector<16xi32> to vector<16x1xi32>
      %gather3A_243 = vector.shape_cast %reshape3A_242 : vector<16x1xi32> to vector<16xi32>
      %gather3A_244 = tpu.dynamic_gather %min3A_238[%gather3A_243] in [0] : vector<16xf32>, vector<16xi32> -> vector<16xf32>
      %min3A_245 = arith.minimumf %min3A_238, %gather3A_244 : vector<16xf32>
      %xor3A_246 = arith.constant 2 : i32
      %xor3A_247 = vector.broadcast %xor3A_246 : i32 to vector<16xi32>
      %xor3A_248 = arith.xori %iota3A, %xor3A_247 : vector<16xi32>
      %reshape3A_249 = vector.shape_cast %xor3A_248 : vector<16xi32> to vector<16x1xi32>
      %gather3A_250 = vector.shape_cast %reshape3A_249 : vector<16x1xi32> to vector<16xi32>
      %gather3A_251 = tpu.dynamic_gather %min3A_245[%gather3A_250] in [0] : vector<16xf32>, vector<16xi32> -> vector<16xf32>
      %min3A_252 = arith.minimumf %min3A_245, %gather3A_251 : vector<16xf32>
      %xor3A_253 = arith.constant 1 : i32
      %xor3A_254 = vector.broadcast %xor3A_253 : i32 to vector<16xi32>
      %xor3A_255 = arith.xori %iota3A, %xor3A_254 : vector<16xi32>
      %reshape3A_256 = vector.shape_cast %xor3A_255 : vector<16xi32> to vector<16x1xi32>
      %gather3A_257 = vector.shape_cast %reshape3A_256 : vector<16x1xi32> to vector<16xi32>
      %gather3A_258 = tpu.dynamic_gather %min3A_252[%gather3A_257] in [0] : vector<16xf32>, vector<16xi32> -> vector<16xf32>
      %min3A_259 = arith.minimumf %min3A_252, %gather3A_258 : vector<16xf32>
      %lt3A_260 = arith.constant 3.000000e+38 : f32
      %lt3A_261 = vector.broadcast %lt3A_260 : f32 to vector<16xf32>
      %lt3A_262 = arith.cmpf olt, %min3A_259, %lt3A_261 : vector<16xf32>
      %jit3A_263 = arith.constant 0.000000e+00 : f32
      %broadcast_in_dim3A_264 = vector.broadcast %jit3A_263 : f32 to vector<16xf32>
      %select_n3A_265 = arith.select %lt3A_262, %min3A_259, %broadcast_in_dim3A_264 : vector<16xi1>, vector<16xf32>
      %add3A_266 = arith.addf %add3A_187, %select_n3A_265 : vector<16xf32>
      %eq3A_267 = arith.cmpf oeq, %select_n3A_191, %min3A_259 : vector<16xf32>
      %jit3A_268 = arith.constant 0x7F800000 : f32
      %broadcast_in_dim3A_269 = vector.broadcast %jit3A_268 : f32 to vector<16xf32>
      %select_n3A_270 = arith.select %eq3A_267, %broadcast_in_dim3A_269, %select_n3A_191 : vector<16xi1>, vector<16xf32>
      %eq3A_271 = arith.cmpf oeq, %select_n3A_195, %min3A_259 : vector<16xf32>
      %jit3A_272 = arith.constant 0x7F800000 : f32
      %broadcast_in_dim3A_273 = vector.broadcast %jit3A_272 : f32 to vector<16xf32>
      %select_n3A_274 = arith.select %eq3A_271, %broadcast_in_dim3A_273, %select_n3A_195 : vector<16xi1>, vector<16xf32>
      %eq3A_275 = arith.cmpf oeq, %select_n3A_199, %min3A_259 : vector<16xf32>
      %jit3A_276 = arith.constant 0x7F800000 : f32
      %broadcast_in_dim3A_277 = vector.broadcast %jit3A_276 : f32 to vector<16xf32>
      %select_n3A_278 = arith.select %eq3A_275, %broadcast_in_dim3A_277, %select_n3A_199 : vector<16xi1>, vector<16xf32>
      %eq3A_279 = arith.cmpf oeq, %select_n3A_203, %min3A_259 : vector<16xf32>
      %jit3A_280 = arith.constant 0x7F800000 : f32
      %broadcast_in_dim3A_281 = vector.broadcast %jit3A_280 : f32 to vector<16xf32>
      %select_n3A_282 = arith.select %eq3A_279, %broadcast_in_dim3A_281, %select_n3A_203 : vector<16xi1>, vector<16xf32>
      %eq3A_283 = arith.cmpf oeq, %select_n3A_207, %min3A_259 : vector<16xf32>
      %jit3A_284 = arith.constant 0x7F800000 : f32
      %broadcast_in_dim3A_285 = vector.broadcast %jit3A_284 : f32 to vector<16xf32>
      %select_n3A_286 = arith.select %eq3A_283, %broadcast_in_dim3A_285, %select_n3A_207 : vector<16xi1>, vector<16xf32>
      %eq3A_287 = arith.cmpf oeq, %select_n3A_211, %min3A_259 : vector<16xf32>
      %jit3A_288 = arith.constant 0x7F800000 : f32
      %broadcast_in_dim3A_289 = vector.broadcast %jit3A_288 : f32 to vector<16xf32>
      %select_n3A_290 = arith.select %eq3A_287, %broadcast_in_dim3A_289, %select_n3A_211 : vector<16xi1>, vector<16xf32>
      %eq3A_291 = arith.cmpf oeq, %select_n3A_215, %min3A_259 : vector<16xf32>
      %jit3A_292 = arith.constant 0x7F800000 : f32
      %broadcast_in_dim3A_293 = vector.broadcast %jit3A_292 : f32 to vector<16xf32>
      %select_n3A_294 = arith.select %eq3A_291, %broadcast_in_dim3A_293, %select_n3A_215 : vector<16xi1>, vector<16xf32>
      %eq3A_295 = arith.cmpf oeq, %select_n3A_219, %min3A_259 : vector<16xf32>
      %jit3A_296 = arith.constant 0x7F800000 : f32
      %broadcast_in_dim3A_297 = vector.broadcast %jit3A_296 : f32 to vector<16xf32>
      %select_n3A_298 = arith.select %eq3A_295, %broadcast_in_dim3A_297, %select_n3A_219 : vector<16xi1>, vector<16xf32>
      %eq3A_299 = arith.cmpf oeq, %select_n3A_223, %min3A_259 : vector<16xf32>
      %jit3A_300 = arith.constant 0x7F800000 : f32
      %broadcast_in_dim3A_301 = vector.broadcast %jit3A_300 : f32 to vector<16xf32>
      %select_n3A_302 = arith.select %eq3A_299, %broadcast_in_dim3A_301, %select_n3A_223 : vector<16xi1>, vector<16xf32>
      %min3A_303 = arith.minimumf %select_n3A_270, %select_n3A_274 : vector<16xf32>
      %min3A_304 = arith.minimumf %min3A_303, %select_n3A_278 : vector<16xf32>
      %min3A_305 = arith.minimumf %min3A_304, %select_n3A_282 : vector<16xf32>
      %min3A_306 = arith.minimumf %min3A_305, %select_n3A_286 : vector<16xf32>
      %min3A_307 = arith.minimumf %min3A_306, %select_n3A_290 : vector<16xf32>
      %min3A_308 = arith.minimumf %min3A_307, %select_n3A_294 : vector<16xf32>
      %min3A_309 = arith.minimumf %min3A_308, %select_n3A_298 : vector<16xf32>
      %min3A_310 = arith.minimumf %min3A_309, %select_n3A_302 : vector<16xf32>
      %xor3A_311 = arith.constant 8 : i32
      %xor3A_312 = vector.broadcast %xor3A_311 : i32 to vector<16xi32>
      %xor3A_313 = arith.xori %iota3A, %xor3A_312 : vector<16xi32>
      %reshape3A_314 = vector.shape_cast %xor3A_313 : vector<16xi32> to vector<16x1xi32>
      %gather3A_315 = vector.shape_cast %reshape3A_314 : vector<16x1xi32> to vector<16xi32>
      %gather3A_316 = tpu.dynamic_gather %min3A_310[%gather3A_315] in [0] : vector<16xf32>, vector<16xi32> -> vector<16xf32>
      %min3A_317 = arith.minimumf %min3A_310, %gather3A_316 : vector<16xf32>
      %xor3A_318 = arith.constant 4 : i32
      %xor3A_319 = vector.broadcast %xor3A_318 : i32 to vector<16xi32>
      %xor3A_320 = arith.xori %iota3A, %xor3A_319 : vector<16xi32>
      %reshape3A_321 = vector.shape_cast %xor3A_320 : vector<16xi32> to vector<16x1xi32>
      %gather3A_322 = vector.shape_cast %reshape3A_321 : vector<16x1xi32> to vector<16xi32>
      %gather3A_323 = tpu.dynamic_gather %min3A_317[%gather3A_322] in [0] : vector<16xf32>, vector<16xi32> -> vector<16xf32>
      %min3A_324 = arith.minimumf %min3A_317, %gather3A_323 : vector<16xf32>
      %xor3A_325 = arith.constant 2 : i32
      %xor3A_326 = vector.broadcast %xor3A_325 : i32 to vector<16xi32>
      %xor3A_327 = arith.xori %iota3A, %xor3A_326 : vector<16xi32>
      %reshape3A_328 = vector.shape_cast %xor3A_327 : vector<16xi32> to vector<16x1xi32>
      %gather3A_329 = vector.shape_cast %reshape3A_328 : vector<16x1xi32> to vector<16xi32>
      %gather3A_330 = tpu.dynamic_gather %min3A_324[%gather3A_329] in [0] : vector<16xf32>, vector<16xi32> -> vector<16xf32>
      %min3A_331 = arith.minimumf %min3A_324, %gather3A_330 : vector<16xf32>
      %xor3A_332 = arith.constant 1 : i32
      %xor3A_333 = vector.broadcast %xor3A_332 : i32 to vector<16xi32>
      %xor3A_334 = arith.xori %iota3A, %xor3A_333 : vector<16xi32>
      %reshape3A_335 = vector.shape_cast %xor3A_334 : vector<16xi32> to vector<16x1xi32>
      %gather3A_336 = vector.shape_cast %reshape3A_335 : vector<16x1xi32> to vector<16xi32>
      %gather3A_337 = tpu.dynamic_gather %min3A_331[%gather3A_336] in [0] : vector<16xf32>, vector<16xi32> -> vector<16xf32>
      %min3A_338 = arith.minimumf %min3A_331, %gather3A_337 : vector<16xf32>
      %lt3A_339 = arith.constant 3.000000e+38 : f32
      %lt3A_340 = vector.broadcast %lt3A_339 : f32 to vector<16xf32>
      %lt3A_341 = arith.cmpf olt, %min3A_338, %lt3A_340 : vector<16xf32>
      %jit3A_342 = arith.constant 0.000000e+00 : f32
      %broadcast_in_dim3A_343 = vector.broadcast %jit3A_342 : f32 to vector<16xf32>
      %select_n3A_344 = arith.select %lt3A_341, %min3A_338, %broadcast_in_dim3A_343 : vector<16xi1>, vector<16xf32>
      %add3A_345 = arith.addf %add3A_266, %select_n3A_344 : vector<16xf32>
      %eq3A_346 = arith.cmpf oeq, %select_n3A_270, %min3A_338 : vector<16xf32>
      %jit3A_347 = arith.constant 0x7F800000 : f32
      %broadcast_in_dim3A_348 = vector.broadcast %jit3A_347 : f32 to vector<16xf32>
      %select_n3A_349 = arith.select %eq3A_346, %broadcast_in_dim3A_348, %select_n3A_270 : vector<16xi1>, vector<16xf32>
      %eq3A_350 = arith.cmpf oeq, %select_n3A_274, %min3A_338 : vector<16xf32>
      %jit3A_351 = arith.constant 0x7F800000 : f32
      %broadcast_in_dim3A_352 = vector.broadcast %jit3A_351 : f32 to vector<16xf32>
      %select_n3A_353 = arith.select %eq3A_350, %broadcast_in_dim3A_352, %select_n3A_274 : vector<16xi1>, vector<16xf32>
      %eq3A_354 = arith.cmpf oeq, %select_n3A_278, %min3A_338 : vector<16xf32>
      %jit3A_355 = arith.constant 0x7F800000 : f32
      %broadcast_in_dim3A_356 = vector.broadcast %jit3A_355 : f32 to vector<16xf32>
      %select_n3A_357 = arith.select %eq3A_354, %broadcast_in_dim3A_356, %select_n3A_278 : vector<16xi1>, vector<16xf32>
      %eq3A_358 = arith.cmpf oeq, %select_n3A_282, %min3A_338 : vector<16xf32>
      %jit3A_359 = arith.constant 0x7F800000 : f32
      %broadcast_in_dim3A_360 = vector.broadcast %jit3A_359 : f32 to vector<16xf32>
      %select_n3A_361 = arith.select %eq3A_358, %broadcast_in_dim3A_360, %select_n3A_282 : vector<16xi1>, vector<16xf32>
      %eq3A_362 = arith.cmpf oeq, %select_n3A_286, %min3A_338 : vector<16xf32>
      %jit3A_363 = arith.constant 0x7F800000 : f32
      %broadcast_in_dim3A_364 = vector.broadcast %jit3A_363 : f32 to vector<16xf32>
      %select_n3A_365 = arith.select %eq3A_362, %broadcast_in_dim3A_364, %select_n3A_286 : vector<16xi1>, vector<16xf32>
      %eq3A_366 = arith.cmpf oeq, %select_n3A_290, %min3A_338 : vector<16xf32>
      %jit3A_367 = arith.constant 0x7F800000 : f32
      %broadcast_in_dim3A_368 = vector.broadcast %jit3A_367 : f32 to vector<16xf32>
      %select_n3A_369 = arith.select %eq3A_366, %broadcast_in_dim3A_368, %select_n3A_290 : vector<16xi1>, vector<16xf32>
      %eq3A_370 = arith.cmpf oeq, %select_n3A_294, %min3A_338 : vector<16xf32>
      %jit3A_371 = arith.constant 0x7F800000 : f32
      %broadcast_in_dim3A_372 = vector.broadcast %jit3A_371 : f32 to vector<16xf32>
      %select_n3A_373 = arith.select %eq3A_370, %broadcast_in_dim3A_372, %select_n3A_294 : vector<16xi1>, vector<16xf32>
      %eq3A_374 = arith.cmpf oeq, %select_n3A_298, %min3A_338 : vector<16xf32>
      %jit3A_375 = arith.constant 0x7F800000 : f32
      %broadcast_in_dim3A_376 = vector.broadcast %jit3A_375 : f32 to vector<16xf32>
      %select_n3A_377 = arith.select %eq3A_374, %broadcast_in_dim3A_376, %select_n3A_298 : vector<16xi1>, vector<16xf32>
      %eq3A_378 = arith.cmpf oeq, %select_n3A_302, %min3A_338 : vector<16xf32>
      %jit3A_379 = arith.constant 0x7F800000 : f32
      %broadcast_in_dim3A_380 = vector.broadcast %jit3A_379 : f32 to vector<16xf32>
      %select_n3A_381 = arith.select %eq3A_378, %broadcast_in_dim3A_380, %select_n3A_302 : vector<16xi1>, vector<16xf32>
      %min3A_382 = arith.minimumf %select_n3A_349, %select_n3A_353 : vector<16xf32>
      %min3A_383 = arith.minimumf %min3A_382, %select_n3A_357 : vector<16xf32>
      %min3A_384 = arith.minimumf %min3A_383, %select_n3A_361 : vector<16xf32>
      %min3A_385 = arith.minimumf %min3A_384, %select_n3A_365 : vector<16xf32>
      %min3A_386 = arith.minimumf %min3A_385, %select_n3A_369 : vector<16xf32>
      %min3A_387 = arith.minimumf %min3A_386, %select_n3A_373 : vector<16xf32>
      %min3A_388 = arith.minimumf %min3A_387, %select_n3A_377 : vector<16xf32>
      %min3A_389 = arith.minimumf %min3A_388, %select_n3A_381 : vector<16xf32>
      %xor3A_390 = arith.constant 8 : i32
      %xor3A_391 = vector.broadcast %xor3A_390 : i32 to vector<16xi32>
      %xor3A_392 = arith.xori %iota3A, %xor3A_391 : vector<16xi32>
      %reshape3A_393 = vector.shape_cast %xor3A_392 : vector<16xi32> to vector<16x1xi32>
      %gather3A_394 = vector.shape_cast %reshape3A_393 : vector<16x1xi32> to vector<16xi32>
      %gather3A_395 = tpu.dynamic_gather %min3A_389[%gather3A_394] in [0] : vector<16xf32>, vector<16xi32> -> vector<16xf32>
      %min3A_396 = arith.minimumf %min3A_389, %gather3A_395 : vector<16xf32>
      %xor3A_397 = arith.constant 4 : i32
      %xor3A_398 = vector.broadcast %xor3A_397 : i32 to vector<16xi32>
      %xor3A_399 = arith.xori %iota3A, %xor3A_398 : vector<16xi32>
      %reshape3A_400 = vector.shape_cast %xor3A_399 : vector<16xi32> to vector<16x1xi32>
      %gather3A_401 = vector.shape_cast %reshape3A_400 : vector<16x1xi32> to vector<16xi32>
      %gather3A_402 = tpu.dynamic_gather %min3A_396[%gather3A_401] in [0] : vector<16xf32>, vector<16xi32> -> vector<16xf32>
      %min3A_403 = arith.minimumf %min3A_396, %gather3A_402 : vector<16xf32>
      %xor3A_404 = arith.constant 2 : i32
      %xor3A_405 = vector.broadcast %xor3A_404 : i32 to vector<16xi32>
      %xor3A_406 = arith.xori %iota3A, %xor3A_405 : vector<16xi32>
      %reshape3A_407 = vector.shape_cast %xor3A_406 : vector<16xi32> to vector<16x1xi32>
      %gather3A_408 = vector.shape_cast %reshape3A_407 : vector<16x1xi32> to vector<16xi32>
      %gather3A_409 = tpu.dynamic_gather %min3A_403[%gather3A_408] in [0] : vector<16xf32>, vector<16xi32> -> vector<16xf32>
      %min3A_410 = arith.minimumf %min3A_403, %gather3A_409 : vector<16xf32>
      %xor3A_411 = arith.constant 1 : i32
      %xor3A_412 = vector.broadcast %xor3A_411 : i32 to vector<16xi32>
      %xor3A_413 = arith.xori %iota3A, %xor3A_412 : vector<16xi32>
      %reshape3A_414 = vector.shape_cast %xor3A_413 : vector<16xi32> to vector<16x1xi32>
      %gather3A_415 = vector.shape_cast %reshape3A_414 : vector<16x1xi32> to vector<16xi32>
      %gather3A_416 = tpu.dynamic_gather %min3A_410[%gather3A_415] in [0] : vector<16xf32>, vector<16xi32> -> vector<16xf32>
      %min3A_417 = arith.minimumf %min3A_410, %gather3A_416 : vector<16xf32>
      %lt3A_418 = arith.constant 3.000000e+38 : f32
      %lt3A_419 = vector.broadcast %lt3A_418 : f32 to vector<16xf32>
      %lt3A_420 = arith.cmpf olt, %min3A_417, %lt3A_419 : vector<16xf32>
      %jit3A_421 = arith.constant 0.000000e+00 : f32
      %broadcast_in_dim3A_422 = vector.broadcast %jit3A_421 : f32 to vector<16xf32>
      %select_n3A_423 = arith.select %lt3A_420, %min3A_417, %broadcast_in_dim3A_422 : vector<16xi1>, vector<16xf32>
      %add3A_424 = arith.addf %add3A_345, %select_n3A_423 : vector<16xf32>
      %eq3A_425 = arith.cmpf oeq, %select_n3A_349, %min3A_417 : vector<16xf32>
      %jit3A_426 = arith.constant 0x7F800000 : f32
      %broadcast_in_dim3A_427 = vector.broadcast %jit3A_426 : f32 to vector<16xf32>
      %select_n3A_428 = arith.select %eq3A_425, %broadcast_in_dim3A_427, %select_n3A_349 : vector<16xi1>, vector<16xf32>
      %eq3A_429 = arith.cmpf oeq, %select_n3A_353, %min3A_417 : vector<16xf32>
      %jit3A_430 = arith.constant 0x7F800000 : f32
      %broadcast_in_dim3A_431 = vector.broadcast %jit3A_430 : f32 to vector<16xf32>
      %select_n3A_432 = arith.select %eq3A_429, %broadcast_in_dim3A_431, %select_n3A_353 : vector<16xi1>, vector<16xf32>
      %eq3A_433 = arith.cmpf oeq, %select_n3A_357, %min3A_417 : vector<16xf32>
      %jit3A_434 = arith.constant 0x7F800000 : f32
      %broadcast_in_dim3A_435 = vector.broadcast %jit3A_434 : f32 to vector<16xf32>
      %select_n3A_436 = arith.select %eq3A_433, %broadcast_in_dim3A_435, %select_n3A_357 : vector<16xi1>, vector<16xf32>
      %eq3A_437 = arith.cmpf oeq, %select_n3A_361, %min3A_417 : vector<16xf32>
      %jit3A_438 = arith.constant 0x7F800000 : f32
      %broadcast_in_dim3A_439 = vector.broadcast %jit3A_438 : f32 to vector<16xf32>
      %select_n3A_440 = arith.select %eq3A_437, %broadcast_in_dim3A_439, %select_n3A_361 : vector<16xi1>, vector<16xf32>
      %eq3A_441 = arith.cmpf oeq, %select_n3A_365, %min3A_417 : vector<16xf32>
      %jit3A_442 = arith.constant 0x7F800000 : f32
      %broadcast_in_dim3A_443 = vector.broadcast %jit3A_442 : f32 to vector<16xf32>
      %select_n3A_444 = arith.select %eq3A_441, %broadcast_in_dim3A_443, %select_n3A_365 : vector<16xi1>, vector<16xf32>
      %eq3A_445 = arith.cmpf oeq, %select_n3A_369, %min3A_417 : vector<16xf32>
      %jit3A_446 = arith.constant 0x7F800000 : f32
      %broadcast_in_dim3A_447 = vector.broadcast %jit3A_446 : f32 to vector<16xf32>
      %select_n3A_448 = arith.select %eq3A_445, %broadcast_in_dim3A_447, %select_n3A_369 : vector<16xi1>, vector<16xf32>
      %eq3A_449 = arith.cmpf oeq, %select_n3A_373, %min3A_417 : vector<16xf32>
      %jit3A_450 = arith.constant 0x7F800000 : f32
      %broadcast_in_dim3A_451 = vector.broadcast %jit3A_450 : f32 to vector<16xf32>
      %select_n3A_452 = arith.select %eq3A_449, %broadcast_in_dim3A_451, %select_n3A_373 : vector<16xi1>, vector<16xf32>
      %eq3A_453 = arith.cmpf oeq, %select_n3A_377, %min3A_417 : vector<16xf32>
      %jit3A_454 = arith.constant 0x7F800000 : f32
      %broadcast_in_dim3A_455 = vector.broadcast %jit3A_454 : f32 to vector<16xf32>
      %select_n3A_456 = arith.select %eq3A_453, %broadcast_in_dim3A_455, %select_n3A_377 : vector<16xi1>, vector<16xf32>
      %eq3A_457 = arith.cmpf oeq, %select_n3A_381, %min3A_417 : vector<16xf32>
      %jit3A_458 = arith.constant 0x7F800000 : f32
      %broadcast_in_dim3A_459 = vector.broadcast %jit3A_458 : f32 to vector<16xf32>
      %select_n3A_460 = arith.select %eq3A_457, %broadcast_in_dim3A_459, %select_n3A_381 : vector<16xi1>, vector<16xf32>
      %min3A_461 = arith.minimumf %select_n3A_428, %select_n3A_432 : vector<16xf32>
      %min3A_462 = arith.minimumf %min3A_461, %select_n3A_436 : vector<16xf32>
      %min3A_463 = arith.minimumf %min3A_462, %select_n3A_440 : vector<16xf32>
      %min3A_464 = arith.minimumf %min3A_463, %select_n3A_444 : vector<16xf32>
      %min3A_465 = arith.minimumf %min3A_464, %select_n3A_448 : vector<16xf32>
      %min3A_466 = arith.minimumf %min3A_465, %select_n3A_452 : vector<16xf32>
      %min3A_467 = arith.minimumf %min3A_466, %select_n3A_456 : vector<16xf32>
      %min3A_468 = arith.minimumf %min3A_467, %select_n3A_460 : vector<16xf32>
      %xor3A_469 = arith.constant 8 : i32
      %xor3A_470 = vector.broadcast %xor3A_469 : i32 to vector<16xi32>
      %xor3A_471 = arith.xori %iota3A, %xor3A_470 : vector<16xi32>
      %reshape3A_472 = vector.shape_cast %xor3A_471 : vector<16xi32> to vector<16x1xi32>
      %gather3A_473 = vector.shape_cast %reshape3A_472 : vector<16x1xi32> to vector<16xi32>
      %gather3A_474 = tpu.dynamic_gather %min3A_468[%gather3A_473] in [0] : vector<16xf32>, vector<16xi32> -> vector<16xf32>
      %min3A_475 = arith.minimumf %min3A_468, %gather3A_474 : vector<16xf32>
      %xor3A_476 = arith.constant 4 : i32
      %xor3A_477 = vector.broadcast %xor3A_476 : i32 to vector<16xi32>
      %xor3A_478 = arith.xori %iota3A, %xor3A_477 : vector<16xi32>
      %reshape3A_479 = vector.shape_cast %xor3A_478 : vector<16xi32> to vector<16x1xi32>
      %gather3A_480 = vector.shape_cast %reshape3A_479 : vector<16x1xi32> to vector<16xi32>
      %gather3A_481 = tpu.dynamic_gather %min3A_475[%gather3A_480] in [0] : vector<16xf32>, vector<16xi32> -> vector<16xf32>
      %min3A_482 = arith.minimumf %min3A_475, %gather3A_481 : vector<16xf32>
      %xor3A_483 = arith.constant 2 : i32
      %xor3A_484 = vector.broadcast %xor3A_483 : i32 to vector<16xi32>
      %xor3A_485 = arith.xori %iota3A, %xor3A_484 : vector<16xi32>
      %reshape3A_486 = vector.shape_cast %xor3A_485 : vector<16xi32> to vector<16x1xi32>
      %gather3A_487 = vector.shape_cast %reshape3A_486 : vector<16x1xi32> to vector<16xi32>
      %gather3A_488 = tpu.dynamic_gather %min3A_482[%gather3A_487] in [0] : vector<16xf32>, vector<16xi32> -> vector<16xf32>
      %min3A_489 = arith.minimumf %min3A_482, %gather3A_488 : vector<16xf32>
      %xor3A_490 = arith.constant 1 : i32
      %xor3A_491 = vector.broadcast %xor3A_490 : i32 to vector<16xi32>
      %xor3A_492 = arith.xori %iota3A, %xor3A_491 : vector<16xi32>
      %reshape3A_493 = vector.shape_cast %xor3A_492 : vector<16xi32> to vector<16x1xi32>
      %gather3A_494 = vector.shape_cast %reshape3A_493 : vector<16x1xi32> to vector<16xi32>
      %gather3A_495 = tpu.dynamic_gather %min3A_489[%gather3A_494] in [0] : vector<16xf32>, vector<16xi32> -> vector<16xf32>
      %min3A_496 = arith.minimumf %min3A_489, %gather3A_495 : vector<16xf32>
      %lt3A_497 = arith.constant 3.000000e+38 : f32
      %lt3A_498 = vector.broadcast %lt3A_497 : f32 to vector<16xf32>
      %lt3A_499 = arith.cmpf olt, %min3A_496, %lt3A_498 : vector<16xf32>
      %jit3A_500 = arith.constant 0.000000e+00 : f32
      %broadcast_in_dim3A_501 = vector.broadcast %jit3A_500 : f32 to vector<16xf32>
      %select_n3A_502 = arith.select %lt3A_499, %min3A_496, %broadcast_in_dim3A_501 : vector<16xi1>, vector<16xf32>
      %add3A_503 = arith.addf %add3A_424, %select_n3A_502 : vector<16xf32>
      %eq3A_504 = arith.cmpf oeq, %select_n3A_428, %min3A_496 : vector<16xf32>
      %jit3A_505 = arith.constant 0x7F800000 : f32
      %broadcast_in_dim3A_506 = vector.broadcast %jit3A_505 : f32 to vector<16xf32>
      %select_n3A_507 = arith.select %eq3A_504, %broadcast_in_dim3A_506, %select_n3A_428 : vector<16xi1>, vector<16xf32>
      %eq3A_508 = arith.cmpf oeq, %select_n3A_432, %min3A_496 : vector<16xf32>
      %jit3A_509 = arith.constant 0x7F800000 : f32
      %broadcast_in_dim3A_510 = vector.broadcast %jit3A_509 : f32 to vector<16xf32>
      %select_n3A_511 = arith.select %eq3A_508, %broadcast_in_dim3A_510, %select_n3A_432 : vector<16xi1>, vector<16xf32>
      %eq3A_512 = arith.cmpf oeq, %select_n3A_436, %min3A_496 : vector<16xf32>
      %jit3A_513 = arith.constant 0x7F800000 : f32
      %broadcast_in_dim3A_514 = vector.broadcast %jit3A_513 : f32 to vector<16xf32>
      %select_n3A_515 = arith.select %eq3A_512, %broadcast_in_dim3A_514, %select_n3A_436 : vector<16xi1>, vector<16xf32>
      %eq3A_516 = arith.cmpf oeq, %select_n3A_440, %min3A_496 : vector<16xf32>
      %jit3A_517 = arith.constant 0x7F800000 : f32
      %broadcast_in_dim3A_518 = vector.broadcast %jit3A_517 : f32 to vector<16xf32>
      %select_n3A_519 = arith.select %eq3A_516, %broadcast_in_dim3A_518, %select_n3A_440 : vector<16xi1>, vector<16xf32>
      %eq3A_520 = arith.cmpf oeq, %select_n3A_444, %min3A_496 : vector<16xf32>
      %jit3A_521 = arith.constant 0x7F800000 : f32
      %broadcast_in_dim3A_522 = vector.broadcast %jit3A_521 : f32 to vector<16xf32>
      %select_n3A_523 = arith.select %eq3A_520, %broadcast_in_dim3A_522, %select_n3A_444 : vector<16xi1>, vector<16xf32>
      %eq3A_524 = arith.cmpf oeq, %select_n3A_448, %min3A_496 : vector<16xf32>
      %jit3A_525 = arith.constant 0x7F800000 : f32
      %broadcast_in_dim3A_526 = vector.broadcast %jit3A_525 : f32 to vector<16xf32>
      %select_n3A_527 = arith.select %eq3A_524, %broadcast_in_dim3A_526, %select_n3A_448 : vector<16xi1>, vector<16xf32>
      %eq3A_528 = arith.cmpf oeq, %select_n3A_452, %min3A_496 : vector<16xf32>
      %jit3A_529 = arith.constant 0x7F800000 : f32
      %broadcast_in_dim3A_530 = vector.broadcast %jit3A_529 : f32 to vector<16xf32>
      %select_n3A_531 = arith.select %eq3A_528, %broadcast_in_dim3A_530, %select_n3A_452 : vector<16xi1>, vector<16xf32>
      %eq3A_532 = arith.cmpf oeq, %select_n3A_456, %min3A_496 : vector<16xf32>
      %jit3A_533 = arith.constant 0x7F800000 : f32
      %broadcast_in_dim3A_534 = vector.broadcast %jit3A_533 : f32 to vector<16xf32>
      %select_n3A_535 = arith.select %eq3A_532, %broadcast_in_dim3A_534, %select_n3A_456 : vector<16xi1>, vector<16xf32>
      %eq3A_536 = arith.cmpf oeq, %select_n3A_460, %min3A_496 : vector<16xf32>
      %jit3A_537 = arith.constant 0x7F800000 : f32
      %broadcast_in_dim3A_538 = vector.broadcast %jit3A_537 : f32 to vector<16xf32>
      %select_n3A_539 = arith.select %eq3A_536, %broadcast_in_dim3A_538, %select_n3A_460 : vector<16xi1>, vector<16xf32>
      %min3A_540 = arith.minimumf %select_n3A_507, %select_n3A_511 : vector<16xf32>
      %min3A_541 = arith.minimumf %min3A_540, %select_n3A_515 : vector<16xf32>
      %min3A_542 = arith.minimumf %min3A_541, %select_n3A_519 : vector<16xf32>
      %min3A_543 = arith.minimumf %min3A_542, %select_n3A_523 : vector<16xf32>
      %min3A_544 = arith.minimumf %min3A_543, %select_n3A_527 : vector<16xf32>
      %min3A_545 = arith.minimumf %min3A_544, %select_n3A_531 : vector<16xf32>
      %min3A_546 = arith.minimumf %min3A_545, %select_n3A_535 : vector<16xf32>
      %min3A_547 = arith.minimumf %min3A_546, %select_n3A_539 : vector<16xf32>
      %xor3A_548 = arith.constant 8 : i32
      %xor3A_549 = vector.broadcast %xor3A_548 : i32 to vector<16xi32>
      %xor3A_550 = arith.xori %iota3A, %xor3A_549 : vector<16xi32>
      %reshape3A_551 = vector.shape_cast %xor3A_550 : vector<16xi32> to vector<16x1xi32>
      %gather3A_552 = vector.shape_cast %reshape3A_551 : vector<16x1xi32> to vector<16xi32>
      %gather3A_553 = tpu.dynamic_gather %min3A_547[%gather3A_552] in [0] : vector<16xf32>, vector<16xi32> -> vector<16xf32>
      %min3A_554 = arith.minimumf %min3A_547, %gather3A_553 : vector<16xf32>
      %xor3A_555 = arith.constant 4 : i32
      %xor3A_556 = vector.broadcast %xor3A_555 : i32 to vector<16xi32>
      %xor3A_557 = arith.xori %iota3A, %xor3A_556 : vector<16xi32>
      %reshape3A_558 = vector.shape_cast %xor3A_557 : vector<16xi32> to vector<16x1xi32>
      %gather3A_559 = vector.shape_cast %reshape3A_558 : vector<16x1xi32> to vector<16xi32>
      %gather3A_560 = tpu.dynamic_gather %min3A_554[%gather3A_559] in [0] : vector<16xf32>, vector<16xi32> -> vector<16xf32>
      %min3A_561 = arith.minimumf %min3A_554, %gather3A_560 : vector<16xf32>
      %xor3A_562 = arith.constant 2 : i32
      %xor3A_563 = vector.broadcast %xor3A_562 : i32 to vector<16xi32>
      %xor3A_564 = arith.xori %iota3A, %xor3A_563 : vector<16xi32>
      %reshape3A_565 = vector.shape_cast %xor3A_564 : vector<16xi32> to vector<16x1xi32>
      %gather3A_566 = vector.shape_cast %reshape3A_565 : vector<16x1xi32> to vector<16xi32>
      %gather3A_567 = tpu.dynamic_gather %min3A_561[%gather3A_566] in [0] : vector<16xf32>, vector<16xi32> -> vector<16xf32>
      %min3A_568 = arith.minimumf %min3A_561, %gather3A_567 : vector<16xf32>
      %xor3A_569 = arith.constant 1 : i32
      %xor3A_570 = vector.broadcast %xor3A_569 : i32 to vector<16xi32>
      %xor3A_571 = arith.xori %iota3A, %xor3A_570 : vector<16xi32>
      %reshape3A_572 = vector.shape_cast %xor3A_571 : vector<16xi32> to vector<16x1xi32>
      %gather3A_573 = vector.shape_cast %reshape3A_572 : vector<16x1xi32> to vector<16xi32>
      %gather3A_574 = tpu.dynamic_gather %min3A_568[%gather3A_573] in [0] : vector<16xf32>, vector<16xi32> -> vector<16xf32>
      %min3A_575 = arith.minimumf %min3A_568, %gather3A_574 : vector<16xf32>
      %lt3A_576 = arith.constant 3.000000e+38 : f32
      %lt3A_577 = vector.broadcast %lt3A_576 : f32 to vector<16xf32>
      %lt3A_578 = arith.cmpf olt, %min3A_575, %lt3A_577 : vector<16xf32>
      %jit3A_579 = arith.constant 0.000000e+00 : f32
      %broadcast_in_dim3A_580 = vector.broadcast %jit3A_579 : f32 to vector<16xf32>
      %select_n3A_581 = arith.select %lt3A_578, %min3A_575, %broadcast_in_dim3A_580 : vector<16xi1>, vector<16xf32>
      %add3A_582 = arith.addf %add3A_503, %select_n3A_581 : vector<16xf32>
      %eq3A_583 = arith.cmpf oeq, %select_n3A_507, %min3A_575 : vector<16xf32>
      %jit3A_584 = arith.constant 0x7F800000 : f32
      %broadcast_in_dim3A_585 = vector.broadcast %jit3A_584 : f32 to vector<16xf32>
      %select_n3A_586 = arith.select %eq3A_583, %broadcast_in_dim3A_585, %select_n3A_507 : vector<16xi1>, vector<16xf32>
      %eq3A_587 = arith.cmpf oeq, %select_n3A_511, %min3A_575 : vector<16xf32>
      %jit3A_588 = arith.constant 0x7F800000 : f32
      %broadcast_in_dim3A_589 = vector.broadcast %jit3A_588 : f32 to vector<16xf32>
      %select_n3A_590 = arith.select %eq3A_587, %broadcast_in_dim3A_589, %select_n3A_511 : vector<16xi1>, vector<16xf32>
      %eq3A_591 = arith.cmpf oeq, %select_n3A_515, %min3A_575 : vector<16xf32>
      %jit3A_592 = arith.constant 0x7F800000 : f32
      %broadcast_in_dim3A_593 = vector.broadcast %jit3A_592 : f32 to vector<16xf32>
      %select_n3A_594 = arith.select %eq3A_591, %broadcast_in_dim3A_593, %select_n3A_515 : vector<16xi1>, vector<16xf32>
      %eq3A_595 = arith.cmpf oeq, %select_n3A_519, %min3A_575 : vector<16xf32>
      %jit3A_596 = arith.constant 0x7F800000 : f32
      %broadcast_in_dim3A_597 = vector.broadcast %jit3A_596 : f32 to vector<16xf32>
      %select_n3A_598 = arith.select %eq3A_595, %broadcast_in_dim3A_597, %select_n3A_519 : vector<16xi1>, vector<16xf32>
      %eq3A_599 = arith.cmpf oeq, %select_n3A_523, %min3A_575 : vector<16xf32>
      %jit3A_600 = arith.constant 0x7F800000 : f32
      %broadcast_in_dim3A_601 = vector.broadcast %jit3A_600 : f32 to vector<16xf32>
      %select_n3A_602 = arith.select %eq3A_599, %broadcast_in_dim3A_601, %select_n3A_523 : vector<16xi1>, vector<16xf32>
      %eq3A_603 = arith.cmpf oeq, %select_n3A_527, %min3A_575 : vector<16xf32>
      %jit3A_604 = arith.constant 0x7F800000 : f32
      %broadcast_in_dim3A_605 = vector.broadcast %jit3A_604 : f32 to vector<16xf32>
      %select_n3A_606 = arith.select %eq3A_603, %broadcast_in_dim3A_605, %select_n3A_527 : vector<16xi1>, vector<16xf32>
      %eq3A_607 = arith.cmpf oeq, %select_n3A_531, %min3A_575 : vector<16xf32>
      %jit3A_608 = arith.constant 0x7F800000 : f32
      %broadcast_in_dim3A_609 = vector.broadcast %jit3A_608 : f32 to vector<16xf32>
      %select_n3A_610 = arith.select %eq3A_607, %broadcast_in_dim3A_609, %select_n3A_531 : vector<16xi1>, vector<16xf32>
      %eq3A_611 = arith.cmpf oeq, %select_n3A_535, %min3A_575 : vector<16xf32>
      %jit3A_612 = arith.constant 0x7F800000 : f32
      %broadcast_in_dim3A_613 = vector.broadcast %jit3A_612 : f32 to vector<16xf32>
      %select_n3A_614 = arith.select %eq3A_611, %broadcast_in_dim3A_613, %select_n3A_535 : vector<16xi1>, vector<16xf32>
      %eq3A_615 = arith.cmpf oeq, %select_n3A_539, %min3A_575 : vector<16xf32>
      %jit3A_616 = arith.constant 0x7F800000 : f32
      %broadcast_in_dim3A_617 = vector.broadcast %jit3A_616 : f32 to vector<16xf32>
      %select_n3A_618 = arith.select %eq3A_615, %broadcast_in_dim3A_617, %select_n3A_539 : vector<16xi1>, vector<16xf32>
      %min3A_619 = arith.minimumf %select_n3A_586, %select_n3A_590 : vector<16xf32>
      %min3A_620 = arith.minimumf %min3A_619, %select_n3A_594 : vector<16xf32>
      %min3A_621 = arith.minimumf %min3A_620, %select_n3A_598 : vector<16xf32>
      %min3A_622 = arith.minimumf %min3A_621, %select_n3A_602 : vector<16xf32>
      %min3A_623 = arith.minimumf %min3A_622, %select_n3A_606 : vector<16xf32>
      %min3A_624 = arith.minimumf %min3A_623, %select_n3A_610 : vector<16xf32>
      %min3A_625 = arith.minimumf %min3A_624, %select_n3A_614 : vector<16xf32>
      %min3A_626 = arith.minimumf %min3A_625, %select_n3A_618 : vector<16xf32>
      %xor3A_627 = arith.constant 8 : i32
      %xor3A_628 = vector.broadcast %xor3A_627 : i32 to vector<16xi32>
      %xor3A_629 = arith.xori %iota3A, %xor3A_628 : vector<16xi32>
      %reshape3A_630 = vector.shape_cast %xor3A_629 : vector<16xi32> to vector<16x1xi32>
      %gather3A_631 = vector.shape_cast %reshape3A_630 : vector<16x1xi32> to vector<16xi32>
      %gather3A_632 = tpu.dynamic_gather %min3A_626[%gather3A_631] in [0] : vector<16xf32>, vector<16xi32> -> vector<16xf32>
      %min3A_633 = arith.minimumf %min3A_626, %gather3A_632 : vector<16xf32>
      %xor3A_634 = arith.constant 4 : i32
      %xor3A_635 = vector.broadcast %xor3A_634 : i32 to vector<16xi32>
      %xor3A_636 = arith.xori %iota3A, %xor3A_635 : vector<16xi32>
      %reshape3A_637 = vector.shape_cast %xor3A_636 : vector<16xi32> to vector<16x1xi32>
      %gather3A_638 = vector.shape_cast %reshape3A_637 : vector<16x1xi32> to vector<16xi32>
      %gather3A_639 = tpu.dynamic_gather %min3A_633[%gather3A_638] in [0] : vector<16xf32>, vector<16xi32> -> vector<16xf32>
      %min3A_640 = arith.minimumf %min3A_633, %gather3A_639 : vector<16xf32>
      %xor3A_641 = arith.constant 2 : i32
      %xor3A_642 = vector.broadcast %xor3A_641 : i32 to vector<16xi32>
      %xor3A_643 = arith.xori %iota3A, %xor3A_642 : vector<16xi32>
      %reshape3A_644 = vector.shape_cast %xor3A_643 : vector<16xi32> to vector<16x1xi32>
      %gather3A_645 = vector.shape_cast %reshape3A_644 : vector<16x1xi32> to vector<16xi32>
      %gather3A_646 = tpu.dynamic_gather %min3A_640[%gather3A_645] in [0] : vector<16xf32>, vector<16xi32> -> vector<16xf32>
      %min3A_647 = arith.minimumf %min3A_640, %gather3A_646 : vector<16xf32>
      %xor3A_648 = arith.constant 1 : i32
      %xor3A_649 = vector.broadcast %xor3A_648 : i32 to vector<16xi32>
      %xor3A_650 = arith.xori %iota3A, %xor3A_649 : vector<16xi32>
      %reshape3A_651 = vector.shape_cast %xor3A_650 : vector<16xi32> to vector<16x1xi32>
      %gather3A_652 = vector.shape_cast %reshape3A_651 : vector<16x1xi32> to vector<16xi32>
      %gather3A_653 = tpu.dynamic_gather %min3A_647[%gather3A_652] in [0] : vector<16xf32>, vector<16xi32> -> vector<16xf32>
      %min3A_654 = arith.minimumf %min3A_647, %gather3A_653 : vector<16xf32>
      %lt3A_655 = arith.constant 3.000000e+38 : f32
      %lt3A_656 = vector.broadcast %lt3A_655 : f32 to vector<16xf32>
      %lt3A_657 = arith.cmpf olt, %min3A_654, %lt3A_656 : vector<16xf32>
      %jit3A_658 = arith.constant 0.000000e+00 : f32
      %broadcast_in_dim3A_659 = vector.broadcast %jit3A_658 : f32 to vector<16xf32>
      %select_n3A_660 = arith.select %lt3A_657, %min3A_654, %broadcast_in_dim3A_659 : vector<16xi1>, vector<16xf32>
      %add3A_661 = arith.addf %add3A_582, %select_n3A_660 : vector<16xf32>
      %eq3A_662 = arith.cmpf oeq, %select_n3A_586, %min3A_654 : vector<16xf32>
      %jit3A_663 = arith.constant 0x7F800000 : f32
      %broadcast_in_dim3A_664 = vector.broadcast %jit3A_663 : f32 to vector<16xf32>
      %select_n3A_665 = arith.select %eq3A_662, %broadcast_in_dim3A_664, %select_n3A_586 : vector<16xi1>, vector<16xf32>
      %eq3A_666 = arith.cmpf oeq, %select_n3A_590, %min3A_654 : vector<16xf32>
      %jit3A_667 = arith.constant 0x7F800000 : f32
      %broadcast_in_dim3A_668 = vector.broadcast %jit3A_667 : f32 to vector<16xf32>
      %select_n3A_669 = arith.select %eq3A_666, %broadcast_in_dim3A_668, %select_n3A_590 : vector<16xi1>, vector<16xf32>
      %eq3A_670 = arith.cmpf oeq, %select_n3A_594, %min3A_654 : vector<16xf32>
      %jit3A_671 = arith.constant 0x7F800000 : f32
      %broadcast_in_dim3A_672 = vector.broadcast %jit3A_671 : f32 to vector<16xf32>
      %select_n3A_673 = arith.select %eq3A_670, %broadcast_in_dim3A_672, %select_n3A_594 : vector<16xi1>, vector<16xf32>
      %eq3A_674 = arith.cmpf oeq, %select_n3A_598, %min3A_654 : vector<16xf32>
      %jit3A_675 = arith.constant 0x7F800000 : f32
      %broadcast_in_dim3A_676 = vector.broadcast %jit3A_675 : f32 to vector<16xf32>
      %select_n3A_677 = arith.select %eq3A_674, %broadcast_in_dim3A_676, %select_n3A_598 : vector<16xi1>, vector<16xf32>
      %eq3A_678 = arith.cmpf oeq, %select_n3A_602, %min3A_654 : vector<16xf32>
      %jit3A_679 = arith.constant 0x7F800000 : f32
      %broadcast_in_dim3A_680 = vector.broadcast %jit3A_679 : f32 to vector<16xf32>
      %select_n3A_681 = arith.select %eq3A_678, %broadcast_in_dim3A_680, %select_n3A_602 : vector<16xi1>, vector<16xf32>
      %eq3A_682 = arith.cmpf oeq, %select_n3A_606, %min3A_654 : vector<16xf32>
      %jit3A_683 = arith.constant 0x7F800000 : f32
      %broadcast_in_dim3A_684 = vector.broadcast %jit3A_683 : f32 to vector<16xf32>
      %select_n3A_685 = arith.select %eq3A_682, %broadcast_in_dim3A_684, %select_n3A_606 : vector<16xi1>, vector<16xf32>
      %eq3A_686 = arith.cmpf oeq, %select_n3A_610, %min3A_654 : vector<16xf32>
      %jit3A_687 = arith.constant 0x7F800000 : f32
      %broadcast_in_dim3A_688 = vector.broadcast %jit3A_687 : f32 to vector<16xf32>
      %select_n3A_689 = arith.select %eq3A_686, %broadcast_in_dim3A_688, %select_n3A_610 : vector<16xi1>, vector<16xf32>
      %eq3A_690 = arith.cmpf oeq, %select_n3A_614, %min3A_654 : vector<16xf32>
      %jit3A_691 = arith.constant 0x7F800000 : f32
      %broadcast_in_dim3A_692 = vector.broadcast %jit3A_691 : f32 to vector<16xf32>
      %select_n3A_693 = arith.select %eq3A_690, %broadcast_in_dim3A_692, %select_n3A_614 : vector<16xi1>, vector<16xf32>
      %eq3A_694 = arith.cmpf oeq, %select_n3A_618, %min3A_654 : vector<16xf32>
      %jit3A_695 = arith.constant 0x7F800000 : f32
      %broadcast_in_dim3A_696 = vector.broadcast %jit3A_695 : f32 to vector<16xf32>
      %select_n3A_697 = arith.select %eq3A_694, %broadcast_in_dim3A_696, %select_n3A_618 : vector<16xi1>, vector<16xf32>
      %min3A_698 = arith.minimumf %select_n3A_665, %select_n3A_669 : vector<16xf32>
      %min3A_699 = arith.minimumf %min3A_698, %select_n3A_673 : vector<16xf32>
      %min3A_700 = arith.minimumf %min3A_699, %select_n3A_677 : vector<16xf32>
      %min3A_701 = arith.minimumf %min3A_700, %select_n3A_681 : vector<16xf32>
      %min3A_702 = arith.minimumf %min3A_701, %select_n3A_685 : vector<16xf32>
      %min3A_703 = arith.minimumf %min3A_702, %select_n3A_689 : vector<16xf32>
      %min3A_704 = arith.minimumf %min3A_703, %select_n3A_693 : vector<16xf32>
      %min3A_705 = arith.minimumf %min3A_704, %select_n3A_697 : vector<16xf32>
      %xor3A_706 = arith.constant 8 : i32
      %xor3A_707 = vector.broadcast %xor3A_706 : i32 to vector<16xi32>
      %xor3A_708 = arith.xori %iota3A, %xor3A_707 : vector<16xi32>
      %reshape3A_709 = vector.shape_cast %xor3A_708 : vector<16xi32> to vector<16x1xi32>
      %gather3A_710 = vector.shape_cast %reshape3A_709 : vector<16x1xi32> to vector<16xi32>
      %gather3A_711 = tpu.dynamic_gather %min3A_705[%gather3A_710] in [0] : vector<16xf32>, vector<16xi32> -> vector<16xf32>
      %min3A_712 = arith.minimumf %min3A_705, %gather3A_711 : vector<16xf32>
      %xor3A_713 = arith.constant 4 : i32
      %xor3A_714 = vector.broadcast %xor3A_713 : i32 to vector<16xi32>
      %xor3A_715 = arith.xori %iota3A, %xor3A_714 : vector<16xi32>
      %reshape3A_716 = vector.shape_cast %xor3A_715 : vector<16xi32> to vector<16x1xi32>
      %gather3A_717 = vector.shape_cast %reshape3A_716 : vector<16x1xi32> to vector<16xi32>
      %gather3A_718 = tpu.dynamic_gather %min3A_712[%gather3A_717] in [0] : vector<16xf32>, vector<16xi32> -> vector<16xf32>
      %min3A_719 = arith.minimumf %min3A_712, %gather3A_718 : vector<16xf32>
      %xor3A_720 = arith.constant 2 : i32
      %xor3A_721 = vector.broadcast %xor3A_720 : i32 to vector<16xi32>
      %xor3A_722 = arith.xori %iota3A, %xor3A_721 : vector<16xi32>
      %reshape3A_723 = vector.shape_cast %xor3A_722 : vector<16xi32> to vector<16x1xi32>
      %gather3A_724 = vector.shape_cast %reshape3A_723 : vector<16x1xi32> to vector<16xi32>
      %gather3A_725 = tpu.dynamic_gather %min3A_719[%gather3A_724] in [0] : vector<16xf32>, vector<16xi32> -> vector<16xf32>
      %min3A_726 = arith.minimumf %min3A_719, %gather3A_725 : vector<16xf32>
      %xor3A_727 = arith.constant 1 : i32
      %xor3A_728 = vector.broadcast %xor3A_727 : i32 to vector<16xi32>
      %xor3A_729 = arith.xori %iota3A, %xor3A_728 : vector<16xi32>
      %reshape3A_730 = vector.shape_cast %xor3A_729 : vector<16xi32> to vector<16x1xi32>
      %gather3A_731 = vector.shape_cast %reshape3A_730 : vector<16x1xi32> to vector<16xi32>
      %gather3A_732 = tpu.dynamic_gather %min3A_726[%gather3A_731] in [0] : vector<16xf32>, vector<16xi32> -> vector<16xf32>
      %min3A_733 = arith.minimumf %min3A_726, %gather3A_732 : vector<16xf32>
      %lt3A_734 = arith.constant 3.000000e+38 : f32
      %lt3A_735 = vector.broadcast %lt3A_734 : f32 to vector<16xf32>
      %lt3A_736 = arith.cmpf olt, %min3A_733, %lt3A_735 : vector<16xf32>
      %jit3A_737 = arith.constant 0.000000e+00 : f32
      %broadcast_in_dim3A_738 = vector.broadcast %jit3A_737 : f32 to vector<16xf32>
      %select_n3A_739 = arith.select %lt3A_736, %min3A_733, %broadcast_in_dim3A_738 : vector<16xi1>, vector<16xf32>
      %add3A_740 = arith.addf %add3A_661, %select_n3A_739 : vector<16xf32>
      %add3A_741 = arith.addf %scan3A_29, %add3A_740 : vector<16xf32>
      scf.yield %add3A_741 : vector<16xf32>
    }
    %scan3A_24 = arith.constant 16 : i32
    %swap3A = arith.constant 0 : index
    %swap3A_25 = tpu.vector_load %arg9[%swap3A] {strides = array<i32>} : memref<16xf32, #tpu.memory_space<vmem>>, vector<16xf32>,
    %swap3A_26 = vector.shape_cast %swap3A_25 : vector<16xf32> to vector<16xf32>
    %swap3A_27 = vector.shape_cast %scan3A_23 : vector<16xf32> to vector<16xf32>
    tpu.vector_store %arg9[%swap3A], %swap3A_27 {strides = array<i32>} : memref<16xf32, #tpu.memory_space<vmem>>, vector<16xf32>,
    "tpu.region"() ({
      %run_scoped3A = tpu.sem_alloc : memref<!tpu.dma_semaphore, #tpu.memory_space<semaphore_mem>>
      %dma_start3A = arith.constant 0 : i32
      %dma_start3A_28 = tpu.memref_slice %arg5[%add3A, %dma_start3A] : memref<32x16xf32, #tpu.memory_space<hbm>> -> memref<1x16xf32, #tpu.memory_space<hbm>>
      %dma_start3A_29 = tpu.memref_squeeze %dma_start3A_28 : memref<1x16xf32, #tpu.memory_space<hbm>> -> memref<16xf32, #tpu.memory_space<hbm>>
      %dma_start3A_30 = arith.constant 0 : i32
      %dma_start3A_31 = tpu.memref_slice %arg5[%add3A, %dma_start3A_30] : memref<32x16xf32, #tpu.memory_space<hbm>> -> memref<1x16xf32, #tpu.memory_space<hbm>>
      %dma_start3A_32 = tpu.memref_squeeze %dma_start3A_31 : memref<1x16xf32, #tpu.memory_space<hbm>> -> memref<16xf32, #tpu.memory_space<hbm>>
      tpu.enqueue_dma source(%arg9 : memref<16xf32, #tpu.memory_space<vmem>>) target(%dma_start3A_32 : memref<16xf32, #tpu.memory_space<hbm>>) target_semaphore(%run_scoped3A : memref<!tpu.dma_semaphore, #tpu.memory_space<semaphore_mem>>)
      %dma_wait3A = arith.constant 0 : i32
      %dma_wait3A_33 = tpu.memref_slice %arg5[%add3A, %dma_wait3A] : memref<32x16xf32, #tpu.memory_space<hbm>> -> memref<1x16xf32, #tpu.memory_space<hbm>>
      %dma_wait3A_34 = tpu.memref_squeeze %dma_wait3A_33 : memref<1x16xf32, #tpu.memory_space<hbm>> -> memref<16xf32, #tpu.memory_space<hbm>>
      %dma_wait3A_35 = arith.constant 0 : i32
      %dma_wait3A_36 = tpu.memref_slice %arg5[%add3A, %dma_wait3A_35] : memref<32x16xf32, #tpu.memory_space<hbm>> -> memref<1x16xf32, #tpu.memory_space<hbm>>
      %dma_wait3A_37 = tpu.memref_squeeze %dma_wait3A_36 : memref<1x16xf32, #tpu.memory_space<hbm>> -> memref<16xf32, #tpu.memory_space<hbm>>
      tpu.wait_dma2 semaphore(%run_scoped3A : memref<!tpu.dma_semaphore, #tpu.memory_space<semaphore_mem>>) src(%arg9 : memref<16xf32, #tpu.memory_space<vmem>>) dst(%dma_wait3A_37 : memref<16xf32, #tpu.memory_space<hbm>>)
      tpu.yield
    }) : () -> ()
    return
  }
}

module attributes {stable_mosaic.version = 14 : i64} {
  func.func @_tc_block(%arg0: i32, %arg1: i32, %arg2: memref<1x1792x8xf32, #tpu.memory_space<vmem>>, %arg3: memref<1x8x4096xf32, #tpu.memory_space<vmem>>, %arg4: memref<1x1xf32, #tpu.memory_space<vmem>>) attributes {dimension_semantics = [#tpu.dimension_semantics<arbitrary>, #tpu.dimension_semantics<arbitrary>], iteration_bounds = array<i64: 4, 2>, scalar_prefetch = 0 : i64, scratch_operands = 0 : i64, tpu.core_type = #tpu.core_type<tc>, window_params = [{transform_indices = @transform_0, window_bounds = array<i64: 1, 1792, 8>}, {transform_indices = @transform_1, window_bounds = array<i64: 1, 8, 4096>}, {pipeline_mode = #tpu.pipeline_mode<synchronous>, transform_indices = @transform_2, window_bounds = array<i64: 1, 1>}]} {
    %get3A = arith.constant 0 : index
    %get3A_0 = arith.constant 0 : index
    %get3A_1 = arith.constant 0 : index
    %get3A_2 = vector.load %arg2[%get3A, %get3A_0, %get3A_1] : memref<1x1792x8xf32, #tpu.memory_space<vmem>>, vector<1x1792x8xf32>
    %get3A_3 = vector.shape_cast %get3A_2 : vector<1x1792x8xf32> to vector<1792x8xf32>
    %get3A_4 = arith.constant 0 : index
    %get3A_5 = arith.constant 0 : index
    %get3A_6 = arith.constant 0 : index
    %get3A_7 = vector.load %arg3[%get3A_4, %get3A_5, %get3A_6] : memref<1x8x4096xf32, #tpu.memory_space<vmem>>, vector<1x8x4096xf32>
    %get3A_8 = vector.shape_cast %get3A_7 : vector<1x8x4096xf32> to vector<8x4096xf32>
    %mul3A = arith.mulf %get3A_3, %get3A_3 : vector<1792x8xf32>
    %reduce_sum3A = arith.constant dense<0.000000e+00> : vector<1792xf32>
    %reduce_sum3A_9 = vector.multi_reduction <add>, %mul3A, %reduce_sum3A [1] : vector<1792x8xf32> to vector<1792xf32>
    %broadcast_in_dim3A = vector.shape_cast %reduce_sum3A_9 : vector<1792xf32> to vector<1792x1xf32>
    %mul3A_10 = arith.mulf %get3A_8, %get3A_8 : vector<8x4096xf32>
    %reduce_sum3A_11 = arith.constant dense<0.000000e+00> : vector<4096xf32>
    %reduce_sum3A_12 = vector.multi_reduction <add>, %mul3A_10, %reduce_sum3A_11 [0] : vector<8x4096xf32> to vector<4096xf32>
    %broadcast_in_dim3A_13 = vector.shape_cast %reduce_sum3A_12 : vector<4096xf32> to vector<1x4096xf32>
    %mul3A_14 = arith.constant -2.000000e+00 : f32
    %mul3A_15 = vector.broadcast %mul3A_14 : f32 to vector<1792x8xf32>
    %mul3A_16 = arith.mulf %get3A_3, %mul3A_15 : vector<1792x8xf32>
    %dot_general3A = arith.constant dense<0.000000e+00> : vector<1792x4096xf32>
    %dot_general3A_17 = tpu.matmul %mul3A_16, %get3A_8, %dot_general3A {dimension_numbers = #tpu.dot_dimension_numbers<[1], [0], [0], [1], [0, 0, 1, 1], [], []>, transpose_lhs_hint = false} : vector<1792x8xf32>, vector<8x4096xf32>, vector<1792x4096xf32> -> vector<1792x4096xf32>
    %add3A = vector.broadcast %broadcast_in_dim3A : vector<1792x1xf32> to vector<1792x4096xf32>
    %add3A_18 = arith.addf %dot_general3A_17, %add3A : vector<1792x4096xf32>
    %add3A_19 = vector.broadcast %broadcast_in_dim3A_13 : vector<1x4096xf32> to vector<1792x4096xf32>
    %add3A_20 = arith.addf %add3A_18, %add3A_19 : vector<1792x4096xf32>
    %convert_element_type3A = arith.truncf %add3A_20 : vector<1792x4096xf32> to vector<1792x4096xbf16>
    %broadcast_in_dim3A_21 = arith.constant 0.000000e+00 : f32
    %broadcast_in_dim3A_22 = vector.broadcast %broadcast_in_dim3A_21 : f32 to vector<1792xf32>
    %slice3A = vector.extract_strided_slice %convert_element_type3A {offsets = [0, 0], sizes = [1792, 2048], strides = [1, 1]} : vector<1792x4096xbf16> to vector<1792x2048xbf16>
    %slice3A_23 = vector.extract_strided_slice %convert_element_type3A {offsets = [0, 2048], sizes = [1792, 2048], strides = [1, 1]} : vector<1792x4096xbf16> to vector<1792x2048xbf16>
    %min3A = arith.minimumf %slice3A, %slice3A_23 : vector<1792x2048xbf16>
    %slice3A_24 = vector.extract_strided_slice %min3A {offsets = [0, 0], sizes = [1792, 1024], strides = [1, 1]} : vector<1792x2048xbf16> to vector<1792x1024xbf16>
    %slice3A_25 = vector.extract_strided_slice %min3A {offsets = [0, 1024], sizes = [1792, 1024], strides = [1, 1]} : vector<1792x2048xbf16> to vector<1792x1024xbf16>
    %min3A_26 = arith.minimumf %slice3A_24, %slice3A_25 : vector<1792x1024xbf16>
    %slice3A_27 = vector.extract_strided_slice %min3A_26 {offsets = [0, 0], sizes = [1792, 512], strides = [1, 1]} : vector<1792x1024xbf16> to vector<1792x512xbf16>
    %slice3A_28 = vector.extract_strided_slice %min3A_26 {offsets = [0, 512], sizes = [1792, 512], strides = [1, 1]} : vector<1792x1024xbf16> to vector<1792x512xbf16>
    %min3A_29 = arith.minimumf %slice3A_27, %slice3A_28 : vector<1792x512xbf16>
    %slice3A_30 = vector.extract_strided_slice %min3A_29 {offsets = [0, 0], sizes = [1792, 256], strides = [1, 1]} : vector<1792x512xbf16> to vector<1792x256xbf16>
    %slice3A_31 = vector.extract_strided_slice %min3A_29 {offsets = [0, 256], sizes = [1792, 256], strides = [1, 1]} : vector<1792x512xbf16> to vector<1792x256xbf16>
    %min3A_32 = arith.minimumf %slice3A_30, %slice3A_31 : vector<1792x256xbf16>
    %slice3A_33 = vector.extract_strided_slice %min3A_32 {offsets = [0, 0], sizes = [1792, 128], strides = [1, 1]} : vector<1792x256xbf16> to vector<1792x128xbf16>
    %slice3A_34 = vector.extract_strided_slice %min3A_32 {offsets = [0, 128], sizes = [1792, 128], strides = [1, 1]} : vector<1792x256xbf16> to vector<1792x128xbf16>
    %min3A_35 = arith.minimumf %slice3A_33, %slice3A_34 : vector<1792x128xbf16>
    %convert_element_type3A_36 = arith.extf %min3A_35 : vector<1792x128xbf16> to vector<1792x128xf32>
    %reduce_min3A = arith.constant dense<0x7F800000> : vector<1792xf32>
    %reduce_min3A_37 = vector.multi_reduction <minimumf>, %convert_element_type3A_36, %reduce_min3A [1] : vector<1792x128xf32> to vector<1792xf32>
    %convert_element_type3A_38 = arith.truncf %reduce_min3A_37 : vector<1792xf32> to vector<1792xbf16>
    %broadcast_in_dim3A_39 = vector.shape_cast %convert_element_type3A_38 : vector<1792xbf16> to vector<1792x1xbf16>
    %eq3A = vector.broadcast %broadcast_in_dim3A_39 : vector<1792x1xbf16> to vector<1792x4096xbf16>
    %eq3A_40 = arith.cmpf oeq, %convert_element_type3A, %eq3A : vector<1792x4096xbf16>
    %jit3A = arith.constant 0x7F80 : bf16
    %broadcast_in_dim3A_41 = vector.broadcast %jit3A : bf16 to vector<1792x4096xbf16>
    %select_n3A = arith.select %eq3A_40, %broadcast_in_dim3A_41, %convert_element_type3A : vector<1792x4096xi1>, vector<1792x4096xbf16>
    %slice3A_42 = vector.extract_strided_slice %select_n3A {offsets = [0, 0], sizes = [1792, 2048], strides = [1, 1]} : vector<1792x4096xbf16> to vector<1792x2048xbf16>
    %slice3A_43 = vector.extract_strided_slice %select_n3A {offsets = [0, 2048], sizes = [1792, 2048], strides = [1, 1]} : vector<1792x4096xbf16> to vector<1792x2048xbf16>
    %min3A_44 = arith.minimumf %slice3A_42, %slice3A_43 : vector<1792x2048xbf16>
    %slice3A_45 = vector.extract_strided_slice %min3A_44 {offsets = [0, 0], sizes = [1792, 1024], strides = [1, 1]} : vector<1792x2048xbf16> to vector<1792x1024xbf16>
    %slice3A_46 = vector.extract_strided_slice %min3A_44 {offsets = [0, 1024], sizes = [1792, 1024], strides = [1, 1]} : vector<1792x2048xbf16> to vector<1792x1024xbf16>
    %min3A_47 = arith.minimumf %slice3A_45, %slice3A_46 : vector<1792x1024xbf16>
    %slice3A_48 = vector.extract_strided_slice %min3A_47 {offsets = [0, 0], sizes = [1792, 512], strides = [1, 1]} : vector<1792x1024xbf16> to vector<1792x512xbf16>
    %slice3A_49 = vector.extract_strided_slice %min3A_47 {offsets = [0, 512], sizes = [1792, 512], strides = [1, 1]} : vector<1792x1024xbf16> to vector<1792x512xbf16>
    %min3A_50 = arith.minimumf %slice3A_48, %slice3A_49 : vector<1792x512xbf16>
    %slice3A_51 = vector.extract_strided_slice %min3A_50 {offsets = [0, 0], sizes = [1792, 256], strides = [1, 1]} : vector<1792x512xbf16> to vector<1792x256xbf16>
    %slice3A_52 = vector.extract_strided_slice %min3A_50 {offsets = [0, 256], sizes = [1792, 256], strides = [1, 1]} : vector<1792x512xbf16> to vector<1792x256xbf16>
    %min3A_53 = arith.minimumf %slice3A_51, %slice3A_52 : vector<1792x256xbf16>
    %slice3A_54 = vector.extract_strided_slice %min3A_53 {offsets = [0, 0], sizes = [1792, 128], strides = [1, 1]} : vector<1792x256xbf16> to vector<1792x128xbf16>
    %slice3A_55 = vector.extract_strided_slice %min3A_53 {offsets = [0, 128], sizes = [1792, 128], strides = [1, 1]} : vector<1792x256xbf16> to vector<1792x128xbf16>
    %min3A_56 = arith.minimumf %slice3A_54, %slice3A_55 : vector<1792x128xbf16>
    %convert_element_type3A_57 = arith.extf %min3A_56 : vector<1792x128xbf16> to vector<1792x128xf32>
    %reduce_min3A_58 = arith.constant dense<0x7F800000> : vector<1792xf32>
    %reduce_min3A_59 = vector.multi_reduction <minimumf>, %convert_element_type3A_57, %reduce_min3A_58 [1] : vector<1792x128xf32> to vector<1792xf32>
    %is_finite3A = tpu.weird %reduce_min3A_59 : vector<1792xf32> -> vector<1792xi1>
    %is_finite3A_60 = arith.constant dense<true> : vector<1792xi1>
    %is_finite3A_61 = arith.xori %is_finite3A, %is_finite3A_60 : vector<1792xi1>
    %jit3A_62 = arith.constant 0.000000e+00 : f32
    %broadcast_in_dim3A_63 = vector.broadcast %jit3A_62 : f32 to vector<1792xf32>
    %select_n3A_64 = arith.select %is_finite3A_61, %reduce_min3A_59, %broadcast_in_dim3A_63 : vector<1792xi1>, vector<1792xf32>
    %add3A_65 = arith.addf %broadcast_in_dim3A_22, %select_n3A_64 : vector<1792xf32>
    %convert_element_type3A_66 = arith.truncf %reduce_min3A_59 : vector<1792xf32> to vector<1792xbf16>
    %broadcast_in_dim3A_67 = vector.shape_cast %convert_element_type3A_66 : vector<1792xbf16> to vector<1792x1xbf16>
    %eq3A_68 = vector.broadcast %broadcast_in_dim3A_67 : vector<1792x1xbf16> to vector<1792x4096xbf16>
    %eq3A_69 = arith.cmpf oeq, %select_n3A, %eq3A_68 : vector<1792x4096xbf16>
    %jit3A_70 = arith.constant 0x7F80 : bf16
    %broadcast_in_dim3A_71 = vector.broadcast %jit3A_70 : bf16 to vector<1792x4096xbf16>
    %select_n3A_72 = arith.select %eq3A_69, %broadcast_in_dim3A_71, %select_n3A : vector<1792x4096xi1>, vector<1792x4096xbf16>
    %slice3A_73 = vector.extract_strided_slice %select_n3A_72 {offsets = [0, 0], sizes = [1792, 2048], strides = [1, 1]} : vector<1792x4096xbf16> to vector<1792x2048xbf16>
    %slice3A_74 = vector.extract_strided_slice %select_n3A_72 {offsets = [0, 2048], sizes = [1792, 2048], strides = [1, 1]} : vector<1792x4096xbf16> to vector<1792x2048xbf16>
    %min3A_75 = arith.minimumf %slice3A_73, %slice3A_74 : vector<1792x2048xbf16>
    %slice3A_76 = vector.extract_strided_slice %min3A_75 {offsets = [0, 0], sizes = [1792, 1024], strides = [1, 1]} : vector<1792x2048xbf16> to vector<1792x1024xbf16>
    %slice3A_77 = vector.extract_strided_slice %min3A_75 {offsets = [0, 1024], sizes = [1792, 1024], strides = [1, 1]} : vector<1792x2048xbf16> to vector<1792x1024xbf16>
    %min3A_78 = arith.minimumf %slice3A_76, %slice3A_77 : vector<1792x1024xbf16>
    %slice3A_79 = vector.extract_strided_slice %min3A_78 {offsets = [0, 0], sizes = [1792, 512], strides = [1, 1]} : vector<1792x1024xbf16> to vector<1792x512xbf16>
    %slice3A_80 = vector.extract_strided_slice %min3A_78 {offsets = [0, 512], sizes = [1792, 512], strides = [1, 1]} : vector<1792x1024xbf16> to vector<1792x512xbf16>
    %min3A_81 = arith.minimumf %slice3A_79, %slice3A_80 : vector<1792x512xbf16>
    %slice3A_82 = vector.extract_strided_slice %min3A_81 {offsets = [0, 0], sizes = [1792, 256], strides = [1, 1]} : vector<1792x512xbf16> to vector<1792x256xbf16>
    %slice3A_83 = vector.extract_strided_slice %min3A_81 {offsets = [0, 256], sizes = [1792, 256], strides = [1, 1]} : vector<1792x512xbf16> to vector<1792x256xbf16>
    %min3A_84 = arith.minimumf %slice3A_82, %slice3A_83 : vector<1792x256xbf16>
    %slice3A_85 = vector.extract_strided_slice %min3A_84 {offsets = [0, 0], sizes = [1792, 128], strides = [1, 1]} : vector<1792x256xbf16> to vector<1792x128xbf16>
    %slice3A_86 = vector.extract_strided_slice %min3A_84 {offsets = [0, 128], sizes = [1792, 128], strides = [1, 1]} : vector<1792x256xbf16> to vector<1792x128xbf16>
    %min3A_87 = arith.minimumf %slice3A_85, %slice3A_86 : vector<1792x128xbf16>
    %convert_element_type3A_88 = arith.extf %min3A_87 : vector<1792x128xbf16> to vector<1792x128xf32>
    %reduce_min3A_89 = arith.constant dense<0x7F800000> : vector<1792xf32>
    %reduce_min3A_90 = vector.multi_reduction <minimumf>, %convert_element_type3A_88, %reduce_min3A_89 [1] : vector<1792x128xf32> to vector<1792xf32>
    %is_finite3A_91 = tpu.weird %reduce_min3A_90 : vector<1792xf32> -> vector<1792xi1>
    %is_finite3A_92 = arith.constant dense<true> : vector<1792xi1>
    %is_finite3A_93 = arith.xori %is_finite3A_91, %is_finite3A_92 : vector<1792xi1>
    %jit3A_94 = arith.constant 0.000000e+00 : f32
    %broadcast_in_dim3A_95 = vector.broadcast %jit3A_94 : f32 to vector<1792xf32>
    %select_n3A_96 = arith.select %is_finite3A_93, %reduce_min3A_90, %broadcast_in_dim3A_95 : vector<1792xi1>, vector<1792xf32>
    %add3A_97 = arith.addf %add3A_65, %select_n3A_96 : vector<1792xf32>
    %convert_element_type3A_98 = arith.truncf %reduce_min3A_90 : vector<1792xf32> to vector<1792xbf16>
    %broadcast_in_dim3A_99 = vector.shape_cast %convert_element_type3A_98 : vector<1792xbf16> to vector<1792x1xbf16>
    %eq3A_100 = vector.broadcast %broadcast_in_dim3A_99 : vector<1792x1xbf16> to vector<1792x4096xbf16>
    %eq3A_101 = arith.cmpf oeq, %select_n3A_72, %eq3A_100 : vector<1792x4096xbf16>
    %jit3A_102 = arith.constant 0x7F80 : bf16
    %broadcast_in_dim3A_103 = vector.broadcast %jit3A_102 : bf16 to vector<1792x4096xbf16>
    %select_n3A_104 = arith.select %eq3A_101, %broadcast_in_dim3A_103, %select_n3A_72 : vector<1792x4096xi1>, vector<1792x4096xbf16>
    %slice3A_105 = vector.extract_strided_slice %select_n3A_104 {offsets = [0, 0], sizes = [1792, 2048], strides = [1, 1]} : vector<1792x4096xbf16> to vector<1792x2048xbf16>
    %slice3A_106 = vector.extract_strided_slice %select_n3A_104 {offsets = [0, 2048], sizes = [1792, 2048], strides = [1, 1]} : vector<1792x4096xbf16> to vector<1792x2048xbf16>
    %min3A_107 = arith.minimumf %slice3A_105, %slice3A_106 : vector<1792x2048xbf16>
    %slice3A_108 = vector.extract_strided_slice %min3A_107 {offsets = [0, 0], sizes = [1792, 1024], strides = [1, 1]} : vector<1792x2048xbf16> to vector<1792x1024xbf16>
    %slice3A_109 = vector.extract_strided_slice %min3A_107 {offsets = [0, 1024], sizes = [1792, 1024], strides = [1, 1]} : vector<1792x2048xbf16> to vector<1792x1024xbf16>
    %min3A_110 = arith.minimumf %slice3A_108, %slice3A_109 : vector<1792x1024xbf16>
    %slice3A_111 = vector.extract_strided_slice %min3A_110 {offsets = [0, 0], sizes = [1792, 512], strides = [1, 1]} : vector<1792x1024xbf16> to vector<1792x512xbf16>
    %slice3A_112 = vector.extract_strided_slice %min3A_110 {offsets = [0, 512], sizes = [1792, 512], strides = [1, 1]} : vector<1792x1024xbf16> to vector<1792x512xbf16>
    %min3A_113 = arith.minimumf %slice3A_111, %slice3A_112 : vector<1792x512xbf16>
    %slice3A_114 = vector.extract_strided_slice %min3A_113 {offsets = [0, 0], sizes = [1792, 256], strides = [1, 1]} : vector<1792x512xbf16> to vector<1792x256xbf16>
    %slice3A_115 = vector.extract_strided_slice %min3A_113 {offsets = [0, 256], sizes = [1792, 256], strides = [1, 1]} : vector<1792x512xbf16> to vector<1792x256xbf16>
    %min3A_116 = arith.minimumf %slice3A_114, %slice3A_115 : vector<1792x256xbf16>
    %slice3A_117 = vector.extract_strided_slice %min3A_116 {offsets = [0, 0], sizes = [1792, 128], strides = [1, 1]} : vector<1792x256xbf16> to vector<1792x128xbf16>
    %slice3A_118 = vector.extract_strided_slice %min3A_116 {offsets = [0, 128], sizes = [1792, 128], strides = [1, 1]} : vector<1792x256xbf16> to vector<1792x128xbf16>
    %min3A_119 = arith.minimumf %slice3A_117, %slice3A_118 : vector<1792x128xbf16>
    %convert_element_type3A_120 = arith.extf %min3A_119 : vector<1792x128xbf16> to vector<1792x128xf32>
    %reduce_min3A_121 = arith.constant dense<0x7F800000> : vector<1792xf32>
    %reduce_min3A_122 = vector.multi_reduction <minimumf>, %convert_element_type3A_120, %reduce_min3A_121 [1] : vector<1792x128xf32> to vector<1792xf32>
    %is_finite3A_123 = tpu.weird %reduce_min3A_122 : vector<1792xf32> -> vector<1792xi1>
    %is_finite3A_124 = arith.constant dense<true> : vector<1792xi1>
    %is_finite3A_125 = arith.xori %is_finite3A_123, %is_finite3A_124 : vector<1792xi1>
    %jit3A_126 = arith.constant 0.000000e+00 : f32
    %broadcast_in_dim3A_127 = vector.broadcast %jit3A_126 : f32 to vector<1792xf32>
    %select_n3A_128 = arith.select %is_finite3A_125, %reduce_min3A_122, %broadcast_in_dim3A_127 : vector<1792xi1>, vector<1792xf32>
    %add3A_129 = arith.addf %add3A_97, %select_n3A_128 : vector<1792xf32>
    %convert_element_type3A_130 = arith.truncf %reduce_min3A_122 : vector<1792xf32> to vector<1792xbf16>
    %broadcast_in_dim3A_131 = vector.shape_cast %convert_element_type3A_130 : vector<1792xbf16> to vector<1792x1xbf16>
    %eq3A_132 = vector.broadcast %broadcast_in_dim3A_131 : vector<1792x1xbf16> to vector<1792x4096xbf16>
    %eq3A_133 = arith.cmpf oeq, %select_n3A_104, %eq3A_132 : vector<1792x4096xbf16>
    %jit3A_134 = arith.constant 0x7F80 : bf16
    %broadcast_in_dim3A_135 = vector.broadcast %jit3A_134 : bf16 to vector<1792x4096xbf16>
    %select_n3A_136 = arith.select %eq3A_133, %broadcast_in_dim3A_135, %select_n3A_104 : vector<1792x4096xi1>, vector<1792x4096xbf16>
    %slice3A_137 = vector.extract_strided_slice %select_n3A_136 {offsets = [0, 0], sizes = [1792, 2048], strides = [1, 1]} : vector<1792x4096xbf16> to vector<1792x2048xbf16>
    %slice3A_138 = vector.extract_strided_slice %select_n3A_136 {offsets = [0, 2048], sizes = [1792, 2048], strides = [1, 1]} : vector<1792x4096xbf16> to vector<1792x2048xbf16>
    %min3A_139 = arith.minimumf %slice3A_137, %slice3A_138 : vector<1792x2048xbf16>
    %slice3A_140 = vector.extract_strided_slice %min3A_139 {offsets = [0, 0], sizes = [1792, 1024], strides = [1, 1]} : vector<1792x2048xbf16> to vector<1792x1024xbf16>
    %slice3A_141 = vector.extract_strided_slice %min3A_139 {offsets = [0, 1024], sizes = [1792, 1024], strides = [1, 1]} : vector<1792x2048xbf16> to vector<1792x1024xbf16>
    %min3A_142 = arith.minimumf %slice3A_140, %slice3A_141 : vector<1792x1024xbf16>
    %slice3A_143 = vector.extract_strided_slice %min3A_142 {offsets = [0, 0], sizes = [1792, 512], strides = [1, 1]} : vector<1792x1024xbf16> to vector<1792x512xbf16>
    %slice3A_144 = vector.extract_strided_slice %min3A_142 {offsets = [0, 512], sizes = [1792, 512], strides = [1, 1]} : vector<1792x1024xbf16> to vector<1792x512xbf16>
    %min3A_145 = arith.minimumf %slice3A_143, %slice3A_144 : vector<1792x512xbf16>
    %slice3A_146 = vector.extract_strided_slice %min3A_145 {offsets = [0, 0], sizes = [1792, 256], strides = [1, 1]} : vector<1792x512xbf16> to vector<1792x256xbf16>
    %slice3A_147 = vector.extract_strided_slice %min3A_145 {offsets = [0, 256], sizes = [1792, 256], strides = [1, 1]} : vector<1792x512xbf16> to vector<1792x256xbf16>
    %min3A_148 = arith.minimumf %slice3A_146, %slice3A_147 : vector<1792x256xbf16>
    %slice3A_149 = vector.extract_strided_slice %min3A_148 {offsets = [0, 0], sizes = [1792, 128], strides = [1, 1]} : vector<1792x256xbf16> to vector<1792x128xbf16>
    %slice3A_150 = vector.extract_strided_slice %min3A_148 {offsets = [0, 128], sizes = [1792, 128], strides = [1, 1]} : vector<1792x256xbf16> to vector<1792x128xbf16>
    %min3A_151 = arith.minimumf %slice3A_149, %slice3A_150 : vector<1792x128xbf16>
    %convert_element_type3A_152 = arith.extf %min3A_151 : vector<1792x128xbf16> to vector<1792x128xf32>
    %reduce_min3A_153 = arith.constant dense<0x7F800000> : vector<1792xf32>
    %reduce_min3A_154 = vector.multi_reduction <minimumf>, %convert_element_type3A_152, %reduce_min3A_153 [1] : vector<1792x128xf32> to vector<1792xf32>
    %is_finite3A_155 = tpu.weird %reduce_min3A_154 : vector<1792xf32> -> vector<1792xi1>
    %is_finite3A_156 = arith.constant dense<true> : vector<1792xi1>
    %is_finite3A_157 = arith.xori %is_finite3A_155, %is_finite3A_156 : vector<1792xi1>
    %jit3A_158 = arith.constant 0.000000e+00 : f32
    %broadcast_in_dim3A_159 = vector.broadcast %jit3A_158 : f32 to vector<1792xf32>
    %select_n3A_160 = arith.select %is_finite3A_157, %reduce_min3A_154, %broadcast_in_dim3A_159 : vector<1792xi1>, vector<1792xf32>
    %add3A_161 = arith.addf %add3A_129, %select_n3A_160 : vector<1792xf32>
    %convert_element_type3A_162 = arith.truncf %reduce_min3A_154 : vector<1792xf32> to vector<1792xbf16>
    %broadcast_in_dim3A_163 = vector.shape_cast %convert_element_type3A_162 : vector<1792xbf16> to vector<1792x1xbf16>
    %eq3A_164 = vector.broadcast %broadcast_in_dim3A_163 : vector<1792x1xbf16> to vector<1792x4096xbf16>
    %eq3A_165 = arith.cmpf oeq, %select_n3A_136, %eq3A_164 : vector<1792x4096xbf16>
    %jit3A_166 = arith.constant 0x7F80 : bf16
    %broadcast_in_dim3A_167 = vector.broadcast %jit3A_166 : bf16 to vector<1792x4096xbf16>
    %select_n3A_168 = arith.select %eq3A_165, %broadcast_in_dim3A_167, %select_n3A_136 : vector<1792x4096xi1>, vector<1792x4096xbf16>
    %slice3A_169 = vector.extract_strided_slice %select_n3A_168 {offsets = [0, 0], sizes = [1792, 2048], strides = [1, 1]} : vector<1792x4096xbf16> to vector<1792x2048xbf16>
    %slice3A_170 = vector.extract_strided_slice %select_n3A_168 {offsets = [0, 2048], sizes = [1792, 2048], strides = [1, 1]} : vector<1792x4096xbf16> to vector<1792x2048xbf16>
    %min3A_171 = arith.minimumf %slice3A_169, %slice3A_170 : vector<1792x2048xbf16>
    %slice3A_172 = vector.extract_strided_slice %min3A_171 {offsets = [0, 0], sizes = [1792, 1024], strides = [1, 1]} : vector<1792x2048xbf16> to vector<1792x1024xbf16>
    %slice3A_173 = vector.extract_strided_slice %min3A_171 {offsets = [0, 1024], sizes = [1792, 1024], strides = [1, 1]} : vector<1792x2048xbf16> to vector<1792x1024xbf16>
    %min3A_174 = arith.minimumf %slice3A_172, %slice3A_173 : vector<1792x1024xbf16>
    %slice3A_175 = vector.extract_strided_slice %min3A_174 {offsets = [0, 0], sizes = [1792, 512], strides = [1, 1]} : vector<1792x1024xbf16> to vector<1792x512xbf16>
    %slice3A_176 = vector.extract_strided_slice %min3A_174 {offsets = [0, 512], sizes = [1792, 512], strides = [1, 1]} : vector<1792x1024xbf16> to vector<1792x512xbf16>
    %min3A_177 = arith.minimumf %slice3A_175, %slice3A_176 : vector<1792x512xbf16>
    %slice3A_178 = vector.extract_strided_slice %min3A_177 {offsets = [0, 0], sizes = [1792, 256], strides = [1, 1]} : vector<1792x512xbf16> to vector<1792x256xbf16>
    %slice3A_179 = vector.extract_strided_slice %min3A_177 {offsets = [0, 256], sizes = [1792, 256], strides = [1, 1]} : vector<1792x512xbf16> to vector<1792x256xbf16>
    %min3A_180 = arith.minimumf %slice3A_178, %slice3A_179 : vector<1792x256xbf16>
    %slice3A_181 = vector.extract_strided_slice %min3A_180 {offsets = [0, 0], sizes = [1792, 128], strides = [1, 1]} : vector<1792x256xbf16> to vector<1792x128xbf16>
    %slice3A_182 = vector.extract_strided_slice %min3A_180 {offsets = [0, 128], sizes = [1792, 128], strides = [1, 1]} : vector<1792x256xbf16> to vector<1792x128xbf16>
    %min3A_183 = arith.minimumf %slice3A_181, %slice3A_182 : vector<1792x128xbf16>
    %convert_element_type3A_184 = arith.extf %min3A_183 : vector<1792x128xbf16> to vector<1792x128xf32>
    %reduce_min3A_185 = arith.constant dense<0x7F800000> : vector<1792xf32>
    %reduce_min3A_186 = vector.multi_reduction <minimumf>, %convert_element_type3A_184, %reduce_min3A_185 [1] : vector<1792x128xf32> to vector<1792xf32>
    %is_finite3A_187 = tpu.weird %reduce_min3A_186 : vector<1792xf32> -> vector<1792xi1>
    %is_finite3A_188 = arith.constant dense<true> : vector<1792xi1>
    %is_finite3A_189 = arith.xori %is_finite3A_187, %is_finite3A_188 : vector<1792xi1>
    %jit3A_190 = arith.constant 0.000000e+00 : f32
    %broadcast_in_dim3A_191 = vector.broadcast %jit3A_190 : f32 to vector<1792xf32>
    %select_n3A_192 = arith.select %is_finite3A_189, %reduce_min3A_186, %broadcast_in_dim3A_191 : vector<1792xi1>, vector<1792xf32>
    %add3A_193 = arith.addf %add3A_161, %select_n3A_192 : vector<1792xf32>
    %convert_element_type3A_194 = arith.truncf %reduce_min3A_186 : vector<1792xf32> to vector<1792xbf16>
    %broadcast_in_dim3A_195 = vector.shape_cast %convert_element_type3A_194 : vector<1792xbf16> to vector<1792x1xbf16>
    %eq3A_196 = vector.broadcast %broadcast_in_dim3A_195 : vector<1792x1xbf16> to vector<1792x4096xbf16>
    %eq3A_197 = arith.cmpf oeq, %select_n3A_168, %eq3A_196 : vector<1792x4096xbf16>
    %jit3A_198 = arith.constant 0x7F80 : bf16
    %broadcast_in_dim3A_199 = vector.broadcast %jit3A_198 : bf16 to vector<1792x4096xbf16>
    %select_n3A_200 = arith.select %eq3A_197, %broadcast_in_dim3A_199, %select_n3A_168 : vector<1792x4096xi1>, vector<1792x4096xbf16>
    %slice3A_201 = vector.extract_strided_slice %select_n3A_200 {offsets = [0, 0], sizes = [1792, 2048], strides = [1, 1]} : vector<1792x4096xbf16> to vector<1792x2048xbf16>
    %slice3A_202 = vector.extract_strided_slice %select_n3A_200 {offsets = [0, 2048], sizes = [1792, 2048], strides = [1, 1]} : vector<1792x4096xbf16> to vector<1792x2048xbf16>
    %min3A_203 = arith.minimumf %slice3A_201, %slice3A_202 : vector<1792x2048xbf16>
    %slice3A_204 = vector.extract_strided_slice %min3A_203 {offsets = [0, 0], sizes = [1792, 1024], strides = [1, 1]} : vector<1792x2048xbf16> to vector<1792x1024xbf16>
    %slice3A_205 = vector.extract_strided_slice %min3A_203 {offsets = [0, 1024], sizes = [1792, 1024], strides = [1, 1]} : vector<1792x2048xbf16> to vector<1792x1024xbf16>
    %min3A_206 = arith.minimumf %slice3A_204, %slice3A_205 : vector<1792x1024xbf16>
    %slice3A_207 = vector.extract_strided_slice %min3A_206 {offsets = [0, 0], sizes = [1792, 512], strides = [1, 1]} : vector<1792x1024xbf16> to vector<1792x512xbf16>
    %slice3A_208 = vector.extract_strided_slice %min3A_206 {offsets = [0, 512], sizes = [1792, 512], strides = [1, 1]} : vector<1792x1024xbf16> to vector<1792x512xbf16>
    %min3A_209 = arith.minimumf %slice3A_207, %slice3A_208 : vector<1792x512xbf16>
    %slice3A_210 = vector.extract_strided_slice %min3A_209 {offsets = [0, 0], sizes = [1792, 256], strides = [1, 1]} : vector<1792x512xbf16> to vector<1792x256xbf16>
    %slice3A_211 = vector.extract_strided_slice %min3A_209 {offsets = [0, 256], sizes = [1792, 256], strides = [1, 1]} : vector<1792x512xbf16> to vector<1792x256xbf16>
    %min3A_212 = arith.minimumf %slice3A_210, %slice3A_211 : vector<1792x256xbf16>
    %slice3A_213 = vector.extract_strided_slice %min3A_212 {offsets = [0, 0], sizes = [1792, 128], strides = [1, 1]} : vector<1792x256xbf16> to vector<1792x128xbf16>
    %slice3A_214 = vector.extract_strided_slice %min3A_212 {offsets = [0, 128], sizes = [1792, 128], strides = [1, 1]} : vector<1792x256xbf16> to vector<1792x128xbf16>
    %min3A_215 = arith.minimumf %slice3A_213, %slice3A_214 : vector<1792x128xbf16>
    %convert_element_type3A_216 = arith.extf %min3A_215 : vector<1792x128xbf16> to vector<1792x128xf32>
    %reduce_min3A_217 = arith.constant dense<0x7F800000> : vector<1792xf32>
    %reduce_min3A_218 = vector.multi_reduction <minimumf>, %convert_element_type3A_216, %reduce_min3A_217 [1] : vector<1792x128xf32> to vector<1792xf32>
    %is_finite3A_219 = tpu.weird %reduce_min3A_218 : vector<1792xf32> -> vector<1792xi1>
    %is_finite3A_220 = arith.constant dense<true> : vector<1792xi1>
    %is_finite3A_221 = arith.xori %is_finite3A_219, %is_finite3A_220 : vector<1792xi1>
    %jit3A_222 = arith.constant 0.000000e+00 : f32
    %broadcast_in_dim3A_223 = vector.broadcast %jit3A_222 : f32 to vector<1792xf32>
    %select_n3A_224 = arith.select %is_finite3A_221, %reduce_min3A_218, %broadcast_in_dim3A_223 : vector<1792xi1>, vector<1792xf32>
    %add3A_225 = arith.addf %add3A_193, %select_n3A_224 : vector<1792xf32>
    %convert_element_type3A_226 = arith.truncf %reduce_min3A_218 : vector<1792xf32> to vector<1792xbf16>
    %broadcast_in_dim3A_227 = vector.shape_cast %convert_element_type3A_226 : vector<1792xbf16> to vector<1792x1xbf16>
    %eq3A_228 = vector.broadcast %broadcast_in_dim3A_227 : vector<1792x1xbf16> to vector<1792x4096xbf16>
    %eq3A_229 = arith.cmpf oeq, %select_n3A_200, %eq3A_228 : vector<1792x4096xbf16>
    %jit3A_230 = arith.constant 0x7F80 : bf16
    %broadcast_in_dim3A_231 = vector.broadcast %jit3A_230 : bf16 to vector<1792x4096xbf16>
    %select_n3A_232 = arith.select %eq3A_229, %broadcast_in_dim3A_231, %select_n3A_200 : vector<1792x4096xi1>, vector<1792x4096xbf16>
    %slice3A_233 = vector.extract_strided_slice %select_n3A_232 {offsets = [0, 0], sizes = [1792, 2048], strides = [1, 1]} : vector<1792x4096xbf16> to vector<1792x2048xbf16>
    %slice3A_234 = vector.extract_strided_slice %select_n3A_232 {offsets = [0, 2048], sizes = [1792, 2048], strides = [1, 1]} : vector<1792x4096xbf16> to vector<1792x2048xbf16>
    %min3A_235 = arith.minimumf %slice3A_233, %slice3A_234 : vector<1792x2048xbf16>
    %slice3A_236 = vector.extract_strided_slice %min3A_235 {offsets = [0, 0], sizes = [1792, 1024], strides = [1, 1]} : vector<1792x2048xbf16> to vector<1792x1024xbf16>
    %slice3A_237 = vector.extract_strided_slice %min3A_235 {offsets = [0, 1024], sizes = [1792, 1024], strides = [1, 1]} : vector<1792x2048xbf16> to vector<1792x1024xbf16>
    %min3A_238 = arith.minimumf %slice3A_236, %slice3A_237 : vector<1792x1024xbf16>
    %slice3A_239 = vector.extract_strided_slice %min3A_238 {offsets = [0, 0], sizes = [1792, 512], strides = [1, 1]} : vector<1792x1024xbf16> to vector<1792x512xbf16>
    %slice3A_240 = vector.extract_strided_slice %min3A_238 {offsets = [0, 512], sizes = [1792, 512], strides = [1, 1]} : vector<1792x1024xbf16> to vector<1792x512xbf16>
    %min3A_241 = arith.minimumf %slice3A_239, %slice3A_240 : vector<1792x512xbf16>
    %slice3A_242 = vector.extract_strided_slice %min3A_241 {offsets = [0, 0], sizes = [1792, 256], strides = [1, 1]} : vector<1792x512xbf16> to vector<1792x256xbf16>
    %slice3A_243 = vector.extract_strided_slice %min3A_241 {offsets = [0, 256], sizes = [1792, 256], strides = [1, 1]} : vector<1792x512xbf16> to vector<1792x256xbf16>
    %min3A_244 = arith.minimumf %slice3A_242, %slice3A_243 : vector<1792x256xbf16>
    %slice3A_245 = vector.extract_strided_slice %min3A_244 {offsets = [0, 0], sizes = [1792, 128], strides = [1, 1]} : vector<1792x256xbf16> to vector<1792x128xbf16>
    %slice3A_246 = vector.extract_strided_slice %min3A_244 {offsets = [0, 128], sizes = [1792, 128], strides = [1, 1]} : vector<1792x256xbf16> to vector<1792x128xbf16>
    %min3A_247 = arith.minimumf %slice3A_245, %slice3A_246 : vector<1792x128xbf16>
    %convert_element_type3A_248 = arith.extf %min3A_247 : vector<1792x128xbf16> to vector<1792x128xf32>
    %reduce_min3A_249 = arith.constant dense<0x7F800000> : vector<1792xf32>
    %reduce_min3A_250 = vector.multi_reduction <minimumf>, %convert_element_type3A_248, %reduce_min3A_249 [1] : vector<1792x128xf32> to vector<1792xf32>
    %is_finite3A_251 = tpu.weird %reduce_min3A_250 : vector<1792xf32> -> vector<1792xi1>
    %is_finite3A_252 = arith.constant dense<true> : vector<1792xi1>
    %is_finite3A_253 = arith.xori %is_finite3A_251, %is_finite3A_252 : vector<1792xi1>
    %jit3A_254 = arith.constant 0.000000e+00 : f32
    %broadcast_in_dim3A_255 = vector.broadcast %jit3A_254 : f32 to vector<1792xf32>
    %select_n3A_256 = arith.select %is_finite3A_253, %reduce_min3A_250, %broadcast_in_dim3A_255 : vector<1792xi1>, vector<1792xf32>
    %add3A_257 = arith.addf %add3A_225, %select_n3A_256 : vector<1792xf32>
    %convert_element_type3A_258 = arith.truncf %reduce_min3A_250 : vector<1792xf32> to vector<1792xbf16>
    %broadcast_in_dim3A_259 = vector.shape_cast %convert_element_type3A_258 : vector<1792xbf16> to vector<1792x1xbf16>
    %eq3A_260 = vector.broadcast %broadcast_in_dim3A_259 : vector<1792x1xbf16> to vector<1792x4096xbf16>
    %eq3A_261 = arith.cmpf oeq, %select_n3A_232, %eq3A_260 : vector<1792x4096xbf16>
    %jit3A_262 = arith.constant 0x7F80 : bf16
    %broadcast_in_dim3A_263 = vector.broadcast %jit3A_262 : bf16 to vector<1792x4096xbf16>
    %select_n3A_264 = arith.select %eq3A_261, %broadcast_in_dim3A_263, %select_n3A_232 : vector<1792x4096xi1>, vector<1792x4096xbf16>
    %slice3A_265 = vector.extract_strided_slice %select_n3A_264 {offsets = [0, 0], sizes = [1792, 2048], strides = [1, 1]} : vector<1792x4096xbf16> to vector<1792x2048xbf16>
    %slice3A_266 = vector.extract_strided_slice %select_n3A_264 {offsets = [0, 2048], sizes = [1792, 2048], strides = [1, 1]} : vector<1792x4096xbf16> to vector<1792x2048xbf16>
    %min3A_267 = arith.minimumf %slice3A_265, %slice3A_266 : vector<1792x2048xbf16>
    %slice3A_268 = vector.extract_strided_slice %min3A_267 {offsets = [0, 0], sizes = [1792, 1024], strides = [1, 1]} : vector<1792x2048xbf16> to vector<1792x1024xbf16>
    %slice3A_269 = vector.extract_strided_slice %min3A_267 {offsets = [0, 1024], sizes = [1792, 1024], strides = [1, 1]} : vector<1792x2048xbf16> to vector<1792x1024xbf16>
    %min3A_270 = arith.minimumf %slice3A_268, %slice3A_269 : vector<1792x1024xbf16>
    %slice3A_271 = vector.extract_strided_slice %min3A_270 {offsets = [0, 0], sizes = [1792, 512], strides = [1, 1]} : vector<1792x1024xbf16> to vector<1792x512xbf16>
    %slice3A_272 = vector.extract_strided_slice %min3A_270 {offsets = [0, 512], sizes = [1792, 512], strides = [1, 1]} : vector<1792x1024xbf16> to vector<1792x512xbf16>
    %min3A_273 = arith.minimumf %slice3A_271, %slice3A_272 : vector<1792x512xbf16>
    %slice3A_274 = vector.extract_strided_slice %min3A_273 {offsets = [0, 0], sizes = [1792, 256], strides = [1, 1]} : vector<1792x512xbf16> to vector<1792x256xbf16>
    %slice3A_275 = vector.extract_strided_slice %min3A_273 {offsets = [0, 256], sizes = [1792, 256], strides = [1, 1]} : vector<1792x512xbf16> to vector<1792x256xbf16>
    %min3A_276 = arith.minimumf %slice3A_274, %slice3A_275 : vector<1792x256xbf16>
    %slice3A_277 = vector.extract_strided_slice %min3A_276 {offsets = [0, 0], sizes = [1792, 128], strides = [1, 1]} : vector<1792x256xbf16> to vector<1792x128xbf16>
    %slice3A_278 = vector.extract_strided_slice %min3A_276 {offsets = [0, 128], sizes = [1792, 128], strides = [1, 1]} : vector<1792x256xbf16> to vector<1792x128xbf16>
    %min3A_279 = arith.minimumf %slice3A_277, %slice3A_278 : vector<1792x128xbf16>
    %convert_element_type3A_280 = arith.extf %min3A_279 : vector<1792x128xbf16> to vector<1792x128xf32>
    %reduce_min3A_281 = arith.constant dense<0x7F800000> : vector<1792xf32>
    %reduce_min3A_282 = vector.multi_reduction <minimumf>, %convert_element_type3A_280, %reduce_min3A_281 [1] : vector<1792x128xf32> to vector<1792xf32>
    %is_finite3A_283 = tpu.weird %reduce_min3A_282 : vector<1792xf32> -> vector<1792xi1>
    %is_finite3A_284 = arith.constant dense<true> : vector<1792xi1>
    %is_finite3A_285 = arith.xori %is_finite3A_283, %is_finite3A_284 : vector<1792xi1>
    %jit3A_286 = arith.constant 0.000000e+00 : f32
    %broadcast_in_dim3A_287 = vector.broadcast %jit3A_286 : f32 to vector<1792xf32>
    %select_n3A_288 = arith.select %is_finite3A_285, %reduce_min3A_282, %broadcast_in_dim3A_287 : vector<1792xi1>, vector<1792xf32>
    %add3A_289 = arith.addf %add3A_257, %select_n3A_288 : vector<1792xf32>
    %reduce_sum3A_290 = vector.shape_cast %add3A_289 : vector<1792xf32> to vector<1x1792xf32>
    %reduce_sum3A_291 = arith.constant dense<0.000000e+00> : vector<1xf32>
    %reduce_sum3A_292 = vector.multi_reduction <add>, %reduce_sum3A_290, %reduce_sum3A_291 [1] : vector<1x1792xf32> to vector<1xf32>
    %reduce_sum3A_293 = vector.shape_cast %reduce_sum3A_292 : vector<1xf32> to vector<1x1xf32>
    %reduce_sum3A_294 = vector.extract %reduce_sum3A_293[0, 0] : f32 from vector<1x1xf32>
    %reshape3A = vector.broadcast %reduce_sum3A_294 : f32 to vector<1x1xf32>
    %eq3A_295 = arith.constant 0 : i32
    %eq3A_296 = arith.cmpi eq, %arg0, %eq3A_295 : i32
    %eq3A_297 = arith.constant 0 : i32
    %eq3A_298 = arith.cmpi eq, %arg1, %eq3A_297 : i32
    %and3A = arith.andi %eq3A_296, %eq3A_298 : i1
    %convert_element_type3A_299 = arith.extui %and3A : i1 to i32
    %cond3A = arith.constant 0 : i32
    %cond3A_300 = arith.cmpi ne, %convert_element_type3A_299, %cond3A : i32
    scf.if %cond3A_300 {
      %broadcast_in_dim3A_307 = arith.constant 0.000000e+00 : f32
      %broadcast_in_dim3A_308 = vector.broadcast %broadcast_in_dim3A_307 : f32 to vector<1x1xf32>
      %swap3A_309 = arith.constant 0 : index
      %swap3A_310 = arith.constant 0 : index
      %swap3A_311 = vector.load %arg4[%swap3A_309, %swap3A_310] : memref<1x1xf32, #tpu.memory_space<vmem>>, vector<1x1xf32>
      tpu.vector_store %arg4[%swap3A_309, %swap3A_310], %broadcast_in_dim3A_308 {strides = array<i32>} : memref<1x1xf32, #tpu.memory_space<vmem>>, vector<1x1xf32>,
    } else {
    }
    %get3A_301 = arith.constant 0 : index
    %get3A_302 = arith.constant 0 : index
    %get3A_303 = vector.load %arg4[%get3A_301, %get3A_302] : memref<1x1xf32, #tpu.memory_space<vmem>>, vector<1x1xf32>
    %add3A_304 = arith.addf %get3A_303, %reshape3A : vector<1x1xf32>
    %swap3A = arith.constant 0 : index
    %swap3A_305 = arith.constant 0 : index
    %swap3A_306 = vector.load %arg4[%swap3A, %swap3A_305] : memref<1x1xf32, #tpu.memory_space<vmem>>, vector<1x1xf32>
    tpu.vector_store %arg4[%swap3A, %swap3A_305], %add3A_304 {strides = array<i32>} : memref<1x1xf32, #tpu.memory_space<vmem>>, vector<1x1xf32>,
    return
  }
  func.func @transform_0(%arg0: i32, %arg1: i32) -> (i32, i32, i32) {
    %c0_i32 = arith.constant 0 : i32
    %c0_i32_0 = arith.constant 0 : i32
    return %arg0, %arg1, %c0_i32 : i32, i32, i32
  }
  func.func @transform_1(%arg0: i32, %arg1: i32) -> (i32, i32, i32) {
    %c0_i32 = arith.constant 0 : i32
    %c0_i32_0 = arith.constant 0 : i32
    %c0_i32_1 = arith.constant 0 : i32
    return %arg0, %c0_i32, %c0_i32_0 : i32, i32, i32
  }
  func.func @transform_2(%arg0: i32, %arg1: i32) -> (i32, i32) {
    %c0_i32 = arith.constant 0 : i32
    %c0_i32_0 = arith.constant 0 : i32
    %c0_i32_1 = arith.constant 0 : i32
    return %c0_i32, %c0_i32_0 : i32, i32
  }
}

</mosaic_0001>

<sc_bundles>
// kernel: kernel.4.cloned.1.call-start
scs
__scs_entry_jumppad:
0x0: {  	(pc) =	sbr.rel $0x88, $3  }
0x1: {  	(tag) =	ssettag $0x0;
	lr =	simm.s32 $0x1  }
0x2: {  	[smem:$0x3FA0] =	sst lr;
	_ =	strace $0xD0000000  }
0x3: {  	_ = 	snop  }
0x4: {  	_ = 	snop  }
0x5: {  	_ = 	snop  }
0x6: {  	_ = 	snop  }
0x7: {  	_ = 	snop  }
__scs_overlays_trampoline_lowered:
0x8: {  	[smem:$0x3FAF] =	sst s0  }
0x9: {  	[smem:$0x3FB0] =	sst s1  }
0xa: {  	[smem:$0x3FB1] =	sst s2  }
0xb: {  	[smem:$0x3FB2] =	sst s3  }
0xc: {  	[smem:$0x3FB3] =	sst s4  }
0xd: {  	[smem:$0x3FB4] =	sst s5  }
0xe: {  	[smem:$0x3FB5] =	sst s6  }
0xf: {  	[smem:$0x3FB6] =	sst s7  }
0x10: {  	[smem:$0x3FB7] =	sst s8  }
0x11: {  	[smem:$0x3FB8] =	sst s9;
	s0 =	simm.s32 @!p0 $0x0  }
0x12: {  	s1 =	sld [smem:$0x3F9E];
	s0 =	simm.s32 @p0 $0x1  }
0x13: {  	[smem:$0x3FB9] =	sst s0;
	s0 =	simm.s32 @!p1 $0x0  }
0x14: {  	s2 =	sld [smem:$0x3F9D];
	s0 =	simm.s32 @p1 $0x1  }
0x15: {  	[smem:$0x3FBA] =	sst s0;
	s0 =	simm.s32 @!p2 $0x0  }
0x16: {  	s3 =	sld [smem:$0x3FDB];
	s0 =	simm.s32 @p2 $0x1  }
0x17: {  	s4 =	simm.s32 $0x1BF5;
	[smem:$0x3FBC] =	sst s0  }
0x18: {  	s0 =	sld [smem:$0x3F9F];
	_ =	swait.ge [sflag:s4], $0x0  }
0x19: {  	s7 =	sld [smem:$0x3FA0]  }
0x1a: {  	s8 =	sadd.s32 $0xFFFFE003, lr  }
0x1b: {  	s9 =	sadd.s32 $0xFFFFFEF7, lr;
	s5 =	simm.s32 $0xFFFFFFFF;
	p2 =	slt.u32 s8, $0xFFFFF086  }
0x1c: {  	p1 =	slt.u32 s9, $0xF7A;
	s5 =	simm.s32 @!p2 $0x0  }
0x1d: {  	s5 =	simm.s32 @p1 $0x1;
	p0 =	seq.s32 s7, s2  }
0x1e: {  	s7 =	smul.u32 @!p0 $0xF7A, s2;
	p2 =	seq.s32 @!p0 s5, $0x0  }
0x1f: {  	s9 =	smul.u32 $0xF7A, s1;
	s8 =	simm.s32 @!p0 $0x1BF5;
	p2 =	por !p2, p0  }
0x20: {  	[sflag:s8] =	ssyncset.s32 @!p0 $0xFFFFF086;
	s6 =	sadd.s32 @!p0 s3, s7;
	s7 =	simm.s32 @!p0 $0x108  }
0x21: {  	s3 =	sadd.s32 s3, s9;
	s6 =	sadd.s32 @!p0 $0x88, s6;
	s7 =	simm.s32 @p2 $0x1082  }
0x22: {  	[simem:s7], [sflag:s8] =	dma.local @!p0 [hbm:s6], $0xF7A  }
0x23: {  	s9 =	sor.u32 $0xD0000000, s2;
	s6 =	simm.s32 $0x108;
	_ =	swait.ge @!p0 [sflag:s8], $0x0  }
0x24: {  	s3 =	sadd.s32 $0x88, s3;
	s6 =	simm.s32 @!p1 $0x1082;
	[sflag:s4] =	ssyncset.s32 $0xFFFFF086  }
0x25: {  	[simem:s6], [sflag:s4] =	dma.local [hbm:s3], $0xF7A  }
0x26: {  	[smem:$0x3FA0] =	sst s1;
	(tag) =	ssettag s2;
	_ =	strace s9  }
0x27: {  	s1 =	sld [smem:$0x3FB0]  }
0x28: {  	s2 =	sld [smem:$0x3FB1]  }
0x29: {  	s4 =	sld [smem:$0x3FB3]  }
0x2a: {  	p0 =	seq.s32 s5, $0x0;
	s5 =	sld [smem:$0x3FB4]  }
0x2b: {  	s6 =	sld [smem:$0x3FB5]  }
0x2c: {  	s7 =	sld [smem:$0x3FB6]  }
0x2d: {  	s3 =	simm.s32 $0x108;
	s8 =	sld [smem:$0x3FB7]  }
0x2e: {  	s3 =	simm.s32 @!p0 $0x1082;
	s9 =	sld [smem:$0x3FB8]  }
0x2f: {  	lr =	sadd.s32 s0, s3;
	s0 =	sld [smem:$0x3FAF]  }
0x30: {  	s3 =	sld [smem:$0x3FB2]  }
0x31: {  	[smem:$0x3FBB] =	sst s10  }
0x32: {  	s10 =	sld [smem:$0x3FB9];
	_ =	sdelay $0x3  }
0x33: {  	p0 =	seq.s32 s10, $0x1;
	s10 =	sld [smem:$0x3FBB];
	_ =	sdelay $0x3  }
0x34: {  	[smem:$0x3FBB] =	sst s10  }
0x35: {  	s10 =	sld [smem:$0x3FBA];
	_ =	sdelay $0x3  }
0x36: {  	p1 =	seq.s32 s10, $0x1;
	s10 =	sld [smem:$0x3FBB];
	_ =	sdelay $0x3  }
0x37: {  	[smem:$0x3FBB] =	sst s10  }
0x38: {  	s10 =	sld [smem:$0x3FBC]  }
0x39: {  	_ = 	snop;
	(pc) =	sbr.ind lr, $3  }
0x3a: {  	_ = 	snop  }
0x3b: {  	_ = 	snop  }
0x3c: {  	p2 =	seq.s32 s10, $0x1;
	s10 =	sld [smem:$0x3FBB]  }
0x3d: {  	_ =	shalt  }
0x3e: {  	_ =	shalt  }
0x3f: {  	_ =	shalt  }
0x40: {  	_ =	shalt  }
0x41: {  	_ =	shalt  }
0x42: {  	_ =	shalt  }
0x43: {  	_ =	shalt  }
0x44: {  	_ =	shalt  }
0x45: {  	_ =	shalt  }
0x46: {  	_ =	shalt  }
0x47: {  	_ =	shalt  }
0x48: {  	_ =	shalt  }
0x49: {  	_ =	shalt  }
0x4a: {  	_ =	shalt  }
0x4b: {  	_ =	shalt  }
0x4c: {  	_ =	shalt  }
0x4d: {  	_ =	shalt  }
0x4e: {  	_ =	shalt  }
0x4f: {  	_ =	shalt  }
0x50: {  	_ =	shalt  }
0x51: {  	_ =	shalt  }
0x52: {  	_ =	shalt  }
0x53: {  	_ =	shalt  }
0x54: {  	_ =	shalt  }
0x55: {  	_ =	shalt  }
0x56: {  	_ =	shalt  }
0x57: {  	_ =	shalt  }
0x58: {  	_ =	shalt  }
0x59: {  	_ =	shalt  }
0x5a: {  	_ =	shalt  }
0x5b: {  	_ =	shalt  }
0x5c: {  	_ =	shalt  }
0x5d: {  	_ =	shalt  }
0x5e: {  	_ =	shalt  }
0x5f: {  	_ =	shalt  }
0x60: {  	_ =	shalt  }
0x61: {  	_ =	shalt  }
0x62: {  	_ =	shalt  }
0x63: {  	_ =	shalt  }
0x64: {  	_ =	shalt  }
0x65: {  	_ =	shalt  }
0x66: {  	_ =	shalt  }
0x67: {  	_ =	shalt  }
0x68: {  	_ =	shalt  }
0x69: {  	_ =	shalt  }
0x6a: {  	_ =	shalt  }
0x6b: {  	_ =	shalt  }
0x6c: {  	_ =	shalt  }
0x6d: {  	_ =	shalt  }
0x6e: {  	_ =	shalt  }
0x6f: {  	_ =	shalt  }
0x70: {  	_ =	shalt  }
0x71: {  	_ =	shalt  }
0x72: {  	_ =	shalt  }
0x73: {  	_ =	shalt  }
0x74: {  	_ =	shalt  }
0x75: {  	_ =	shalt  }
0x76: {  	_ =	shalt  }
0x77: {  	_ =	shalt  }
0x78: {  	_ =	shalt  }
0x79: {  	_ =	shalt  }
0x7a: {  	_ =	shalt  }
0x7b: {  	_ =	shalt  }
0x7c: {  	_ =	shalt  }
0x7d: {  	_ =	shalt  }
0x7e: {  	_ =	shalt  }
0x7f: {  	_ =	shalt  }
0x80: {  	_ =	shalt  }
0x81: {  	_ =	shalt  }
0x82: {  	_ =	shalt  }
0x83: {  	_ =	shalt  }
0x84: {  	_ =	shalt  }
0x85: {  	_ =	shalt  }
0x86: {  	_ =	shalt  }
0x87: {  	_ =	shalt  }
.Lfunc_end0:
.L_simem_size_0:
called_computation_lowered:
.L_overlay_start_0:
0x88: {  	s2 =	sld [smem:$0x3FD9]  }
0x89: {  	s3 =	sld [smem:$0x3FFE];
	_ =	sdelay $0x1  }
0x8a: {  	s1 =	srdreg.scid  }
0x8b: {  	s0 =	sand.u32 $0x1, s1  }
0x8c: {  	s16 =	sshll.u32 s0, $0xA;
	s2 =	sadd.s32 s3, s2  }
0x8d: {  	s2 =	sadd.s32 s2, s16  }
0x8e: {  	[smem:$0x3FC7] =	sst s2  }
0x8f: {  	_ = 	snop  }
0x90: {  	(tm) =	ssettm $0x1  }
0x91: {  	s17 =	sld [smem:$0x3FFB];
	_ =	sdelay $0x3  }
0x92: {  	_ =	strace s17  }
0x93: {  	s2 =	sld [smem:$0x3FFC];
	_ =	sdelay $0x3  }
0x94: {  	_ =	strace s2  }
0x95: {  	s2 =	sld [smem:$0x3FFD];
	_ =	sdelay $0x3  }
0x96: {  	_ =	strace s2  }
0x97: {  	_ =	strace $0x8FFFFFFF  }
0x98: {  	s18 =	sld [smem:$0x3FDB];
	_ =	sdelay $0x1  }
0x99: {  	s19 =	simm.s32 $_scs_section_size  }
0x9a: {  	s4 =	simm.s32 $_size__tile_overlayer_lowered;
	s5 =	simm.s32 $_tile_overlayer_lowered  }
0x9b: {  	s22 =	simm.s32 $0x1BFF;
	s21 =	sshll.u32 s5, $0x1;
	s2 =	sadd.s32 s19, s18  }
0x9c: {  	s6 =	simm.s32 $0x0;
	s20 =	sshll.u32 s4, $0x1;
	s4 =	sadd.s32 s21, s2  }
0x9d: {  	[timem:s6], [sflag:s22] =	dma.local [hbm:s4], s20  }
0x9e: {  	_ =	swait.ge [sflag:s22], s20  }
0x9f: {  	s3 =	ssub.s32 $0x0, s20;
	[sflag:s22] =	ssyncset.done $0x0  }
0xa0: {  	[sflag:s22] =	ssyncadd.s32 s3;
	_ =	sdelay $0x1  }
0xa1: {  	s23 =	simm.s32 $0x1B8B  }
0xa2: {  	_ =	swait.ge [sflag:s23], $0x1  }
0xa3: {  	[sflag:s23] =	ssyncset.done $0x0  }
0xa4: {  	s25 =	simm.s32 $0x1B8E;
	s24 =	sld [smem:$0x3FFE];
	[sflag:s23] =	ssyncadd.s32 $0xFFFFFFFF  }
0xa5: {  	s26 =	simm.s32 $execute0_lowered;
	[smem:$0x3FD2] =	sst s25  }
0xa6: {  	s4 =	sshll.u32 s26, $0x1;
	_ =	strace $0x80000046;
	[dreg:$0x1] =	wrdreg $0xFFFFFFFF  }
0xa7: {  	s28 =	simm.s32 $_size_execute0_lowered;
	s2 =	sadd.s32 s2, s4;
	[dreg:$0x0] =	wrdreg $0x0  }
0xa8: {  	s4 =	sshll.u32 s28, $0x1;
	[dreg:$0x2] =	wrdreg s2  }
0xa9: {  	[dreg:$0x3] =	wrdreg s4  }
0xaa: {  	[dreg:$0x4] =	wrdreg $0xC0  }
0xab: {  	_ =	task [dreg:s6], $0x5FFFF  }
0xac: {  	[dreg:$0x1] =	wrdreg $0xFFFFFFFF  }
0xad: {  	[dreg:$0x0] =	wrdreg $0x60  }
0xae: {  	[dreg:$0x2] =	wrdreg s24  }
0xaf: {  	[dreg:$0x3] =	wrdreg $0x9  }
0xb0: {  	_ =	task.clear_ibuf [dreg:s6], $0x4FFFF;
	_ =	strace $0x90000046  }
0xb1: {  	s29 =	simm.s32 $0x9;
	_ =	strace $0x80000048  }
0xb2: {  	_ =	swait.ge [sflag:s29], $0x1  }
0xb3: {  	[sflag:s29] =	ssyncadd.s32 $0xFFFFFFFF  }
0xb4: {  	_ =	strace $0x90000048  }
0xb5: {  	_ =	sfence  }
0xb6: {  	s30 =	sld [smem:$0x0];
	_ =	sdelay $0x2  }
0xb7: {  	s31 =	sshll.u32 s1, $0xD;
	s1 =	sshrl.u32 s1, $0x2  }
0xb8: {  	s3 =	sand.u32 $0x4000, s31;
	s1 =	sadd.s32 s1, s30  }
0xb9: {  	s0 =	sor.u32 s3, s0;
	s1 =	sshll.u32 s1, $0x11  }
0xba: {  	s0 =	sor.u32 s1, s0  }
0xbb: {  	s0 =	sadd.s32 $0x8F2B, s0  }
0xbc: {  	[sflag:s0] =	ssyncadd.remote.s32 $0x1  }
0xbd: {  	_ =	sfence.sel $0xFFFF  }
0xbe: {  	[dreg:$0x0] =	wrdreg $0xFFFFFFFF;
	(pc) =	sbr.abs _section_cstart, $3  }
0xbf: {  	[dreg:$0x1] =	wrdreg $0xFFFFFFFF  }
0xc0: {  	_ =	task.clear_ibuf [dreg:s6], $0x2FFFF;
	_ =	strace $0x9FFFFFFF  }
0xc1: {  	(tm) =	ssettm $0x7FFFFFFF  }
tec
execute0_lowered:
.L_overlay_start_1:
0x0: {  	(tag) =	ssettag $0x1  }
0x1: {  	s15 =	rddreg [dreg:$0x0]  }
0x2: {  	v0 =	vimm.s32 $0xFEDCBA98;
	s0 =	rddreg [dreg:$0x1];
	v1 =	vimm.s32 $0x76543210;
	v2 =	vimm.s32 $0xBA98FEDC  }
0x3: {  	s1 =	simm.s32 $0x0;
	s4 =	srdreg.scid;
	s2 =	stileid.u32;
	v3 =	vimm.s32 $0x32107654;
	v4 =	vimm.s32 $0xDCFE98BA;
	v5 =	vimm.s32 $0x54761032  }
0x4: {  	v6 =	vimm.s32 $0xEFCDAB89;
	v7 =	vimm.s32 $0x67452301;
	s18 =	simm.s32 $0x1;
	s19 =	simm.s32 $0x1000;
	s20 =	simm.s32 $0x2000  }
0x5: {  	s21 =	simm.s32 $0x3000;
	s22 =	simm.s32 $0x0;
	v0 =	vunpack.c.l.s4.s8 v0;
	[smem:$0x7FF] =	sst s1;
	v1 =	vunpack.c.l.s4.s8 v1;
	v2 =	vunpack.c.l.s4.s8 v2  }
0x6: {  	s3 =	sadd.s32 $0x200, s15;
	s5 =	sand.u32 $0x1, s4;
	s4 =	sadd.s32 $0xA00, s15;
	v3 =	vunpack.c.l.s4.s8 v3;
	v4 =	vunpack.c.l.s4.s8 v4;
	v5 =	vunpack.c.l.s4.s8 v5  }
0x7: {  	s6 =	sshll.u32 s2, $0x5;
	v6 =	vunpack.c.l.s4.s8 v6;
	v7 =	vunpack.c.l.s4.s8 v7;
	s9 =	sadd.s32 $0x1400, s15;
	s10 =	sadd.s32 $0x600, s15;
	v0 =	vunpack.c.0.s8.s32 v0  }
0x8: {  	s11 =	sadd.s32 $0xE00, s15;
	s12 =	sadd.s32 $0x1600, s15;
	s13 =	sadd.s32 $0x800, s15;
	v2 =	vunpack.c.0.s8.s32 v2;
	v3 =	vunpack.c.0.s8.s32 v3;
	v4 =	vunpack.c.0.s8.s32 v4  }
0x9: {  	s14 =	sadd.s32 $0x1000, s15;
	_ =	strace $0x80000047;
	s7 =	sshll.u32 s5, $0x4;
	v5 =	vunpack.c.0.s8.s32 v5;
	v6 =	vunpack.c.0.s8.s32 v6;
	v7 =	vunpack.c.0.s8.s32 v7  }
0xa: {  	s31 =	ssub.s32 $0x2, s5;
	s5 =	sadd.s32 $0x1200, s15;
	s6 =	sor.u32 s7, s6;
	v1 =	vunpack.c.0.s8.s32 v1;
	v2 =	vcombine.low v3, v2  }
0xb: {  	s8 =	sshrl.u32 s31, $0x1;
	s7 =	sadd.s32 $0x400, s15;
	s16 =	sadd.s32 s6, s15;
	v3 =	vcombine.low v5, v4;
	v4 =	vcombine.low v7, v6;
	v0 =	vand.u32 $0xF, v0  }
0xc: {  	s17 =	ssub.s32 s31, s8;
	s6 =	sor.u32 $0xE00, s6;
	s8 =	sadd.s32 $0xC00, s15;
	v0 =	vcombine.low v0, v1  }
0xd: {  	s15 =	sadd.s32 $0x1800, s15;
	s16 =	sadd.s32 $0x1A00, s16;
	s17 =	smax.u32 s17, $0x1;
	v1 =	vand.u32 $0xF, v2;
	v2 =	vand.u32 $0xF, v3;
	v3 =	vand.u32 $0xF, v4  }
.LBB2_1:
0xe: {  	[tilespmem:s1], [sflag:$0x1] =	stream.linear.gather [hbm4b:s3+s1], $0x1000, $0x38;
	[tilespmem:$0x3080] =	vst v63  }
0xf: {  	_ =	swait.ge [sflag:s18], $0x1000  }
0x10: {  	[sflag:s18] =	ssyncset.done $0x0  }
0x11: {  	[sflag:s18] =	ssyncadd.s32 $0xFFFFF000  }
0x12: {  	[tilespmem:s19], [sflag:$0x1] =	stream.linear.gather [hbm4b:s4+s1], $0x1000, $0x38;
	[tilespmem:$0x3080] =	vst v63  }
0x13: {  	_ =	swait.ge [sflag:s18], $0x1000  }
0x14: {  	[sflag:s18] =	ssyncset.done $0x0  }
0x15: {  	[sflag:s18] =	ssyncadd.s32 $0xFFFFF000  }
0x16: {  	[tilespmem:s20], [sflag:$0x1] =	stream.linear.gather [hbm4b:s5+s1], $0x1000, $0x38;
	[tilespmem:$0x3080] =	vst v63  }
0x17: {  	_ =	swait.ge [sflag:s18], $0x1000  }
0x18: {  	[sflag:s18] =	ssyncset.done $0x0  }
0x19: {  	[sflag:s18] =	ssyncadd.s32 $0xFFFFF000  }
0x1a: {  	v5 =	vld [tilespmem:s6+$0x0]  }
0x1b: {  	v6 =	vld [tilespmem:s6+$0x1000]  }
0x1c: {  	v4 =	vimm.f32 $0.0e+00;
	s23 =	simm.s32 $0x0;
	v7 =	vld [tilespmem:s6+$0x2000]  }
.LBB2_2:
0x1d: {  	s24 =	simm.s32 $0x0  }
0x1e: {  	v8 =	vmov s23;
	v11 =	vld [tilespmem:s24+$0x0]  }
0x1f: {  	v8 =	vand.u32 $0xF, v8;
	v12 =	vld [tilespmem:s24+$0x1000]  }
0x20: {  	v8 =	vbroadcast v8, $0x0  }
0x21: {  	v13 =	vld [tilespmem:s24+$0x2000]  }
0x22: {  	v10 =	vperm.xlane v5, v8;
	v9 =	vperm.xlane v6, v8;
	_ =	sdelay $0x1  }
0x23: {  	s30 =	simm.s32 $0x10;
	v8 =	vperm.xlane v7, v8;
	v11 =	vsub.f32 v11, v10;
	v12 =	vsub.f32 v12, v9  }
0x24: {  	v14 =	vld [tilespmem:s30+$0x0]  }
0x25: {  	s31 =	simm.s32 $0x20;
	v15 =	vld [tilespmem:s30+$0x1000];
	v13 =	vsub.f32 v13, v8;
	v11 =	vmul.f32 v11, v11;
	v12 =	vmul.f32 v12, v12  }
0x26: {  	v19 =	vld [tilespmem:s31+$0x2000]  }
0x27: {  	v13 =	vmul.f32 v13, v13;
	v11 =	vadd.f32 v12, v11;
	v12 =	vld [tilespmem:s30+$0x2000]  }
0x28: {  	v28 =	vld [tilespmem:s31+$0x1000]  }
0x29: {  	v16 =	vadd.f32 v13, v11  }
0x2a: {  	v13 =	vsub.f32 v14, v10;
	v14 =	vsub.f32 v15, v9  }
0x2b: {  	v11 =	vimm.f32 $+Inf  }
0x2c: {  	v13 =	vmul.f32 v13, v13;
	v14 =	vmul.f32 v14, v14;
	v12 =	vsub.f32 v12, v8  }
0x2d: {  	v29 =	vsub.f32 v19, v8;
	v28 =	vsub.f32 v28, v9;
	v17 =	vmax.f32 v11, v16  }
0x2e: {  	v20 =	vld [tilespmem:s31+$0x0];
	v15 =	vmax.f32 v11, v17;
	v14 =	vadd.f32 v14, v13;
	v12 =	vmul.f32 v12, v12  }
0x2f: {  	v31 =	vmul.f32 v28, v28;
	v32 =	vmul.f32 v29, v29;
	v21 =	vmax.f32 v11, v15  }
0x30: {  	v23 =	vmin.f32 v11, v16;
	v22 =	vmax.f32 v11, v21;
	v26 =	vadd.f32 v12, v14  }
0x31: {  	v24 =	vmin.f32 v11, v17;
	v19 =	vmin.f32 v11, v15;
	v27 =	vmax.f32 v11, v22  }
0x32: {  	v16 =	vmin.f32 v11, v21;
	v18 =	vmax.f32 v11, v27;
	v25 =	vmax.f32 v23, v26  }
0x33: {  	v14 =	vsub.f32 v20, v10;
	v13 =	vmax.f32 v11, v18;
	v20 =	vmax.f32 v24, v25  }
0x34: {  	s25 =	simm.s32 $0x30;
	v21 =	vmin.f32 v11, v27;
	v12 =	vmax.f32 v11, v13;
	v17 =	vmax.f32 v19, v20  }
0x35: {  	v28 =	vld [tilespmem:s25+$0x2000];
	v30 =	vmul.f32 v14, v14;
	v14 =	vmin.f32 v11, v22;
	v15 =	vmax.f32 v16, v17  }
0x36: {  	s24 =	simm.s32 $0x100;
	v29 =	vld [tilespmem:s25+$0x0];
	v27 =	vimm.f32 $+Inf;
	v12 =	vmin.f32 v11, v12;
	v22 =	vmax.f32 v14, v15  }
.LBB2_3:
0x37: {  	p0 =	sne.s32 s24, $0x3FC0;
	v33 =	vld [tilespmem:s25+$0x1000];
	v30 =	vadd.f32 v31, v30;
	v11 =	vmin.f32 v11, v18;
	v18 =	vmax.f32 v21, v22  }
0x38: {  	v27 =	vmin.f32 v27, v13;
	v13 =	vmax.f32 v11, v18  }
0x39: {  	v30 =	vadd.f32 v32, v30;
	v31 =	vmax.f32 v27, v13  }
0x3a: {  	v23 =	vmin.f32 v23, v26;
	v32 =	vsub.f32 v28, v8;
	v12 =	vmin.f32 v12, v31  }
.Ltmp0:
0x3b: {  	v24 =	vmin.f32 v24, v25;
	v28 =	vsub.f32 v29, v10;
	v25 =	vmax.f32 v23, v30;
	v26 =	vmovc v30;
	(pc) =	sbr.rel @p0 .LBB2_3-.Ltmp0, $4  }
0x3c: {  	v19 =	vmin.f32 v19, v20;
	v29 =	vsub.f32 v33, v9;
	v20 =	vmax.f32 v24, v25  }
0x3d: {  	s25 =	sshra.s32 s24, $0x2;
	v16 =	vmin.f32 v16, v17;
	v30 =	vmul.f32 v28, v28;
	v17 =	vmax.f32 v19, v20  }
0x3e: {  	v14 =	vmin.f32 v14, v15;
	v28 =	vld [tilespmem:s25+$0x2000];
	v31 =	vmul.f32 v29, v29;
	v15 =	vmax.f32 v16, v17  }
0x3f: {  	s24 =	sadd.s32 $0x40, s24;
	v21 =	vmin.f32 v21, v22;
	v32 =	vmul.f32 v32, v32;
	v29 =	vld [tilespmem:s25+$0x0];
	v22 =	vmax.f32 v14, v15  }
0x40: {  	v33 =	vld [tilespmem:s25+$0x1000];
	v30 =	vadd.f32 v31, v30;
	v47 =	vmax.f32 v21, v22;
	v11 =	vmin.f32 v11, v18  }
0x41: {  	v23 =	vmin.f32 v23, v26;
	v24 =	vmin.f32 v24, v25;
	v13 =	vmin.f32 v27, v13  }
0x42: {  	v19 =	vmin.f32 v19, v20;
	v16 =	vmin.f32 v16, v17;
	v14 =	vmin.f32 v14, v15  }
0x43: {  	v54 =	vmin.f32 v21, v22;
	v49 =	vmax.f32 v11, v47;
	v48 =	vadd.f32 v32, v30  }
0x44: {  	v11 =	vmin.f32 v11, v47;
	v50 =	vmax.f32 v13, v49;
	v13 =	vmin.f32 v13, v49  }
0x45: {  	v10 =	vsub.f32 v29, v10;
	v26 =	vmax.f32 v23, v48;
	v9 =	vsub.f32 v33, v9  }
0x46: {  	v8 =	vsub.f32 v28, v8;
	v52 =	vmin.f32 v12, v50;
	v25 =	vmax.f32 v24, v26  }
0x47: {  	v10 =	vmul.f32 v10, v10;
	v51 =	vmax.f32 v19, v25;
	v9 =	vmul.f32 v9, v9  }
0x48: {  	v18 =	vmin.f32 v23, v48;
	v8 =	vmul.f32 v8, v8;
	v53 =	vmax.f32 v16, v51  }
0x49: {  	v58 =	vmin.f32 v24, v26;
	v15 =	vmax.f32 v14, v53;
	v9 =	vadd.f32 v9, v10  }
0x4a: {  	v19 =	vmin.f32 v19, v25;
	v16 =	vmin.f32 v16, v51;
	v55 =	vmax.f32 v54, v15  }
0x4b: {  	v12 =	vmin.f32 v14, v53;
	v56 =	vmax.f32 v11, v55;
	v8 =	vadd.f32 v8, v9  }
0x4c: {  	v15 =	vmin.f32 v54, v15;
	v60 =	vmax.f32 v13, v56;
	v9 =	vmin.f32 v11, v55  }
0x4d: {  	v13 =	vmin.f32 v13, v56;
	v10 =	vmin.f32 v52, v60;
	v57 =	vmax.f32 v18, v8  }
0x4e: {  	v8 =	vmin.f32 v18, v8;
	v59 =	vmax.f32 v58, v57;
	v62 =	vmin.f32 v58, v57  }
0x4f: {  	v25 =	vmax.f32 v19, v59;
	v63 =	vmin.f32 v19, v59;
	v26 =	vmin.f32 v8, v62  }
0x50: {  	v61 =	vmax.f32 v16, v25;
	v16 =	vmin.f32 v16, v25;
	v19 =	vmin.f32 v26, v63  }
0x51: {  	v14 =	vmax.f32 v12, v61;
	v28 =	vmin.f32 v12, v61;
	v29 =	vmin.f32 v19, v16  }
0x52: {  	v27 =	vmax.f32 v15, v14;
	v14 =	vmin.f32 v15, v14;
	v12 =	vmin.f32 v29, v28  }
0x53: {  	v30 =	vmax.f32 v9, v27;
	v9 =	vmin.f32 v9, v27;
	v12 =	vmin.f32 v12, v14  }
0x54: {  	v31 =	vmax.f32 v13, v30;
	v13 =	vmin.f32 v13, v30;
	v12 =	vmin.f32 v12, v9  }
0x55: {  	v10 =	vmin.f32 v10, v31;
	v12 =	vmin.f32 v12, v13  }
0x56: {  	v12 =	vmin.f32 v12, v10  }
0x57: {  	v32 =	vperm.xlane v12, v0;
	_ =	sdelay $0x1  }
0x58: {  	v12 =	vmin.f32 v12, v32  }
0x59: {  	v15 =	vperm.xlane v12, v1;
	_ =	sdelay $0x1  }
0x5a: {  	v12 =	vmin.f32 v12, v15  }
0x5b: {  	v15 =	vperm.xlane v12, v2;
	_ =	sdelay $0x1  }
0x5c: {  	v12 =	vmin.f32 v12, v15  }
0x5d: {  	v15 =	vperm.xlane v12, v3;
	_ =	sdelay $0x1  }
0x5e: {  	v12 =	vmin.f32 v12, v15  }
0x5f: {  	vm0 =	veq.f32 v8, v12;
	vm1 =	veq.f32 v62, v12  }
0x60: {  	vm4 =	veq.f32 v63, v12;
	v33 =	vsel vm0, $0x7F800000, v8;
	v18 =	vsel vm1, $0x7F800000, v62  }
0x61: {  	vm5 =	veq.f32 v16, v12;
	v17 =	vsel vm4, $0x7F800000, v63;
	v8 =	vmin.f32 v33, v18  }
0x62: {  	vm6 =	veq.f32 v28, v12;
	v16 =	vsel vm5, $0x7F800000, v16;
	v8 =	vmin.f32 v8, v17  }
0x63: {  	vm7 =	veq.f32 v14, v12;
	v11 =	vsel vm6, $0x7F800000, v28;
	v8 =	vmin.f32 v8, v16  }
0x64: {  	vm8 =	veq.f32 v9, v12;
	v14 =	vsel vm7, $0x7F800000, v14;
	v8 =	vmin.f32 v8, v11  }
0x65: {  	vm9 =	veq.f32 v13, v12;
	v9 =	vsel vm8, $0x7F800000, v9;
	v8 =	vmin.f32 v8, v14  }
0x66: {  	vm10 =	veq.f32 v10, v12;
	v13 =	vsel vm9, $0x7F800000, v13;
	v8 =	vmin.f32 v8, v9  }
0x67: {  	v10 =	vsel vm10, $0x7F800000, v10;
	v8 =	vmin.f32 v8, v13  }
0x68: {  	v8 =	vmin.f32 v8, v10  }
0x69: {  	v34 =	vperm.xlane v8, v0;
	_ =	sdelay $0x1  }
0x6a: {  	v8 =	vmin.f32 v8, v34  }
0x6b: {  	v12 =	vperm.xlane v8, v1;
	_ =	sdelay $0x1  }
0x6c: {  	v8 =	vmin.f32 v8, v12  }
0x6d: {  	v12 =	vperm.xlane v8, v2;
	_ =	sdelay $0x1  }
0x6e: {  	v8 =	vmin.f32 v8, v12  }
0x6f: {  	v12 =	vperm.xlane v8, v3;
	_ =	sdelay $0x1  }
0x70: {  	v8 =	vmin.f32 v8, v12  }
0x71: {  	vm11 =	veq.f32 v33, v8;
	vm1 =	veq.f32 v18, v8  }
0x72: {  	vm12 =	veq.f32 v17, v8;
	v35 =	vsel vm11, $0x7F800000, v33;
	v36 =	vsel vm1, $0x7F800000, v18  }
0x73: {  	vm13 =	veq.f32 v16, v8;
	v17 =	vsel vm12, $0x7F800000, v17;
	v18 =	vmin.f32 v35, v36  }
0x74: {  	vm14 =	veq.f32 v11, v8;
	v16 =	vsel vm13, $0x7F800000, v16;
	v18 =	vmin.f32 v18, v17  }
0x75: {  	vm15 =	veq.f32 v14, v8;
	v11 =	vsel vm14, $0x7F800000, v11;
	v18 =	vmin.f32 v18, v16  }
0x76: {  	vm4 =	veq.f32 v9, v8;
	v14 =	vsel vm15, $0x7F800000, v14;
	v18 =	vmin.f32 v18, v11  }
0x77: {  	vm5 =	veq.f32 v13, v8;
	v37 =	vsel vm4, $0x7F800000, v9;
	v38 =	vmin.f32 v18, v14  }
0x78: {  	vm6 =	veq.f32 v10, v8;
	v13 =	vsel vm5, $0x7F800000, v13;
	v9 =	vmin.f32 v38, v37  }
0x79: {  	v10 =	vsel vm6, $0x7F800000, v10;
	v9 =	vmin.f32 v9, v13  }
0x7a: {  	v9 =	vmin.f32 v9, v10  }
0x7b: {  	v39 =	vperm.xlane v9, v0;
	_ =	sdelay $0x1  }
0x7c: {  	v9 =	vmin.f32 v9, v39  }
0x7d: {  	v18 =	vperm.xlane v9, v1;
	_ =	sdelay $0x1  }
0x7e: {  	v9 =	vmin.f32 v9, v18  }
0x7f: {  	v18 =	vperm.xlane v9, v2;
	_ =	sdelay $0x1  }
0x80: {  	v9 =	vmin.f32 v9, v18  }
0x81: {  	v18 =	vperm.xlane v9, v3;
	_ =	sdelay $0x1  }
0x82: {  	v9 =	vmin.f32 v9, v18  }
0x83: {  	vm7 =	veq.f32 v35, v9;
	vm1 =	veq.f32 v36, v9  }
0x84: {  	vm8 =	veq.f32 v17, v9;
	v12 =	vsel vm7, $0x7F800000, v35;
	v15 =	vsel vm1, $0x7F800000, v36  }
0x85: {  	vm9 =	veq.f32 v16, v9;
	v17 =	vsel vm8, $0x7F800000, v17;
	v40 =	vmin.f32 v12, v15  }
0x86: {  	vm10 =	veq.f32 v11, v9;
	v16 =	vsel vm9, $0x7F800000, v16;
	v18 =	vmin.f32 v40, v17  }
0x87: {  	vm11 =	veq.f32 v14, v9;
	v11 =	vsel vm10, $0x7F800000, v11;
	v18 =	vmin.f32 v18, v16  }
0x88: {  	vm12 =	veq.f32 v37, v9;
	v14 =	vsel vm11, $0x7F800000, v14;
	v18 =	vmin.f32 v18, v11  }
0x89: {  	vm13 =	veq.f32 v13, v9;
	v19 =	vsel vm12, $0x7F800000, v37;
	v18 =	vmin.f32 v18, v14  }
0x8a: {  	vm14 =	veq.f32 v10, v9;
	v13 =	vsel vm13, $0x7F800000, v13;
	v18 =	vmin.f32 v18, v19  }
0x8b: {  	v41 =	vsel vm14, $0x7F800000, v10;
	v42 =	vmin.f32 v18, v13  }
0x8c: {  	v10 =	vmin.f32 v42, v41  }
0x8d: {  	v43 =	vperm.xlane v10, v0;
	_ =	sdelay $0x1  }
0x8e: {  	v10 =	vmin.f32 v10, v43  }
0x8f: {  	v18 =	vperm.xlane v10, v1;
	_ =	sdelay $0x1  }
0x90: {  	v10 =	vmin.f32 v10, v18  }
0x91: {  	v18 =	vperm.xlane v10, v2;
	_ =	sdelay $0x1  }
0x92: {  	v10 =	vmin.f32 v10, v18  }
0x93: {  	v18 =	vperm.xlane v10, v3;
	_ =	sdelay $0x1  }
0x94: {  	v10 =	vmin.f32 v10, v18  }
0x95: {  	vm15 =	veq.f32 v12, v10;
	vm1 =	veq.f32 v15, v10  }
0x96: {  	vm4 =	veq.f32 v17, v10;
	v12 =	vsel vm15, $0x7F800000, v12;
	v15 =	vsel vm1, $0x7F800000, v15  }
0x97: {  	vm5 =	veq.f32 v16, v10;
	v17 =	vsel vm4, $0x7F800000, v17;
	v44 =	vmin.f32 v12, v15  }
0x98: {  	vm6 =	veq.f32 v11, v10;
	v16 =	vsel vm5, $0x7F800000, v16;
	v18 =	vmin.f32 v44, v17  }
0x99: {  	vm7 =	veq.f32 v14, v10;
	v45 =	vsel vm6, $0x7F800000, v11;
	v46 =	vmin.f32 v18, v16  }
0x9a: {  	vm8 =	veq.f32 v19, v10;
	v14 =	vsel vm7, $0x7F800000, v14;
	v11 =	vmin.f32 v46, v45  }
0x9b: {  	vm9 =	veq.f32 v13, v10;
	v47 =	vsel vm8, $0x7F800000, v19;
	v11 =	vmin.f32 v11, v14  }
0x9c: {  	vm10 =	veq.f32 v41, v10;
	v13 =	vsel vm9, $0x7F800000, v13;
	v11 =	vmin.f32 v11, v47  }
0x9d: {  	v48 =	vsel vm10, $0x7F800000, v41;
	v11 =	vmin.f32 v11, v13  }
0x9e: {  	v11 =	vmin.f32 v11, v48  }
0x9f: {  	v49 =	vperm.xlane v11, v0;
	_ =	sdelay $0x1  }
0xa0: {  	v11 =	vmin.f32 v11, v49  }
0xa1: {  	v20 =	vperm.xlane v11, v1;
	_ =	sdelay $0x1  }
0xa2: {  	v11 =	vmin.f32 v11, v20  }
0xa3: {  	v20 =	vperm.xlane v11, v2;
	_ =	sdelay $0x1  }
0xa4: {  	v11 =	vmin.f32 v11, v20  }
0xa5: {  	v20 =	vperm.xlane v11, v3;
	_ =	sdelay $0x1  }
0xa6: {  	v11 =	vmin.f32 v11, v20  }
0xa7: {  	vm11 =	veq.f32 v12, v11;
	vm1 =	veq.f32 v15, v11  }
0xa8: {  	vm12 =	veq.f32 v17, v11;
	v12 =	vsel vm11, $0x7F800000, v12;
	v15 =	vsel vm1, $0x7F800000, v15  }
0xa9: {  	vm13 =	veq.f32 v16, v11;
	v17 =	vsel vm12, $0x7F800000, v17;
	v50 =	vmin.f32 v12, v15  }
0xaa: {  	vm14 =	veq.f32 v45, v11;
	v16 =	vsel vm13, $0x7F800000, v16;
	v20 =	vmin.f32 v50, v17  }
0xab: {  	vm15 =	veq.f32 v14, v11;
	v21 =	vsel vm14, $0x7F800000, v45;
	v20 =	vmin.f32 v20, v16  }
0xac: {  	vm4 =	veq.f32 v47, v11;
	v14 =	vsel vm15, $0x7F800000, v14;
	v20 =	vmin.f32 v20, v21  }
0xad: {  	vm5 =	veq.f32 v13, v11;
	v18 =	vsel vm4, $0x7F800000, v47;
	v20 =	vmin.f32 v20, v14  }
0xae: {  	vm6 =	veq.f32 v48, v11;
	v13 =	vsel vm5, $0x7F800000, v13;
	v20 =	vmin.f32 v20, v18  }
0xaf: {  	v19 =	vsel vm6, $0x7F800000, v48;
	v20 =	vmin.f32 v20, v13  }
0xb0: {  	v20 =	vmin.f32 v20, v19  }
0xb1: {  	v51 =	vperm.xlane v20, v0;
	_ =	sdelay $0x1  }
0xb2: {  	v20 =	vmin.f32 v20, v51  }
0xb3: {  	v22 =	vperm.xlane v20, v1;
	_ =	sdelay $0x1  }
0xb4: {  	v20 =	vmin.f32 v20, v22  }
0xb5: {  	v22 =	vperm.xlane v20, v2;
	_ =	sdelay $0x1  }
0xb6: {  	v20 =	vmin.f32 v20, v22  }
0xb7: {  	v22 =	vperm.xlane v20, v3;
	_ =	sdelay $0x1  }
0xb8: {  	v20 =	vmin.f32 v20, v22  }
0xb9: {  	vm7 =	veq.f32 v12, v20;
	vm1 =	veq.f32 v15, v20  }
0xba: {  	vm8 =	veq.f32 v17, v20;
	v12 =	vsel vm7, $0x7F800000, v12;
	v15 =	vsel vm1, $0x7F800000, v15  }
0xbb: {  	vm9 =	veq.f32 v16, v20;
	v17 =	vsel vm8, $0x7F800000, v17;
	v52 =	vmin.f32 v12, v15  }
0xbc: {  	vm10 =	veq.f32 v21, v20;
	v16 =	vsel vm9, $0x7F800000, v16;
	v22 =	vmin.f32 v52, v17  }
0xbd: {  	vm11 =	veq.f32 v14, v20;
	v21 =	vsel vm10, $0x7F800000, v21;
	v22 =	vmin.f32 v22, v16  }
0xbe: {  	vm12 =	veq.f32 v18, v20;
	v14 =	vsel vm11, $0x7F800000, v14;
	v22 =	vmin.f32 v22, v21  }
0xbf: {  	vm13 =	veq.f32 v13, v20;
	v18 =	vsel vm12, $0x7F800000, v18;
	v22 =	vmin.f32 v22, v14  }
0xc0: {  	vm14 =	veq.f32 v19, v20;
	v13 =	vsel vm13, $0x7F800000, v13;
	v22 =	vmin.f32 v22, v18  }
0xc1: {  	v19 =	vsel vm14, $0x7F800000, v19;
	v22 =	vmin.f32 v22, v13  }
0xc2: {  	v22 =	vmin.f32 v22, v19  }
0xc3: {  	v53 =	vperm.xlane v22, v0;
	_ =	sdelay $0x1  }
0xc4: {  	v22 =	vmin.f32 v22, v53  }
0xc5: {  	v23 =	vperm.xlane v22, v1;
	_ =	sdelay $0x1  }
0xc6: {  	v22 =	vmin.f32 v22, v23  }
0xc7: {  	v23 =	vperm.xlane v22, v2;
	_ =	sdelay $0x1  }
0xc8: {  	v22 =	vmin.f32 v22, v23  }
0xc9: {  	v23 =	vperm.xlane v22, v3;
	_ =	sdelay $0x1  }
0xca: {  	v22 =	vmin.f32 v22, v23  }
0xcb: {  	vm15 =	veq.f32 v12, v22;
	vm1 =	veq.f32 v15, v22  }
0xcc: {  	vm4 =	veq.f32 v17, v22;
	v12 =	vsel vm15, $0x7F800000, v12;
	v15 =	vsel vm1, $0x7F800000, v15  }
0xcd: {  	vm5 =	veq.f32 v16, v22;
	v17 =	vsel vm4, $0x7F800000, v17;
	v54 =	vmin.f32 v12, v15  }
0xce: {  	vm6 =	veq.f32 v21, v22;
	v16 =	vsel vm5, $0x7F800000, v16;
	v23 =	vmin.f32 v54, v17  }
0xcf: {  	vm7 =	veq.f32 v14, v22;
	v21 =	vsel vm6, $0x7F800000, v21;
	v23 =	vmin.f32 v23, v16  }
0xd0: {  	vm8 =	veq.f32 v18, v22;
	v14 =	vsel vm7, $0x7F800000, v14;
	v23 =	vmin.f32 v23, v21  }
0xd1: {  	vm9 =	veq.f32 v13, v22;
	v18 =	vsel vm8, $0x7F800000, v18;
	v23 =	vmin.f32 v23, v14  }
0xd2: {  	vm10 =	veq.f32 v19, v22;
	v13 =	vsel vm9, $0x7F800000, v13;
	v23 =	vmin.f32 v23, v18  }
0xd3: {  	v19 =	vsel vm10, $0x7F800000, v19;
	v23 =	vmin.f32 v23, v13  }
0xd4: {  	v23 =	vmin.f32 v23, v19  }
0xd5: {  	v55 =	vperm.xlane v23, v0;
	_ =	sdelay $0x1  }
0xd6: {  	v23 =	vmin.f32 v23, v55  }
0xd7: {  	v24 =	vperm.xlane v23, v1;
	_ =	sdelay $0x1  }
0xd8: {  	v23 =	vmin.f32 v23, v24  }
0xd9: {  	v24 =	vperm.xlane v23, v2;
	_ =	sdelay $0x1  }
0xda: {  	v23 =	vmin.f32 v23, v24  }
0xdb: {  	v24 =	vperm.xlane v23, v3;
	_ =	sdelay $0x1  }
0xdc: {  	v23 =	vmin.f32 v23, v24  }
0xdd: {  	vm11 =	veq.f32 v15, v23  }
0xde: {  	v15 =	vsel vm11, $0x7F800000, v15  }
0xdf: {  	vm12 =	veq.f32 v12, v23;
	v12 =	vmin.f32 v12, v15  }
0xe0: {  	v12 =	vsel vm12, v15, v12  }
0xe1: {  	vm13 =	veq.f32 v17, v23;
	v15 =	vmin.f32 v12, v17  }
0xe2: {  	v12 =	vsel vm13, v12, v15  }
0xe3: {  	vm14 =	veq.f32 v16, v23;
	v15 =	vmin.f32 v12, v16  }
0xe4: {  	v12 =	vsel vm14, v12, v15  }
0xe5: {  	vm15 =	veq.f32 v21, v23;
	v15 =	vmin.f32 v12, v21  }
0xe6: {  	v12 =	vsel vm15, v12, v15  }
0xe7: {  	vm4 =	veq.f32 v14, v23;
	v14 =	vmin.f32 v12, v14  }
0xe8: {  	v12 =	vsel vm4, v12, v14  }
0xe9: {  	vm5 =	veq.f32 v18, v23;
	v14 =	vmin.f32 v12, v18  }
0xea: {  	v12 =	vsel vm5, v12, v14  }
0xeb: {  	vm6 =	veq.f32 v13, v23;
	v13 =	vmin.f32 v12, v13  }
0xec: {  	v12 =	vsel vm6, v12, v13  }
0xed: {  	vm7 =	veq.f32 v19, v23;
	v13 =	vmin.f32 v12, v19  }
0xee: {  	v56 =	vadd.f32 $0.0e+00, v8;
	v12 =	vsel vm7, v12, v13  }
0xef: {  	vm8 =	vlt.f32 v8, $3.000000010e+38;
	vm9 =	vlt.f32 v9, $3.000000010e+38;
	v8 =	vperm.xlane v12, v0  }
0xf0: {  	v57 =	vnsel vm8, $0x0, v56;
	v9 =	vnsel vm9, $0x0, v9  }
0xf1: {  	vm10 =	vlt.f32 v10, $3.000000010e+38;
	v9 =	vadd.f32 v9, v57;
	v8 =	vmin.f32 v12, v8  }
0xf2: {  	v10 =	vnsel vm10, $0x0, v10;
	v12 =	vperm.xlane v8, v1  }
0xf3: {  	v9 =	vadd.f32 v10, v9;
	vm11 =	vlt.f32 v11, $3.000000010e+38  }
0xf4: {  	v58 =	vnsel vm11, $0x0, v11;
	v8 =	vmin.f32 v8, v12  }
0xf5: {  	v9 =	vadd.f32 v58, v9;
	vm12 =	vlt.f32 v20, $3.000000010e+38;
	v59 =	vperm.xlane v8, v2  }
0xf6: {  	v60 =	vnsel vm12, $0x0, v20  }
0xf7: {  	v9 =	vadd.f32 v60, v9;
	vm13 =	vlt.f32 v22, $3.000000010e+38;
	v8 =	vmin.f32 v8, v59  }
0xf8: {  	v61 =	vnsel vm13, $0x0, v22;
	v62 =	vperm.xlane v8, v3  }
0xf9: {  	s23 =	sadd.s32 $0x1, s23;
	v9 =	vadd.f32 v61, v9;
	vm14 =	vlt.f32 v23, $3.000000010e+38  }
0xfa: {  	p0 =	sne.s32 s23, $0x10;
	v63 =	vnsel vm14, $0x0, v23;
	v8 =	vmin.f32 v8, v62  }
.Ltmp1:
0xfb: {  	v9 =	vadd.f32 v63, v9;
	vm15 =	vlt.f32 v8, $3.000000010e+38;
	(pc) =	sbr.rel @p0 .LBB2_2-.Ltmp1, $3  }
0xfc: {  	v8 =	vnsel vm15, $0x0, v8  }
0xfd: {  	v8 =	vadd.f32 v8, v9;
	_ =	sdelay $0x1  }
0xfe: {  	v4 =	vadd.f32 v8, v4  }
0xff: {  	s23 =	simm.s32 $0x0  }
0x100: {  	[tilespmem:s23], [sflag:$0x1] =	stream.linear.gather [hbm4b:s7+s23], $0x1000, $0x38;
	[tilespmem:$0x3080] =	vst v63  }
0x101: {  	_ =	swait.ge [sflag:s18], $0x1000  }
0x102: {  	[sflag:s18] =	ssyncset.done $0x0  }
0x103: {  	[sflag:s18] =	ssyncadd.s32 $0xFFFFF000  }
0x104: {  	[tilespmem:s19], [sflag:$0x1] =	stream.linear.gather [hbm4b:s8+s23], $0x1000, $0x38;
	[tilespmem:$0x3080] =	vst v63  }
0x105: {  	_ =	swait.ge [sflag:s18], $0x1000  }
0x106: {  	[sflag:s18] =	ssyncset.done $0x0  }
0x107: {  	[sflag:s18] =	ssyncadd.s32 $0xFFFFF000  }
0x108: {  	[tilespmem:s20], [sflag:$0x1] =	stream.linear.gather [hbm4b:s9+s23], $0x1000, $0x38;
	[tilespmem:$0x3080] =	vst v63  }
0x109: {  	_ =	swait.ge [sflag:s18], $0x1000  }
0x10a: {  	[sflag:s18] =	ssyncset.done $0x0  }
0x10b: {  	[sflag:s18] =	ssyncadd.s32 $0xFFFFF000  }
0x10c: {  	v5 =	vld [tilespmem:s6+$0x0]  }
.LBB2_6:
0x10d: {  	v6 =	vld [tilespmem:s6+$0x1000]  }
0x10e: {  	v9 =	vld [tilespmem:s6+$0x2000];
	s24 =	simm.s32 $0x0  }
0x10f: {  	v7 =	vmov s23;
	v10 =	vld [tilespmem:s24+$0x0]  }
0x110: {  	v7 =	vand.u32 $0xF, v7;
	v11 =	vld [tilespmem:s24+$0x1000]  }
0x111: {  	v12 =	vbroadcast v7, $0x0  }
0x112: {  	v13 =	vld [tilespmem:s24+$0x2000]  }
0x113: {  	v8 =	vperm.xlane v5, v12;
	v7 =	vperm.xlane v6, v12;
	_ =	sdelay $0x1  }
0x114: {  	s30 =	simm.s32 $0x10;
	v6 =	vperm.xlane v9, v12;
	v9 =	vsub.f32 v10, v8;
	v10 =	vsub.f32 v11, v7  }
0x115: {  	v12 =	vld [tilespmem:s30+$0x0]  }
0x116: {  	s31 =	simm.s32 $0x20;
	v11 =	vsub.f32 v13, v6;
	v13 =	vld [tilespmem:s30+$0x1000];
	v9 =	vmul.f32 v9, v9;
	v10 =	vmul.f32 v10, v10  }
0x117: {  	v17 =	vld [tilespmem:s31+$0x2000]  }
0x118: {  	v11 =	vmul.f32 v11, v11;
	v9 =	vadd.f32 v10, v9;
	v10 =	vld [tilespmem:s30+$0x2000]  }
0x119: {  	v26 =	vld [tilespmem:s31+$0x1000]  }
0x11a: {  	v14 =	vadd.f32 v11, v9  }
0x11b: {  	v11 =	vsub.f32 v12, v8;
	v12 =	vsub.f32 v13, v7  }
0x11c: {  	v9 =	vimm.f32 $+Inf  }
0x11d: {  	v11 =	vmul.f32 v11, v11;
	v12 =	vmul.f32 v12, v12;
	v10 =	vsub.f32 v10, v6  }
0x11e: {  	v27 =	vsub.f32 v17, v6;
	v26 =	vsub.f32 v26, v7;
	v15 =	vmax.f32 v9, v14  }
0x11f: {  	v18 =	vld [tilespmem:s31+$0x0];
	v13 =	vmax.f32 v9, v15;
	v12 =	vadd.f32 v12, v11;
	v10 =	vmul.f32 v10, v10  }
0x120: {  	v29 =	vmul.f32 v26, v26;
	v30 =	vmul.f32 v27, v27;
	v19 =	vmax.f32 v9, v13  }
0x121: {  	v21 =	vmin.f32 v9, v14;
	v20 =	vmax.f32 v9, v19;
	v24 =	vadd.f32 v10, v12  }
0x122: {  	v22 =	vmin.f32 v9, v15;
	v17 =	vmin.f32 v9, v13;
	v25 =	vmax.f32 v9, v20  }
0x123: {  	v14 =	vmin.f32 v9, v19;
	v16 =	vmax.f32 v9, v25;
	v23 =	vmax.f32 v21, v24  }
0x124: {  	v12 =	vsub.f32 v18, v8;
	v11 =	vmax.f32 v9, v16;
	v18 =	vmax.f32 v22, v23  }
0x125: {  	s25 =	simm.s32 $0x30;
	v19 =	vmin.f32 v9, v25;
	v10 =	vmax.f32 v9, v11;
	v15 =	vmax.f32 v17, v18  }
0x126: {  	v26 =	vld [tilespmem:s25+$0x2000];
	v28 =	vmul.f32 v12, v12;
	v12 =	vmin.f32 v9, v20;
	v13 =	vmax.f32 v14, v15  }
0x127: {  	s24 =	simm.s32 $0x100;
	v27 =	vld [tilespmem:s25+$0x0];
	v25 =	vimm.f32 $+Inf;
	v10 =	vmin.f32 v9, v10;
	v20 =	vmax.f32 v12, v13  }
.LBB2_7:
0x128: {  	p0 =	sne.s32 s24, $0x3FC0;
	v31 =	vld [tilespmem:s25+$0x1000];
	v28 =	vadd.f32 v29, v28;
	v9 =	vmin.f32 v9, v16;
	v16 =	vmax.f32 v19, v20  }
0x129: {  	v25 =	vmin.f32 v25, v11;
	v11 =	vmax.f32 v9, v16  }
0x12a: {  	v28 =	vadd.f32 v30, v28;
	v29 =	vmax.f32 v25, v11  }
0x12b: {  	v21 =	vmin.f32 v21, v24;
	v30 =	vsub.f32 v26, v6;
	v10 =	vmin.f32 v10, v29  }
.Ltmp2:
0x12c: {  	v22 =	vmin.f32 v22, v23;
	v26 =	vsub.f32 v27, v8;
	v23 =	vmax.f32 v21, v28;
	v24 =	vmovc v28;
	(pc) =	sbr.rel @p0 .LBB2_7-.Ltmp2, $4  }
0x12d: {  	v17 =	vmin.f32 v17, v18;
	v27 =	vsub.f32 v31, v7;
	v18 =	vmax.f32 v22, v23  }
0x12e: {  	s25 =	sshra.s32 s24, $0x2;
	v14 =	vmin.f32 v14, v15;
	v28 =	vmul.f32 v26, v26;
	v15 =	vmax.f32 v17, v18  }
0x12f: {  	v12 =	vmin.f32 v12, v13;
	v26 =	vld [tilespmem:s25+$0x2000];
	v29 =	vmul.f32 v27, v27;
	v13 =	vmax.f32 v14, v15  }
0x130: {  	s24 =	sadd.s32 $0x40, s24;
	v19 =	vmin.f32 v19, v20;
	v30 =	vmul.f32 v30, v30;
	v27 =	vld [tilespmem:s25+$0x0];
	v20 =	vmax.f32 v12, v13  }
0x131: {  	v31 =	vld [tilespmem:s25+$0x1000]  }
0x132: {  	v28 =	vadd.f32 v29, v28;
	v51 =	vmax.f32 v19, v20;
	v9 =	vmin.f32 v9, v16  }
0x133: {  	v21 =	vmin.f32 v21, v24;
	v22 =	vmin.f32 v22, v23;
	v11 =	vmin.f32 v25, v11  }
0x134: {  	v17 =	vmin.f32 v17, v18;
	v14 =	vmin.f32 v14, v15;
	v12 =	vmin.f32 v12, v13  }
0x135: {  	v58 =	vmin.f32 v19, v20;
	v53 =	vmax.f32 v9, v51;
	v52 =	vadd.f32 v30, v28  }
0x136: {  	v9 =	vmin.f32 v9, v51;
	v8 =	vsub.f32 v27, v8;
	v7 =	vsub.f32 v31, v7  }
0x137: {  	v54 =	vmax.f32 v11, v53;
	v11 =	vmin.f32 v11, v53;
	v6 =	vsub.f32 v26, v6  }
0x138: {  	v24 =	vmax.f32 v21, v52;
	v8 =	vmul.f32 v8, v8;
	v7 =	vmul.f32 v7, v7  }
0x139: {  	v56 =	vmin.f32 v10, v54;
	v16 =	vmin.f32 v21, v52;
	v23 =	vmax.f32 v22, v24  }
0x13a: {  	v6 =	vmul.f32 v6, v6;
	v55 =	vmax.f32 v17, v23;
	v7 =	vadd.f32 v7, v8  }
0x13b: {  	v61 =	vmin.f32 v22, v24;
	v17 =	vmin.f32 v17, v23;
	v57 =	vmax.f32 v14, v55  }
0x13c: {  	v14 =	vmin.f32 v14, v55;
	v13 =	vmax.f32 v12, v57;
	v6 =	vadd.f32 v6, v7  }
0x13d: {  	v10 =	vmin.f32 v12, v57;
	v7 =	vmax.f32 v58, v13;
	v13 =	vmin.f32 v58, v13  }
0x13e: {  	v59 =	vmax.f32 v9, v7;
	v7 =	vmin.f32 v9, v7;
	v60 =	vmax.f32 v16, v6  }
0x13f: {  	v63 =	vmax.f32 v11, v59;
	v6 =	vmin.f32 v16, v6;
	v11 =	vmin.f32 v11, v59  }
0x140: {  	v62 =	vmax.f32 v61, v60;
	v8 =	vmin.f32 v56, v63;
	v25 =	vmin.f32 v61, v60  }
0x141: {  	v23 =	vmax.f32 v17, v62;
	v26 =	vmin.f32 v17, v62;
	v27 =	vmin.f32 v6, v25  }
0x142: {  	v24 =	vmax.f32 v14, v23;
	v14 =	vmin.f32 v14, v23;
	v17 =	vmin.f32 v27, v26  }
0x143: {  	v12 =	vmax.f32 v10, v24;
	v29 =	vmin.f32 v10, v24;
	v30 =	vmin.f32 v17, v14  }
0x144: {  	v28 =	vmax.f32 v13, v12;
	v12 =	vmin.f32 v13, v12;
	v10 =	vmin.f32 v30, v29  }
0x145: {  	v31 =	vmax.f32 v7, v28;
	v7 =	vmin.f32 v7, v28;
	v10 =	vmin.f32 v10, v12  }
0x146: {  	v32 =	vmax.f32 v11, v31;
	v11 =	vmin.f32 v11, v31;
	v10 =	vmin.f32 v10, v7  }
0x147: {  	v8 =	vmin.f32 v8, v32;
	v10 =	vmin.f32 v10, v11  }
0x148: {  	v10 =	vmin.f32 v10, v8  }
0x149: {  	v33 =	vperm.xlane v10, v0;
	_ =	sdelay $0x1  }
0x14a: {  	v10 =	vmin.f32 v10, v33  }
0x14b: {  	v13 =	vperm.xlane v10, v1;
	_ =	sdelay $0x1  }
0x14c: {  	v10 =	vmin.f32 v10, v13  }
0x14d: {  	v13 =	vperm.xlane v10, v2;
	_ =	sdelay $0x1  }
0x14e: {  	v10 =	vmin.f32 v10, v13  }
0x14f: {  	v13 =	vperm.xlane v10, v3;
	_ =	sdelay $0x1  }
0x150: {  	v10 =	vmin.f32 v10, v13  }
0x151: {  	vm0 =	veq.f32 v6, v10;
	vm1 =	veq.f32 v25, v10  }
0x152: {  	vm4 =	veq.f32 v26, v10;
	v34 =	vsel vm0, $0x7F800000, v6;
	v16 =	vsel vm1, $0x7F800000, v25  }
0x153: {  	vm5 =	veq.f32 v14, v10;
	v15 =	vsel vm4, $0x7F800000, v26;
	v6 =	vmin.f32 v34, v16  }
0x154: {  	vm6 =	veq.f32 v29, v10;
	v14 =	vsel vm5, $0x7F800000, v14;
	v6 =	vmin.f32 v6, v15  }
0x155: {  	vm7 =	veq.f32 v12, v10;
	v9 =	vsel vm6, $0x7F800000, v29;
	v6 =	vmin.f32 v6, v14  }
0x156: {  	vm8 =	veq.f32 v7, v10;
	v12 =	vsel vm7, $0x7F800000, v12;
	v6 =	vmin.f32 v6, v9  }
0x157: {  	vm9 =	veq.f32 v11, v10;
	v7 =	vsel vm8, $0x7F800000, v7;
	v6 =	vmin.f32 v6, v12  }
0x158: {  	vm10 =	veq.f32 v8, v10;
	v11 =	vsel vm9, $0x7F800000, v11;
	v6 =	vmin.f32 v6, v7  }
0x159: {  	v8 =	vsel vm10, $0x7F800000, v8;
	v6 =	vmin.f32 v6, v11  }
0x15a: {  	v6 =	vmin.f32 v6, v8  }
0x15b: {  	v35 =	vperm.xlane v6, v0;
	_ =	sdelay $0x1  }
0x15c: {  	v6 =	vmin.f32 v6, v35  }
0x15d: {  	v10 =	vperm.xlane v6, v1;
	_ =	sdelay $0x1  }
0x15e: {  	v6 =	vmin.f32 v6, v10  }
0x15f: {  	v10 =	vperm.xlane v6, v2;
	_ =	sdelay $0x1  }
0x160: {  	v6 =	vmin.f32 v6, v10  }
0x161: {  	v10 =	vperm.xlane v6, v3;
	_ =	sdelay $0x1  }
0x162: {  	v6 =	vmin.f32 v6, v10  }
0x163: {  	vm11 =	veq.f32 v34, v6;
	vm1 =	veq.f32 v16, v6  }
0x164: {  	vm12 =	veq.f32 v15, v6;
	v36 =	vsel vm11, $0x7F800000, v34;
	v37 =	vsel vm1, $0x7F800000, v16  }
0x165: {  	vm13 =	veq.f32 v14, v6;
	v15 =	vsel vm12, $0x7F800000, v15;
	v16 =	vmin.f32 v36, v37  }
0x166: {  	vm14 =	veq.f32 v9, v6;
	v14 =	vsel vm13, $0x7F800000, v14;
	v16 =	vmin.f32 v16, v15  }
0x167: {  	vm15 =	veq.f32 v12, v6;
	v9 =	vsel vm14, $0x7F800000, v9;
	v16 =	vmin.f32 v16, v14  }
0x168: {  	vm4 =	veq.f32 v7, v6;
	v12 =	vsel vm15, $0x7F800000, v12;
	v16 =	vmin.f32 v16, v9  }
0x169: {  	vm5 =	veq.f32 v11, v6;
	v38 =	vsel vm4, $0x7F800000, v7;
	v7 =	vmin.f32 v16, v12  }
0x16a: {  	vm6 =	veq.f32 v8, v6;
	v11 =	vsel vm5, $0x7F800000, v11;
	v7 =	vmin.f32 v7, v38  }
0x16b: {  	v8 =	vsel vm6, $0x7F800000, v8;
	v7 =	vmin.f32 v7, v11  }
0x16c: {  	v7 =	vmin.f32 v7, v8  }
0x16d: {  	v39 =	vperm.xlane v7, v0;
	_ =	sdelay $0x1  }
0x16e: {  	v7 =	vmin.f32 v7, v39  }
0x16f: {  	v16 =	vperm.xlane v7, v1;
	_ =	sdelay $0x1  }
0x170: {  	v7 =	vmin.f32 v7, v16  }
0x171: {  	v16 =	vperm.xlane v7, v2;
	_ =	sdelay $0x1  }
0x172: {  	v7 =	vmin.f32 v7, v16  }
0x173: {  	v16 =	vperm.xlane v7, v3;
	_ =	sdelay $0x1  }
0x174: {  	v7 =	vmin.f32 v7, v16  }
0x175: {  	vm7 =	veq.f32 v36, v7;
	vm1 =	veq.f32 v37, v7  }
0x176: {  	vm8 =	veq.f32 v15, v7;
	v10 =	vsel vm7, $0x7F800000, v36;
	v13 =	vsel vm1, $0x7F800000, v37  }
0x177: {  	vm9 =	veq.f32 v14, v7;
	v15 =	vsel vm8, $0x7F800000, v15;
	v40 =	vmin.f32 v10, v13  }
0x178: {  	vm10 =	veq.f32 v9, v7;
	v14 =	vsel vm9, $0x7F800000, v14;
	v16 =	vmin.f32 v40, v15  }
0x179: {  	vm11 =	veq.f32 v12, v7;
	v9 =	vsel vm10, $0x7F800000, v9;
	v16 =	vmin.f32 v16, v14  }
0x17a: {  	vm12 =	veq.f32 v38, v7;
	v12 =	vsel vm11, $0x7F800000, v12;
	v16 =	vmin.f32 v16, v9  }
0x17b: {  	vm13 =	veq.f32 v11, v7;
	v17 =	vsel vm12, $0x7F800000, v38;
	v16 =	vmin.f32 v16, v12  }
0x17c: {  	vm14 =	veq.f32 v8, v7;
	v11 =	vsel vm13, $0x7F800000, v11;
	v16 =	vmin.f32 v16, v17  }
0x17d: {  	v41 =	vsel vm14, $0x7F800000, v8;
	v42 =	vmin.f32 v16, v11  }
0x17e: {  	v8 =	vmin.f32 v42, v41  }
0x17f: {  	v43 =	vperm.xlane v8, v0;
	_ =	sdelay $0x1  }
0x180: {  	v8 =	vmin.f32 v8, v43  }
0x181: {  	v16 =	vperm.xlane v8, v1;
	_ =	sdelay $0x1  }
0x182: {  	v8 =	vmin.f32 v8, v16  }
0x183: {  	v16 =	vperm.xlane v8, v2;
	_ =	sdelay $0x1  }
0x184: {  	v8 =	vmin.f32 v8, v16  }
0x185: {  	v16 =	vperm.xlane v8, v3;
	_ =	sdelay $0x1  }
0x186: {  	v8 =	vmin.f32 v8, v16  }
0x187: {  	vm15 =	veq.f32 v10, v8;
	vm1 =	veq.f32 v13, v8  }
0x188: {  	vm4 =	veq.f32 v15, v8;
	v10 =	vsel vm15, $0x7F800000, v10;
	v13 =	vsel vm1, $0x7F800000, v13  }
0x189: {  	vm5 =	veq.f32 v14, v8;
	v15 =	vsel vm4, $0x7F800000, v15;
	v44 =	vmin.f32 v10, v13  }
0x18a: {  	vm6 =	veq.f32 v9, v8;
	v14 =	vsel vm5, $0x7F800000, v14;
	v16 =	vmin.f32 v44, v15  }
0x18b: {  	vm7 =	veq.f32 v12, v8;
	v45 =	vsel vm6, $0x7F800000, v9;
	v46 =	vmin.f32 v16, v14  }
0x18c: {  	vm8 =	veq.f32 v17, v8;
	v12 =	vsel vm7, $0x7F800000, v12;
	v9 =	vmin.f32 v46, v45  }
0x18d: {  	vm9 =	veq.f32 v11, v8;
	v47 =	vsel vm8, $0x7F800000, v17;
	v9 =	vmin.f32 v9, v12  }
0x18e: {  	vm10 =	veq.f32 v41, v8;
	v11 =	vsel vm9, $0x7F800000, v11;
	v9 =	vmin.f32 v9, v47  }
0x18f: {  	v48 =	vsel vm10, $0x7F800000, v41;
	v9 =	vmin.f32 v9, v11  }
0x190: {  	v9 =	vmin.f32 v9, v48  }
0x191: {  	v49 =	vperm.xlane v9, v0;
	_ =	sdelay $0x1  }
0x192: {  	v9 =	vmin.f32 v9, v49  }
0x193: {  	v18 =	vperm.xlane v9, v1;
	_ =	sdelay $0x1  }
0x194: {  	v9 =	vmin.f32 v9, v18  }
0x195: {  	v18 =	vperm.xlane v9, v2;
	_ =	sdelay $0x1  }
0x196: {  	v9 =	vmin.f32 v9, v18  }
0x197: {  	v18 =	vperm.xlane v9, v3;
	_ =	sdelay $0x1  }
0x198: {  	v9 =	vmin.f32 v9, v18  }
0x199: {  	vm11 =	veq.f32 v10, v9;
	vm1 =	veq.f32 v13, v9  }
0x19a: {  	vm12 =	veq.f32 v15, v9;
	v10 =	vsel vm11, $0x7F800000, v10;
	v13 =	vsel vm1, $0x7F800000, v13  }
0x19b: {  	vm13 =	veq.f32 v14, v9;
	v15 =	vsel vm12, $0x7F800000, v15;
	v50 =	vmin.f32 v10, v13  }
0x19c: {  	vm14 =	veq.f32 v45, v9;
	v14 =	vsel vm13, $0x7F800000, v14;
	v18 =	vmin.f32 v50, v15  }
0x19d: {  	vm15 =	veq.f32 v12, v9;
	v19 =	vsel vm14, $0x7F800000, v45;
	v18 =	vmin.f32 v18, v14  }
0x19e: {  	vm4 =	veq.f32 v47, v9;
	v12 =	vsel vm15, $0x7F800000, v12;
	v18 =	vmin.f32 v18, v19  }
0x19f: {  	vm5 =	veq.f32 v11, v9;
	v16 =	vsel vm4, $0x7F800000, v47;
	v18 =	vmin.f32 v18, v12  }
0x1a0: {  	vm6 =	veq.f32 v48, v9;
	v11 =	vsel vm5, $0x7F800000, v11;
	v18 =	vmin.f32 v18, v16  }
0x1a1: {  	v17 =	vsel vm6, $0x7F800000, v48;
	v18 =	vmin.f32 v18, v11  }
0x1a2: {  	v18 =	vmin.f32 v18, v17  }
0x1a3: {  	v51 =	vperm.xlane v18, v0;
	_ =	sdelay $0x1  }
0x1a4: {  	v18 =	vmin.f32 v18, v51  }
0x1a5: {  	v20 =	vperm.xlane v18, v1;
	_ =	sdelay $0x1  }
0x1a6: {  	v18 =	vmin.f32 v18, v20  }
0x1a7: {  	v20 =	vperm.xlane v18, v2;
	_ =	sdelay $0x1  }
0x1a8: {  	v18 =	vmin.f32 v18, v20  }
0x1a9: {  	v20 =	vperm.xlane v18, v3;
	_ =	sdelay $0x1  }
0x1aa: {  	v18 =	vmin.f32 v18, v20  }
0x1ab: {  	vm7 =	veq.f32 v10, v18;
	vm1 =	veq.f32 v13, v18  }
0x1ac: {  	vm8 =	veq.f32 v15, v18;
	v10 =	vsel vm7, $0x7F800000, v10;
	v13 =	vsel vm1, $0x7F800000, v13  }
0x1ad: {  	vm9 =	veq.f32 v14, v18;
	v15 =	vsel vm8, $0x7F800000, v15;
	v52 =	vmin.f32 v10, v13  }
0x1ae: {  	vm10 =	veq.f32 v19, v18;
	v14 =	vsel vm9, $0x7F800000, v14;
	v20 =	vmin.f32 v52, v15  }
0x1af: {  	vm11 =	veq.f32 v12, v18;
	v19 =	vsel vm10, $0x7F800000, v19;
	v20 =	vmin.f32 v20, v14  }
0x1b0: {  	vm12 =	veq.f32 v16, v18;
	v12 =	vsel vm11, $0x7F800000, v12;
	v20 =	vmin.f32 v20, v19  }
0x1b1: {  	vm13 =	veq.f32 v11, v18;
	v16 =	vsel vm12, $0x7F800000, v16;
	v20 =	vmin.f32 v20, v12  }
0x1b2: {  	vm14 =	veq.f32 v17, v18;
	v11 =	vsel vm13, $0x7F800000, v11;
	v20 =	vmin.f32 v20, v16  }
0x1b3: {  	v17 =	vsel vm14, $0x7F800000, v17;
	v20 =	vmin.f32 v20, v11  }
0x1b4: {  	v20 =	vmin.f32 v20, v17  }
0x1b5: {  	v53 =	vperm.xlane v20, v0;
	_ =	sdelay $0x1  }
0x1b6: {  	v20 =	vmin.f32 v20, v53  }
0x1b7: {  	v21 =	vperm.xlane v20, v1;
	_ =	sdelay $0x1  }
0x1b8: {  	v20 =	vmin.f32 v20, v21  }
0x1b9: {  	v21 =	vperm.xlane v20, v2;
	_ =	sdelay $0x1  }
0x1ba: {  	v20 =	vmin.f32 v20, v21  }
0x1bb: {  	v21 =	vperm.xlane v20, v3;
	_ =	sdelay $0x1  }
0x1bc: {  	v20 =	vmin.f32 v20, v21  }
0x1bd: {  	vm15 =	veq.f32 v10, v20;
	vm1 =	veq.f32 v13, v20  }
0x1be: {  	vm4 =	veq.f32 v15, v20;
	v10 =	vsel vm15, $0x7F800000, v10;
	v13 =	vsel vm1, $0x7F800000, v13  }
0x1bf: {  	vm5 =	veq.f32 v14, v20;
	v15 =	vsel vm4, $0x7F800000, v15;
	v54 =	vmin.f32 v10, v13  }
0x1c0: {  	vm6 =	veq.f32 v19, v20;
	v14 =	vsel vm5, $0x7F800000, v14;
	v21 =	vmin.f32 v54, v15  }
0x1c1: {  	vm7 =	veq.f32 v12, v20;
	v19 =	vsel vm6, $0x7F800000, v19;
	v21 =	vmin.f32 v21, v14  }
0x1c2: {  	vm8 =	veq.f32 v16, v20;
	v12 =	vsel vm7, $0x7F800000, v12;
	v21 =	vmin.f32 v21, v19  }
0x1c3: {  	vm9 =	veq.f32 v11, v20;
	v16 =	vsel vm8, $0x7F800000, v16;
	v21 =	vmin.f32 v21, v12  }
0x1c4: {  	vm10 =	veq.f32 v17, v20;
	v11 =	vsel vm9, $0x7F800000, v11;
	v21 =	vmin.f32 v21, v16  }
0x1c5: {  	v17 =	vsel vm10, $0x7F800000, v17;
	v21 =	vmin.f32 v21, v11  }
0x1c6: {  	v21 =	vmin.f32 v21, v17  }
0x1c7: {  	v55 =	vperm.xlane v21, v0;
	_ =	sdelay $0x1  }
0x1c8: {  	v21 =	vmin.f32 v21, v55  }
0x1c9: {  	v22 =	vperm.xlane v21, v1;
	_ =	sdelay $0x1  }
0x1ca: {  	v21 =	vmin.f32 v21, v22  }
0x1cb: {  	v22 =	vperm.xlane v21, v2;
	_ =	sdelay $0x1  }
0x1cc: {  	v21 =	vmin.f32 v21, v22  }
0x1cd: {  	v22 =	vperm.xlane v21, v3;
	_ =	sdelay $0x1  }
0x1ce: {  	v21 =	vmin.f32 v21, v22  }
0x1cf: {  	vm11 =	veq.f32 v13, v21  }
0x1d0: {  	v13 =	vsel vm11, $0x7F800000, v13  }
0x1d1: {  	vm12 =	veq.f32 v10, v21;
	v10 =	vmin.f32 v10, v13  }
0x1d2: {  	v10 =	vsel vm12, v13, v10  }
0x1d3: {  	vm13 =	veq.f32 v15, v21;
	v13 =	vmin.f32 v10, v15  }
0x1d4: {  	v10 =	vsel vm13, v10, v13  }
0x1d5: {  	vm14 =	veq.f32 v14, v21;
	v13 =	vmin.f32 v10, v14  }
0x1d6: {  	v10 =	vsel vm14, v10, v13  }
0x1d7: {  	vm15 =	veq.f32 v19, v21;
	v13 =	vmin.f32 v10, v19  }
0x1d8: {  	v10 =	vsel vm15, v10, v13  }
0x1d9: {  	vm4 =	veq.f32 v12, v21;
	v12 =	vmin.f32 v10, v12  }
0x1da: {  	v10 =	vsel vm4, v10, v12  }
0x1db: {  	vm5 =	veq.f32 v16, v21;
	v12 =	vmin.f32 v10, v16  }
0x1dc: {  	v10 =	vsel vm5, v10, v12  }
0x1dd: {  	vm6 =	veq.f32 v11, v21;
	v11 =	vmin.f32 v10, v11  }
0x1de: {  	v10 =	vsel vm6, v10, v11  }
0x1df: {  	vm7 =	veq.f32 v17, v21;
	v11 =	vmin.f32 v10, v17  }
0x1e0: {  	v56 =	vadd.f32 $0.0e+00, v6;
	v10 =	vsel vm7, v10, v11  }
0x1e1: {  	vm8 =	vlt.f32 v6, $3.000000010e+38;
	vm9 =	vlt.f32 v7, $3.000000010e+38;
	v6 =	vperm.xlane v10, v0  }
0x1e2: {  	v57 =	vnsel vm8, $0x0, v56;
	v7 =	vnsel vm9, $0x0, v7  }
0x1e3: {  	vm10 =	vlt.f32 v8, $3.000000010e+38;
	v7 =	vadd.f32 v7, v57;
	v6 =	vmin.f32 v10, v6  }
0x1e4: {  	v8 =	vnsel vm10, $0x0, v8;
	v10 =	vperm.xlane v6, v1  }
0x1e5: {  	v7 =	vadd.f32 v8, v7;
	vm11 =	vlt.f32 v9, $3.000000010e+38  }
0x1e6: {  	v58 =	vnsel vm11, $0x0, v9;
	v6 =	vmin.f32 v6, v10  }
0x1e7: {  	v7 =	vadd.f32 v58, v7;
	vm12 =	vlt.f32 v18, $3.000000010e+38;
	v59 =	vperm.xlane v6, v2  }
0x1e8: {  	v60 =	vnsel vm12, $0x0, v18  }
0x1e9: {  	v7 =	vadd.f32 v60, v7;
	vm13 =	vlt.f32 v20, $3.000000010e+38;
	v6 =	vmin.f32 v6, v59  }
0x1ea: {  	v61 =	vnsel vm13, $0x0, v20;
	v62 =	vperm.xlane v6, v3  }
0x1eb: {  	s23 =	sadd.s32 $0x1, s23;
	v7 =	vadd.f32 v61, v7;
	vm14 =	vlt.f32 v21, $3.000000010e+38  }
0x1ec: {  	p0 =	sne.s32 s23, $0x10;
	v63 =	vnsel vm14, $0x0, v21;
	v6 =	vmin.f32 v6, v62  }
.Ltmp3:
0x1ed: {  	v7 =	vadd.f32 v63, v7;
	vm15 =	vlt.f32 v6, $3.000000010e+38;
	(pc) =	sbr.rel @p0 .LBB2_6-.Ltmp3, $3  }
0x1ee: {  	v6 =	vnsel vm15, $0x0, v6  }
0x1ef: {  	v6 =	vadd.f32 v6, v7;
	_ =	sdelay $0x1  }
0x1f0: {  	v4 =	vadd.f32 v6, v4  }
0x1f1: {  	s23 =	simm.s32 $0x0  }
0x1f2: {  	[tilespmem:s23], [sflag:$0x1] =	stream.linear.gather [hbm4b:s10+s23], $0x1000, $0x38;
	[tilespmem:$0x3080] =	vst v63  }
0x1f3: {  	_ =	swait.ge [sflag:s18], $0x1000  }
0x1f4: {  	[sflag:s18] =	ssyncset.done $0x0  }
0x1f5: {  	[sflag:s18] =	ssyncadd.s32 $0xFFFFF000  }
0x1f6: {  	[tilespmem:s19], [sflag:$0x1] =	stream.linear.gather [hbm4b:s11+s23], $0x1000, $0x38;
	[tilespmem:$0x3080] =	vst v63  }
0x1f7: {  	_ =	swait.ge [sflag:s18], $0x1000  }
0x1f8: {  	[sflag:s18] =	ssyncset.done $0x0  }
0x1f9: {  	[sflag:s18] =	ssyncadd.s32 $0xFFFFF000  }
0x1fa: {  	[tilespmem:s20], [sflag:$0x1] =	stream.linear.gather [hbm4b:s12+s23], $0x1000, $0x38;
	[tilespmem:$0x3080] =	vst v63  }
0x1fb: {  	_ =	swait.ge [sflag:s18], $0x1000  }
0x1fc: {  	[sflag:s18] =	ssyncset.done $0x0  }
0x1fd: {  	[sflag:s18] =	ssyncadd.s32 $0xFFFFF000  }
0x1fe: {  	v5 =	vld [tilespmem:s6+$0x0]  }
.LBB2_10:
0x1ff: {  	v6 =	vld [tilespmem:s6+$0x1000]  }
0x200: {  	v9 =	vld [tilespmem:s6+$0x2000];
	s24 =	simm.s32 $0x0  }
0x201: {  	v7 =	vmov s23;
	v10 =	vld [tilespmem:s24+$0x0]  }
0x202: {  	v7 =	vand.u32 $0xF, v7;
	v11 =	vld [tilespmem:s24+$0x1000]  }
0x203: {  	v12 =	vbroadcast v7, $0x0  }
0x204: {  	v13 =	vld [tilespmem:s24+$0x2000]  }
0x205: {  	v8 =	vperm.xlane v5, v12;
	v7 =	vperm.xlane v6, v12;
	_ =	sdelay $0x1  }
0x206: {  	s30 =	simm.s32 $0x10;
	v6 =	vperm.xlane v9, v12;
	v9 =	vsub.f32 v10, v8;
	v10 =	vsub.f32 v11, v7  }
0x207: {  	v12 =	vld [tilespmem:s30+$0x0]  }
0x208: {  	s31 =	simm.s32 $0x20;
	v11 =	vsub.f32 v13, v6;
	v13 =	vld [tilespmem:s30+$0x1000];
	v9 =	vmul.f32 v9, v9;
	v10 =	vmul.f32 v10, v10  }
0x209: {  	v17 =	vld [tilespmem:s31+$0x2000]  }
0x20a: {  	v11 =	vmul.f32 v11, v11;
	v9 =	vadd.f32 v10, v9;
	v10 =	vld [tilespmem:s30+$0x2000]  }
0x20b: {  	v26 =	vld [tilespmem:s31+$0x1000]  }
0x20c: {  	v14 =	vadd.f32 v11, v9  }
0x20d: {  	v11 =	vsub.f32 v12, v8;
	v12 =	vsub.f32 v13, v7  }
0x20e: {  	v9 =	vimm.f32 $+Inf  }
0x20f: {  	v11 =	vmul.f32 v11, v11;
	v12 =	vmul.f32 v12, v12;
	v10 =	vsub.f32 v10, v6  }
0x210: {  	v27 =	vsub.f32 v17, v6;
	v26 =	vsub.f32 v26, v7;
	v15 =	vmax.f32 v9, v14  }
0x211: {  	v18 =	vld [tilespmem:s31+$0x0];
	v13 =	vmax.f32 v9, v15;
	v12 =	vadd.f32 v12, v11;
	v10 =	vmul.f32 v10, v10  }
0x212: {  	v29 =	vmul.f32 v26, v26;
	v30 =	vmul.f32 v27, v27;
	v19 =	vmax.f32 v9, v13  }
0x213: {  	v21 =	vmin.f32 v9, v14;
	v20 =	vmax.f32 v9, v19;
	v24 =	vadd.f32 v10, v12  }
0x214: {  	v22 =	vmin.f32 v9, v15;
	v17 =	vmin.f32 v9, v13;
	v25 =	vmax.f32 v9, v20  }
0x215: {  	v14 =	vmin.f32 v9, v19;
	v16 =	vmax.f32 v9, v25;
	v23 =	vmax.f32 v21, v24  }
0x216: {  	v12 =	vsub.f32 v18, v8;
	v11 =	vmax.f32 v9, v16;
	v18 =	vmax.f32 v22, v23  }
0x217: {  	s25 =	simm.s32 $0x30;
	v19 =	vmin.f32 v9, v25;
	v10 =	vmax.f32 v9, v11;
	v15 =	vmax.f32 v17, v18  }
0x218: {  	v26 =	vld [tilespmem:s25+$0x2000];
	v28 =	vmul.f32 v12, v12;
	v12 =	vmin.f32 v9, v20;
	v13 =	vmax.f32 v14, v15  }
0x219: {  	s24 =	simm.s32 $0x100;
	v27 =	vld [tilespmem:s25+$0x0];
	v25 =	vimm.f32 $+Inf;
	v10 =	vmin.f32 v9, v10;
	v20 =	vmax.f32 v12, v13  }
.LBB2_11:
0x21a: {  	p0 =	sne.s32 s24, $0x3FC0;
	v31 =	vld [tilespmem:s25+$0x1000];
	v28 =	vadd.f32 v29, v28;
	v9 =	vmin.f32 v9, v16;
	v16 =	vmax.f32 v19, v20  }
0x21b: {  	v25 =	vmin.f32 v25, v11;
	v11 =	vmax.f32 v9, v16  }
0x21c: {  	v28 =	vadd.f32 v30, v28;
	v29 =	vmax.f32 v25, v11  }
0x21d: {  	v21 =	vmin.f32 v21, v24;
	v30 =	vsub.f32 v26, v6;
	v10 =	vmin.f32 v10, v29  }
.Ltmp4:
0x21e: {  	v22 =	vmin.f32 v22, v23;
	v26 =	vsub.f32 v27, v8;
	v23 =	vmax.f32 v21, v28;
	v24 =	vmovc v28;
	(pc) =	sbr.rel @p0 .LBB2_11-.Ltmp4, $4  }
0x21f: {  	v17 =	vmin.f32 v17, v18;
	v27 =	vsub.f32 v31, v7;
	v18 =	vmax.f32 v22, v23  }
0x220: {  	s25 =	sshra.s32 s24, $0x2;
	v14 =	vmin.f32 v14, v15;
	v28 =	vmul.f32 v26, v26;
	v15 =	vmax.f32 v17, v18  }
0x221: {  	v12 =	vmin.f32 v12, v13;
	v26 =	vld [tilespmem:s25+$0x2000];
	v29 =	vmul.f32 v27, v27;
	v13 =	vmax.f32 v14, v15  }
0x222: {  	s24 =	sadd.s32 $0x40, s24;
	v19 =	vmin.f32 v19, v20;
	v30 =	vmul.f32 v30, v30;
	v27 =	vld [tilespmem:s25+$0x0];
	v20 =	vmax.f32 v12, v13  }
0x223: {  	v31 =	vld [tilespmem:s25+$0x1000]  }
0x224: {  	v28 =	vadd.f32 v29, v28;
	v51 =	vmax.f32 v19, v20;
	v9 =	vmin.f32 v9, v16  }
0x225: {  	v21 =	vmin.f32 v21, v24;
	v22 =	vmin.f32 v22, v23;
	v11 =	vmin.f32 v25, v11  }
0x226: {  	v17 =	vmin.f32 v17, v18;
	v14 =	vmin.f32 v14, v15;
	v12 =	vmin.f32 v12, v13  }
0x227: {  	v58 =	vmin.f32 v19, v20;
	v53 =	vmax.f32 v9, v51;
	v52 =	vadd.f32 v30, v28  }
0x228: {  	v9 =	vmin.f32 v9, v51;
	v8 =	vsub.f32 v27, v8;
	v7 =	vsub.f32 v31, v7  }
0x229: {  	v54 =	vmax.f32 v11, v53;
	v11 =	vmin.f32 v11, v53;
	v6 =	vsub.f32 v26, v6  }
0x22a: {  	v24 =	vmax.f32 v21, v52;
	v8 =	vmul.f32 v8, v8;
	v7 =	vmul.f32 v7, v7  }
0x22b: {  	v56 =	vmin.f32 v10, v54;
	v16 =	vmin.f32 v21, v52;
	v23 =	vmax.f32 v22, v24  }
0x22c: {  	v6 =	vmul.f32 v6, v6;
	v55 =	vmax.f32 v17, v23;
	v7 =	vadd.f32 v7, v8  }
0x22d: {  	v61 =	vmin.f32 v22, v24;
	v17 =	vmin.f32 v17, v23;
	v57 =	vmax.f32 v14, v55  }
0x22e: {  	v14 =	vmin.f32 v14, v55;
	v13 =	vmax.f32 v12, v57;
	v6 =	vadd.f32 v6, v7  }
0x22f: {  	v10 =	vmin.f32 v12, v57;
	v7 =	vmax.f32 v58, v13;
	v13 =	vmin.f32 v58, v13  }
0x230: {  	v59 =	vmax.f32 v9, v7;
	v7 =	vmin.f32 v9, v7;
	v60 =	vmax.f32 v16, v6  }
0x231: {  	v63 =	vmax.f32 v11, v59;
	v6 =	vmin.f32 v16, v6;
	v11 =	vmin.f32 v11, v59  }
0x232: {  	v62 =	vmax.f32 v61, v60;
	v8 =	vmin.f32 v56, v63;
	v25 =	vmin.f32 v61, v60  }
0x233: {  	v23 =	vmax.f32 v17, v62;
	v26 =	vmin.f32 v17, v62;
	v27 =	vmin.f32 v6, v25  }
0x234: {  	v24 =	vmax.f32 v14, v23;
	v14 =	vmin.f32 v14, v23;
	v17 =	vmin.f32 v27, v26  }
0x235: {  	v12 =	vmax.f32 v10, v24;
	v29 =	vmin.f32 v10, v24;
	v30 =	vmin.f32 v17, v14  }
0x236: {  	v28 =	vmax.f32 v13, v12;
	v12 =	vmin.f32 v13, v12;
	v10 =	vmin.f32 v30, v29  }
0x237: {  	v31 =	vmax.f32 v7, v28;
	v7 =	vmin.f32 v7, v28;
	v10 =	vmin.f32 v10, v12  }
0x238: {  	v32 =	vmax.f32 v11, v31;
	v11 =	vmin.f32 v11, v31;
	v10 =	vmin.f32 v10, v7  }
0x239: {  	v8 =	vmin.f32 v8, v32;
	v10 =	vmin.f32 v10, v11  }
0x23a: {  	v10 =	vmin.f32 v10, v8  }
0x23b: {  	v33 =	vperm.xlane v10, v0;
	_ =	sdelay $0x1  }
0x23c: {  	v10 =	vmin.f32 v10, v33  }
0x23d: {  	v13 =	vperm.xlane v10, v1;
	_ =	sdelay $0x1  }
0x23e: {  	v10 =	vmin.f32 v10, v13  }
0x23f: {  	v13 =	vperm.xlane v10, v2;
	_ =	sdelay $0x1  }
0x240: {  	v10 =	vmin.f32 v10, v13  }
0x241: {  	v13 =	vperm.xlane v10, v3;
	_ =	sdelay $0x1  }
0x242: {  	v10 =	vmin.f32 v10, v13  }
0x243: {  	vm0 =	veq.f32 v6, v10;
	vm1 =	veq.f32 v25, v10  }
0x244: {  	vm4 =	veq.f32 v26, v10;
	v34 =	vsel vm0, $0x7F800000, v6;
	v16 =	vsel vm1, $0x7F800000, v25  }
0x245: {  	vm5 =	veq.f32 v14, v10;
	v15 =	vsel vm4, $0x7F800000, v26;
	v6 =	vmin.f32 v34, v16  }
0x246: {  	vm6 =	veq.f32 v29, v10;
	v14 =	vsel vm5, $0x7F800000, v14;
	v6 =	vmin.f32 v6, v15  }
0x247: {  	vm7 =	veq.f32 v12, v10;
	v9 =	vsel vm6, $0x7F800000, v29;
	v6 =	vmin.f32 v6, v14  }
0x248: {  	vm8 =	veq.f32 v7, v10;
	v12 =	vsel vm7, $0x7F800000, v12;
	v6 =	vmin.f32 v6, v9  }
0x249: {  	vm9 =	veq.f32 v11, v10;
	v7 =	vsel vm8, $0x7F800000, v7;
	v6 =	vmin.f32 v6, v12  }
0x24a: {  	vm10 =	veq.f32 v8, v10;
	v11 =	vsel vm9, $0x7F800000, v11;
	v6 =	vmin.f32 v6, v7  }
0x24b: {  	v8 =	vsel vm10, $0x7F800000, v8;
	v6 =	vmin.f32 v6, v11  }
0x24c: {  	v6 =	vmin.f32 v6, v8  }
0x24d: {  	v35 =	vperm.xlane v6, v0;
	_ =	sdelay $0x1  }
0x24e: {  	v6 =	vmin.f32 v6, v35  }
0x24f: {  	v10 =	vperm.xlane v6, v1;
	_ =	sdelay $0x1  }
0x250: {  	v6 =	vmin.f32 v6, v10  }
0x251: {  	v10 =	vperm.xlane v6, v2;
	_ =	sdelay $0x1  }
0x252: {  	v6 =	vmin.f32 v6, v10  }
0x253: {  	v10 =	vperm.xlane v6, v3;
	_ =	sdelay $0x1  }
0x254: {  	v6 =	vmin.f32 v6, v10  }
0x255: {  	vm11 =	veq.f32 v34, v6;
	vm1 =	veq.f32 v16, v6  }
0x256: {  	vm12 =	veq.f32 v15, v6;
	v36 =	vsel vm11, $0x7F800000, v34;
	v37 =	vsel vm1, $0x7F800000, v16  }
0x257: {  	vm13 =	veq.f32 v14, v6;
	v15 =	vsel vm12, $0x7F800000, v15;
	v16 =	vmin.f32 v36, v37  }
0x258: {  	vm14 =	veq.f32 v9, v6;
	v14 =	vsel vm13, $0x7F800000, v14;
	v16 =	vmin.f32 v16, v15  }
0x259: {  	vm15 =	veq.f32 v12, v6;
	v9 =	vsel vm14, $0x7F800000, v9;
	v16 =	vmin.f32 v16, v14  }
0x25a: {  	vm4 =	veq.f32 v7, v6;
	v12 =	vsel vm15, $0x7F800000, v12;
	v16 =	vmin.f32 v16, v9  }
0x25b: {  	vm5 =	veq.f32 v11, v6;
	v38 =	vsel vm4, $0x7F800000, v7;
	v7 =	vmin.f32 v16, v12  }
0x25c: {  	vm6 =	veq.f32 v8, v6;
	v11 =	vsel vm5, $0x7F800000, v11;
	v7 =	vmin.f32 v7, v38  }
0x25d: {  	v8 =	vsel vm6, $0x7F800000, v8;
	v7 =	vmin.f32 v7, v11  }
0x25e: {  	v7 =	vmin.f32 v7, v8  }
0x25f: {  	v39 =	vperm.xlane v7, v0;
	_ =	sdelay $0x1  }
0x260: {  	v7 =	vmin.f32 v7, v39  }
0x261: {  	v16 =	vperm.xlane v7, v1;
	_ =	sdelay $0x1  }
0x262: {  	v7 =	vmin.f32 v7, v16  }
0x263: {  	v16 =	vperm.xlane v7, v2;
	_ =	sdelay $0x1  }
0x264: {  	v7 =	vmin.f32 v7, v16  }
0x265: {  	v16 =	vperm.xlane v7, v3;
	_ =	sdelay $0x1  }
0x266: {  	v7 =	vmin.f32 v7, v16  }
0x267: {  	vm7 =	veq.f32 v36, v7;
	vm1 =	veq.f32 v37, v7  }
0x268: {  	vm8 =	veq.f32 v15, v7;
	v10 =	vsel vm7, $0x7F800000, v36;
	v13 =	vsel vm1, $0x7F800000, v37  }
0x269: {  	vm9 =	veq.f32 v14, v7;
	v15 =	vsel vm8, $0x7F800000, v15;
	v40 =	vmin.f32 v10, v13  }
0x26a: {  	vm10 =	veq.f32 v9, v7;
	v14 =	vsel vm9, $0x7F800000, v14;
	v16 =	vmin.f32 v40, v15  }
0x26b: {  	vm11 =	veq.f32 v12, v7;
	v9 =	vsel vm10, $0x7F800000, v9;
	v16 =	vmin.f32 v16, v14  }
0x26c: {  	vm12 =	veq.f32 v38, v7;
	v12 =	vsel vm11, $0x7F800000, v12;
	v16 =	vmin.f32 v16, v9  }
0x26d: {  	vm13 =	veq.f32 v11, v7;
	v17 =	vsel vm12, $0x7F800000, v38;
	v16 =	vmin.f32 v16, v12  }
0x26e: {  	vm14 =	veq.f32 v8, v7;
	v11 =	vsel vm13, $0x7F800000, v11;
	v16 =	vmin.f32 v16, v17  }
0x26f: {  	v41 =	vsel vm14, $0x7F800000, v8;
	v42 =	vmin.f32 v16, v11  }
0x270: {  	v8 =	vmin.f32 v42, v41  }
0x271: {  	v43 =	vperm.xlane v8, v0;
	_ =	sdelay $0x1  }
0x272: {  	v8 =	vmin.f32 v8, v43  }
0x273: {  	v16 =	vperm.xlane v8, v1;
	_ =	sdelay $0x1  }
0x274: {  	v8 =	vmin.f32 v8, v16  }
0x275: {  	v16 =	vperm.xlane v8, v2;
	_ =	sdelay $0x1  }
0x276: {  	v8 =	vmin.f32 v8, v16  }
0x277: {  	v16 =	vperm.xlane v8, v3;
	_ =	sdelay $0x1  }
0x278: {  	v8 =	vmin.f32 v8, v16  }
0x279: {  	vm15 =	veq.f32 v10, v8;
	vm1 =	veq.f32 v13, v8  }
0x27a: {  	vm4 =	veq.f32 v15, v8;
	v10 =	vsel vm15, $0x7F800000, v10;
	v13 =	vsel vm1, $0x7F800000, v13  }
0x27b: {  	vm5 =	veq.f32 v14, v8;
	v15 =	vsel vm4, $0x7F800000, v15;
	v44 =	vmin.f32 v10, v13  }
0x27c: {  	vm6 =	veq.f32 v9, v8;
	v14 =	vsel vm5, $0x7F800000, v14;
	v16 =	vmin.f32 v44, v15  }
0x27d: {  	vm7 =	veq.f32 v12, v8;
	v45 =	vsel vm6, $0x7F800000, v9;
	v46 =	vmin.f32 v16, v14  }
0x27e: {  	vm8 =	veq.f32 v17, v8;
	v12 =	vsel vm7, $0x7F800000, v12;
	v9 =	vmin.f32 v46, v45  }
0x27f: {  	vm9 =	veq.f32 v11, v8;
	v47 =	vsel vm8, $0x7F800000, v17;
	v9 =	vmin.f32 v9, v12  }
0x280: {  	vm10 =	veq.f32 v41, v8;
	v11 =	vsel vm9, $0x7F800000, v11;
	v9 =	vmin.f32 v9, v47  }
0x281: {  	v48 =	vsel vm10, $0x7F800000, v41;
	v9 =	vmin.f32 v9, v11  }
0x282: {  	v9 =	vmin.f32 v9, v48  }
0x283: {  	v49 =	vperm.xlane v9, v0;
	_ =	sdelay $0x1  }
0x284: {  	v9 =	vmin.f32 v9, v49  }
0x285: {  	v18 =	vperm.xlane v9, v1;
	_ =	sdelay $0x1  }
0x286: {  	v9 =	vmin.f32 v9, v18  }
0x287: {  	v18 =	vperm.xlane v9, v2;
	_ =	sdelay $0x1  }
0x288: {  	v9 =	vmin.f32 v9, v18  }
0x289: {  	v18 =	vperm.xlane v9, v3;
	_ =	sdelay $0x1  }
0x28a: {  	v9 =	vmin.f32 v9, v18  }
0x28b: {  	vm11 =	veq.f32 v10, v9;
	vm1 =	veq.f32 v13, v9  }
0x28c: {  	vm12 =	veq.f32 v15, v9;
	v10 =	vsel vm11, $0x7F800000, v10;
	v13 =	vsel vm1, $0x7F800000, v13  }
0x28d: {  	vm13 =	veq.f32 v14, v9;
	v15 =	vsel vm12, $0x7F800000, v15;
	v50 =	vmin.f32 v10, v13  }
0x28e: {  	vm14 =	veq.f32 v45, v9;
	v14 =	vsel vm13, $0x7F800000, v14;
	v18 =	vmin.f32 v50, v15  }
0x28f: {  	vm15 =	veq.f32 v12, v9;
	v19 =	vsel vm14, $0x7F800000, v45;
	v18 =	vmin.f32 v18, v14  }
0x290: {  	vm4 =	veq.f32 v47, v9;
	v12 =	vsel vm15, $0x7F800000, v12;
	v18 =	vmin.f32 v18, v19  }
0x291: {  	vm5 =	veq.f32 v11, v9;
	v16 =	vsel vm4, $0x7F800000, v47;
	v18 =	vmin.f32 v18, v12  }
0x292: {  	vm6 =	veq.f32 v48, v9;
	v11 =	vsel vm5, $0x7F800000, v11;
	v18 =	vmin.f32 v18, v16  }
0x293: {  	v17 =	vsel vm6, $0x7F800000, v48;
	v18 =	vmin.f32 v18, v11  }
0x294: {  	v18 =	vmin.f32 v18, v17  }
0x295: {  	v51 =	vperm.xlane v18, v0;
	_ =	sdelay $0x1  }
0x296: {  	v18 =	vmin.f32 v18, v51  }
0x297: {  	v20 =	vperm.xlane v18, v1;
	_ =	sdelay $0x1  }
0x298: {  	v18 =	vmin.f32 v18, v20  }
0x299: {  	v20 =	vperm.xlane v18, v2;
	_ =	sdelay $0x1  }
0x29a: {  	v18 =	vmin.f32 v18, v20  }
0x29b: {  	v20 =	vperm.xlane v18, v3;
	_ =	sdelay $0x1  }
0x29c: {  	v18 =	vmin.f32 v18, v20  }
0x29d: {  	vm7 =	veq.f32 v10, v18;
	vm1 =	veq.f32 v13, v18  }
0x29e: {  	vm8 =	veq.f32 v15, v18;
	v10 =	vsel vm7, $0x7F800000, v10;
	v13 =	vsel vm1, $0x7F800000, v13  }
0x29f: {  	vm9 =	veq.f32 v14, v18;
	v15 =	vsel vm8, $0x7F800000, v15;
	v52 =	vmin.f32 v10, v13  }
0x2a0: {  	vm10 =	veq.f32 v19, v18;
	v14 =	vsel vm9, $0x7F800000, v14;
	v20 =	vmin.f32 v52, v15  }
0x2a1: {  	vm11 =	veq.f32 v12, v18;
	v19 =	vsel vm10, $0x7F800000, v19;
	v20 =	vmin.f32 v20, v14  }
0x2a2: {  	vm12 =	veq.f32 v16, v18;
	v12 =	vsel vm11, $0x7F800000, v12;
	v20 =	vmin.f32 v20, v19  }
0x2a3: {  	vm13 =	veq.f32 v11, v18;
	v16 =	vsel vm12, $0x7F800000, v16;
	v20 =	vmin.f32 v20, v12  }
0x2a4: {  	vm14 =	veq.f32 v17, v18;
	v11 =	vsel vm13, $0x7F800000, v11;
	v20 =	vmin.f32 v20, v16  }
0x2a5: {  	v17 =	vsel vm14, $0x7F800000, v17;
	v20 =	vmin.f32 v20, v11  }
0x2a6: {  	v20 =	vmin.f32 v20, v17  }
0x2a7: {  	v53 =	vperm.xlane v20, v0;
	_ =	sdelay $0x1  }
0x2a8: {  	v20 =	vmin.f32 v20, v53  }
0x2a9: {  	v21 =	vperm.xlane v20, v1;
	_ =	sdelay $0x1  }
0x2aa: {  	v20 =	vmin.f32 v20, v21  }
0x2ab: {  	v21 =	vperm.xlane v20, v2;
	_ =	sdelay $0x1  }
0x2ac: {  	v20 =	vmin.f32 v20, v21  }
0x2ad: {  	v21 =	vperm.xlane v20, v3;
	_ =	sdelay $0x1  }
0x2ae: {  	v20 =	vmin.f32 v20, v21  }
0x2af: {  	vm15 =	veq.f32 v10, v20;
	vm1 =	veq.f32 v13, v20  }
0x2b0: {  	vm4 =	veq.f32 v15, v20;
	v10 =	vsel vm15, $0x7F800000, v10;
	v13 =	vsel vm1, $0x7F800000, v13  }
0x2b1: {  	vm5 =	veq.f32 v14, v20;
	v15 =	vsel vm4, $0x7F800000, v15;
	v54 =	vmin.f32 v10, v13  }
0x2b2: {  	vm6 =	veq.f32 v19, v20;
	v14 =	vsel vm5, $0x7F800000, v14;
	v21 =	vmin.f32 v54, v15  }
0x2b3: {  	vm7 =	veq.f32 v12, v20;
	v19 =	vsel vm6, $0x7F800000, v19;
	v21 =	vmin.f32 v21, v14  }
0x2b4: {  	vm8 =	veq.f32 v16, v20;
	v12 =	vsel vm7, $0x7F800000, v12;
	v21 =	vmin.f32 v21, v19  }
0x2b5: {  	vm9 =	veq.f32 v11, v20;
	v16 =	vsel vm8, $0x7F800000, v16;
	v21 =	vmin.f32 v21, v12  }
0x2b6: {  	vm10 =	veq.f32 v17, v20;
	v11 =	vsel vm9, $0x7F800000, v11;
	v21 =	vmin.f32 v21, v16  }
0x2b7: {  	v17 =	vsel vm10, $0x7F800000, v17;
	v21 =	vmin.f32 v21, v11  }
0x2b8: {  	v21 =	vmin.f32 v21, v17  }
0x2b9: {  	v55 =	vperm.xlane v21, v0;
	_ =	sdelay $0x1  }
0x2ba: {  	v21 =	vmin.f32 v21, v55  }
0x2bb: {  	v22 =	vperm.xlane v21, v1;
	_ =	sdelay $0x1  }
0x2bc: {  	v21 =	vmin.f32 v21, v22  }
0x2bd: {  	v22 =	vperm.xlane v21, v2;
	_ =	sdelay $0x1  }
0x2be: {  	v21 =	vmin.f32 v21, v22  }
0x2bf: {  	v22 =	vperm.xlane v21, v3;
	_ =	sdelay $0x1  }
0x2c0: {  	v21 =	vmin.f32 v21, v22  }
0x2c1: {  	vm11 =	veq.f32 v13, v21  }
0x2c2: {  	v13 =	vsel vm11, $0x7F800000, v13  }
0x2c3: {  	vm12 =	veq.f32 v10, v21;
	v10 =	vmin.f32 v10, v13  }
0x2c4: {  	v10 =	vsel vm12, v13, v10  }
0x2c5: {  	vm13 =	veq.f32 v15, v21;
	v13 =	vmin.f32 v10, v15  }
0x2c6: {  	v10 =	vsel vm13, v10, v13  }
0x2c7: {  	vm14 =	veq.f32 v14, v21;
	v13 =	vmin.f32 v10, v14  }
0x2c8: {  	v10 =	vsel vm14, v10, v13  }
0x2c9: {  	vm15 =	veq.f32 v19, v21;
	v13 =	vmin.f32 v10, v19  }
0x2ca: {  	v10 =	vsel vm15, v10, v13  }
0x2cb: {  	vm4 =	veq.f32 v12, v21;
	v12 =	vmin.f32 v10, v12  }
0x2cc: {  	v10 =	vsel vm4, v10, v12  }
0x2cd: {  	vm5 =	veq.f32 v16, v21;
	v12 =	vmin.f32 v10, v16  }
0x2ce: {  	v10 =	vsel vm5, v10, v12  }
0x2cf: {  	vm6 =	veq.f32 v11, v21;
	v11 =	vmin.f32 v10, v11  }
0x2d0: {  	v10 =	vsel vm6, v10, v11  }
0x2d1: {  	vm7 =	veq.f32 v17, v21;
	v11 =	vmin.f32 v10, v17  }
0x2d2: {  	v56 =	vadd.f32 $0.0e+00, v6;
	v10 =	vsel vm7, v10, v11  }
0x2d3: {  	vm8 =	vlt.f32 v6, $3.000000010e+38;
	vm9 =	vlt.f32 v7, $3.000000010e+38;
	v6 =	vperm.xlane v10, v0  }
0x2d4: {  	v57 =	vnsel vm8, $0x0, v56;
	v7 =	vnsel vm9, $0x0, v7  }
0x2d5: {  	vm10 =	vlt.f32 v8, $3.000000010e+38;
	v7 =	vadd.f32 v7, v57;
	v6 =	vmin.f32 v10, v6  }
0x2d6: {  	v8 =	vnsel vm10, $0x0, v8;
	v10 =	vperm.xlane v6, v1  }
0x2d7: {  	v7 =	vadd.f32 v8, v7;
	vm11 =	vlt.f32 v9, $3.000000010e+38  }
0x2d8: {  	v58 =	vnsel vm11, $0x0, v9;
	v6 =	vmin.f32 v6, v10  }
0x2d9: {  	v7 =	vadd.f32 v58, v7;
	vm12 =	vlt.f32 v18, $3.000000010e+38;
	v59 =	vperm.xlane v6, v2  }
0x2da: {  	v60 =	vnsel vm12, $0x0, v18  }
0x2db: {  	v7 =	vadd.f32 v60, v7;
	vm13 =	vlt.f32 v20, $3.000000010e+38;
	v6 =	vmin.f32 v6, v59  }
0x2dc: {  	v61 =	vnsel vm13, $0x0, v20;
	v62 =	vperm.xlane v6, v3  }
0x2dd: {  	s23 =	sadd.s32 $0x1, s23;
	v7 =	vadd.f32 v61, v7;
	vm14 =	vlt.f32 v21, $3.000000010e+38  }
0x2de: {  	p0 =	sne.s32 s23, $0x10;
	v63 =	vnsel vm14, $0x0, v21;
	v6 =	vmin.f32 v6, v62  }
.Ltmp5:
0x2df: {  	v7 =	vadd.f32 v63, v7;
	vm15 =	vlt.f32 v6, $3.000000010e+38;
	(pc) =	sbr.rel @p0 .LBB2_10-.Ltmp5, $3  }
0x2e0: {  	v6 =	vnsel vm15, $0x0, v6  }
0x2e1: {  	v6 =	vadd.f32 v6, v7;
	_ =	sdelay $0x1  }
0x2e2: {  	v4 =	vadd.f32 v6, v4  }
0x2e3: {  	s23 =	simm.s32 $0x0  }
0x2e4: {  	[tilespmem:s23], [sflag:$0x1] =	stream.linear.gather [hbm4b:s13+s23], $0x1000, $0x38;
	[tilespmem:$0x3080] =	vst v63  }
0x2e5: {  	_ =	swait.ge [sflag:s18], $0x1000  }
0x2e6: {  	[sflag:s18] =	ssyncset.done $0x0  }
0x2e7: {  	[sflag:s18] =	ssyncadd.s32 $0xFFFFF000  }
0x2e8: {  	[tilespmem:s19], [sflag:$0x1] =	stream.linear.gather [hbm4b:s14+s23], $0x1000, $0x38;
	[tilespmem:$0x3080] =	vst v63  }
0x2e9: {  	_ =	swait.ge [sflag:s18], $0x1000  }
0x2ea: {  	[sflag:s18] =	ssyncset.done $0x0  }
0x2eb: {  	[sflag:s18] =	ssyncadd.s32 $0xFFFFF000  }
0x2ec: {  	[tilespmem:s20], [sflag:$0x1] =	stream.linear.gather [hbm4b:s15+s23], $0x1000, $0x38;
	[tilespmem:$0x3080] =	vst v63  }
0x2ed: {  	_ =	swait.ge [sflag:s18], $0x1000  }
0x2ee: {  	[sflag:s18] =	ssyncset.done $0x0  }
0x2ef: {  	[sflag:s18] =	ssyncadd.s32 $0xFFFFF000  }
0x2f0: {  	v5 =	vld [tilespmem:s6+$0x0]  }
.LBB2_14:
0x2f1: {  	v6 =	vld [tilespmem:s6+$0x1000]  }
0x2f2: {  	v9 =	vld [tilespmem:s6+$0x2000];
	s24 =	simm.s32 $0x0  }
0x2f3: {  	v7 =	vmov s23;
	v10 =	vld [tilespmem:s24+$0x0]  }
0x2f4: {  	v7 =	vand.u32 $0xF, v7;
	v11 =	vld [tilespmem:s24+$0x1000]  }
0x2f5: {  	v12 =	vbroadcast v7, $0x0  }
0x2f6: {  	v13 =	vld [tilespmem:s24+$0x2000]  }
0x2f7: {  	v8 =	vperm.xlane v5, v12;
	v7 =	vperm.xlane v6, v12;
	_ =	sdelay $0x1  }
0x2f8: {  	s30 =	simm.s32 $0x10;
	v6 =	vperm.xlane v9, v12;
	v9 =	vsub.f32 v10, v8;
	v10 =	vsub.f32 v11, v7  }
0x2f9: {  	v12 =	vld [tilespmem:s30+$0x0]  }
0x2fa: {  	s31 =	simm.s32 $0x20;
	v11 =	vsub.f32 v13, v6;
	v13 =	vld [tilespmem:s30+$0x1000];
	v9 =	vmul.f32 v9, v9;
	v10 =	vmul.f32 v10, v10  }
0x2fb: {  	v17 =	vld [tilespmem:s31+$0x2000]  }
0x2fc: {  	v11 =	vmul.f32 v11, v11;
	v9 =	vadd.f32 v10, v9;
	v10 =	vld [tilespmem:s30+$0x2000]  }
0x2fd: {  	v26 =	vld [tilespmem:s31+$0x1000]  }
0x2fe: {  	v14 =	vadd.f32 v11, v9  }
0x2ff: {  	v11 =	vsub.f32 v12, v8;
	v12 =	vsub.f32 v13, v7  }
0x300: {  	v9 =	vimm.f32 $+Inf  }
0x301: {  	v11 =	vmul.f32 v11, v11;
	v12 =	vmul.f32 v12, v12;
	v10 =	vsub.f32 v10, v6  }
0x302: {  	v27 =	vsub.f32 v17, v6;
	v26 =	vsub.f32 v26, v7;
	v15 =	vmax.f32 v9, v14  }
0x303: {  	v18 =	vld [tilespmem:s31+$0x0];
	v13 =	vmax.f32 v9, v15;
	v12 =	vadd.f32 v12, v11;
	v10 =	vmul.f32 v10, v10  }
0x304: {  	v29 =	vmul.f32 v26, v26;
	v30 =	vmul.f32 v27, v27;
	v19 =	vmax.f32 v9, v13  }
0x305: {  	v21 =	vmin.f32 v9, v14;
	v20 =	vmax.f32 v9, v19;
	v24 =	vadd.f32 v10, v12  }
0x306: {  	v22 =	vmin.f32 v9, v15;
	v17 =	vmin.f32 v9, v13;
	v25 =	vmax.f32 v9, v20  }
0x307: {  	v14 =	vmin.f32 v9, v19;
	v16 =	vmax.f32 v9, v25;
	v23 =	vmax.f32 v21, v24  }
0x308: {  	v12 =	vsub.f32 v18, v8;
	v11 =	vmax.f32 v9, v16;
	v18 =	vmax.f32 v22, v23  }
0x309: {  	s25 =	simm.s32 $0x30;
	v19 =	vmin.f32 v9, v25;
	v10 =	vmax.f32 v9, v11;
	v15 =	vmax.f32 v17, v18  }
0x30a: {  	v26 =	vld [tilespmem:s25+$0x2000];
	v28 =	vmul.f32 v12, v12;
	v12 =	vmin.f32 v9, v20;
	v13 =	vmax.f32 v14, v15  }
0x30b: {  	s24 =	simm.s32 $0x100;
	v27 =	vld [tilespmem:s25+$0x0];
	v25 =	vimm.f32 $+Inf;
	v10 =	vmin.f32 v9, v10;
	v20 =	vmax.f32 v12, v13  }
.LBB2_15:
0x30c: {  	p0 =	sne.s32 s24, $0x3FC0;
	v31 =	vld [tilespmem:s25+$0x1000];
	v28 =	vadd.f32 v29, v28;
	v9 =	vmin.f32 v9, v16;
	v16 =	vmax.f32 v19, v20  }
0x30d: {  	v25 =	vmin.f32 v25, v11;
	v11 =	vmax.f32 v9, v16  }
0x30e: {  	v28 =	vadd.f32 v30, v28;
	v29 =	vmax.f32 v25, v11  }
0x30f: {  	v21 =	vmin.f32 v21, v24;
	v30 =	vsub.f32 v26, v6;
	v10 =	vmin.f32 v10, v29  }
.Ltmp6:
0x310: {  	v22 =	vmin.f32 v22, v23;
	v26 =	vsub.f32 v27, v8;
	v23 =	vmax.f32 v21, v28;
	v24 =	vmovc v28;
	(pc) =	sbr.rel @p0 .LBB2_15-.Ltmp6, $4  }
0x311: {  	v17 =	vmin.f32 v17, v18;
	v27 =	vsub.f32 v31, v7;
	v18 =	vmax.f32 v22, v23  }
0x312: {  	s25 =	sshra.s32 s24, $0x2;
	v14 =	vmin.f32 v14, v15;
	v28 =	vmul.f32 v26, v26;
	v15 =	vmax.f32 v17, v18  }
0x313: {  	v12 =	vmin.f32 v12, v13;
	v26 =	vld [tilespmem:s25+$0x2000];
	v29 =	vmul.f32 v27, v27;
	v13 =	vmax.f32 v14, v15  }
0x314: {  	s24 =	sadd.s32 $0x40, s24;
	v19 =	vmin.f32 v19, v20;
	v30 =	vmul.f32 v30, v30;
	v27 =	vld [tilespmem:s25+$0x0];
	v20 =	vmax.f32 v12, v13  }
0x315: {  	v31 =	vld [tilespmem:s25+$0x1000]  }
0x316: {  	v28 =	vadd.f32 v29, v28;
	v51 =	vmax.f32 v19, v20;
	v9 =	vmin.f32 v9, v16  }
0x317: {  	v21 =	vmin.f32 v21, v24;
	v22 =	vmin.f32 v22, v23;
	v11 =	vmin.f32 v25, v11  }
0x318: {  	v17 =	vmin.f32 v17, v18;
	v14 =	vmin.f32 v14, v15;
	v12 =	vmin.f32 v12, v13  }
0x319: {  	v58 =	vmin.f32 v19, v20;
	v53 =	vmax.f32 v9, v51;
	v52 =	vadd.f32 v30, v28  }
0x31a: {  	v9 =	vmin.f32 v9, v51;
	v8 =	vsub.f32 v27, v8;
	v7 =	vsub.f32 v31, v7  }
0x31b: {  	v54 =	vmax.f32 v11, v53;
	v11 =	vmin.f32 v11, v53;
	v6 =	vsub.f32 v26, v6  }
0x31c: {  	v24 =	vmax.f32 v21, v52;
	v8 =	vmul.f32 v8, v8;
	v7 =	vmul.f32 v7, v7  }
0x31d: {  	v56 =	vmin.f32 v10, v54;
	v16 =	vmin.f32 v21, v52;
	v23 =	vmax.f32 v22, v24  }
0x31e: {  	v6 =	vmul.f32 v6, v6;
	v55 =	vmax.f32 v17, v23;
	v7 =	vadd.f32 v7, v8  }
0x31f: {  	v61 =	vmin.f32 v22, v24;
	v17 =	vmin.f32 v17, v23;
	v57 =	vmax.f32 v14, v55  }
0x320: {  	v14 =	vmin.f32 v14, v55;
	v13 =	vmax.f32 v12, v57;
	v6 =	vadd.f32 v6, v7  }
0x321: {  	v10 =	vmin.f32 v12, v57;
	v7 =	vmax.f32 v58, v13;
	v13 =	vmin.f32 v58, v13  }
0x322: {  	v59 =	vmax.f32 v9, v7;
	v7 =	vmin.f32 v9, v7;
	v60 =	vmax.f32 v16, v6  }
0x323: {  	v63 =	vmax.f32 v11, v59;
	v6 =	vmin.f32 v16, v6;
	v11 =	vmin.f32 v11, v59  }
0x324: {  	v62 =	vmax.f32 v61, v60;
	v8 =	vmin.f32 v56, v63;
	v25 =	vmin.f32 v61, v60  }
0x325: {  	v23 =	vmax.f32 v17, v62;
	v26 =	vmin.f32 v17, v62;
	v27 =	vmin.f32 v6, v25  }
0x326: {  	v24 =	vmax.f32 v14, v23;
	v14 =	vmin.f32 v14, v23;
	v17 =	vmin.f32 v27, v26  }
0x327: {  	v12 =	vmax.f32 v10, v24;
	v29 =	vmin.f32 v10, v24;
	v30 =	vmin.f32 v17, v14  }
0x328: {  	v28 =	vmax.f32 v13, v12;
	v12 =	vmin.f32 v13, v12;
	v10 =	vmin.f32 v30, v29  }
0x329: {  	v31 =	vmax.f32 v7, v28;
	v7 =	vmin.f32 v7, v28;
	v10 =	vmin.f32 v10, v12  }
0x32a: {  	v32 =	vmax.f32 v11, v31;
	v11 =	vmin.f32 v11, v31;
	v10 =	vmin.f32 v10, v7  }
0x32b: {  	v8 =	vmin.f32 v8, v32;
	v10 =	vmin.f32 v10, v11  }
0x32c: {  	v10 =	vmin.f32 v10, v8  }
0x32d: {  	v33 =	vperm.xlane v10, v0;
	_ =	sdelay $0x1  }
0x32e: {  	v10 =	vmin.f32 v10, v33  }
0x32f: {  	v13 =	vperm.xlane v10, v1;
	_ =	sdelay $0x1  }
0x330: {  	v10 =	vmin.f32 v10, v13  }
0x331: {  	v13 =	vperm.xlane v10, v2;
	_ =	sdelay $0x1  }
0x332: {  	v10 =	vmin.f32 v10, v13  }
0x333: {  	v13 =	vperm.xlane v10, v3;
	_ =	sdelay $0x1  }
0x334: {  	v10 =	vmin.f32 v10, v13  }
0x335: {  	vm0 =	veq.f32 v6, v10;
	vm1 =	veq.f32 v25, v10  }
0x336: {  	vm4 =	veq.f32 v26, v10;
	v34 =	vsel vm0, $0x7F800000, v6;
	v16 =	vsel vm1, $0x7F800000, v25  }
0x337: {  	vm5 =	veq.f32 v14, v10;
	v15 =	vsel vm4, $0x7F800000, v26;
	v6 =	vmin.f32 v34, v16  }
0x338: {  	vm6 =	veq.f32 v29, v10;
	v14 =	vsel vm5, $0x7F800000, v14;
	v6 =	vmin.f32 v6, v15  }
0x339: {  	vm7 =	veq.f32 v12, v10;
	v9 =	vsel vm6, $0x7F800000, v29;
	v6 =	vmin.f32 v6, v14  }
0x33a: {  	vm8 =	veq.f32 v7, v10;
	v12 =	vsel vm7, $0x7F800000, v12;
	v6 =	vmin.f32 v6, v9  }
0x33b: {  	vm9 =	veq.f32 v11, v10;
	v7 =	vsel vm8, $0x7F800000, v7;
	v6 =	vmin.f32 v6, v12  }
0x33c: {  	vm10 =	veq.f32 v8, v10;
	v11 =	vsel vm9, $0x7F800000, v11;
	v6 =	vmin.f32 v6, v7  }
0x33d: {  	v8 =	vsel vm10, $0x7F800000, v8;
	v6 =	vmin.f32 v6, v11  }
0x33e: {  	v6 =	vmin.f32 v6, v8  }
0x33f: {  	v35 =	vperm.xlane v6, v0;
	_ =	sdelay $0x1  }
0x340: {  	v6 =	vmin.f32 v6, v35  }
0x341: {  	v10 =	vperm.xlane v6, v1;
	_ =	sdelay $0x1  }
0x342: {  	v6 =	vmin.f32 v6, v10  }
0x343: {  	v10 =	vperm.xlane v6, v2;
	_ =	sdelay $0x1  }
0x344: {  	v6 =	vmin.f32 v6, v10  }
0x345: {  	v10 =	vperm.xlane v6, v3;
	_ =	sdelay $0x1  }
0x346: {  	v6 =	vmin.f32 v6, v10  }
0x347: {  	vm11 =	veq.f32 v34, v6;
	vm1 =	veq.f32 v16, v6  }
0x348: {  	vm12 =	veq.f32 v15, v6;
	v36 =	vsel vm11, $0x7F800000, v34;
	v37 =	vsel vm1, $0x7F800000, v16  }
0x349: {  	vm13 =	veq.f32 v14, v6;
	v15 =	vsel vm12, $0x7F800000, v15;
	v16 =	vmin.f32 v36, v37  }
0x34a: {  	vm14 =	veq.f32 v9, v6;
	v14 =	vsel vm13, $0x7F800000, v14;
	v16 =	vmin.f32 v16, v15  }
0x34b: {  	vm15 =	veq.f32 v12, v6;
	v9 =	vsel vm14, $0x7F800000, v9;
	v16 =	vmin.f32 v16, v14  }
0x34c: {  	vm4 =	veq.f32 v7, v6;
	v12 =	vsel vm15, $0x7F800000, v12;
	v16 =	vmin.f32 v16, v9  }
0x34d: {  	vm5 =	veq.f32 v11, v6;
	v38 =	vsel vm4, $0x7F800000, v7;
	v7 =	vmin.f32 v16, v12  }
0x34e: {  	vm6 =	veq.f32 v8, v6;
	v11 =	vsel vm5, $0x7F800000, v11;
	v7 =	vmin.f32 v7, v38  }
0x34f: {  	v8 =	vsel vm6, $0x7F800000, v8;
	v7 =	vmin.f32 v7, v11  }
0x350: {  	v7 =	vmin.f32 v7, v8  }
0x351: {  	v39 =	vperm.xlane v7, v0;
	_ =	sdelay $0x1  }
0x352: {  	v7 =	vmin.f32 v7, v39  }
0x353: {  	v16 =	vperm.xlane v7, v1;
	_ =	sdelay $0x1  }
0x354: {  	v7 =	vmin.f32 v7, v16  }
0x355: {  	v16 =	vperm.xlane v7, v2;
	_ =	sdelay $0x1  }
0x356: {  	v7 =	vmin.f32 v7, v16  }
0x357: {  	v16 =	vperm.xlane v7, v3;
	_ =	sdelay $0x1  }
0x358: {  	v7 =	vmin.f32 v7, v16  }
0x359: {  	vm7 =	veq.f32 v36, v7;
	vm1 =	veq.f32 v37, v7  }
0x35a: {  	vm8 =	veq.f32 v15, v7;
	v10 =	vsel vm7, $0x7F800000, v36;
	v13 =	vsel vm1, $0x7F800000, v37  }
0x35b: {  	vm9 =	veq.f32 v14, v7;
	v15 =	vsel vm8, $0x7F800000, v15;
	v40 =	vmin.f32 v10, v13  }
0x35c: {  	vm10 =	veq.f32 v9, v7;
	v14 =	vsel vm9, $0x7F800000, v14;
	v16 =	vmin.f32 v40, v15  }
0x35d: {  	vm11 =	veq.f32 v12, v7;
	v9 =	vsel vm10, $0x7F800000, v9;
	v16 =	vmin.f32 v16, v14  }
0x35e: {  	vm12 =	veq.f32 v38, v7;
	v12 =	vsel vm11, $0x7F800000, v12;
	v16 =	vmin.f32 v16, v9  }
0x35f: {  	vm13 =	veq.f32 v11, v7;
	v17 =	vsel vm12, $0x7F800000, v38;
	v16 =	vmin.f32 v16, v12  }
0x360: {  	vm14 =	veq.f32 v8, v7;
	v11 =	vsel vm13, $0x7F800000, v11;
	v16 =	vmin.f32 v16, v17  }
0x361: {  	v41 =	vsel vm14, $0x7F800000, v8;
	v42 =	vmin.f32 v16, v11  }
0x362: {  	v8 =	vmin.f32 v42, v41  }
0x363: {  	v43 =	vperm.xlane v8, v0;
	_ =	sdelay $0x1  }
0x364: {  	v8 =	vmin.f32 v8, v43  }
0x365: {  	v16 =	vperm.xlane v8, v1;
	_ =	sdelay $0x1  }
0x366: {  	v8 =	vmin.f32 v8, v16  }
0x367: {  	v16 =	vperm.xlane v8, v2;
	_ =	sdelay $0x1  }
0x368: {  	v8 =	vmin.f32 v8, v16  }
0x369: {  	v16 =	vperm.xlane v8, v3;
	_ =	sdelay $0x1  }
0x36a: {  	v8 =	vmin.f32 v8, v16  }
0x36b: {  	vm15 =	veq.f32 v10, v8;
	vm1 =	veq.f32 v13, v8  }
0x36c: {  	vm4 =	veq.f32 v15, v8;
	v10 =	vsel vm15, $0x7F800000, v10;
	v13 =	vsel vm1, $0x7F800000, v13  }
0x36d: {  	vm5 =	veq.f32 v14, v8;
	v15 =	vsel vm4, $0x7F800000, v15;
	v44 =	vmin.f32 v10, v13  }
0x36e: {  	vm6 =	veq.f32 v9, v8;
	v14 =	vsel vm5, $0x7F800000, v14;
	v16 =	vmin.f32 v44, v15  }
0x36f: {  	vm7 =	veq.f32 v12, v8;
	v45 =	vsel vm6, $0x7F800000, v9;
	v46 =	vmin.f32 v16, v14  }
0x370: {  	vm8 =	veq.f32 v17, v8;
	v12 =	vsel vm7, $0x7F800000, v12;
	v9 =	vmin.f32 v46, v45  }
0x371: {  	vm9 =	veq.f32 v11, v8;
	v47 =	vsel vm8, $0x7F800000, v17;
	v9 =	vmin.f32 v9, v12  }
0x372: {  	vm10 =	veq.f32 v41, v8;
	v11 =	vsel vm9, $0x7F800000, v11;
	v9 =	vmin.f32 v9, v47  }
0x373: {  	v48 =	vsel vm10, $0x7F800000, v41;
	v9 =	vmin.f32 v9, v11  }
0x374: {  	v9 =	vmin.f32 v9, v48  }
0x375: {  	v49 =	vperm.xlane v9, v0;
	_ =	sdelay $0x1  }
0x376: {  	v9 =	vmin.f32 v9, v49  }
0x377: {  	v18 =	vperm.xlane v9, v1;
	_ =	sdelay $0x1  }
0x378: {  	v9 =	vmin.f32 v9, v18  }
0x379: {  	v18 =	vperm.xlane v9, v2;
	_ =	sdelay $0x1  }
0x37a: {  	v9 =	vmin.f32 v9, v18  }
0x37b: {  	v18 =	vperm.xlane v9, v3;
	_ =	sdelay $0x1  }
0x37c: {  	v9 =	vmin.f32 v9, v18  }
0x37d: {  	vm11 =	veq.f32 v10, v9;
	vm1 =	veq.f32 v13, v9  }
0x37e: {  	vm12 =	veq.f32 v15, v9;
	v10 =	vsel vm11, $0x7F800000, v10;
	v13 =	vsel vm1, $0x7F800000, v13  }
0x37f: {  	vm13 =	veq.f32 v14, v9;
	v15 =	vsel vm12, $0x7F800000, v15;
	v50 =	vmin.f32 v10, v13  }
0x380: {  	vm14 =	veq.f32 v45, v9;
	v14 =	vsel vm13, $0x7F800000, v14;
	v18 =	vmin.f32 v50, v15  }
0x381: {  	vm15 =	veq.f32 v12, v9;
	v19 =	vsel vm14, $0x7F800000, v45;
	v18 =	vmin.f32 v18, v14  }
0x382: {  	vm4 =	veq.f32 v47, v9;
	v12 =	vsel vm15, $0x7F800000, v12;
	v18 =	vmin.f32 v18, v19  }
0x383: {  	vm5 =	veq.f32 v11, v9;
	v16 =	vsel vm4, $0x7F800000, v47;
	v18 =	vmin.f32 v18, v12  }
0x384: {  	vm6 =	veq.f32 v48, v9;
	v11 =	vsel vm5, $0x7F800000, v11;
	v18 =	vmin.f32 v18, v16  }
0x385: {  	v17 =	vsel vm6, $0x7F800000, v48;
	v18 =	vmin.f32 v18, v11  }
0x386: {  	v18 =	vmin.f32 v18, v17  }
0x387: {  	v51 =	vperm.xlane v18, v0;
	_ =	sdelay $0x1  }
0x388: {  	v18 =	vmin.f32 v18, v51  }
0x389: {  	v20 =	vperm.xlane v18, v1;
	_ =	sdelay $0x1  }
0x38a: {  	v18 =	vmin.f32 v18, v20  }
0x38b: {  	v20 =	vperm.xlane v18, v2;
	_ =	sdelay $0x1  }
0x38c: {  	v18 =	vmin.f32 v18, v20  }
0x38d: {  	v20 =	vperm.xlane v18, v3;
	_ =	sdelay $0x1  }
0x38e: {  	v18 =	vmin.f32 v18, v20  }
0x38f: {  	vm7 =	veq.f32 v10, v18;
	vm1 =	veq.f32 v13, v18  }
0x390: {  	vm8 =	veq.f32 v15, v18;
	v10 =	vsel vm7, $0x7F800000, v10;
	v13 =	vsel vm1, $0x7F800000, v13  }
0x391: {  	vm9 =	veq.f32 v14, v18;
	v15 =	vsel vm8, $0x7F800000, v15;
	v52 =	vmin.f32 v10, v13  }
0x392: {  	vm10 =	veq.f32 v19, v18;
	v14 =	vsel vm9, $0x7F800000, v14;
	v20 =	vmin.f32 v52, v15  }
0x393: {  	vm11 =	veq.f32 v12, v18;
	v19 =	vsel vm10, $0x7F800000, v19;
	v20 =	vmin.f32 v20, v14  }
0x394: {  	vm12 =	veq.f32 v16, v18;
	v12 =	vsel vm11, $0x7F800000, v12;
	v20 =	vmin.f32 v20, v19  }
0x395: {  	vm13 =	veq.f32 v11, v18;
	v16 =	vsel vm12, $0x7F800000, v16;
	v20 =	vmin.f32 v20, v12  }
0x396: {  	vm14 =	veq.f32 v17, v18;
	v11 =	vsel vm13, $0x7F800000, v11;
	v20 =	vmin.f32 v20, v16  }
0x397: {  	v17 =	vsel vm14, $0x7F800000, v17;
	v20 =	vmin.f32 v20, v11  }
0x398: {  	v20 =	vmin.f32 v20, v17  }
0x399: {  	v53 =	vperm.xlane v20, v0;
	_ =	sdelay $0x1  }
0x39a: {  	v20 =	vmin.f32 v20, v53  }
0x39b: {  	v21 =	vperm.xlane v20, v1;
	_ =	sdelay $0x1  }
0x39c: {  	v20 =	vmin.f32 v20, v21  }
0x39d: {  	v21 =	vperm.xlane v20, v2;
	_ =	sdelay $0x1  }
0x39e: {  	v20 =	vmin.f32 v20, v21  }
0x39f: {  	v21 =	vperm.xlane v20, v3;
	_ =	sdelay $0x1  }
0x3a0: {  	v20 =	vmin.f32 v20, v21  }
0x3a1: {  	vm15 =	veq.f32 v10, v20;
	vm1 =	veq.f32 v13, v20  }
0x3a2: {  	vm4 =	veq.f32 v15, v20;
	v10 =	vsel vm15, $0x7F800000, v10;
	v13 =	vsel vm1, $0x7F800000, v13  }
0x3a3: {  	vm5 =	veq.f32 v14, v20;
	v15 =	vsel vm4, $0x7F800000, v15;
	v54 =	vmin.f32 v10, v13  }
0x3a4: {  	vm6 =	veq.f32 v19, v20;
	v14 =	vsel vm5, $0x7F800000, v14;
	v21 =	vmin.f32 v54, v15  }
0x3a5: {  	vm7 =	veq.f32 v12, v20;
	v19 =	vsel vm6, $0x7F800000, v19;
	v21 =	vmin.f32 v21, v14  }
0x3a6: {  	vm8 =	veq.f32 v16, v20;
	v12 =	vsel vm7, $0x7F800000, v12;
	v21 =	vmin.f32 v21, v19  }
0x3a7: {  	vm9 =	veq.f32 v11, v20;
	v16 =	vsel vm8, $0x7F800000, v16;
	v21 =	vmin.f32 v21, v12  }
0x3a8: {  	vm10 =	veq.f32 v17, v20;
	v11 =	vsel vm9, $0x7F800000, v11;
	v21 =	vmin.f32 v21, v16  }
0x3a9: {  	v17 =	vsel vm10, $0x7F800000, v17;
	v21 =	vmin.f32 v21, v11  }
0x3aa: {  	v21 =	vmin.f32 v21, v17  }
0x3ab: {  	v55 =	vperm.xlane v21, v0;
	_ =	sdelay $0x1  }
0x3ac: {  	v21 =	vmin.f32 v21, v55  }
0x3ad: {  	v22 =	vperm.xlane v21, v1;
	_ =	sdelay $0x1  }
0x3ae: {  	v21 =	vmin.f32 v21, v22  }
0x3af: {  	v22 =	vperm.xlane v21, v2;
	_ =	sdelay $0x1  }
0x3b0: {  	v21 =	vmin.f32 v21, v22  }
0x3b1: {  	v22 =	vperm.xlane v21, v3;
	_ =	sdelay $0x1  }
0x3b2: {  	v21 =	vmin.f32 v21, v22  }
0x3b3: {  	vm11 =	veq.f32 v13, v21  }
0x3b4: {  	v13 =	vsel vm11, $0x7F800000, v13  }
0x3b5: {  	vm12 =	veq.f32 v10, v21;
	v10 =	vmin.f32 v10, v13  }
0x3b6: {  	v10 =	vsel vm12, v13, v10  }
0x3b7: {  	vm13 =	veq.f32 v15, v21;
	v13 =	vmin.f32 v10, v15  }
0x3b8: {  	v10 =	vsel vm13, v10, v13  }
0x3b9: {  	vm14 =	veq.f32 v14, v21;
	v13 =	vmin.f32 v10, v14  }
0x3ba: {  	v10 =	vsel vm14, v10, v13  }
0x3bb: {  	vm15 =	veq.f32 v19, v21;
	v13 =	vmin.f32 v10, v19  }
0x3bc: {  	v10 =	vsel vm15, v10, v13  }
0x3bd: {  	vm4 =	veq.f32 v12, v21;
	v12 =	vmin.f32 v10, v12  }
0x3be: {  	v10 =	vsel vm4, v10, v12  }
0x3bf: {  	vm5 =	veq.f32 v16, v21;
	v12 =	vmin.f32 v10, v16  }
0x3c0: {  	v10 =	vsel vm5, v10, v12  }
0x3c1: {  	vm6 =	veq.f32 v11, v21;
	v11 =	vmin.f32 v10, v11  }
0x3c2: {  	v10 =	vsel vm6, v10, v11  }
0x3c3: {  	vm7 =	veq.f32 v17, v21;
	v11 =	vmin.f32 v10, v17  }
0x3c4: {  	v56 =	vadd.f32 $0.0e+00, v6;
	v10 =	vsel vm7, v10, v11  }
0x3c5: {  	vm8 =	vlt.f32 v6, $3.000000010e+38;
	vm9 =	vlt.f32 v7, $3.000000010e+38;
	v6 =	vperm.xlane v10, v0  }
0x3c6: {  	v57 =	vnsel vm8, $0x0, v56;
	v7 =	vnsel vm9, $0x0, v7  }
0x3c7: {  	vm10 =	vlt.f32 v8, $3.000000010e+38;
	v7 =	vadd.f32 v7, v57;
	v6 =	vmin.f32 v10, v6  }
0x3c8: {  	v8 =	vnsel vm10, $0x0, v8;
	v10 =	vperm.xlane v6, v1  }
0x3c9: {  	v7 =	vadd.f32 v8, v7;
	vm11 =	vlt.f32 v9, $3.000000010e+38  }
0x3ca: {  	v58 =	vnsel vm11, $0x0, v9;
	v6 =	vmin.f32 v6, v10  }
0x3cb: {  	v7 =	vadd.f32 v58, v7;
	vm12 =	vlt.f32 v18, $3.000000010e+38;
	v59 =	vperm.xlane v6, v2  }
0x3cc: {  	v60 =	vnsel vm12, $0x0, v18  }
0x3cd: {  	v7 =	vadd.f32 v60, v7;
	vm13 =	vlt.f32 v20, $3.000000010e+38;
	v6 =	vmin.f32 v6, v59  }
0x3ce: {  	v61 =	vnsel vm13, $0x0, v20;
	v62 =	vperm.xlane v6, v3  }
0x3cf: {  	s23 =	sadd.s32 $0x1, s23;
	v7 =	vadd.f32 v61, v7;
	vm14 =	vlt.f32 v21, $3.000000010e+38  }
0x3d0: {  	p0 =	sne.s32 s23, $0x10;
	v63 =	vnsel vm14, $0x0, v21;
	v6 =	vmin.f32 v6, v62  }
.Ltmp7:
0x3d1: {  	v7 =	vadd.f32 v63, v7;
	vm15 =	vlt.f32 v6, $3.000000010e+38;
	(pc) =	sbr.rel @p0 .LBB2_14-.Ltmp7, $3  }
0x3d2: {  	v6 =	vnsel vm15, $0x0, v6  }
0x3d3: {  	v6 =	vadd.f32 v6, v7;
	_ =	sdelay $0x1  }
0x3d4: {  	v4 =	vadd.f32 v6, v4  }
0x3d5: {  	s22 =	sadd.s32 $0x1, s22  }
0x3d6: {  	p0 =	sne.s32 s22, s17  }
.Ltmp8:
0x3d7: {  	[tilespmem:$0x3000] =	vst v4;
	(pc) =	sbr.rel @p0 .LBB2_1-.Ltmp8, $4  }
0x3d8: {  	[hbm4b:s16+s1] =	stream.linear.scatter [tilespmem:s21], [sflag:$0x1], $0x80, $0x38;
	[tilespmem:$0x3080] =	vst v63  }
0x3d9: {  	_ =	swait.ge [sflag:s18], $0x80  }
0x3da: {  	[sflag:s18] =	ssyncset.done $0x0  }
0x3db: {  	[sflag:s18] =	ssyncadd.s32 $0xFFFFFF80  }
0x3dc: {  	_ =	sfence.sel $0x180000  }
0x3dd: {  	[bflag:$0x0] =	sbarrier.arrive $0xFFFF  }
0x3de: {  	p0 =	sne.s32 s2, $0x0;
	_ =	strace $0x90000047  }
0x3df: {  	s0 =	sadd.s32 @!p0 $0x100000, s0;
	[bflag:$0x2] =	sbarrier.arrive $0xFFFF  }
0x3e0: {  	[sflag:s0] =	ssyncadd.tile.s32 @!p0 $0x1;
	_ =	shalt  }
.Lfunc_end2:
_tile_overlayer_lowered:
.L_overlay_start_2:
0x3e1: {  	(tag) =	ssettag $0x2  }
0x3e2: {  	s0 =	rddreg [dreg:$0x0];
	s2 =	stileid.u32  }
0x3e3: {  	s1 =	rddreg [dreg:$0x1];
	p0 =	sne.s32 s2, $0x0  }
0x3e4: {  	s3 =	rddreg [dreg:$0x2];
	[bflag:$0x3] =	sbarrier.arrive $0xFFFF;
	s2 =	simm.s32 @!p0 $0x1C01  }
0x3e5: {  	[timem:s3], [sflag:s2] =	dma.local @!p0 [hbm:s0], s1  }
0x3e6: {  	s0 =	simm.s32 @!p0 $0x1  }
0x3e7: {  	_ =	swait.ge @!p0 [sflag:s0], s1  }
0x3e8: {  	s1 =	ssub.s32 @!p0 $0x0, s1;
	[sflag:s0] =	ssyncset.done @!p0 $0x0  }
0x3e9: {  	[sflag:s0] =	ssyncadd.s32 @!p0 s1  }
0x3ea: {  	[bflag:$0x3] =	sbarrier.arrive $0xFFFF  }
0x3eb: {  	_ =	shalt  }

</sc_bundles>
